<compile_context>
chip_gen: v7x
topology: tpu7x:2x2x1
jax: 0.10.2.dev20260603
libtpu: 0.0.44.dev20260713+nightly
codegen_flags: <defaults>
</compile_context>

<pallas_src>
import functools

import jax
import jax.numpy as jnp
from jax import lax
from jax.experimental import pallas as pl
from jax.experimental.pallas import tpu as pltpu
from jax.experimental.pallas import tpu_sc as plsc

VOCAB_SIZE = 1000000
EMBED_DIM = 64
BATCH = 16384
K_NEG = 20

NUM_CORES = 2
NUM_SUBCORES = 16
NUM_WORKERS = NUM_CORES * NUM_SUBCORES

B_PER_W = BATCH // NUM_WORKERS
CHUNK = 16
N_CHUNKS = B_PER_W // CHUNK
SCORES_PER_ITEM = K_NEG + 1
CHUNK_SCORES = CHUNK * SCORES_PER_ITEM
GATHER_MAX = 128
NEG_PER_W = B_PER_W * K_NEG
NEG_PER_CHUNK = CHUNK * K_NEG

REPACK_BLK = 16384


def _repack_body(cen_ref, ctx_ref, o_ref):
    xc = cen_ref[...]
    xx = ctx_ref[...]
    xp = jnp.concatenate([xc, xx], axis=0)
    o_ref[...] = jnp.transpose(xp, (1, 0))


def _repack(cen_t, ctx_t):
    return pl.pallas_call(
        _repack_body,
        grid=(pl.cdiv(VOCAB_SIZE, REPACK_BLK),),
        in_specs=[
            pl.BlockSpec((EMBED_DIM, REPACK_BLK), lambda i: (0, i)),
            pl.BlockSpec((EMBED_DIM, REPACK_BLK), lambda i: (0, i)),
        ],
        out_specs=pl.BlockSpec((REPACK_BLK, 128), lambda i: (i, 0)),
        out_shape=jax.ShapeDtypeStruct((VOCAB_SIZE, 128), jnp.float32),
    )(cen_t, ctx_t)


def _sc_scores_kernel(cen_w, ctx_w, neg_w, tbl, scores_out,
                      cen_idx, pos_idx, neg_idx,
                      cen_rows0, pos_rows0, neg_rows0,
                      cen_rows1, pos_rows1, neg_rows1,
                      partials, scores, sem0, sem1):
    wid = lax.axis_index("s") * NUM_CORES + lax.axis_index("c")
    base = wid * B_PER_W
    bufs = ((cen_rows0, pos_rows0, neg_rows0, sem0),
            (cen_rows1, pos_rows1, neg_rows1, sem1))

    pltpu.sync_copy(cen_w.at[pl.ds(base, B_PER_W)], cen_idx)
    pltpu.sync_copy(ctx_w.at[pl.ds(base, B_PER_W)], pos_idx)
    pltpu.sync_copy(neg_w.at[pl.ds(base * K_NEG, NEG_PER_W)], neg_idx)

    def fire(c, buf):
        cen_rows, pos_rows, neg_rows, sem = buf
        pltpu.async_copy(
            tbl.at[cen_idx.at[pl.ds(c * CHUNK, CHUNK)]], cen_rows, sem)
        pltpu.async_copy(
            tbl.at[pos_idx.at[pl.ds(c * CHUNK, CHUNK)]], pos_rows, sem)
        for g in range(NEG_PER_CHUNK // GATHER_MAX):
            pltpu.async_copy(
                tbl.at[neg_idx.at[pl.ds(c * NEG_PER_CHUNK
                                        + g * GATHER_MAX, GATHER_MAX)]],
                neg_rows.at[pl.ds(g * GATHER_MAX, GATHER_MAX)], sem)
        rem = NEG_PER_CHUNK % GATHER_MAX
        if rem:
            g0 = (NEG_PER_CHUNK // GATHER_MAX) * GATHER_MAX
            pltpu.async_copy(
                tbl.at[neg_idx.at[pl.ds(c * NEG_PER_CHUNK + g0, rem)]],
                neg_rows.at[pl.ds(g0, rem)], sem)

    def drain(buf):
        cen_rows, pos_rows, neg_rows, sem = buf
        pltpu.make_async_copy(tbl.at[cen_idx.at[pl.ds(0, CHUNK)]],
                              cen_rows, sem).wait()
        pltpu.make_async_copy(tbl.at[pos_idx.at[pl.ds(0, CHUNK)]],
                              pos_rows, sem).wait()
        pltpu.make_async_copy(tbl.at[neg_idx.at[pl.ds(0, NEG_PER_CHUNK)]],
                              neg_rows, sem).wait()

    def compute(c, buf):
        cen_rows, pos_rows, neg_rows, _ = buf

        def item_body(it, carry):
            cvec = [cen_rows[it, pl.ds(16 * j, 16)] for j in range(4)]
            acc = cvec[0] * pos_rows[it, pl.ds(64, 16)]
            for j in range(1, 4):
                acc = acc + cvec[j] * pos_rows[it, pl.ds(64 + 16 * j, 16)]
            pbase = it * SCORES_PER_ITEM * 16
            partials[pl.ds(pbase, 16)] = acc
            for k in range(K_NEG):
                r = it * K_NEG + k
                acc = cvec[0] * neg_rows[r, pl.ds(64, 16)]
                for j in range(1, 4):
                    acc = acc + cvec[j] * neg_rows[r, pl.ds(64 + 16 * j, 16)]
                partials[pl.ds(pbase + (1 + k) * 16, 16)] = -acc
            return carry

        lax.fori_loop(0, CHUNK, item_body, 0, unroll=2)

        ivec = lax.iota(jnp.int32, 16) * 16

        def group_body(grp, carry):
            acc = plsc.load_gather(partials, [ivec + grp * 256])
            for d in range(1, 16):
                acc = acc + plsc.load_gather(partials, [ivec + (grp * 256 + d)])
            scores[pl.ds(grp * 16, 16)] = acc
            return carry

        lax.fori_loop(0, CHUNK_SCORES // 16, group_body, 0, unroll=2)
        pltpu.sync_copy(
            scores,
            scores_out.at[pl.ds(base * SCORES_PER_ITEM + c * CHUNK_SCORES,
                                CHUNK_SCORES)])

    fire(0, bufs[0])

    def pair_body(c2, carry):
        c0 = 2 * c2
        fire(c0 + 1, bufs[1])
        drain(bufs[0])
        compute(c0, bufs[0])

        @pl.when(c2 < N_CHUNKS // 2 - 1)
        def _():
            fire(c0 + 2, bufs[0])

        drain(bufs[1])
        compute(c0 + 1, bufs[1])
        return carry

    lax.fori_loop(0, N_CHUNKS // 2, pair_body, 0)


@functools.partial(
    pl.kernel,
    out_type=jax.ShapeDtypeStruct((BATCH * SCORES_PER_ITEM,), jnp.float32),
    mesh=plsc.VectorSubcoreMesh(core_axis_name="c", subcore_axis_name="s"),
    compiler_params=pltpu.CompilerParams(needs_layout_passes=False,
                                         use_tc_tiling_on_sc=True),
    scratch_types=[
        pltpu.VMEM((B_PER_W,), jnp.int32),
        pltpu.VMEM((B_PER_W,), jnp.int32),
        pltpu.VMEM((NEG_PER_W,), jnp.int32),
        pltpu.VMEM((CHUNK, 128), jnp.float32),
        pltpu.VMEM((CHUNK, 128), jnp.float32),
        pltpu.VMEM((NEG_PER_CHUNK, 128), jnp.float32),
        pltpu.VMEM((CHUNK, 128), jnp.float32),
        pltpu.VMEM((CHUNK, 128), jnp.float32),
        pltpu.VMEM((NEG_PER_CHUNK, 128), jnp.float32),
        pltpu.VMEM((CHUNK_SCORES * 16,), jnp.float32),
        pltpu.VMEM((CHUNK_SCORES,), jnp.float32),
        pltpu.SemaphoreType.DMA,
        pltpu.SemaphoreType.DMA,
    ],
)
def _sc_scores(*args):
    _sc_scores_kernel(*args)


def _tc_loss_kernel(s_ref, o_ref):
    x = s_ref[...]
    y = -jnp.log(jax.nn.sigmoid(x) + 1e-10)
    o_ref[0, 0] = jnp.sum(y) / BATCH


def kernel(center_words, context_words, negative_samples, center_emb,
           context_emb):
    cen_w = center_words.astype(jnp.int32)
    ctx_w = context_words.astype(jnp.int32)
    neg_w = negative_samples.astype(jnp.int32).reshape(-1)
    merged = _repack(center_emb.T, context_emb.T)
    scores = _sc_scores(cen_w, ctx_w, neg_w, merged)
    scores2d = scores.reshape(BATCH * SCORES_PER_ITEM // 128, 128)
    loss = pl.pallas_call(
        _tc_loss_kernel,
        out_shape=jax.ShapeDtypeStruct((1, 1), jnp.float32),
        in_specs=[pl.BlockSpec(memory_space=pltpu.VMEM)],
        out_specs=pl.BlockSpec(memory_space=pltpu.SMEM),
    )(scores2d)
    return loss[0, 0]

# --- scband reference (transcript-rebuilt; emitter-appended) ---
"""Pipeline reference for scband-skip-gram-word2-vec-35124242546951 (READ-ONLY COPY).

The authoritative reference and input builder live on the scoring server;
editing this copy changes nothing except your own understanding.
"""

import jax, jax.numpy as jnp
import numpy as np

VOCAB_SIZE = 1000000
EMBED_DIM = 64
BATCH = 16384
K_NEG = 20

def setup_inputs(seed: int = 0) -> dict:
    key = jax.random.key(seed)
    k1, k2, k3, k4, k5 = jax.random.split(key, 5)
    center_words = jax.random.randint(k1, (BATCH,), 0, VOCAB_SIZE, dtype=jnp.int64) if jax.config.jax_enable_x64 else jax.random.randint(k1, (BATCH,), 0, VOCAB_SIZE, dtype=jnp.int32)
    context_words = jax.random.randint(k2, (BATCH,), 0, VOCAB_SIZE, dtype=center_words.dtype)
    negative_samples = jax.random.randint(k3, (BATCH, K_NEG), 0, VOCAB_SIZE, dtype=center_words.dtype)
    init_range = 0.5 / EMBED_DIM
    center_emb = jax.random.uniform(k4, (VOCAB_SIZE, EMBED_DIM), dtype=jnp.float32, minval=-init_range, maxval=init_range)
    context_emb = jax.random.uniform(k5, (VOCAB_SIZE, EMBED_DIM), dtype=jnp.float32, minval=-init_range, maxval=init_range)
    return {"center_words": center_words, "context_words": context_words, "negative_samples": negative_samples, "center_emb": center_emb, "context_emb": context_emb}

def reference(center_words, context_words, negative_samples, center_emb, context_emb):
    # center_embeds: [B, D]
    center_embeds = jnp.take(center_emb, center_words, axis=0)
    # positive context embeds: [B, D]
    pos_context_embeds = jnp.take(context_emb, context_words, axis=0)
    pos_scores = jnp.sum(center_embeds * pos_context_embeds, axis=1)
    pos_scores = jax.nn.sigmoid(pos_scores)
    pos_loss = -jnp.log(pos_scores + 1e-10)
    # negative context embeds: [B, K, D]
    neg_context_embeds = jnp.take(context_emb, negative_samples, axis=0)
    center_embeds_expanded = center_embeds[:, None, :]
    neg_scores = jnp.sum(center_embeds_expanded * neg_context_embeds, axis=2)
    neg_scores = jax.nn.sigmoid(-neg_scores)
    neg_loss = -jnp.sum(jnp.log(neg_scores + 1e-10), axis=1)
    loss = jnp.mean(pos_loss + neg_loss)
    return loss

if __name__ == "__main__":
    import jax
    _d = setup_inputs()
    print(jax.jit(kernel)(*tuple(_d.values())))

</pallas_src>

<mosaic_0001>
#map = affine_map<(d0, d1) -> (0)>
#map1 = affine_map<(d0, d1) -> (0, 0)>
module attributes {stable_mosaic.version = 14 : i64} {
  func.func @_sc_scores(%arg0: i32, %arg1: i32, %arg2: memref<16384xi32, #tpu.memory_space<hbm>>, %arg3: memref<16384xi32, #tpu.memory_space<hbm>>, %arg4: memref<327680xi32, #tpu.memory_space<hbm>>, %arg5: memref<1000000x128xf32, #tpu.memory_space<hbm>>, %arg6: memref<344064xf32, #tpu.memory_space<hbm>>, %arg7: memref<512xi32, #tpu.memory_space<vmem>>, %arg8: memref<512xi32, #tpu.memory_space<vmem>>, %arg9: memref<10240xi32, #tpu.memory_space<vmem>>, %arg10: memref<16x128xf32, #tpu.memory_space<vmem>>, %arg11: memref<16x128xf32, #tpu.memory_space<vmem>>, %arg12: memref<320x128xf32, #tpu.memory_space<vmem>>, %arg13: memref<16x128xf32, #tpu.memory_space<vmem>>, %arg14: memref<16x128xf32, #tpu.memory_space<vmem>>, %arg15: memref<320x128xf32, #tpu.memory_space<vmem>>, %arg16: memref<5376xf32, #tpu.memory_space<vmem>>, %arg17: memref<336xf32, #tpu.memory_space<vmem>>, %arg18: memref<!tpu.dma_semaphore, #tpu.memory_space<semaphore_mem>>, %arg19: memref<!tpu.dma_semaphore, #tpu.memory_space<semaphore_mem>>) attributes {dimension_semantics = [#tpu.dimension_semantics<core_parallel>, #tpu.dimension_semantics<subcore_parallel>], iteration_bounds = array<i64: 2, 16>, scalar_prefetch = 0 : i64, scratch_operands = 13 : i64, tpu.core_type = #tpu.core_type<sc_vector_subcore>, window_params = [{transform_indices = #map}, {transform_indices = #map}, {transform_indices = #map}, {transform_indices = #map1}, {transform_indices = #map}]} {
    %mul3A = arith.constant 2 : i32
    %mul3A_0 = arith.muli %arg1, %mul3A : i32
    %add3A = arith.addi %mul3A_0, %arg0 : i32
    %mul3A_1 = arith.constant 512 : i32
    %mul3A_2 = arith.muli %add3A, %mul3A_1 : i32
    "tpu.region"() ({
      %run_scoped3A = tpu.sem_alloc : memref<!tpu.dma_semaphore, #tpu.memory_space<semaphore_mem>>
      %dma_start3A_43 = tpu.memref_slice %arg2[%mul3A_2] : memref<16384xi32, #tpu.memory_space<hbm>> -> memref<512xi32, #tpu.memory_space<hbm>>
      %dma_start3A_44 = tpu.memref_slice %arg2[%mul3A_2] : memref<16384xi32, #tpu.memory_space<hbm>> -> memref<512xi32, #tpu.memory_space<hbm>>
      tpu.enqueue_dma source(%dma_start3A_44 : memref<512xi32, #tpu.memory_space<hbm>>) target(%arg7 : memref<512xi32, #tpu.memory_space<vmem>>) target_semaphore(%run_scoped3A : memref<!tpu.dma_semaphore, #tpu.memory_space<semaphore_mem>>)
      %dma_wait3A = tpu.memref_slice %arg2[%mul3A_2] : memref<16384xi32, #tpu.memory_space<hbm>> -> memref<512xi32, #tpu.memory_space<hbm>>
      %dma_wait3A_45 = tpu.memref_slice %arg2[%mul3A_2] : memref<16384xi32, #tpu.memory_space<hbm>> -> memref<512xi32, #tpu.memory_space<hbm>>
      tpu.wait_dma2 semaphore(%run_scoped3A : memref<!tpu.dma_semaphore, #tpu.memory_space<semaphore_mem>>) src(%dma_wait3A_45 : memref<512xi32, #tpu.memory_space<hbm>>) dst(%arg7 : memref<512xi32, #tpu.memory_space<vmem>>)
      tpu.yield
    }) : () -> ()
    "tpu.region"() ({
      %run_scoped3A = tpu.sem_alloc : memref<!tpu.dma_semaphore, #tpu.memory_space<semaphore_mem>>
      %dma_start3A_43 = tpu.memref_slice %arg3[%mul3A_2] : memref<16384xi32, #tpu.memory_space<hbm>> -> memref<512xi32, #tpu.memory_space<hbm>>
      %dma_start3A_44 = tpu.memref_slice %arg3[%mul3A_2] : memref<16384xi32, #tpu.memory_space<hbm>> -> memref<512xi32, #tpu.memory_space<hbm>>
      tpu.enqueue_dma source(%dma_start3A_44 : memref<512xi32, #tpu.memory_space<hbm>>) target(%arg8 : memref<512xi32, #tpu.memory_space<vmem>>) target_semaphore(%run_scoped3A : memref<!tpu.dma_semaphore, #tpu.memory_space<semaphore_mem>>)
      %dma_wait3A = tpu.memref_slice %arg3[%mul3A_2] : memref<16384xi32, #tpu.memory_space<hbm>> -> memref<512xi32, #tpu.memory_space<hbm>>
      %dma_wait3A_45 = tpu.memref_slice %arg3[%mul3A_2] : memref<16384xi32, #tpu.memory_space<hbm>> -> memref<512xi32, #tpu.memory_space<hbm>>
      tpu.wait_dma2 semaphore(%run_scoped3A : memref<!tpu.dma_semaphore, #tpu.memory_space<semaphore_mem>>) src(%dma_wait3A_45 : memref<512xi32, #tpu.memory_space<hbm>>) dst(%arg8 : memref<512xi32, #tpu.memory_space<vmem>>)
      tpu.yield
    }) : () -> ()
    %mul3A_3 = arith.constant 20 : i32
    %mul3A_4 = arith.muli %mul3A_2, %mul3A_3 : i32
    "tpu.region"() ({
      %run_scoped3A = tpu.sem_alloc : memref<!tpu.dma_semaphore, #tpu.memory_space<semaphore_mem>>
      %dma_start3A_43 = tpu.memref_slice %arg4[%mul3A_4] : memref<327680xi32, #tpu.memory_space<hbm>> -> memref<10240xi32, #tpu.memory_space<hbm>>
      %dma_start3A_44 = tpu.memref_slice %arg4[%mul3A_4] : memref<327680xi32, #tpu.memory_space<hbm>> -> memref<10240xi32, #tpu.memory_space<hbm>>
      tpu.enqueue_dma source(%dma_start3A_44 : memref<10240xi32, #tpu.memory_space<hbm>>) target(%arg9 : memref<10240xi32, #tpu.memory_space<vmem>>) target_semaphore(%run_scoped3A : memref<!tpu.dma_semaphore, #tpu.memory_space<semaphore_mem>>)
      %dma_wait3A = tpu.memref_slice %arg4[%mul3A_4] : memref<327680xi32, #tpu.memory_space<hbm>> -> memref<10240xi32, #tpu.memory_space<hbm>>
      %dma_wait3A_45 = tpu.memref_slice %arg4[%mul3A_4] : memref<327680xi32, #tpu.memory_space<hbm>> -> memref<10240xi32, #tpu.memory_space<hbm>>
      tpu.wait_dma2 semaphore(%run_scoped3A : memref<!tpu.dma_semaphore, #tpu.memory_space<semaphore_mem>>) src(%dma_wait3A_45 : memref<10240xi32, #tpu.memory_space<hbm>>) dst(%arg9 : memref<10240xi32, #tpu.memory_space<vmem>>)
      tpu.yield
    }) : () -> ()
    %dma_start3A = arith.constant 0 : i32
    %dma_start3A_5 = tpu.memref_slice %arg7[%dma_start3A] : memref<512xi32, #tpu.memory_space<vmem>> -> memref<16xi32, #tpu.memory_space<vmem>>
    %dma_start3A_6 = arith.constant 0 : i32
    %dma_start3A_7 = arith.constant 0 : i32
    %dma_start3A_8 = tpu.memref_slice %arg5[%dma_start3A_6, %dma_start3A_7] : memref<1000000x128xf32, #tpu.memory_space<hbm>> -> memref<1000000x128xf32, #tpu.memory_space<hbm>>
    tpu.enqueue_indirect_dma source(%dma_start3A_8 : memref<1000000x128xf32, #tpu.memory_space<hbm>>) target(%arg10 : memref<16x128xf32, #tpu.memory_space<vmem>>) offsets(%dma_start3A_5 : memref<16xi32, #tpu.memory_space<vmem>>) semaphore(%arg18 : memref<!tpu.dma_semaphore, #tpu.memory_space<semaphore_mem>>)
    %dma_start3A_9 = arith.constant 0 : i32
    %dma_start3A_10 = tpu.memref_slice %arg8[%dma_start3A_9] : memref<512xi32, #tpu.memory_space<vmem>> -> memref<16xi32, #tpu.memory_space<vmem>>
    %dma_start3A_11 = arith.constant 0 : i32
    %dma_start3A_12 = arith.constant 0 : i32
    %dma_start3A_13 = tpu.memref_slice %arg5[%dma_start3A_11, %dma_start3A_12] : memref<1000000x128xf32, #tpu.memory_space<hbm>> -> memref<1000000x128xf32, #tpu.memory_space<hbm>>
    tpu.enqueue_indirect_dma source(%dma_start3A_13 : memref<1000000x128xf32, #tpu.memory_space<hbm>>) target(%arg11 : memref<16x128xf32, #tpu.memory_space<vmem>>) offsets(%dma_start3A_10 : memref<16xi32, #tpu.memory_space<vmem>>) semaphore(%arg18 : memref<!tpu.dma_semaphore, #tpu.memory_space<semaphore_mem>>)
    %dma_start3A_14 = arith.constant 0 : i32
    %dma_start3A_15 = arith.constant 0 : i32
    %dma_start3A_16 = tpu.memref_slice %arg12[%dma_start3A_14, %dma_start3A_15] : memref<320x128xf32, #tpu.memory_space<vmem>> -> memref<128x128xf32, #tpu.memory_space<vmem>>
    %dma_start3A_17 = arith.constant 0 : i32
    %dma_start3A_18 = tpu.memref_slice %arg9[%dma_start3A_17] : memref<10240xi32, #tpu.memory_space<vmem>> -> memref<128xi32, #tpu.memory_space<vmem>>
    %dma_start3A_19 = arith.constant 0 : i32
    %dma_start3A_20 = arith.constant 0 : i32
    %dma_start3A_21 = tpu.memref_slice %arg5[%dma_start3A_19, %dma_start3A_20] : memref<1000000x128xf32, #tpu.memory_space<hbm>> -> memref<1000000x128xf32, #tpu.memory_space<hbm>>
    tpu.enqueue_indirect_dma source(%dma_start3A_21 : memref<1000000x128xf32, #tpu.memory_space<hbm>>) target(%dma_start3A_16 : memref<128x128xf32, #tpu.memory_space<vmem>>) offsets(%dma_start3A_18 : memref<128xi32, #tpu.memory_space<vmem>>) semaphore(%arg18 : memref<!tpu.dma_semaphore, #tpu.memory_space<semaphore_mem>>)
    %dma_start3A_22 = arith.constant 128 : i32
    %dma_start3A_23 = arith.constant 0 : i32
    %dma_start3A_24 = tpu.memref_slice %arg12[%dma_start3A_22, %dma_start3A_23] : memref<320x128xf32, #tpu.memory_space<vmem>> -> memref<128x128xf32, #tpu.memory_space<vmem>>
    %dma_start3A_25 = arith.constant 128 : i32
    %dma_start3A_26 = tpu.memref_slice %arg9[%dma_start3A_25] : memref<10240xi32, #tpu.memory_space<vmem>> -> memref<128xi32, #tpu.memory_space<vmem>>
    %dma_start3A_27 = arith.constant 0 : i32
    %dma_start3A_28 = arith.constant 0 : i32
    %dma_start3A_29 = tpu.memref_slice %arg5[%dma_start3A_27, %dma_start3A_28] : memref<1000000x128xf32, #tpu.memory_space<hbm>> -> memref<1000000x128xf32, #tpu.memory_space<hbm>>
    tpu.enqueue_indirect_dma source(%dma_start3A_29 : memref<1000000x128xf32, #tpu.memory_space<hbm>>) target(%dma_start3A_24 : memref<128x128xf32, #tpu.memory_space<vmem>>) offsets(%dma_start3A_26 : memref<128xi32, #tpu.memory_space<vmem>>) semaphore(%arg18 : memref<!tpu.dma_semaphore, #tpu.memory_space<semaphore_mem>>)
    %dma_start3A_30 = arith.constant 256 : i32
    %dma_start3A_31 = arith.constant 0 : i32
    %dma_start3A_32 = tpu.memref_slice %arg12[%dma_start3A_30, %dma_start3A_31] : memref<320x128xf32, #tpu.memory_space<vmem>> -> memref<64x128xf32, #tpu.memory_space<vmem>>
    %dma_start3A_33 = arith.constant 256 : i32
    %dma_start3A_34 = tpu.memref_slice %arg9[%dma_start3A_33] : memref<10240xi32, #tpu.memory_space<vmem>> -> memref<64xi32, #tpu.memory_space<vmem>>
    %dma_start3A_35 = arith.constant 0 : i32
    %dma_start3A_36 = arith.constant 0 : i32
    %dma_start3A_37 = tpu.memref_slice %arg5[%dma_start3A_35, %dma_start3A_36] : memref<1000000x128xf32, #tpu.memory_space<hbm>> -> memref<1000000x128xf32, #tpu.memory_space<hbm>>
    tpu.enqueue_indirect_dma source(%dma_start3A_37 : memref<1000000x128xf32, #tpu.memory_space<hbm>>) target(%dma_start3A_32 : memref<64x128xf32, #tpu.memory_space<vmem>>) offsets(%dma_start3A_34 : memref<64xi32, #tpu.memory_space<vmem>>) semaphore(%arg18 : memref<!tpu.dma_semaphore, #tpu.memory_space<semaphore_mem>>)
    %scan3A = arith.constant 0 : i32
    %scan3A_38 = arith.constant 0 : i32
    %scan3A_39 = arith.constant 16 : i32
    %scan3A_40 = arith.addi %scan3A_38, %scan3A_39 : i32
    %scan3A_41 = arith.constant 1 : i32
    scf.for %scan3A_43 = %scan3A_38 to %scan3A_40 step %scan3A_41  : i32 {
      %mul3A_44 = arith.constant 2 : i32
      %mul3A_45 = arith.muli %mul3A_44, %scan3A_43 : i32
      %add3A_46 = arith.constant 1 : i32
      %add3A_47 = arith.addi %mul3A_45, %add3A_46 : i32
      %mul3A_48 = arith.constant 16 : i32
      %mul3A_49 = arith.muli %add3A_47, %mul3A_48 : i32
      %dma_start3A_50 = tpu.memref_slice %arg7[%mul3A_49] : memref<512xi32, #tpu.memory_space<vmem>> -> memref<16xi32, #tpu.memory_space<vmem>>
      %dma_start3A_51 = arith.constant 0 : i32
      %dma_start3A_52 = arith.constant 0 : i32
      %dma_start3A_53 = tpu.memref_slice %arg5[%dma_start3A_51, %dma_start3A_52] : memref<1000000x128xf32, #tpu.memory_space<hbm>> -> memref<1000000x128xf32, #tpu.memory_space<hbm>>
      tpu.enqueue_indirect_dma source(%dma_start3A_53 : memref<1000000x128xf32, #tpu.memory_space<hbm>>) target(%arg13 : memref<16x128xf32, #tpu.memory_space<vmem>>) offsets(%dma_start3A_50 : memref<16xi32, #tpu.memory_space<vmem>>) semaphore(%arg19 : memref<!tpu.dma_semaphore, #tpu.memory_space<semaphore_mem>>)
      %mul3A_54 = arith.constant 16 : i32
      %mul3A_55 = arith.muli %add3A_47, %mul3A_54 : i32
      %dma_start3A_56 = tpu.memref_slice %arg8[%mul3A_55] : memref<512xi32, #tpu.memory_space<vmem>> -> memref<16xi32, #tpu.memory_space<vmem>>
      %dma_start3A_57 = arith.constant 0 : i32
      %dma_start3A_58 = arith.constant 0 : i32
      %dma_start3A_59 = tpu.memref_slice %arg5[%dma_start3A_57, %dma_start3A_58] : memref<1000000x128xf32, #tpu.memory_space<hbm>> -> memref<1000000x128xf32, #tpu.memory_space<hbm>>
      tpu.enqueue_indirect_dma source(%dma_start3A_59 : memref<1000000x128xf32, #tpu.memory_space<hbm>>) target(%arg14 : memref<16x128xf32, #tpu.memory_space<vmem>>) offsets(%dma_start3A_56 : memref<16xi32, #tpu.memory_space<vmem>>) semaphore(%arg19 : memref<!tpu.dma_semaphore, #tpu.memory_space<semaphore_mem>>)
      %mul3A_60 = arith.constant 320 : i32
      %mul3A_61 = arith.muli %add3A_47, %mul3A_60 : i32
      %add3A_62 = arith.constant 0 : i32
      %add3A_63 = arith.addi %mul3A_61, %add3A_62 : i32
      %dma_start3A_64 = arith.constant 0 : i32
      %dma_start3A_65 = arith.constant 0 : i32
      %dma_start3A_66 = tpu.memref_slice %arg15[%dma_start3A_64, %dma_start3A_65] : memref<320x128xf32, #tpu.memory_space<vmem>> -> memref<128x128xf32, #tpu.memory_space<vmem>>
      %dma_start3A_67 = tpu.memref_slice %arg9[%add3A_63] : memref<10240xi32, #tpu.memory_space<vmem>> -> memref<128xi32, #tpu.memory_space<vmem>>
      %dma_start3A_68 = arith.constant 0 : i32
      %dma_start3A_69 = arith.constant 0 : i32
      %dma_start3A_70 = tpu.memref_slice %arg5[%dma_start3A_68, %dma_start3A_69] : memref<1000000x128xf32, #tpu.memory_space<hbm>> -> memref<1000000x128xf32, #tpu.memory_space<hbm>>
      tpu.enqueue_indirect_dma source(%dma_start3A_70 : memref<1000000x128xf32, #tpu.memory_space<hbm>>) target(%dma_start3A_66 : memref<128x128xf32, #tpu.memory_space<vmem>>) offsets(%dma_start3A_67 : memref<128xi32, #tpu.memory_space<vmem>>) semaphore(%arg19 : memref<!tpu.dma_semaphore, #tpu.memory_space<semaphore_mem>>)
      %mul3A_71 = arith.constant 320 : i32
      %mul3A_72 = arith.muli %add3A_47, %mul3A_71 : i32
      %add3A_73 = arith.constant 128 : i32
      %add3A_74 = arith.addi %mul3A_72, %add3A_73 : i32
      %dma_start3A_75 = arith.constant 128 : i32
      %dma_start3A_76 = arith.constant 0 : i32
      %dma_start3A_77 = tpu.memref_slice %arg15[%dma_start3A_75, %dma_start3A_76] : memref<320x128xf32, #tpu.memory_space<vmem>> -> memref<128x128xf32, #tpu.memory_space<vmem>>
      %dma_start3A_78 = tpu.memref_slice %arg9[%add3A_74] : memref<10240xi32, #tpu.memory_space<vmem>> -> memref<128xi32, #tpu.memory_space<vmem>>
      %dma_start3A_79 = arith.constant 0 : i32
      %dma_start3A_80 = arith.constant 0 : i32
      %dma_start3A_81 = tpu.memref_slice %arg5[%dma_start3A_79, %dma_start3A_80] : memref<1000000x128xf32, #tpu.memory_space<hbm>> -> memref<1000000x128xf32, #tpu.memory_space<hbm>>
      tpu.enqueue_indirect_dma source(%dma_start3A_81 : memref<1000000x128xf32, #tpu.memory_space<hbm>>) target(%dma_start3A_77 : memref<128x128xf32, #tpu.memory_space<vmem>>) offsets(%dma_start3A_78 : memref<128xi32, #tpu.memory_space<vmem>>) semaphore(%arg19 : memref<!tpu.dma_semaphore, #tpu.memory_space<semaphore_mem>>)
      %mul3A_82 = arith.constant 320 : i32
      %mul3A_83 = arith.muli %add3A_47, %mul3A_82 : i32
      %add3A_84 = arith.constant 256 : i32
      %add3A_85 = arith.addi %mul3A_83, %add3A_84 : i32
      %dma_start3A_86 = arith.constant 256 : i32
      %dma_start3A_87 = arith.constant 0 : i32
      %dma_start3A_88 = tpu.memref_slice %arg15[%dma_start3A_86, %dma_start3A_87] : memref<320x128xf32, #tpu.memory_space<vmem>> -> memref<64x128xf32, #tpu.memory_space<vmem>>
      %dma_start3A_89 = tpu.memref_slice %arg9[%add3A_85] : memref<10240xi32, #tpu.memory_space<vmem>> -> memref<64xi32, #tpu.memory_space<vmem>>
      %dma_start3A_90 = arith.constant 0 : i32
      %dma_start3A_91 = arith.constant 0 : i32
      %dma_start3A_92 = tpu.memref_slice %arg5[%dma_start3A_90, %dma_start3A_91] : memref<1000000x128xf32, #tpu.memory_space<hbm>> -> memref<1000000x128xf32, #tpu.memory_space<hbm>>
      tpu.enqueue_indirect_dma source(%dma_start3A_92 : memref<1000000x128xf32, #tpu.memory_space<hbm>>) target(%dma_start3A_88 : memref<64x128xf32, #tpu.memory_space<vmem>>) offsets(%dma_start3A_89 : memref<64xi32, #tpu.memory_space<vmem>>) semaphore(%arg19 : memref<!tpu.dma_semaphore, #tpu.memory_space<semaphore_mem>>)
      %dma_wait3A = arith.constant 0 : i32
      %dma_wait3A_93 = tpu.memref_slice %arg7[%dma_wait3A] : memref<512xi32, #tpu.memory_space<vmem>> -> memref<16xi32, #tpu.memory_space<vmem>>
      %dma_wait3A_94 = arith.constant 0 : i32
      %dma_wait3A_95 = arith.constant 0 : i32
      %dma_wait3A_96 = tpu.memref_slice %arg5[%dma_wait3A_94, %dma_wait3A_95] : memref<1000000x128xf32, #tpu.memory_space<hbm>> -> memref<1000000x128xf32, #tpu.memory_space<hbm>>
      tpu.wait_indirect_dma semaphore(%arg18 : memref<!tpu.dma_semaphore, #tpu.memory_space<semaphore_mem>>) src(%dma_wait3A_96 : memref<1000000x128xf32, #tpu.memory_space<hbm>>) dst(%arg10 : memref<16x128xf32, #tpu.memory_space<vmem>>)
      %dma_wait3A_97 = arith.constant 0 : i32
      %dma_wait3A_98 = tpu.memref_slice %arg8[%dma_wait3A_97] : memref<512xi32, #tpu.memory_space<vmem>> -> memref<16xi32, #tpu.memory_space<vmem>>
      %dma_wait3A_99 = arith.constant 0 : i32
      %dma_wait3A_100 = arith.constant 0 : i32
      %dma_wait3A_101 = tpu.memref_slice %arg5[%dma_wait3A_99, %dma_wait3A_100] : memref<1000000x128xf32, #tpu.memory_space<hbm>> -> memref<1000000x128xf32, #tpu.memory_space<hbm>>
      tpu.wait_indirect_dma semaphore(%arg18 : memref<!tpu.dma_semaphore, #tpu.memory_space<semaphore_mem>>) src(%dma_wait3A_101 : memref<1000000x128xf32, #tpu.memory_space<hbm>>) dst(%arg11 : memref<16x128xf32, #tpu.memory_space<vmem>>)
      %dma_wait3A_102 = arith.constant 0 : i32
      %dma_wait3A_103 = tpu.memref_slice %arg9[%dma_wait3A_102] : memref<10240xi32, #tpu.memory_space<vmem>> -> memref<320xi32, #tpu.memory_space<vmem>>
      %dma_wait3A_104 = arith.constant 0 : i32
      %dma_wait3A_105 = arith.constant 0 : i32
      %dma_wait3A_106 = tpu.memref_slice %arg5[%dma_wait3A_104, %dma_wait3A_105] : memref<1000000x128xf32, #tpu.memory_space<hbm>> -> memref<1000000x128xf32, #tpu.memory_space<hbm>>
      tpu.wait_indirect_dma semaphore(%arg18 : memref<!tpu.dma_semaphore, #tpu.memory_space<semaphore_mem>>) src(%dma_wait3A_106 : memref<1000000x128xf32, #tpu.memory_space<hbm>>) dst(%arg12 : memref<320x128xf32, #tpu.memory_space<vmem>>)
      %scan3A_107 = arith.constant 0 : i32
      %scan3A_108 = arith.constant 0 : i32
      %scan3A_109 = arith.constant 16 : i32
      %scan3A_110 = arith.addi %scan3A_108, %scan3A_109 : i32
      %scan3A_111 = arith.constant 2 : i32
      scf.for %scan3A_427 = %scan3A_108 to %scan3A_110 step %scan3A_111  : i32 {
        %get3A = arith.index_cast %scan3A_427 : i32 to index
        %get3A_428 = arith.constant 0 : index
        %get3A_429 = tpu.vector_load %arg10[%get3A, %get3A_428] {strides = array<i32>} : memref<16x128xf32, #tpu.memory_space<vmem>>, vector<16xf32>,
        %get3A_430 = arith.index_cast %scan3A_427 : i32 to index
        %get3A_431 = arith.constant 16 : index
        %get3A_432 = tpu.vector_load %arg10[%get3A_430, %get3A_431] {strides = array<i32>} : memref<16x128xf32, #tpu.memory_space<vmem>>, vector<16xf32>,
        %get3A_433 = arith.index_cast %scan3A_427 : i32 to index
        %get3A_434 = arith.constant 32 : index
        %get3A_435 = tpu.vector_load %arg10[%get3A_433, %get3A_434] {strides = array<i32>} : memref<16x128xf32, #tpu.memory_space<vmem>>, vector<16xf32>,
        %get3A_436 = arith.index_cast %scan3A_427 : i32 to index
        %get3A_437 = arith.constant 48 : index
        %get3A_438 = tpu.vector_load %arg10[%get3A_436, %get3A_437] {strides = array<i32>} : memref<16x128xf32, #tpu.memory_space<vmem>>, vector<16xf32>,
        %get3A_439 = arith.index_cast %scan3A_427 : i32 to index
        %get3A_440 = arith.constant 64 : index
        %get3A_441 = tpu.vector_load %arg11[%get3A_439, %get3A_440] {strides = array<i32>} : memref<16x128xf32, #tpu.memory_space<vmem>>, vector<16xf32>,
        %mul3A_442 = arith.mulf %get3A_429, %get3A_441 : vector<16xf32>
        %get3A_443 = arith.index_cast %scan3A_427 : i32 to index
        %get3A_444 = arith.constant 80 : index
        %get3A_445 = tpu.vector_load %arg11[%get3A_443, %get3A_444] {strides = array<i32>} : memref<16x128xf32, #tpu.memory_space<vmem>>, vector<16xf32>,
        %mul3A_446 = arith.mulf %get3A_432, %get3A_445 : vector<16xf32>
        %add3A_447 = arith.addf %mul3A_442, %mul3A_446 : vector<16xf32>
        %get3A_448 = arith.index_cast %scan3A_427 : i32 to index
        %get3A_449 = arith.constant 96 : index
        %get3A_450 = tpu.vector_load %arg11[%get3A_448, %get3A_449] {strides = array<i32>} : memref<16x128xf32, #tpu.memory_space<vmem>>, vector<16xf32>,
        %mul3A_451 = arith.mulf %get3A_435, %get3A_450 : vector<16xf32>
        %add3A_452 = arith.addf %add3A_447, %mul3A_451 : vector<16xf32>
        %get3A_453 = arith.index_cast %scan3A_427 : i32 to index
        %get3A_454 = arith.constant 112 : index
        %get3A_455 = tpu.vector_load %arg11[%get3A_453, %get3A_454] {strides = array<i32>} : memref<16x128xf32, #tpu.memory_space<vmem>>, vector<16xf32>,
        %mul3A_456 = arith.mulf %get3A_438, %get3A_455 : vector<16xf32>
        %add3A_457 = arith.addf %add3A_452, %mul3A_456 : vector<16xf32>
        %mul3A_458 = arith.constant 21 : i32
        %mul3A_459 = arith.muli %scan3A_427, %mul3A_458 : i32
        %mul3A_460 = arith.constant 16 : i32
        %mul3A_461 = arith.muli %mul3A_459, %mul3A_460 : i32
        %swap3A_462 = arith.index_cast %mul3A_461 : i32 to index
        %swap3A_463 = tpu.vector_load %arg16[%swap3A_462] {strides = array<i32>} : memref<5376xf32, #tpu.memory_space<vmem>>, vector<16xf32>,
        tpu.vector_store %arg16[%swap3A_462], %add3A_457 {strides = array<i32>} : memref<5376xf32, #tpu.memory_space<vmem>>, vector<16xf32>,
        %mul3A_464 = arith.constant 20 : i32
        %mul3A_465 = arith.muli %scan3A_427, %mul3A_464 : i32
        %add3A_466 = arith.constant 0 : i32
        %add3A_467 = arith.addi %mul3A_465, %add3A_466 : i32
        %get3A_468 = arith.index_cast %add3A_467 : i32 to index
        %get3A_469 = arith.constant 64 : index
        %get3A_470 = tpu.vector_load %arg12[%get3A_468, %get3A_469] {strides = array<i32>} : memref<320x128xf32, #tpu.memory_space<vmem>>, vector<16xf32>,
        %mul3A_471 = arith.mulf %get3A_429, %get3A_470 : vector<16xf32>
        %get3A_472 = arith.index_cast %add3A_467 : i32 to index
        %get3A_473 = arith.constant 80 : index
        %get3A_474 = tpu.vector_load %arg12[%get3A_472, %get3A_473] {strides = array<i32>} : memref<320x128xf32, #tpu.memory_space<vmem>>, vector<16xf32>,
        %mul3A_475 = arith.mulf %get3A_432, %get3A_474 : vector<16xf32>
        %add3A_476 = arith.addf %mul3A_471, %mul3A_475 : vector<16xf32>
        %get3A_477 = arith.index_cast %add3A_467 : i32 to index
        %get3A_478 = arith.constant 96 : index
        %get3A_479 = tpu.vector_load %arg12[%get3A_477, %get3A_478] {strides = array<i32>} : memref<320x128xf32, #tpu.memory_space<vmem>>, vector<16xf32>,
        %mul3A_480 = arith.mulf %get3A_435, %get3A_479 : vector<16xf32>
        %add3A_481 = arith.addf %add3A_476, %mul3A_480 : vector<16xf32>
        %get3A_482 = arith.index_cast %add3A_467 : i32 to index
        %get3A_483 = arith.constant 112 : index
        %get3A_484 = tpu.vector_load %arg12[%get3A_482, %get3A_483] {strides = array<i32>} : memref<320x128xf32, #tpu.memory_space<vmem>>, vector<16xf32>,
        %mul3A_485 = arith.mulf %get3A_438, %get3A_484 : vector<16xf32>
        %add3A_486 = arith.addf %add3A_481, %mul3A_485 : vector<16xf32>
        %neg3A = arith.constant 0.000000e+00 : f32
        %neg3A_487 = vector.broadcast %neg3A : f32 to vector<16xf32>
        %neg3A_488 = arith.subf %neg3A_487, %add3A_486 : vector<16xf32>
        %add3A_489 = arith.constant 16 : i32
        %add3A_490 = arith.addi %mul3A_461, %add3A_489 : i32
        %swap3A_491 = arith.index_cast %add3A_490 : i32 to index
        %swap3A_492 = tpu.vector_load %arg16[%swap3A_491] {strides = array<i32>} : memref<5376xf32, #tpu.memory_space<vmem>>, vector<16xf32>,
        tpu.vector_store %arg16[%swap3A_491], %neg3A_488 {strides = array<i32>} : memref<5376xf32, #tpu.memory_space<vmem>>, vector<16xf32>,
        %mul3A_493 = arith.constant 20 : i32
        %mul3A_494 = arith.muli %scan3A_427, %mul3A_493 : i32
        %add3A_495 = arith.constant 1 : i32
        %add3A_496 = arith.addi %mul3A_494, %add3A_495 : i32
        %get3A_497 = arith.index_cast %add3A_496 : i32 to index
        %get3A_498 = arith.constant 64 : index
        %get3A_499 = tpu.vector_load %arg12[%get3A_497, %get3A_498] {strides = array<i32>} : memref<320x128xf32, #tpu.memory_space<vmem>>, vector<16xf32>,
        %mul3A_500 = arith.mulf %get3A_429, %get3A_499 : vector<16xf32>
        %get3A_501 = arith.index_cast %add3A_496 : i32 to index
        %get3A_502 = arith.constant 80 : index
        %get3A_503 = tpu.vector_load %arg12[%get3A_501, %get3A_502] {strides = array<i32>} : memref<320x128xf32, #tpu.memory_space<vmem>>, vector<16xf32>,
        %mul3A_504 = arith.mulf %get3A_432, %get3A_503 : vector<16xf32>
        %add3A_505 = arith.addf %mul3A_500, %mul3A_504 : vector<16xf32>
        %get3A_506 = arith.index_cast %add3A_496 : i32 to index
        %get3A_507 = arith.constant 96 : index
        %get3A_508 = tpu.vector_load %arg12[%get3A_506, %get3A_507] {strides = array<i32>} : memref<320x128xf32, #tpu.memory_space<vmem>>, vector<16xf32>,
        %mul3A_509 = arith.mulf %get3A_435, %get3A_508 : vector<16xf32>
        %add3A_510 = arith.addf %add3A_505, %mul3A_509 : vector<16xf32>
        %get3A_511 = arith.index_cast %add3A_496 : i32 to index
        %get3A_512 = arith.constant 112 : index
        %get3A_513 = tpu.vector_load %arg12[%get3A_511, %get3A_512] {strides = array<i32>} : memref<320x128xf32, #tpu.memory_space<vmem>>, vector<16xf32>,
        %mul3A_514 = arith.mulf %get3A_438, %get3A_513 : vector<16xf32>
        %add3A_515 = arith.addf %add3A_510, %mul3A_514 : vector<16xf32>
        %neg3A_516 = arith.constant 0.000000e+00 : f32
        %neg3A_517 = vector.broadcast %neg3A_516 : f32 to vector<16xf32>
        %neg3A_518 = arith.subf %neg3A_517, %add3A_515 : vector<16xf32>
        %add3A_519 = arith.constant 32 : i32
        %add3A_520 = arith.addi %mul3A_461, %add3A_519 : i32
        %swap3A_521 = arith.index_cast %add3A_520 : i32 to index
        %swap3A_522 = tpu.vector_load %arg16[%swap3A_521] {strides = array<i32>} : memref<5376xf32, #tpu.memory_space<vmem>>, vector<16xf32>,
        tpu.vector_store %arg16[%swap3A_521], %neg3A_518 {strides = array<i32>} : memref<5376xf32, #tpu.memory_space<vmem>>, vector<16xf32>,
        %mul3A_523 = arith.constant 20 : i32
        %mul3A_524 = arith.muli %scan3A_427, %mul3A_523 : i32
        %add3A_525 = arith.constant 2 : i32
        %add3A_526 = arith.addi %mul3A_524, %add3A_525 : i32
        %get3A_527 = arith.index_cast %add3A_526 : i32 to index
        %get3A_528 = arith.constant 64 : index
        %get3A_529 = tpu.vector_load %arg12[%get3A_527, %get3A_528] {strides = array<i32>} : memref<320x128xf32, #tpu.memory_space<vmem>>, vector<16xf32>,
        %mul3A_530 = arith.mulf %get3A_429, %get3A_529 : vector<16xf32>
        %get3A_531 = arith.index_cast %add3A_526 : i32 to index
        %get3A_532 = arith.constant 80 : index
        %get3A_533 = tpu.vector_load %arg12[%get3A_531, %get3A_532] {strides = array<i32>} : memref<320x128xf32, #tpu.memory_space<vmem>>, vector<16xf32>,
        %mul3A_534 = arith.mulf %get3A_432, %get3A_533 : vector<16xf32>
        %add3A_535 = arith.addf %mul3A_530, %mul3A_534 : vector<16xf32>
        %get3A_536 = arith.index_cast %add3A_526 : i32 to index
        %get3A_537 = arith.constant 96 : index
        %get3A_538 = tpu.vector_load %arg12[%get3A_536, %get3A_537] {strides = array<i32>} : memref<320x128xf32, #tpu.memory_space<vmem>>, vector<16xf32>,
        %mul3A_539 = arith.mulf %get3A_435, %get3A_538 : vector<16xf32>
        %add3A_540 = arith.addf %add3A_535, %mul3A_539 : vector<16xf32>
        %get3A_541 = arith.index_cast %add3A_526 : i32 to index
        %get3A_542 = arith.constant 112 : index
        %get3A_543 = tpu.vector_load %arg12[%get3A_541, %get3A_542] {strides = array<i32>} : memref<320x128xf32, #tpu.memory_space<vmem>>, vector<16xf32>,
        %mul3A_544 = arith.mulf %get3A_438, %get3A_543 : vector<16xf32>
        %add3A_545 = arith.addf %add3A_540, %mul3A_544 : vector<16xf32>
        %neg3A_546 = arith.constant 0.000000e+00 : f32
        %neg3A_547 = vector.broadcast %neg3A_546 : f32 to vector<16xf32>
        %neg3A_548 = arith.subf %neg3A_547, %add3A_545 : vector<16xf32>
        %add3A_549 = arith.constant 48 : i32
        %add3A_550 = arith.addi %mul3A_461, %add3A_549 : i32
        %swap3A_551 = arith.index_cast %add3A_550 : i32 to index
        %swap3A_552 = tpu.vector_load %arg16[%swap3A_551] {strides = array<i32>} : memref<5376xf32, #tpu.memory_space<vmem>>, vector<16xf32>,
        tpu.vector_store %arg16[%swap3A_551], %neg3A_548 {strides = array<i32>} : memref<5376xf32, #tpu.memory_space<vmem>>, vector<16xf32>,
        %mul3A_553 = arith.constant 20 : i32
        %mul3A_554 = arith.muli %scan3A_427, %mul3A_553 : i32
        %add3A_555 = arith.constant 3 : i32
        %add3A_556 = arith.addi %mul3A_554, %add3A_555 : i32
        %get3A_557 = arith.index_cast %add3A_556 : i32 to index
        %get3A_558 = arith.constant 64 : index
        %get3A_559 = tpu.vector_load %arg12[%get3A_557, %get3A_558] {strides = array<i32>} : memref<320x128xf32, #tpu.memory_space<vmem>>, vector<16xf32>,
        %mul3A_560 = arith.mulf %get3A_429, %get3A_559 : vector<16xf32>
        %get3A_561 = arith.index_cast %add3A_556 : i32 to index
        %get3A_562 = arith.constant 80 : index
        %get3A_563 = tpu.vector_load %arg12[%get3A_561, %get3A_562] {strides = array<i32>} : memref<320x128xf32, #tpu.memory_space<vmem>>, vector<16xf32>,
        %mul3A_564 = arith.mulf %get3A_432, %get3A_563 : vector<16xf32>
        %add3A_565 = arith.addf %mul3A_560, %mul3A_564 : vector<16xf32>
        %get3A_566 = arith.index_cast %add3A_556 : i32 to index
        %get3A_567 = arith.constant 96 : index
        %get3A_568 = tpu.vector_load %arg12[%get3A_566, %get3A_567] {strides = array<i32>} : memref<320x128xf32, #tpu.memory_space<vmem>>, vector<16xf32>,
        %mul3A_569 = arith.mulf %get3A_435, %get3A_568 : vector<16xf32>
        %add3A_570 = arith.addf %add3A_565, %mul3A_569 : vector<16xf32>
        %get3A_571 = arith.index_cast %add3A_556 : i32 to index
        %get3A_572 = arith.constant 112 : index
        %get3A_573 = tpu.vector_load %arg12[%get3A_571, %get3A_572] {strides = array<i32>} : memref<320x128xf32, #tpu.memory_space<vmem>>, vector<16xf32>,
        %mul3A_574 = arith.mulf %get3A_438, %get3A_573 : vector<16xf32>
        %add3A_575 = arith.addf %add3A_570, %mul3A_574 : vector<16xf32>
        %neg3A_576 = arith.constant 0.000000e+00 : f32
        %neg3A_577 = vector.broadcast %neg3A_576 : f32 to vector<16xf32>
        %neg3A_578 = arith.subf %neg3A_577, %add3A_575 : vector<16xf32>
        %add3A_579 = arith.constant 64 : i32
        %add3A_580 = arith.addi %mul3A_461, %add3A_579 : i32
        %swap3A_581 = arith.index_cast %add3A_580 : i32 to index
        %swap3A_582 = tpu.vector_load %arg16[%swap3A_581] {strides = array<i32>} : memref<5376xf32, #tpu.memory_space<vmem>>, vector<16xf32>,
        tpu.vector_store %arg16[%swap3A_581], %neg3A_578 {strides = array<i32>} : memref<5376xf32, #tpu.memory_space<vmem>>, vector<16xf32>,
        %mul3A_583 = arith.constant 20 : i32
        %mul3A_584 = arith.muli %scan3A_427, %mul3A_583 : i32
        %add3A_585 = arith.constant 4 : i32
        %add3A_586 = arith.addi %mul3A_584, %add3A_585 : i32
        %get3A_587 = arith.index_cast %add3A_586 : i32 to index
        %get3A_588 = arith.constant 64 : index
        %get3A_589 = tpu.vector_load %arg12[%get3A_587, %get3A_588] {strides = array<i32>} : memref<320x128xf32, #tpu.memory_space<vmem>>, vector<16xf32>,
        %mul3A_590 = arith.mulf %get3A_429, %get3A_589 : vector<16xf32>
        %get3A_591 = arith.index_cast %add3A_586 : i32 to index
        %get3A_592 = arith.constant 80 : index
        %get3A_593 = tpu.vector_load %arg12[%get3A_591, %get3A_592] {strides = array<i32>} : memref<320x128xf32, #tpu.memory_space<vmem>>, vector<16xf32>,
        %mul3A_594 = arith.mulf %get3A_432, %get3A_593 : vector<16xf32>
        %add3A_595 = arith.addf %mul3A_590, %mul3A_594 : vector<16xf32>
        %get3A_596 = arith.index_cast %add3A_586 : i32 to index
        %get3A_597 = arith.constant 96 : index
        %get3A_598 = tpu.vector_load %arg12[%get3A_596, %get3A_597] {strides = array<i32>} : memref<320x128xf32, #tpu.memory_space<vmem>>, vector<16xf32>,
        %mul3A_599 = arith.mulf %get3A_435, %get3A_598 : vector<16xf32>
        %add3A_600 = arith.addf %add3A_595, %mul3A_599 : vector<16xf32>
        %get3A_601 = arith.index_cast %add3A_586 : i32 to index
        %get3A_602 = arith.constant 112 : index
        %get3A_603 = tpu.vector_load %arg12[%get3A_601, %get3A_602] {strides = array<i32>} : memref<320x128xf32, #tpu.memory_space<vmem>>, vector<16xf32>,
        %mul3A_604 = arith.mulf %get3A_438, %get3A_603 : vector<16xf32>
        %add3A_605 = arith.addf %add3A_600, %mul3A_604 : vector<16xf32>
        %neg3A_606 = arith.constant 0.000000e+00 : f32
        %neg3A_607 = vector.broadcast %neg3A_606 : f32 to vector<16xf32>
        %neg3A_608 = arith.subf %neg3A_607, %add3A_605 : vector<16xf32>
        %add3A_609 = arith.constant 80 : i32
        %add3A_610 = arith.addi %mul3A_461, %add3A_609 : i32
        %swap3A_611 = arith.index_cast %add3A_610 : i32 to index
        %swap3A_612 = tpu.vector_load %arg16[%swap3A_611] {strides = array<i32>} : memref<5376xf32, #tpu.memory_space<vmem>>, vector<16xf32>,
        tpu.vector_store %arg16[%swap3A_611], %neg3A_608 {strides = array<i32>} : memref<5376xf32, #tpu.memory_space<vmem>>, vector<16xf32>,
        %mul3A_613 = arith.constant 20 : i32
        %mul3A_614 = arith.muli %scan3A_427, %mul3A_613 : i32
        %add3A_615 = arith.constant 5 : i32
        %add3A_616 = arith.addi %mul3A_614, %add3A_615 : i32
        %get3A_617 = arith.index_cast %add3A_616 : i32 to index
        %get3A_618 = arith.constant 64 : index
        %get3A_619 = tpu.vector_load %arg12[%get3A_617, %get3A_618] {strides = array<i32>} : memref<320x128xf32, #tpu.memory_space<vmem>>, vector<16xf32>,
        %mul3A_620 = arith.mulf %get3A_429, %get3A_619 : vector<16xf32>
        %get3A_621 = arith.index_cast %add3A_616 : i32 to index
        %get3A_622 = arith.constant 80 : index
        %get3A_623 = tpu.vector_load %arg12[%get3A_621, %get3A_622] {strides = array<i32>} : memref<320x128xf32, #tpu.memory_space<vmem>>, vector<16xf32>,
        %mul3A_624 = arith.mulf %get3A_432, %get3A_623 : vector<16xf32>
        %add3A_625 = arith.addf %mul3A_620, %mul3A_624 : vector<16xf32>
        %get3A_626 = arith.index_cast %add3A_616 : i32 to index
        %get3A_627 = arith.constant 96 : index
        %get3A_628 = tpu.vector_load %arg12[%get3A_626, %get3A_627] {strides = array<i32>} : memref<320x128xf32, #tpu.memory_space<vmem>>, vector<16xf32>,
        %mul3A_629 = arith.mulf %get3A_435, %get3A_628 : vector<16xf32>
        %add3A_630 = arith.addf %add3A_625, %mul3A_629 : vector<16xf32>
        %get3A_631 = arith.index_cast %add3A_616 : i32 to index
        %get3A_632 = arith.constant 112 : index
        %get3A_633 = tpu.vector_load %arg12[%get3A_631, %get3A_632] {strides = array<i32>} : memref<320x128xf32, #tpu.memory_space<vmem>>, vector<16xf32>,
        %mul3A_634 = arith.mulf %get3A_438, %get3A_633 : vector<16xf32>
        %add3A_635 = arith.addf %add3A_630, %mul3A_634 : vector<16xf32>
        %neg3A_636 = arith.constant 0.000000e+00 : f32
        %neg3A_637 = vector.broadcast %neg3A_636 : f32 to vector<16xf32>
        %neg3A_638 = arith.subf %neg3A_637, %add3A_635 : vector<16xf32>
        %add3A_639 = arith.constant 96 : i32
        %add3A_640 = arith.addi %mul3A_461, %add3A_639 : i32
        %swap3A_641 = arith.index_cast %add3A_640 : i32 to index
        %swap3A_642 = tpu.vector_load %arg16[%swap3A_641] {strides = array<i32>} : memref<5376xf32, #tpu.memory_space<vmem>>, vector<16xf32>,
        tpu.vector_store %arg16[%swap3A_641], %neg3A_638 {strides = array<i32>} : memref<5376xf32, #tpu.memory_space<vmem>>, vector<16xf32>,
        %mul3A_643 = arith.constant 20 : i32
        %mul3A_644 = arith.muli %scan3A_427, %mul3A_643 : i32
        %add3A_645 = arith.constant 6 : i32
        %add3A_646 = arith.addi %mul3A_644, %add3A_645 : i32
        %get3A_647 = arith.index_cast %add3A_646 : i32 to index
        %get3A_648 = arith.constant 64 : index
        %get3A_649 = tpu.vector_load %arg12[%get3A_647, %get3A_648] {strides = array<i32>} : memref<320x128xf32, #tpu.memory_space<vmem>>, vector<16xf32>,
        %mul3A_650 = arith.mulf %get3A_429, %get3A_649 : vector<16xf32>
        %get3A_651 = arith.index_cast %add3A_646 : i32 to index
        %get3A_652 = arith.constant 80 : index
        %get3A_653 = tpu.vector_load %arg12[%get3A_651, %get3A_652] {strides = array<i32>} : memref<320x128xf32, #tpu.memory_space<vmem>>, vector<16xf32>,
        %mul3A_654 = arith.mulf %get3A_432, %get3A_653 : vector<16xf32>
        %add3A_655 = arith.addf %mul3A_650, %mul3A_654 : vector<16xf32>
        %get3A_656 = arith.index_cast %add3A_646 : i32 to index
        %get3A_657 = arith.constant 96 : index
        %get3A_658 = tpu.vector_load %arg12[%get3A_656, %get3A_657] {strides = array<i32>} : memref<320x128xf32, #tpu.memory_space<vmem>>, vector<16xf32>,
        %mul3A_659 = arith.mulf %get3A_435, %get3A_658 : vector<16xf32>
        %add3A_660 = arith.addf %add3A_655, %mul3A_659 : vector<16xf32>
        %get3A_661 = arith.index_cast %add3A_646 : i32 to index
        %get3A_662 = arith.constant 112 : index
        %get3A_663 = tpu.vector_load %arg12[%get3A_661, %get3A_662] {strides = array<i32>} : memref<320x128xf32, #tpu.memory_space<vmem>>, vector<16xf32>,
        %mul3A_664 = arith.mulf %get3A_438, %get3A_663 : vector<16xf32>
        %add3A_665 = arith.addf %add3A_660, %mul3A_664 : vector<16xf32>
        %neg3A_666 = arith.constant 0.000000e+00 : f32
        %neg3A_667 = vector.broadcast %neg3A_666 : f32 to vector<16xf32>
        %neg3A_668 = arith.subf %neg3A_667, %add3A_665 : vector<16xf32>
        %add3A_669 = arith.constant 112 : i32
        %add3A_670 = arith.addi %mul3A_461, %add3A_669 : i32
        %swap3A_671 = arith.index_cast %add3A_670 : i32 to index
        %swap3A_672 = tpu.vector_load %arg16[%swap3A_671] {strides = array<i32>} : memref<5376xf32, #tpu.memory_space<vmem>>, vector<16xf32>,
        tpu.vector_store %arg16[%swap3A_671], %neg3A_668 {strides = array<i32>} : memref<5376xf32, #tpu.memory_space<vmem>>, vector<16xf32>,
        %mul3A_673 = arith.constant 20 : i32
        %mul3A_674 = arith.muli %scan3A_427, %mul3A_673 : i32
        %add3A_675 = arith.constant 7 : i32
        %add3A_676 = arith.addi %mul3A_674, %add3A_675 : i32
        %get3A_677 = arith.index_cast %add3A_676 : i32 to index
        %get3A_678 = arith.constant 64 : index
        %get3A_679 = tpu.vector_load %arg12[%get3A_677, %get3A_678] {strides = array<i32>} : memref<320x128xf32, #tpu.memory_space<vmem>>, vector<16xf32>,
        %mul3A_680 = arith.mulf %get3A_429, %get3A_679 : vector<16xf32>
        %get3A_681 = arith.index_cast %add3A_676 : i32 to index
        %get3A_682 = arith.constant 80 : index
        %get3A_683 = tpu.vector_load %arg12[%get3A_681, %get3A_682] {strides = array<i32>} : memref<320x128xf32, #tpu.memory_space<vmem>>, vector<16xf32>,
        %mul3A_684 = arith.mulf %get3A_432, %get3A_683 : vector<16xf32>
        %add3A_685 = arith.addf %mul3A_680, %mul3A_684 : vector<16xf32>
        %get3A_686 = arith.index_cast %add3A_676 : i32 to index
        %get3A_687 = arith.constant 96 : index
        %get3A_688 = tpu.vector_load %arg12[%get3A_686, %get3A_687] {strides = array<i32>} : memref<320x128xf32, #tpu.memory_space<vmem>>, vector<16xf32>,
        %mul3A_689 = arith.mulf %get3A_435, %get3A_688 : vector<16xf32>
        %add3A_690 = arith.addf %add3A_685, %mul3A_689 : vector<16xf32>
        %get3A_691 = arith.index_cast %add3A_676 : i32 to index
        %get3A_692 = arith.constant 112 : index
        %get3A_693 = tpu.vector_load %arg12[%get3A_691, %get3A_692] {strides = array<i32>} : memref<320x128xf32, #tpu.memory_space<vmem>>, vector<16xf32>,
        %mul3A_694 = arith.mulf %get3A_438, %get3A_693 : vector<16xf32>
        %add3A_695 = arith.addf %add3A_690, %mul3A_694 : vector<16xf32>
        %neg3A_696 = arith.constant 0.000000e+00 : f32
        %neg3A_697 = vector.broadcast %neg3A_696 : f32 to vector<16xf32>
        %neg3A_698 = arith.subf %neg3A_697, %add3A_695 : vector<16xf32>
        %add3A_699 = arith.constant 128 : i32
        %add3A_700 = arith.addi %mul3A_461, %add3A_699 : i32
        %swap3A_701 = arith.index_cast %add3A_700 : i32 to index
        %swap3A_702 = tpu.vector_load %arg16[%swap3A_701] {strides = array<i32>} : memref<5376xf32, #tpu.memory_space<vmem>>, vector<16xf32>,
        tpu.vector_store %arg16[%swap3A_701], %neg3A_698 {strides = array<i32>} : memref<5376xf32, #tpu.memory_space<vmem>>, vector<16xf32>,
        %mul3A_703 = arith.constant 20 : i32
        %mul3A_704 = arith.muli %scan3A_427, %mul3A_703 : i32
        %add3A_705 = arith.constant 8 : i32
        %add3A_706 = arith.addi %mul3A_704, %add3A_705 : i32
        %get3A_707 = arith.index_cast %add3A_706 : i32 to index
        %get3A_708 = arith.constant 64 : index
        %get3A_709 = tpu.vector_load %arg12[%get3A_707, %get3A_708] {strides = array<i32>} : memref<320x128xf32, #tpu.memory_space<vmem>>, vector<16xf32>,
        %mul3A_710 = arith.mulf %get3A_429, %get3A_709 : vector<16xf32>
        %get3A_711 = arith.index_cast %add3A_706 : i32 to index
        %get3A_712 = arith.constant 80 : index
        %get3A_713 = tpu.vector_load %arg12[%get3A_711, %get3A_712] {strides = array<i32>} : memref<320x128xf32, #tpu.memory_space<vmem>>, vector<16xf32>,
        %mul3A_714 = arith.mulf %get3A_432, %get3A_713 : vector<16xf32>
        %add3A_715 = arith.addf %mul3A_710, %mul3A_714 : vector<16xf32>
        %get3A_716 = arith.index_cast %add3A_706 : i32 to index
        %get3A_717 = arith.constant 96 : index
        %get3A_718 = tpu.vector_load %arg12[%get3A_716, %get3A_717] {strides = array<i32>} : memref<320x128xf32, #tpu.memory_space<vmem>>, vector<16xf32>,
        %mul3A_719 = arith.mulf %get3A_435, %get3A_718 : vector<16xf32>
        %add3A_720 = arith.addf %add3A_715, %mul3A_719 : vector<16xf32>
        %get3A_721 = arith.index_cast %add3A_706 : i32 to index
        %get3A_722 = arith.constant 112 : index
        %get3A_723 = tpu.vector_load %arg12[%get3A_721, %get3A_722] {strides = array<i32>} : memref<320x128xf32, #tpu.memory_space<vmem>>, vector<16xf32>,
        %mul3A_724 = arith.mulf %get3A_438, %get3A_723 : vector<16xf32>
        %add3A_725 = arith.addf %add3A_720, %mul3A_724 : vector<16xf32>
        %neg3A_726 = arith.constant 0.000000e+00 : f32
        %neg3A_727 = vector.broadcast %neg3A_726 : f32 to vector<16xf32>
        %neg3A_728 = arith.subf %neg3A_727, %add3A_725 : vector<16xf32>
        %add3A_729 = arith.constant 144 : i32
        %add3A_730 = arith.addi %mul3A_461, %add3A_729 : i32
        %swap3A_731 = arith.index_cast %add3A_730 : i32 to index
        %swap3A_732 = tpu.vector_load %arg16[%swap3A_731] {strides = array<i32>} : memref<5376xf32, #tpu.memory_space<vmem>>, vector<16xf32>,
        tpu.vector_store %arg16[%swap3A_731], %neg3A_728 {strides = array<i32>} : memref<5376xf32, #tpu.memory_space<vmem>>, vector<16xf32>,
        %mul3A_733 = arith.constant 20 : i32
        %mul3A_734 = arith.muli %scan3A_427, %mul3A_733 : i32
        %add3A_735 = arith.constant 9 : i32
        %add3A_736 = arith.addi %mul3A_734, %add3A_735 : i32
        %get3A_737 = arith.index_cast %add3A_736 : i32 to index
        %get3A_738 = arith.constant 64 : index
        %get3A_739 = tpu.vector_load %arg12[%get3A_737, %get3A_738] {strides = array<i32>} : memref<320x128xf32, #tpu.memory_space<vmem>>, vector<16xf32>,
        %mul3A_740 = arith.mulf %get3A_429, %get3A_739 : vector<16xf32>
        %get3A_741 = arith.index_cast %add3A_736 : i32 to index
        %get3A_742 = arith.constant 80 : index
        %get3A_743 = tpu.vector_load %arg12[%get3A_741, %get3A_742] {strides = array<i32>} : memref<320x128xf32, #tpu.memory_space<vmem>>, vector<16xf32>,
        %mul3A_744 = arith.mulf %get3A_432, %get3A_743 : vector<16xf32>
        %add3A_745 = arith.addf %mul3A_740, %mul3A_744 : vector<16xf32>
        %get3A_746 = arith.index_cast %add3A_736 : i32 to index
        %get3A_747 = arith.constant 96 : index
        %get3A_748 = tpu.vector_load %arg12[%get3A_746, %get3A_747] {strides = array<i32>} : memref<320x128xf32, #tpu.memory_space<vmem>>, vector<16xf32>,
        %mul3A_749 = arith.mulf %get3A_435, %get3A_748 : vector<16xf32>
        %add3A_750 = arith.addf %add3A_745, %mul3A_749 : vector<16xf32>
        %get3A_751 = arith.index_cast %add3A_736 : i32 to index
        %get3A_752 = arith.constant 112 : index
        %get3A_753 = tpu.vector_load %arg12[%get3A_751, %get3A_752] {strides = array<i32>} : memref<320x128xf32, #tpu.memory_space<vmem>>, vector<16xf32>,
        %mul3A_754 = arith.mulf %get3A_438, %get3A_753 : vector<16xf32>
        %add3A_755 = arith.addf %add3A_750, %mul3A_754 : vector<16xf32>
        %neg3A_756 = arith.constant 0.000000e+00 : f32
        %neg3A_757 = vector.broadcast %neg3A_756 : f32 to vector<16xf32>
        %neg3A_758 = arith.subf %neg3A_757, %add3A_755 : vector<16xf32>
        %add3A_759 = arith.constant 160 : i32
        %add3A_760 = arith.addi %mul3A_461, %add3A_759 : i32
        %swap3A_761 = arith.index_cast %add3A_760 : i32 to index
        %swap3A_762 = tpu.vector_load %arg16[%swap3A_761] {strides = array<i32>} : memref<5376xf32, #tpu.memory_space<vmem>>, vector<16xf32>,
        tpu.vector_store %arg16[%swap3A_761], %neg3A_758 {strides = array<i32>} : memref<5376xf32, #tpu.memory_space<vmem>>, vector<16xf32>,
        %mul3A_763 = arith.constant 20 : i32
        %mul3A_764 = arith.muli %scan3A_427, %mul3A_763 : i32
        %add3A_765 = arith.constant 10 : i32
        %add3A_766 = arith.addi %mul3A_764, %add3A_765 : i32
        %get3A_767 = arith.index_cast %add3A_766 : i32 to index
        %get3A_768 = arith.constant 64 : index
        %get3A_769 = tpu.vector_load %arg12[%get3A_767, %get3A_768] {strides = array<i32>} : memref<320x128xf32, #tpu.memory_space<vmem>>, vector<16xf32>,
        %mul3A_770 = arith.mulf %get3A_429, %get3A_769 : vector<16xf32>
        %get3A_771 = arith.index_cast %add3A_766 : i32 to index
        %get3A_772 = arith.constant 80 : index
        %get3A_773 = tpu.vector_load %arg12[%get3A_771, %get3A_772] {strides = array<i32>} : memref<320x128xf32, #tpu.memory_space<vmem>>, vector<16xf32>,
        %mul3A_774 = arith.mulf %get3A_432, %get3A_773 : vector<16xf32>
        %add3A_775 = arith.addf %mul3A_770, %mul3A_774 : vector<16xf32>
        %get3A_776 = arith.index_cast %add3A_766 : i32 to index
        %get3A_777 = arith.constant 96 : index
        %get3A_778 = tpu.vector_load %arg12[%get3A_776, %get3A_777] {strides = array<i32>} : memref<320x128xf32, #tpu.memory_space<vmem>>, vector<16xf32>,
        %mul3A_779 = arith.mulf %get3A_435, %get3A_778 : vector<16xf32>
        %add3A_780 = arith.addf %add3A_775, %mul3A_779 : vector<16xf32>
        %get3A_781 = arith.index_cast %add3A_766 : i32 to index
        %get3A_782 = arith.constant 112 : index
        %get3A_783 = tpu.vector_load %arg12[%get3A_781, %get3A_782] {strides = array<i32>} : memref<320x128xf32, #tpu.memory_space<vmem>>, vector<16xf32>,
        %mul3A_784 = arith.mulf %get3A_438, %get3A_783 : vector<16xf32>
        %add3A_785 = arith.addf %add3A_780, %mul3A_784 : vector<16xf32>
        %neg3A_786 = arith.constant 0.000000e+00 : f32
        %neg3A_787 = vector.broadcast %neg3A_786 : f32 to vector<16xf32>
        %neg3A_788 = arith.subf %neg3A_787, %add3A_785 : vector<16xf32>
        %add3A_789 = arith.constant 176 : i32
        %add3A_790 = arith.addi %mul3A_461, %add3A_789 : i32
        %swap3A_791 = arith.index_cast %add3A_790 : i32 to index
        %swap3A_792 = tpu.vector_load %arg16[%swap3A_791] {strides = array<i32>} : memref<5376xf32, #tpu.memory_space<vmem>>, vector<16xf32>,
        tpu.vector_store %arg16[%swap3A_791], %neg3A_788 {strides = array<i32>} : memref<5376xf32, #tpu.memory_space<vmem>>, vector<16xf32>,
        %mul3A_793 = arith.constant 20 : i32
        %mul3A_794 = arith.muli %scan3A_427, %mul3A_793 : i32
        %add3A_795 = arith.constant 11 : i32
        %add3A_796 = arith.addi %mul3A_794, %add3A_795 : i32
        %get3A_797 = arith.index_cast %add3A_796 : i32 to index
        %get3A_798 = arith.constant 64 : index
        %get3A_799 = tpu.vector_load %arg12[%get3A_797, %get3A_798] {strides = array<i32>} : memref<320x128xf32, #tpu.memory_space<vmem>>, vector<16xf32>,
        %mul3A_800 = arith.mulf %get3A_429, %get3A_799 : vector<16xf32>
        %get3A_801 = arith.index_cast %add3A_796 : i32 to index
        %get3A_802 = arith.constant 80 : index
        %get3A_803 = tpu.vector_load %arg12[%get3A_801, %get3A_802] {strides = array<i32>} : memref<320x128xf32, #tpu.memory_space<vmem>>, vector<16xf32>,
        %mul3A_804 = arith.mulf %get3A_432, %get3A_803 : vector<16xf32>
        %add3A_805 = arith.addf %mul3A_800, %mul3A_804 : vector<16xf32>
        %get3A_806 = arith.index_cast %add3A_796 : i32 to index
        %get3A_807 = arith.constant 96 : index
        %get3A_808 = tpu.vector_load %arg12[%get3A_806, %get3A_807] {strides = array<i32>} : memref<320x128xf32, #tpu.memory_space<vmem>>, vector<16xf32>,
        %mul3A_809 = arith.mulf %get3A_435, %get3A_808 : vector<16xf32>
        %add3A_810 = arith.addf %add3A_805, %mul3A_809 : vector<16xf32>
        %get3A_811 = arith.index_cast %add3A_796 : i32 to index
        %get3A_812 = arith.constant 112 : index
        %get3A_813 = tpu.vector_load %arg12[%get3A_811, %get3A_812] {strides = array<i32>} : memref<320x128xf32, #tpu.memory_space<vmem>>, vector<16xf32>,
        %mul3A_814 = arith.mulf %get3A_438, %get3A_813 : vector<16xf32>
        %add3A_815 = arith.addf %add3A_810, %mul3A_814 : vector<16xf32>
        %neg3A_816 = arith.constant 0.000000e+00 : f32
        %neg3A_817 = vector.broadcast %neg3A_816 : f32 to vector<16xf32>
        %neg3A_818 = arith.subf %neg3A_817, %add3A_815 : vector<16xf32>
        %add3A_819 = arith.constant 192 : i32
        %add3A_820 = arith.addi %mul3A_461, %add3A_819 : i32
        %swap3A_821 = arith.index_cast %add3A_820 : i32 to index
        %swap3A_822 = tpu.vector_load %arg16[%swap3A_821] {strides = array<i32>} : memref<5376xf32, #tpu.memory_space<vmem>>, vector<16xf32>,
        tpu.vector_store %arg16[%swap3A_821], %neg3A_818 {strides = array<i32>} : memref<5376xf32, #tpu.memory_space<vmem>>, vector<16xf32>,
        %mul3A_823 = arith.constant 20 : i32
        %mul3A_824 = arith.muli %scan3A_427, %mul3A_823 : i32
        %add3A_825 = arith.constant 12 : i32
        %add3A_826 = arith.addi %mul3A_824, %add3A_825 : i32
        %get3A_827 = arith.index_cast %add3A_826 : i32 to index
        %get3A_828 = arith.constant 64 : index
        %get3A_829 = tpu.vector_load %arg12[%get3A_827, %get3A_828] {strides = array<i32>} : memref<320x128xf32, #tpu.memory_space<vmem>>, vector<16xf32>,
        %mul3A_830 = arith.mulf %get3A_429, %get3A_829 : vector<16xf32>
        %get3A_831 = arith.index_cast %add3A_826 : i32 to index
        %get3A_832 = arith.constant 80 : index
        %get3A_833 = tpu.vector_load %arg12[%get3A_831, %get3A_832] {strides = array<i32>} : memref<320x128xf32, #tpu.memory_space<vmem>>, vector<16xf32>,
        %mul3A_834 = arith.mulf %get3A_432, %get3A_833 : vector<16xf32>
        %add3A_835 = arith.addf %mul3A_830, %mul3A_834 : vector<16xf32>
        %get3A_836 = arith.index_cast %add3A_826 : i32 to index
        %get3A_837 = arith.constant 96 : index
        %get3A_838 = tpu.vector_load %arg12[%get3A_836, %get3A_837] {strides = array<i32>} : memref<320x128xf32, #tpu.memory_space<vmem>>, vector<16xf32>,
        %mul3A_839 = arith.mulf %get3A_435, %get3A_838 : vector<16xf32>
        %add3A_840 = arith.addf %add3A_835, %mul3A_839 : vector<16xf32>
        %get3A_841 = arith.index_cast %add3A_826 : i32 to index
        %get3A_842 = arith.constant 112 : index
        %get3A_843 = tpu.vector_load %arg12[%get3A_841, %get3A_842] {strides = array<i32>} : memref<320x128xf32, #tpu.memory_space<vmem>>, vector<16xf32>,
        %mul3A_844 = arith.mulf %get3A_438, %get3A_843 : vector<16xf32>
        %add3A_845 = arith.addf %add3A_840, %mul3A_844 : vector<16xf32>
        %neg3A_846 = arith.constant 0.000000e+00 : f32
        %neg3A_847 = vector.broadcast %neg3A_846 : f32 to vector<16xf32>
        %neg3A_848 = arith.subf %neg3A_847, %add3A_845 : vector<16xf32>
        %add3A_849 = arith.constant 208 : i32
        %add3A_850 = arith.addi %mul3A_461, %add3A_849 : i32
        %swap3A_851 = arith.index_cast %add3A_850 : i32 to index
        %swap3A_852 = tpu.vector_load %arg16[%swap3A_851] {strides = array<i32>} : memref<5376xf32, #tpu.memory_space<vmem>>, vector<16xf32>,
        tpu.vector_store %arg16[%swap3A_851], %neg3A_848 {strides = array<i32>} : memref<5376xf32, #tpu.memory_space<vmem>>, vector<16xf32>,
        %mul3A_853 = arith.constant 20 : i32
        %mul3A_854 = arith.muli %scan3A_427, %mul3A_853 : i32
        %add3A_855 = arith.constant 13 : i32
        %add3A_856 = arith.addi %mul3A_854, %add3A_855 : i32
        %get3A_857 = arith.index_cast %add3A_856 : i32 to index
        %get3A_858 = arith.constant 64 : index
        %get3A_859 = tpu.vector_load %arg12[%get3A_857, %get3A_858] {strides = array<i32>} : memref<320x128xf32, #tpu.memory_space<vmem>>, vector<16xf32>,
        %mul3A_860 = arith.mulf %get3A_429, %get3A_859 : vector<16xf32>
        %get3A_861 = arith.index_cast %add3A_856 : i32 to index
        %get3A_862 = arith.constant 80 : index
        %get3A_863 = tpu.vector_load %arg12[%get3A_861, %get3A_862] {strides = array<i32>} : memref<320x128xf32, #tpu.memory_space<vmem>>, vector<16xf32>,
        %mul3A_864 = arith.mulf %get3A_432, %get3A_863 : vector<16xf32>
        %add3A_865 = arith.addf %mul3A_860, %mul3A_864 : vector<16xf32>
        %get3A_866 = arith.index_cast %add3A_856 : i32 to index
        %get3A_867 = arith.constant 96 : index
        %get3A_868 = tpu.vector_load %arg12[%get3A_866, %get3A_867] {strides = array<i32>} : memref<320x128xf32, #tpu.memory_space<vmem>>, vector<16xf32>,
        %mul3A_869 = arith.mulf %get3A_435, %get3A_868 : vector<16xf32>
        %add3A_870 = arith.addf %add3A_865, %mul3A_869 : vector<16xf32>
        %get3A_871 = arith.index_cast %add3A_856 : i32 to index
        %get3A_872 = arith.constant 112 : index
        %get3A_873 = tpu.vector_load %arg12[%get3A_871, %get3A_872] {strides = array<i32>} : memref<320x128xf32, #tpu.memory_space<vmem>>, vector<16xf32>,
        %mul3A_874 = arith.mulf %get3A_438, %get3A_873 : vector<16xf32>
        %add3A_875 = arith.addf %add3A_870, %mul3A_874 : vector<16xf32>
        %neg3A_876 = arith.constant 0.000000e+00 : f32
        %neg3A_877 = vector.broadcast %neg3A_876 : f32 to vector<16xf32>
        %neg3A_878 = arith.subf %neg3A_877, %add3A_875 : vector<16xf32>
        %add3A_879 = arith.constant 224 : i32
        %add3A_880 = arith.addi %mul3A_461, %add3A_879 : i32
        %swap3A_881 = arith.index_cast %add3A_880 : i32 to index
        %swap3A_882 = tpu.vector_load %arg16[%swap3A_881] {strides = array<i32>} : memref<5376xf32, #tpu.memory_space<vmem>>, vector<16xf32>,
        tpu.vector_store %arg16[%swap3A_881], %neg3A_878 {strides = array<i32>} : memref<5376xf32, #tpu.memory_space<vmem>>, vector<16xf32>,
        %mul3A_883 = arith.constant 20 : i32
        %mul3A_884 = arith.muli %scan3A_427, %mul3A_883 : i32
        %add3A_885 = arith.constant 14 : i32
        %add3A_886 = arith.addi %mul3A_884, %add3A_885 : i32
        %get3A_887 = arith.index_cast %add3A_886 : i32 to index
        %get3A_888 = arith.constant 64 : index
        %get3A_889 = tpu.vector_load %arg12[%get3A_887, %get3A_888] {strides = array<i32>} : memref<320x128xf32, #tpu.memory_space<vmem>>, vector<16xf32>,
        %mul3A_890 = arith.mulf %get3A_429, %get3A_889 : vector<16xf32>
        %get3A_891 = arith.index_cast %add3A_886 : i32 to index
        %get3A_892 = arith.constant 80 : index
        %get3A_893 = tpu.vector_load %arg12[%get3A_891, %get3A_892] {strides = array<i32>} : memref<320x128xf32, #tpu.memory_space<vmem>>, vector<16xf32>,
        %mul3A_894 = arith.mulf %get3A_432, %get3A_893 : vector<16xf32>
        %add3A_895 = arith.addf %mul3A_890, %mul3A_894 : vector<16xf32>
        %get3A_896 = arith.index_cast %add3A_886 : i32 to index
        %get3A_897 = arith.constant 96 : index
        %get3A_898 = tpu.vector_load %arg12[%get3A_896, %get3A_897] {strides = array<i32>} : memref<320x128xf32, #tpu.memory_space<vmem>>, vector<16xf32>,
        %mul3A_899 = arith.mulf %get3A_435, %get3A_898 : vector<16xf32>
        %add3A_900 = arith.addf %add3A_895, %mul3A_899 : vector<16xf32>
        %get3A_901 = arith.index_cast %add3A_886 : i32 to index
        %get3A_902 = arith.constant 112 : index
        %get3A_903 = tpu.vector_load %arg12[%get3A_901, %get3A_902] {strides = array<i32>} : memref<320x128xf32, #tpu.memory_space<vmem>>, vector<16xf32>,
        %mul3A_904 = arith.mulf %get3A_438, %get3A_903 : vector<16xf32>
        %add3A_905 = arith.addf %add3A_900, %mul3A_904 : vector<16xf32>
        %neg3A_906 = arith.constant 0.000000e+00 : f32
        %neg3A_907 = vector.broadcast %neg3A_906 : f32 to vector<16xf32>
        %neg3A_908 = arith.subf %neg3A_907, %add3A_905 : vector<16xf32>
        %add3A_909 = arith.constant 240 : i32
        %add3A_910 = arith.addi %mul3A_461, %add3A_909 : i32
        %swap3A_911 = arith.index_cast %add3A_910 : i32 to index
        %swap3A_912 = tpu.vector_load %arg16[%swap3A_911] {strides = array<i32>} : memref<5376xf32, #tpu.memory_space<vmem>>, vector<16xf32>,
        tpu.vector_store %arg16[%swap3A_911], %neg3A_908 {strides = array<i32>} : memref<5376xf32, #tpu.memory_space<vmem>>, vector<16xf32>,
        %mul3A_913 = arith.constant 20 : i32
        %mul3A_914 = arith.muli %scan3A_427, %mul3A_913 : i32
        %add3A_915 = arith.constant 15 : i32
        %add3A_916 = arith.addi %mul3A_914, %add3A_915 : i32
        %get3A_917 = arith.index_cast %add3A_916 : i32 to index
        %get3A_918 = arith.constant 64 : index
        %get3A_919 = tpu.vector_load %arg12[%get3A_917, %get3A_918] {strides = array<i32>} : memref<320x128xf32, #tpu.memory_space<vmem>>, vector<16xf32>,
        %mul3A_920 = arith.mulf %get3A_429, %get3A_919 : vector<16xf32>
        %get3A_921 = arith.index_cast %add3A_916 : i32 to index
        %get3A_922 = arith.constant 80 : index
        %get3A_923 = tpu.vector_load %arg12[%get3A_921, %get3A_922] {strides = array<i32>} : memref<320x128xf32, #tpu.memory_space<vmem>>, vector<16xf32>,
        %mul3A_924 = arith.mulf %get3A_432, %get3A_923 : vector<16xf32>
        %add3A_925 = arith.addf %mul3A_920, %mul3A_924 : vector<16xf32>
        %get3A_926 = arith.index_cast %add3A_916 : i32 to index
        %get3A_927 = arith.constant 96 : index
        %get3A_928 = tpu.vector_load %arg12[%get3A_926, %get3A_927] {strides = array<i32>} : memref<320x128xf32, #tpu.memory_space<vmem>>, vector<16xf32>,
        %mul3A_929 = arith.mulf %get3A_435, %get3A_928 : vector<16xf32>
        %add3A_930 = arith.addf %add3A_925, %mul3A_929 : vector<16xf32>
        %get3A_931 = arith.index_cast %add3A_916 : i32 to index
        %get3A_932 = arith.constant 112 : index
        %get3A_933 = tpu.vector_load %arg12[%get3A_931, %get3A_932] {strides = array<i32>} : memref<320x128xf32, #tpu.memory_space<vmem>>, vector<16xf32>,
        %mul3A_934 = arith.mulf %get3A_438, %get3A_933 : vector<16xf32>
        %add3A_935 = arith.addf %add3A_930, %mul3A_934 : vector<16xf32>
        %neg3A_936 = arith.constant 0.000000e+00 : f32
        %neg3A_937 = vector.broadcast %neg3A_936 : f32 to vector<16xf32>
        %neg3A_938 = arith.subf %neg3A_937, %add3A_935 : vector<16xf32>
        %add3A_939 = arith.constant 256 : i32
        %add3A_940 = arith.addi %mul3A_461, %add3A_939 : i32
        %swap3A_941 = arith.index_cast %add3A_940 : i32 to index
        %swap3A_942 = tpu.vector_load %arg16[%swap3A_941] {strides = array<i32>} : memref<5376xf32, #tpu.memory_space<vmem>>, vector<16xf32>,
        tpu.vector_store %arg16[%swap3A_941], %neg3A_938 {strides = array<i32>} : memref<5376xf32, #tpu.memory_space<vmem>>, vector<16xf32>,
        %mul3A_943 = arith.constant 20 : i32
        %mul3A_944 = arith.muli %scan3A_427, %mul3A_943 : i32
        %add3A_945 = arith.constant 16 : i32
        %add3A_946 = arith.addi %mul3A_944, %add3A_945 : i32
        %get3A_947 = arith.index_cast %add3A_946 : i32 to index
        %get3A_948 = arith.constant 64 : index
        %get3A_949 = tpu.vector_load %arg12[%get3A_947, %get3A_948] {strides = array<i32>} : memref<320x128xf32, #tpu.memory_space<vmem>>, vector<16xf32>,
        %mul3A_950 = arith.mulf %get3A_429, %get3A_949 : vector<16xf32>
        %get3A_951 = arith.index_cast %add3A_946 : i32 to index
        %get3A_952 = arith.constant 80 : index
        %get3A_953 = tpu.vector_load %arg12[%get3A_951, %get3A_952] {strides = array<i32>} : memref<320x128xf32, #tpu.memory_space<vmem>>, vector<16xf32>,
        %mul3A_954 = arith.mulf %get3A_432, %get3A_953 : vector<16xf32>
        %add3A_955 = arith.addf %mul3A_950, %mul3A_954 : vector<16xf32>
        %get3A_956 = arith.index_cast %add3A_946 : i32 to index
        %get3A_957 = arith.constant 96 : index
        %get3A_958 = tpu.vector_load %arg12[%get3A_956, %get3A_957] {strides = array<i32>} : memref<320x128xf32, #tpu.memory_space<vmem>>, vector<16xf32>,
        %mul3A_959 = arith.mulf %get3A_435, %get3A_958 : vector<16xf32>
        %add3A_960 = arith.addf %add3A_955, %mul3A_959 : vector<16xf32>
        %get3A_961 = arith.index_cast %add3A_946 : i32 to index
        %get3A_962 = arith.constant 112 : index
        %get3A_963 = tpu.vector_load %arg12[%get3A_961, %get3A_962] {strides = array<i32>} : memref<320x128xf32, #tpu.memory_space<vmem>>, vector<16xf32>,
        %mul3A_964 = arith.mulf %get3A_438, %get3A_963 : vector<16xf32>
        %add3A_965 = arith.addf %add3A_960, %mul3A_964 : vector<16xf32>
        %neg3A_966 = arith.constant 0.000000e+00 : f32
        %neg3A_967 = vector.broadcast %neg3A_966 : f32 to vector<16xf32>
        %neg3A_968 = arith.subf %neg3A_967, %add3A_965 : vector<16xf32>
        %add3A_969 = arith.constant 272 : i32
        %add3A_970 = arith.addi %mul3A_461, %add3A_969 : i32
        %swap3A_971 = arith.index_cast %add3A_970 : i32 to index
        %swap3A_972 = tpu.vector_load %arg16[%swap3A_971] {strides = array<i32>} : memref<5376xf32, #tpu.memory_space<vmem>>, vector<16xf32>,
        tpu.vector_store %arg16[%swap3A_971], %neg3A_968 {strides = array<i32>} : memref<5376xf32, #tpu.memory_space<vmem>>, vector<16xf32>,
        %mul3A_973 = arith.constant 20 : i32
        %mul3A_974 = arith.muli %scan3A_427, %mul3A_973 : i32
        %add3A_975 = arith.constant 17 : i32
        %add3A_976 = arith.addi %mul3A_974, %add3A_975 : i32
        %get3A_977 = arith.index_cast %add3A_976 : i32 to index
        %get3A_978 = arith.constant 64 : index
        %get3A_979 = tpu.vector_load %arg12[%get3A_977, %get3A_978] {strides = array<i32>} : memref<320x128xf32, #tpu.memory_space<vmem>>, vector<16xf32>,
        %mul3A_980 = arith.mulf %get3A_429, %get3A_979 : vector<16xf32>
        %get3A_981 = arith.index_cast %add3A_976 : i32 to index
        %get3A_982 = arith.constant 80 : index
        %get3A_983 = tpu.vector_load %arg12[%get3A_981, %get3A_982] {strides = array<i32>} : memref<320x128xf32, #tpu.memory_space<vmem>>, vector<16xf32>,
        %mul3A_984 = arith.mulf %get3A_432, %get3A_983 : vector<16xf32>
        %add3A_985 = arith.addf %mul3A_980, %mul3A_984 : vector<16xf32>
        %get3A_986 = arith.index_cast %add3A_976 : i32 to index
        %get3A_987 = arith.constant 96 : index
        %get3A_988 = tpu.vector_load %arg12[%get3A_986, %get3A_987] {strides = array<i32>} : memref<320x128xf32, #tpu.memory_space<vmem>>, vector<16xf32>,
        %mul3A_989 = arith.mulf %get3A_435, %get3A_988 : vector<16xf32>
        %add3A_990 = arith.addf %add3A_985, %mul3A_989 : vector<16xf32>
        %get3A_991 = arith.index_cast %add3A_976 : i32 to index
        %get3A_992 = arith.constant 112 : index
        %get3A_993 = tpu.vector_load %arg12[%get3A_991, %get3A_992] {strides = array<i32>} : memref<320x128xf32, #tpu.memory_space<vmem>>, vector<16xf32>,
        %mul3A_994 = arith.mulf %get3A_438, %get3A_993 : vector<16xf32>
        %add3A_995 = arith.addf %add3A_990, %mul3A_994 : vector<16xf32>
        %neg3A_996 = arith.constant 0.000000e+00 : f32
        %neg3A_997 = vector.broadcast %neg3A_996 : f32 to vector<16xf32>
        %neg3A_998 = arith.subf %neg3A_997, %add3A_995 : vector<16xf32>
        %add3A_999 = arith.constant 288 : i32
        %add3A_1000 = arith.addi %mul3A_461, %add3A_999 : i32
        %swap3A_1001 = arith.index_cast %add3A_1000 : i32 to index
        %swap3A_1002 = tpu.vector_load %arg16[%swap3A_1001] {strides = array<i32>} : memref<5376xf32, #tpu.memory_space<vmem>>, vector<16xf32>,
        tpu.vector_store %arg16[%swap3A_1001], %neg3A_998 {strides = array<i32>} : memref<5376xf32, #tpu.memory_space<vmem>>, vector<16xf32>,
        %mul3A_1003 = arith.constant 20 : i32
        %mul3A_1004 = arith.muli %scan3A_427, %mul3A_1003 : i32
        %add3A_1005 = arith.constant 18 : i32
        %add3A_1006 = arith.addi %mul3A_1004, %add3A_1005 : i32
        %get3A_1007 = arith.index_cast %add3A_1006 : i32 to index
        %get3A_1008 = arith.constant 64 : index
        %get3A_1009 = tpu.vector_load %arg12[%get3A_1007, %get3A_1008] {strides = array<i32>} : memref<320x128xf32, #tpu.memory_space<vmem>>, vector<16xf32>,
        %mul3A_1010 = arith.mulf %get3A_429, %get3A_1009 : vector<16xf32>
        %get3A_1011 = arith.index_cast %add3A_1006 : i32 to index
        %get3A_1012 = arith.constant 80 : index
        %get3A_1013 = tpu.vector_load %arg12[%get3A_1011, %get3A_1012] {strides = array<i32>} : memref<320x128xf32, #tpu.memory_space<vmem>>, vector<16xf32>,
        %mul3A_1014 = arith.mulf %get3A_432, %get3A_1013 : vector<16xf32>
        %add3A_1015 = arith.addf %mul3A_1010, %mul3A_1014 : vector<16xf32>
        %get3A_1016 = arith.index_cast %add3A_1006 : i32 to index
        %get3A_1017 = arith.constant 96 : index
        %get3A_1018 = tpu.vector_load %arg12[%get3A_1016, %get3A_1017] {strides = array<i32>} : memref<320x128xf32, #tpu.memory_space<vmem>>, vector<16xf32>,
        %mul3A_1019 = arith.mulf %get3A_435, %get3A_1018 : vector<16xf32>
        %add3A_1020 = arith.addf %add3A_1015, %mul3A_1019 : vector<16xf32>
        %get3A_1021 = arith.index_cast %add3A_1006 : i32 to index
        %get3A_1022 = arith.constant 112 : index
        %get3A_1023 = tpu.vector_load %arg12[%get3A_1021, %get3A_1022] {strides = array<i32>} : memref<320x128xf32, #tpu.memory_space<vmem>>, vector<16xf32>,
        %mul3A_1024 = arith.mulf %get3A_438, %get3A_1023 : vector<16xf32>
        %add3A_1025 = arith.addf %add3A_1020, %mul3A_1024 : vector<16xf32>
        %neg3A_1026 = arith.constant 0.000000e+00 : f32
        %neg3A_1027 = vector.broadcast %neg3A_1026 : f32 to vector<16xf32>
        %neg3A_1028 = arith.subf %neg3A_1027, %add3A_1025 : vector<16xf32>
        %add3A_1029 = arith.constant 304 : i32
        %add3A_1030 = arith.addi %mul3A_461, %add3A_1029 : i32
        %swap3A_1031 = arith.index_cast %add3A_1030 : i32 to index
        %swap3A_1032 = tpu.vector_load %arg16[%swap3A_1031] {strides = array<i32>} : memref<5376xf32, #tpu.memory_space<vmem>>, vector<16xf32>,
        tpu.vector_store %arg16[%swap3A_1031], %neg3A_1028 {strides = array<i32>} : memref<5376xf32, #tpu.memory_space<vmem>>, vector<16xf32>,
        %mul3A_1033 = arith.constant 20 : i32
        %mul3A_1034 = arith.muli %scan3A_427, %mul3A_1033 : i32
        %add3A_1035 = arith.constant 19 : i32
        %add3A_1036 = arith.addi %mul3A_1034, %add3A_1035 : i32
        %get3A_1037 = arith.index_cast %add3A_1036 : i32 to index
        %get3A_1038 = arith.constant 64 : index
        %get3A_1039 = tpu.vector_load %arg12[%get3A_1037, %get3A_1038] {strides = array<i32>} : memref<320x128xf32, #tpu.memory_space<vmem>>, vector<16xf32>,
        %mul3A_1040 = arith.mulf %get3A_429, %get3A_1039 : vector<16xf32>
        %get3A_1041 = arith.index_cast %add3A_1036 : i32 to index
        %get3A_1042 = arith.constant 80 : index
        %get3A_1043 = tpu.vector_load %arg12[%get3A_1041, %get3A_1042] {strides = array<i32>} : memref<320x128xf32, #tpu.memory_space<vmem>>, vector<16xf32>,
        %mul3A_1044 = arith.mulf %get3A_432, %get3A_1043 : vector<16xf32>
        %add3A_1045 = arith.addf %mul3A_1040, %mul3A_1044 : vector<16xf32>
        %get3A_1046 = arith.index_cast %add3A_1036 : i32 to index
        %get3A_1047 = arith.constant 96 : index
        %get3A_1048 = tpu.vector_load %arg12[%get3A_1046, %get3A_1047] {strides = array<i32>} : memref<320x128xf32, #tpu.memory_space<vmem>>, vector<16xf32>,
        %mul3A_1049 = arith.mulf %get3A_435, %get3A_1048 : vector<16xf32>
        %add3A_1050 = arith.addf %add3A_1045, %mul3A_1049 : vector<16xf32>
        %get3A_1051 = arith.index_cast %add3A_1036 : i32 to index
        %get3A_1052 = arith.constant 112 : index
        %get3A_1053 = tpu.vector_load %arg12[%get3A_1051, %get3A_1052] {strides = array<i32>} : memref<320x128xf32, #tpu.memory_space<vmem>>, vector<16xf32>,
        %mul3A_1054 = arith.mulf %get3A_438, %get3A_1053 : vector<16xf32>
        %add3A_1055 = arith.addf %add3A_1050, %mul3A_1054 : vector<16xf32>
        %neg3A_1056 = arith.constant 0.000000e+00 : f32
        %neg3A_1057 = vector.broadcast %neg3A_1056 : f32 to vector<16xf32>
        %neg3A_1058 = arith.subf %neg3A_1057, %add3A_1055 : vector<16xf32>
        %add3A_1059 = arith.constant 320 : i32
        %add3A_1060 = arith.addi %mul3A_461, %add3A_1059 : i32
        %swap3A_1061 = arith.index_cast %add3A_1060 : i32 to index
        %swap3A_1062 = tpu.vector_load %arg16[%swap3A_1061] {strides = array<i32>} : memref<5376xf32, #tpu.memory_space<vmem>>, vector<16xf32>,
        tpu.vector_store %arg16[%swap3A_1061], %neg3A_1058 {strides = array<i32>} : memref<5376xf32, #tpu.memory_space<vmem>>, vector<16xf32>,
        %scan3A_1063 = arith.constant 1 : i32
        %scan3A_1064 = arith.addi %scan3A_427, %scan3A_1063 : i32
        %get3A_1065 = arith.index_cast %scan3A_1064 : i32 to index
        %get3A_1066 = arith.constant 0 : index
        %get3A_1067 = tpu.vector_load %arg10[%get3A_1065, %get3A_1066] {strides = array<i32>} : memref<16x128xf32, #tpu.memory_space<vmem>>, vector<16xf32>,
        %get3A_1068 = arith.index_cast %scan3A_1064 : i32 to index
        %get3A_1069 = arith.constant 16 : index
        %get3A_1070 = tpu.vector_load %arg10[%get3A_1068, %get3A_1069] {strides = array<i32>} : memref<16x128xf32, #tpu.memory_space<vmem>>, vector<16xf32>,
        %get3A_1071 = arith.index_cast %scan3A_1064 : i32 to index
        %get3A_1072 = arith.constant 32 : index
        %get3A_1073 = tpu.vector_load %arg10[%get3A_1071, %get3A_1072] {strides = array<i32>} : memref<16x128xf32, #tpu.memory_space<vmem>>, vector<16xf32>,
        %get3A_1074 = arith.index_cast %scan3A_1064 : i32 to index
        %get3A_1075 = arith.constant 48 : index
        %get3A_1076 = tpu.vector_load %arg10[%get3A_1074, %get3A_1075] {strides = array<i32>} : memref<16x128xf32, #tpu.memory_space<vmem>>, vector<16xf32>,
        %get3A_1077 = arith.index_cast %scan3A_1064 : i32 to index
        %get3A_1078 = arith.constant 64 : index
        %get3A_1079 = tpu.vector_load %arg11[%get3A_1077, %get3A_1078] {strides = array<i32>} : memref<16x128xf32, #tpu.memory_space<vmem>>, vector<16xf32>,
        %mul3A_1080 = arith.mulf %get3A_1067, %get3A_1079 : vector<16xf32>
        %get3A_1081 = arith.index_cast %scan3A_1064 : i32 to index
        %get3A_1082 = arith.constant 80 : index
        %get3A_1083 = tpu.vector_load %arg11[%get3A_1081, %get3A_1082] {strides = array<i32>} : memref<16x128xf32, #tpu.memory_space<vmem>>, vector<16xf32>,
        %mul3A_1084 = arith.mulf %get3A_1070, %get3A_1083 : vector<16xf32>
        %add3A_1085 = arith.addf %mul3A_1080, %mul3A_1084 : vector<16xf32>
        %get3A_1086 = arith.index_cast %scan3A_1064 : i32 to index
        %get3A_1087 = arith.constant 96 : index
        %get3A_1088 = tpu.vector_load %arg11[%get3A_1086, %get3A_1087] {strides = array<i32>} : memref<16x128xf32, #tpu.memory_space<vmem>>, vector<16xf32>,
        %mul3A_1089 = arith.mulf %get3A_1073, %get3A_1088 : vector<16xf32>
        %add3A_1090 = arith.addf %add3A_1085, %mul3A_1089 : vector<16xf32>
        %get3A_1091 = arith.index_cast %scan3A_1064 : i32 to index
        %get3A_1092 = arith.constant 112 : index
        %get3A_1093 = tpu.vector_load %arg11[%get3A_1091, %get3A_1092] {strides = array<i32>} : memref<16x128xf32, #tpu.memory_space<vmem>>, vector<16xf32>,
        %mul3A_1094 = arith.mulf %get3A_1076, %get3A_1093 : vector<16xf32>
        %add3A_1095 = arith.addf %add3A_1090, %mul3A_1094 : vector<16xf32>
        %mul3A_1096 = arith.constant 21 : i32
        %mul3A_1097 = arith.muli %scan3A_1064, %mul3A_1096 : i32
        %mul3A_1098 = arith.constant 16 : i32
        %mul3A_1099 = arith.muli %mul3A_1097, %mul3A_1098 : i32
        %swap3A_1100 = arith.index_cast %mul3A_1099 : i32 to index
        %swap3A_1101 = tpu.vector_load %arg16[%swap3A_1100] {strides = array<i32>} : memref<5376xf32, #tpu.memory_space<vmem>>, vector<16xf32>,
        tpu.vector_store %arg16[%swap3A_1100], %add3A_1095 {strides = array<i32>} : memref<5376xf32, #tpu.memory_space<vmem>>, vector<16xf32>,
        %mul3A_1102 = arith.constant 20 : i32
        %mul3A_1103 = arith.muli %scan3A_1064, %mul3A_1102 : i32
        %add3A_1104 = arith.constant 0 : i32
        %add3A_1105 = arith.addi %mul3A_1103, %add3A_1104 : i32
        %get3A_1106 = arith.index_cast %add3A_1105 : i32 to index
        %get3A_1107 = arith.constant 64 : index
        %get3A_1108 = tpu.vector_load %arg12[%get3A_1106, %get3A_1107] {strides = array<i32>} : memref<320x128xf32, #tpu.memory_space<vmem>>, vector<16xf32>,
        %mul3A_1109 = arith.mulf %get3A_1067, %get3A_1108 : vector<16xf32>
        %get3A_1110 = arith.index_cast %add3A_1105 : i32 to index
        %get3A_1111 = arith.constant 80 : index
        %get3A_1112 = tpu.vector_load %arg12[%get3A_1110, %get3A_1111] {strides = array<i32>} : memref<320x128xf32, #tpu.memory_space<vmem>>, vector<16xf32>,
        %mul3A_1113 = arith.mulf %get3A_1070, %get3A_1112 : vector<16xf32>
        %add3A_1114 = arith.addf %mul3A_1109, %mul3A_1113 : vector<16xf32>
        %get3A_1115 = arith.index_cast %add3A_1105 : i32 to index
        %get3A_1116 = arith.constant 96 : index
        %get3A_1117 = tpu.vector_load %arg12[%get3A_1115, %get3A_1116] {strides = array<i32>} : memref<320x128xf32, #tpu.memory_space<vmem>>, vector<16xf32>,
        %mul3A_1118 = arith.mulf %get3A_1073, %get3A_1117 : vector<16xf32>
        %add3A_1119 = arith.addf %add3A_1114, %mul3A_1118 : vector<16xf32>
        %get3A_1120 = arith.index_cast %add3A_1105 : i32 to index
        %get3A_1121 = arith.constant 112 : index
        %get3A_1122 = tpu.vector_load %arg12[%get3A_1120, %get3A_1121] {strides = array<i32>} : memref<320x128xf32, #tpu.memory_space<vmem>>, vector<16xf32>,
        %mul3A_1123 = arith.mulf %get3A_1076, %get3A_1122 : vector<16xf32>
        %add3A_1124 = arith.addf %add3A_1119, %mul3A_1123 : vector<16xf32>
        %neg3A_1125 = arith.constant 0.000000e+00 : f32
        %neg3A_1126 = vector.broadcast %neg3A_1125 : f32 to vector<16xf32>
        %neg3A_1127 = arith.subf %neg3A_1126, %add3A_1124 : vector<16xf32>
        %add3A_1128 = arith.constant 16 : i32
        %add3A_1129 = arith.addi %mul3A_1099, %add3A_1128 : i32
        %swap3A_1130 = arith.index_cast %add3A_1129 : i32 to index
        %swap3A_1131 = tpu.vector_load %arg16[%swap3A_1130] {strides = array<i32>} : memref<5376xf32, #tpu.memory_space<vmem>>, vector<16xf32>,
        tpu.vector_store %arg16[%swap3A_1130], %neg3A_1127 {strides = array<i32>} : memref<5376xf32, #tpu.memory_space<vmem>>, vector<16xf32>,
        %mul3A_1132 = arith.constant 20 : i32
        %mul3A_1133 = arith.muli %scan3A_1064, %mul3A_1132 : i32
        %add3A_1134 = arith.constant 1 : i32
        %add3A_1135 = arith.addi %mul3A_1133, %add3A_1134 : i32
        %get3A_1136 = arith.index_cast %add3A_1135 : i32 to index
        %get3A_1137 = arith.constant 64 : index
        %get3A_1138 = tpu.vector_load %arg12[%get3A_1136, %get3A_1137] {strides = array<i32>} : memref<320x128xf32, #tpu.memory_space<vmem>>, vector<16xf32>,
        %mul3A_1139 = arith.mulf %get3A_1067, %get3A_1138 : vector<16xf32>
        %get3A_1140 = arith.index_cast %add3A_1135 : i32 to index
        %get3A_1141 = arith.constant 80 : index
        %get3A_1142 = tpu.vector_load %arg12[%get3A_1140, %get3A_1141] {strides = array<i32>} : memref<320x128xf32, #tpu.memory_space<vmem>>, vector<16xf32>,
        %mul3A_1143 = arith.mulf %get3A_1070, %get3A_1142 : vector<16xf32>
        %add3A_1144 = arith.addf %mul3A_1139, %mul3A_1143 : vector<16xf32>
        %get3A_1145 = arith.index_cast %add3A_1135 : i32 to index
        %get3A_1146 = arith.constant 96 : index
        %get3A_1147 = tpu.vector_load %arg12[%get3A_1145, %get3A_1146] {strides = array<i32>} : memref<320x128xf32, #tpu.memory_space<vmem>>, vector<16xf32>,
        %mul3A_1148 = arith.mulf %get3A_1073, %get3A_1147 : vector<16xf32>
        %add3A_1149 = arith.addf %add3A_1144, %mul3A_1148 : vector<16xf32>
        %get3A_1150 = arith.index_cast %add3A_1135 : i32 to index
        %get3A_1151 = arith.constant 112 : index
        %get3A_1152 = tpu.vector_load %arg12[%get3A_1150, %get3A_1151] {strides = array<i32>} : memref<320x128xf32, #tpu.memory_space<vmem>>, vector<16xf32>,
        %mul3A_1153 = arith.mulf %get3A_1076, %get3A_1152 : vector<16xf32>
        %add3A_1154 = arith.addf %add3A_1149, %mul3A_1153 : vector<16xf32>
        %neg3A_1155 = arith.constant 0.000000e+00 : f32
        %neg3A_1156 = vector.broadcast %neg3A_1155 : f32 to vector<16xf32>
        %neg3A_1157 = arith.subf %neg3A_1156, %add3A_1154 : vector<16xf32>
        %add3A_1158 = arith.constant 32 : i32
        %add3A_1159 = arith.addi %mul3A_1099, %add3A_1158 : i32
        %swap3A_1160 = arith.index_cast %add3A_1159 : i32 to index
        %swap3A_1161 = tpu.vector_load %arg16[%swap3A_1160] {strides = array<i32>} : memref<5376xf32, #tpu.memory_space<vmem>>, vector<16xf32>,
        tpu.vector_store %arg16[%swap3A_1160], %neg3A_1157 {strides = array<i32>} : memref<5376xf32, #tpu.memory_space<vmem>>, vector<16xf32>,
        %mul3A_1162 = arith.constant 20 : i32
        %mul3A_1163 = arith.muli %scan3A_1064, %mul3A_1162 : i32
        %add3A_1164 = arith.constant 2 : i32
        %add3A_1165 = arith.addi %mul3A_1163, %add3A_1164 : i32
        %get3A_1166 = arith.index_cast %add3A_1165 : i32 to index
        %get3A_1167 = arith.constant 64 : index
        %get3A_1168 = tpu.vector_load %arg12[%get3A_1166, %get3A_1167] {strides = array<i32>} : memref<320x128xf32, #tpu.memory_space<vmem>>, vector<16xf32>,
        %mul3A_1169 = arith.mulf %get3A_1067, %get3A_1168 : vector<16xf32>
        %get3A_1170 = arith.index_cast %add3A_1165 : i32 to index
        %get3A_1171 = arith.constant 80 : index
        %get3A_1172 = tpu.vector_load %arg12[%get3A_1170, %get3A_1171] {strides = array<i32>} : memref<320x128xf32, #tpu.memory_space<vmem>>, vector<16xf32>,
        %mul3A_1173 = arith.mulf %get3A_1070, %get3A_1172 : vector<16xf32>
        %add3A_1174 = arith.addf %mul3A_1169, %mul3A_1173 : vector<16xf32>
        %get3A_1175 = arith.index_cast %add3A_1165 : i32 to index
        %get3A_1176 = arith.constant 96 : index
        %get3A_1177 = tpu.vector_load %arg12[%get3A_1175, %get3A_1176] {strides = array<i32>} : memref<320x128xf32, #tpu.memory_space<vmem>>, vector<16xf32>,
        %mul3A_1178 = arith.mulf %get3A_1073, %get3A_1177 : vector<16xf32>
        %add3A_1179 = arith.addf %add3A_1174, %mul3A_1178 : vector<16xf32>
        %get3A_1180 = arith.index_cast %add3A_1165 : i32 to index
        %get3A_1181 = arith.constant 112 : index
        %get3A_1182 = tpu.vector_load %arg12[%get3A_1180, %get3A_1181] {strides = array<i32>} : memref<320x128xf32, #tpu.memory_space<vmem>>, vector<16xf32>,
        %mul3A_1183 = arith.mulf %get3A_1076, %get3A_1182 : vector<16xf32>
        %add3A_1184 = arith.addf %add3A_1179, %mul3A_1183 : vector<16xf32>
        %neg3A_1185 = arith.constant 0.000000e+00 : f32
        %neg3A_1186 = vector.broadcast %neg3A_1185 : f32 to vector<16xf32>
        %neg3A_1187 = arith.subf %neg3A_1186, %add3A_1184 : vector<16xf32>
        %add3A_1188 = arith.constant 48 : i32
        %add3A_1189 = arith.addi %mul3A_1099, %add3A_1188 : i32
        %swap3A_1190 = arith.index_cast %add3A_1189 : i32 to index
        %swap3A_1191 = tpu.vector_load %arg16[%swap3A_1190] {strides = array<i32>} : memref<5376xf32, #tpu.memory_space<vmem>>, vector<16xf32>,
        tpu.vector_store %arg16[%swap3A_1190], %neg3A_1187 {strides = array<i32>} : memref<5376xf32, #tpu.memory_space<vmem>>, vector<16xf32>,
        %mul3A_1192 = arith.constant 20 : i32
        %mul3A_1193 = arith.muli %scan3A_1064, %mul3A_1192 : i32
        %add3A_1194 = arith.constant 3 : i32
        %add3A_1195 = arith.addi %mul3A_1193, %add3A_1194 : i32
        %get3A_1196 = arith.index_cast %add3A_1195 : i32 to index
        %get3A_1197 = arith.constant 64 : index
        %get3A_1198 = tpu.vector_load %arg12[%get3A_1196, %get3A_1197] {strides = array<i32>} : memref<320x128xf32, #tpu.memory_space<vmem>>, vector<16xf32>,
        %mul3A_1199 = arith.mulf %get3A_1067, %get3A_1198 : vector<16xf32>
        %get3A_1200 = arith.index_cast %add3A_1195 : i32 to index
        %get3A_1201 = arith.constant 80 : index
        %get3A_1202 = tpu.vector_load %arg12[%get3A_1200, %get3A_1201] {strides = array<i32>} : memref<320x128xf32, #tpu.memory_space<vmem>>, vector<16xf32>,
        %mul3A_1203 = arith.mulf %get3A_1070, %get3A_1202 : vector<16xf32>
        %add3A_1204 = arith.addf %mul3A_1199, %mul3A_1203 : vector<16xf32>
        %get3A_1205 = arith.index_cast %add3A_1195 : i32 to index
        %get3A_1206 = arith.constant 96 : index
        %get3A_1207 = tpu.vector_load %arg12[%get3A_1205, %get3A_1206] {strides = array<i32>} : memref<320x128xf32, #tpu.memory_space<vmem>>, vector<16xf32>,
        %mul3A_1208 = arith.mulf %get3A_1073, %get3A_1207 : vector<16xf32>
        %add3A_1209 = arith.addf %add3A_1204, %mul3A_1208 : vector<16xf32>
        %get3A_1210 = arith.index_cast %add3A_1195 : i32 to index
        %get3A_1211 = arith.constant 112 : index
        %get3A_1212 = tpu.vector_load %arg12[%get3A_1210, %get3A_1211] {strides = array<i32>} : memref<320x128xf32, #tpu.memory_space<vmem>>, vector<16xf32>,
        %mul3A_1213 = arith.mulf %get3A_1076, %get3A_1212 : vector<16xf32>
        %add3A_1214 = arith.addf %add3A_1209, %mul3A_1213 : vector<16xf32>
        %neg3A_1215 = arith.constant 0.000000e+00 : f32
        %neg3A_1216 = vector.broadcast %neg3A_1215 : f32 to vector<16xf32>
        %neg3A_1217 = arith.subf %neg3A_1216, %add3A_1214 : vector<16xf32>
        %add3A_1218 = arith.constant 64 : i32
        %add3A_1219 = arith.addi %mul3A_1099, %add3A_1218 : i32
        %swap3A_1220 = arith.index_cast %add3A_1219 : i32 to index
        %swap3A_1221 = tpu.vector_load %arg16[%swap3A_1220] {strides = array<i32>} : memref<5376xf32, #tpu.memory_space<vmem>>, vector<16xf32>,
        tpu.vector_store %arg16[%swap3A_1220], %neg3A_1217 {strides = array<i32>} : memref<5376xf32, #tpu.memory_space<vmem>>, vector<16xf32>,
        %mul3A_1222 = arith.constant 20 : i32
        %mul3A_1223 = arith.muli %scan3A_1064, %mul3A_1222 : i32
        %add3A_1224 = arith.constant 4 : i32
        %add3A_1225 = arith.addi %mul3A_1223, %add3A_1224 : i32
        %get3A_1226 = arith.index_cast %add3A_1225 : i32 to index
        %get3A_1227 = arith.constant 64 : index
        %get3A_1228 = tpu.vector_load %arg12[%get3A_1226, %get3A_1227] {strides = array<i32>} : memref<320x128xf32, #tpu.memory_space<vmem>>, vector<16xf32>,
        %mul3A_1229 = arith.mulf %get3A_1067, %get3A_1228 : vector<16xf32>
        %get3A_1230 = arith.index_cast %add3A_1225 : i32 to index
        %get3A_1231 = arith.constant 80 : index
        %get3A_1232 = tpu.vector_load %arg12[%get3A_1230, %get3A_1231] {strides = array<i32>} : memref<320x128xf32, #tpu.memory_space<vmem>>, vector<16xf32>,
        %mul3A_1233 = arith.mulf %get3A_1070, %get3A_1232 : vector<16xf32>
        %add3A_1234 = arith.addf %mul3A_1229, %mul3A_1233 : vector<16xf32>
        %get3A_1235 = arith.index_cast %add3A_1225 : i32 to index
        %get3A_1236 = arith.constant 96 : index
        %get3A_1237 = tpu.vector_load %arg12[%get3A_1235, %get3A_1236] {strides = array<i32>} : memref<320x128xf32, #tpu.memory_space<vmem>>, vector<16xf32>,
        %mul3A_1238 = arith.mulf %get3A_1073, %get3A_1237 : vector<16xf32>
        %add3A_1239 = arith.addf %add3A_1234, %mul3A_1238 : vector<16xf32>
        %get3A_1240 = arith.index_cast %add3A_1225 : i32 to index
        %get3A_1241 = arith.constant 112 : index
        %get3A_1242 = tpu.vector_load %arg12[%get3A_1240, %get3A_1241] {strides = array<i32>} : memref<320x128xf32, #tpu.memory_space<vmem>>, vector<16xf32>,
        %mul3A_1243 = arith.mulf %get3A_1076, %get3A_1242 : vector<16xf32>
        %add3A_1244 = arith.addf %add3A_1239, %mul3A_1243 : vector<16xf32>
        %neg3A_1245 = arith.constant 0.000000e+00 : f32
        %neg3A_1246 = vector.broadcast %neg3A_1245 : f32 to vector<16xf32>
        %neg3A_1247 = arith.subf %neg3A_1246, %add3A_1244 : vector<16xf32>
        %add3A_1248 = arith.constant 80 : i32
        %add3A_1249 = arith.addi %mul3A_1099, %add3A_1248 : i32
        %swap3A_1250 = arith.index_cast %add3A_1249 : i32 to index
        %swap3A_1251 = tpu.vector_load %arg16[%swap3A_1250] {strides = array<i32>} : memref<5376xf32, #tpu.memory_space<vmem>>, vector<16xf32>,
        tpu.vector_store %arg16[%swap3A_1250], %neg3A_1247 {strides = array<i32>} : memref<5376xf32, #tpu.memory_space<vmem>>, vector<16xf32>,
        %mul3A_1252 = arith.constant 20 : i32
        %mul3A_1253 = arith.muli %scan3A_1064, %mul3A_1252 : i32
        %add3A_1254 = arith.constant 5 : i32
        %add3A_1255 = arith.addi %mul3A_1253, %add3A_1254 : i32
        %get3A_1256 = arith.index_cast %add3A_1255 : i32 to index
        %get3A_1257 = arith.constant 64 : index
        %get3A_1258 = tpu.vector_load %arg12[%get3A_1256, %get3A_1257] {strides = array<i32>} : memref<320x128xf32, #tpu.memory_space<vmem>>, vector<16xf32>,
        %mul3A_1259 = arith.mulf %get3A_1067, %get3A_1258 : vector<16xf32>
        %get3A_1260 = arith.index_cast %add3A_1255 : i32 to index
        %get3A_1261 = arith.constant 80 : index
        %get3A_1262 = tpu.vector_load %arg12[%get3A_1260, %get3A_1261] {strides = array<i32>} : memref<320x128xf32, #tpu.memory_space<vmem>>, vector<16xf32>,
        %mul3A_1263 = arith.mulf %get3A_1070, %get3A_1262 : vector<16xf32>
        %add3A_1264 = arith.addf %mul3A_1259, %mul3A_1263 : vector<16xf32>
        %get3A_1265 = arith.index_cast %add3A_1255 : i32 to index
        %get3A_1266 = arith.constant 96 : index
        %get3A_1267 = tpu.vector_load %arg12[%get3A_1265, %get3A_1266] {strides = array<i32>} : memref<320x128xf32, #tpu.memory_space<vmem>>, vector<16xf32>,
        %mul3A_1268 = arith.mulf %get3A_1073, %get3A_1267 : vector<16xf32>
        %add3A_1269 = arith.addf %add3A_1264, %mul3A_1268 : vector<16xf32>
        %get3A_1270 = arith.index_cast %add3A_1255 : i32 to index
        %get3A_1271 = arith.constant 112 : index
        %get3A_1272 = tpu.vector_load %arg12[%get3A_1270, %get3A_1271] {strides = array<i32>} : memref<320x128xf32, #tpu.memory_space<vmem>>, vector<16xf32>,
        %mul3A_1273 = arith.mulf %get3A_1076, %get3A_1272 : vector<16xf32>
        %add3A_1274 = arith.addf %add3A_1269, %mul3A_1273 : vector<16xf32>
        %neg3A_1275 = arith.constant 0.000000e+00 : f32
        %neg3A_1276 = vector.broadcast %neg3A_1275 : f32 to vector<16xf32>
        %neg3A_1277 = arith.subf %neg3A_1276, %add3A_1274 : vector<16xf32>
        %add3A_1278 = arith.constant 96 : i32
        %add3A_1279 = arith.addi %mul3A_1099, %add3A_1278 : i32
        %swap3A_1280 = arith.index_cast %add3A_1279 : i32 to index
        %swap3A_1281 = tpu.vector_load %arg16[%swap3A_1280] {strides = array<i32>} : memref<5376xf32, #tpu.memory_space<vmem>>, vector<16xf32>,
        tpu.vector_store %arg16[%swap3A_1280], %neg3A_1277 {strides = array<i32>} : memref<5376xf32, #tpu.memory_space<vmem>>, vector<16xf32>,
        %mul3A_1282 = arith.constant 20 : i32
        %mul3A_1283 = arith.muli %scan3A_1064, %mul3A_1282 : i32
        %add3A_1284 = arith.constant 6 : i32
        %add3A_1285 = arith.addi %mul3A_1283, %add3A_1284 : i32
        %get3A_1286 = arith.index_cast %add3A_1285 : i32 to index
        %get3A_1287 = arith.constant 64 : index
        %get3A_1288 = tpu.vector_load %arg12[%get3A_1286, %get3A_1287] {strides = array<i32>} : memref<320x128xf32, #tpu.memory_space<vmem>>, vector<16xf32>,
        %mul3A_1289 = arith.mulf %get3A_1067, %get3A_1288 : vector<16xf32>
        %get3A_1290 = arith.index_cast %add3A_1285 : i32 to index
        %get3A_1291 = arith.constant 80 : index
        %get3A_1292 = tpu.vector_load %arg12[%get3A_1290, %get3A_1291] {strides = array<i32>} : memref<320x128xf32, #tpu.memory_space<vmem>>, vector<16xf32>,
        %mul3A_1293 = arith.mulf %get3A_1070, %get3A_1292 : vector<16xf32>
        %add3A_1294 = arith.addf %mul3A_1289, %mul3A_1293 : vector<16xf32>
        %get3A_1295 = arith.index_cast %add3A_1285 : i32 to index
        %get3A_1296 = arith.constant 96 : index
        %get3A_1297 = tpu.vector_load %arg12[%get3A_1295, %get3A_1296] {strides = array<i32>} : memref<320x128xf32, #tpu.memory_space<vmem>>, vector<16xf32>,
        %mul3A_1298 = arith.mulf %get3A_1073, %get3A_1297 : vector<16xf32>
        %add3A_1299 = arith.addf %add3A_1294, %mul3A_1298 : vector<16xf32>
        %get3A_1300 = arith.index_cast %add3A_1285 : i32 to index
        %get3A_1301 = arith.constant 112 : index
        %get3A_1302 = tpu.vector_load %arg12[%get3A_1300, %get3A_1301] {strides = array<i32>} : memref<320x128xf32, #tpu.memory_space<vmem>>, vector<16xf32>,
        %mul3A_1303 = arith.mulf %get3A_1076, %get3A_1302 : vector<16xf32>
        %add3A_1304 = arith.addf %add3A_1299, %mul3A_1303 : vector<16xf32>
        %neg3A_1305 = arith.constant 0.000000e+00 : f32
        %neg3A_1306 = vector.broadcast %neg3A_1305 : f32 to vector<16xf32>
        %neg3A_1307 = arith.subf %neg3A_1306, %add3A_1304 : vector<16xf32>
        %add3A_1308 = arith.constant 112 : i32
        %add3A_1309 = arith.addi %mul3A_1099, %add3A_1308 : i32
        %swap3A_1310 = arith.index_cast %add3A_1309 : i32 to index
        %swap3A_1311 = tpu.vector_load %arg16[%swap3A_1310] {strides = array<i32>} : memref<5376xf32, #tpu.memory_space<vmem>>, vector<16xf32>,
        tpu.vector_store %arg16[%swap3A_1310], %neg3A_1307 {strides = array<i32>} : memref<5376xf32, #tpu.memory_space<vmem>>, vector<16xf32>,
        %mul3A_1312 = arith.constant 20 : i32
        %mul3A_1313 = arith.muli %scan3A_1064, %mul3A_1312 : i32
        %add3A_1314 = arith.constant 7 : i32
        %add3A_1315 = arith.addi %mul3A_1313, %add3A_1314 : i32
        %get3A_1316 = arith.index_cast %add3A_1315 : i32 to index
        %get3A_1317 = arith.constant 64 : index
        %get3A_1318 = tpu.vector_load %arg12[%get3A_1316, %get3A_1317] {strides = array<i32>} : memref<320x128xf32, #tpu.memory_space<vmem>>, vector<16xf32>,
        %mul3A_1319 = arith.mulf %get3A_1067, %get3A_1318 : vector<16xf32>
        %get3A_1320 = arith.index_cast %add3A_1315 : i32 to index
        %get3A_1321 = arith.constant 80 : index
        %get3A_1322 = tpu.vector_load %arg12[%get3A_1320, %get3A_1321] {strides = array<i32>} : memref<320x128xf32, #tpu.memory_space<vmem>>, vector<16xf32>,
        %mul3A_1323 = arith.mulf %get3A_1070, %get3A_1322 : vector<16xf32>
        %add3A_1324 = arith.addf %mul3A_1319, %mul3A_1323 : vector<16xf32>
        %get3A_1325 = arith.index_cast %add3A_1315 : i32 to index
        %get3A_1326 = arith.constant 96 : index
        %get3A_1327 = tpu.vector_load %arg12[%get3A_1325, %get3A_1326] {strides = array<i32>} : memref<320x128xf32, #tpu.memory_space<vmem>>, vector<16xf32>,
        %mul3A_1328 = arith.mulf %get3A_1073, %get3A_1327 : vector<16xf32>
        %add3A_1329 = arith.addf %add3A_1324, %mul3A_1328 : vector<16xf32>
        %get3A_1330 = arith.index_cast %add3A_1315 : i32 to index
        %get3A_1331 = arith.constant 112 : index
        %get3A_1332 = tpu.vector_load %arg12[%get3A_1330, %get3A_1331] {strides = array<i32>} : memref<320x128xf32, #tpu.memory_space<vmem>>, vector<16xf32>,
        %mul3A_1333 = arith.mulf %get3A_1076, %get3A_1332 : vector<16xf32>
        %add3A_1334 = arith.addf %add3A_1329, %mul3A_1333 : vector<16xf32>
        %neg3A_1335 = arith.constant 0.000000e+00 : f32
        %neg3A_1336 = vector.broadcast %neg3A_1335 : f32 to vector<16xf32>
        %neg3A_1337 = arith.subf %neg3A_1336, %add3A_1334 : vector<16xf32>
        %add3A_1338 = arith.constant 128 : i32
        %add3A_1339 = arith.addi %mul3A_1099, %add3A_1338 : i32
        %swap3A_1340 = arith.index_cast %add3A_1339 : i32 to index
        %swap3A_1341 = tpu.vector_load %arg16[%swap3A_1340] {strides = array<i32>} : memref<5376xf32, #tpu.memory_space<vmem>>, vector<16xf32>,
        tpu.vector_store %arg16[%swap3A_1340], %neg3A_1337 {strides = array<i32>} : memref<5376xf32, #tpu.memory_space<vmem>>, vector<16xf32>,
        %mul3A_1342 = arith.constant 20 : i32
        %mul3A_1343 = arith.muli %scan3A_1064, %mul3A_1342 : i32
        %add3A_1344 = arith.constant 8 : i32
        %add3A_1345 = arith.addi %mul3A_1343, %add3A_1344 : i32
        %get3A_1346 = arith.index_cast %add3A_1345 : i32 to index
        %get3A_1347 = arith.constant 64 : index
        %get3A_1348 = tpu.vector_load %arg12[%get3A_1346, %get3A_1347] {strides = array<i32>} : memref<320x128xf32, #tpu.memory_space<vmem>>, vector<16xf32>,
        %mul3A_1349 = arith.mulf %get3A_1067, %get3A_1348 : vector<16xf32>
        %get3A_1350 = arith.index_cast %add3A_1345 : i32 to index
        %get3A_1351 = arith.constant 80 : index
        %get3A_1352 = tpu.vector_load %arg12[%get3A_1350, %get3A_1351] {strides = array<i32>} : memref<320x128xf32, #tpu.memory_space<vmem>>, vector<16xf32>,
        %mul3A_1353 = arith.mulf %get3A_1070, %get3A_1352 : vector<16xf32>
        %add3A_1354 = arith.addf %mul3A_1349, %mul3A_1353 : vector<16xf32>
        %get3A_1355 = arith.index_cast %add3A_1345 : i32 to index
        %get3A_1356 = arith.constant 96 : index
        %get3A_1357 = tpu.vector_load %arg12[%get3A_1355, %get3A_1356] {strides = array<i32>} : memref<320x128xf32, #tpu.memory_space<vmem>>, vector<16xf32>,
        %mul3A_1358 = arith.mulf %get3A_1073, %get3A_1357 : vector<16xf32>
        %add3A_1359 = arith.addf %add3A_1354, %mul3A_1358 : vector<16xf32>
        %get3A_1360 = arith.index_cast %add3A_1345 : i32 to index
        %get3A_1361 = arith.constant 112 : index
        %get3A_1362 = tpu.vector_load %arg12[%get3A_1360, %get3A_1361] {strides = array<i32>} : memref<320x128xf32, #tpu.memory_space<vmem>>, vector<16xf32>,
        %mul3A_1363 = arith.mulf %get3A_1076, %get3A_1362 : vector<16xf32>
        %add3A_1364 = arith.addf %add3A_1359, %mul3A_1363 : vector<16xf32>
        %neg3A_1365 = arith.constant 0.000000e+00 : f32
        %neg3A_1366 = vector.broadcast %neg3A_1365 : f32 to vector<16xf32>
        %neg3A_1367 = arith.subf %neg3A_1366, %add3A_1364 : vector<16xf32>
        %add3A_1368 = arith.constant 144 : i32
        %add3A_1369 = arith.addi %mul3A_1099, %add3A_1368 : i32
        %swap3A_1370 = arith.index_cast %add3A_1369 : i32 to index
        %swap3A_1371 = tpu.vector_load %arg16[%swap3A_1370] {strides = array<i32>} : memref<5376xf32, #tpu.memory_space<vmem>>, vector<16xf32>,
        tpu.vector_store %arg16[%swap3A_1370], %neg3A_1367 {strides = array<i32>} : memref<5376xf32, #tpu.memory_space<vmem>>, vector<16xf32>,
        %mul3A_1372 = arith.constant 20 : i32
        %mul3A_1373 = arith.muli %scan3A_1064, %mul3A_1372 : i32
        %add3A_1374 = arith.constant 9 : i32
        %add3A_1375 = arith.addi %mul3A_1373, %add3A_1374 : i32
        %get3A_1376 = arith.index_cast %add3A_1375 : i32 to index
        %get3A_1377 = arith.constant 64 : index
        %get3A_1378 = tpu.vector_load %arg12[%get3A_1376, %get3A_1377] {strides = array<i32>} : memref<320x128xf32, #tpu.memory_space<vmem>>, vector<16xf32>,
        %mul3A_1379 = arith.mulf %get3A_1067, %get3A_1378 : vector<16xf32>
        %get3A_1380 = arith.index_cast %add3A_1375 : i32 to index
        %get3A_1381 = arith.constant 80 : index
        %get3A_1382 = tpu.vector_load %arg12[%get3A_1380, %get3A_1381] {strides = array<i32>} : memref<320x128xf32, #tpu.memory_space<vmem>>, vector<16xf32>,
        %mul3A_1383 = arith.mulf %get3A_1070, %get3A_1382 : vector<16xf32>
        %add3A_1384 = arith.addf %mul3A_1379, %mul3A_1383 : vector<16xf32>
        %get3A_1385 = arith.index_cast %add3A_1375 : i32 to index
        %get3A_1386 = arith.constant 96 : index
        %get3A_1387 = tpu.vector_load %arg12[%get3A_1385, %get3A_1386] {strides = array<i32>} : memref<320x128xf32, #tpu.memory_space<vmem>>, vector<16xf32>,
        %mul3A_1388 = arith.mulf %get3A_1073, %get3A_1387 : vector<16xf32>
        %add3A_1389 = arith.addf %add3A_1384, %mul3A_1388 : vector<16xf32>
        %get3A_1390 = arith.index_cast %add3A_1375 : i32 to index
        %get3A_1391 = arith.constant 112 : index
        %get3A_1392 = tpu.vector_load %arg12[%get3A_1390, %get3A_1391] {strides = array<i32>} : memref<320x128xf32, #tpu.memory_space<vmem>>, vector<16xf32>,
        %mul3A_1393 = arith.mulf %get3A_1076, %get3A_1392 : vector<16xf32>
        %add3A_1394 = arith.addf %add3A_1389, %mul3A_1393 : vector<16xf32>
        %neg3A_1395 = arith.constant 0.000000e+00 : f32
        %neg3A_1396 = vector.broadcast %neg3A_1395 : f32 to vector<16xf32>
        %neg3A_1397 = arith.subf %neg3A_1396, %add3A_1394 : vector<16xf32>
        %add3A_1398 = arith.constant 160 : i32
        %add3A_1399 = arith.addi %mul3A_1099, %add3A_1398 : i32
        %swap3A_1400 = arith.index_cast %add3A_1399 : i32 to index
        %swap3A_1401 = tpu.vector_load %arg16[%swap3A_1400] {strides = array<i32>} : memref<5376xf32, #tpu.memory_space<vmem>>, vector<16xf32>,
        tpu.vector_store %arg16[%swap3A_1400], %neg3A_1397 {strides = array<i32>} : memref<5376xf32, #tpu.memory_space<vmem>>, vector<16xf32>,
        %mul3A_1402 = arith.constant 20 : i32
        %mul3A_1403 = arith.muli %scan3A_1064, %mul3A_1402 : i32
        %add3A_1404 = arith.constant 10 : i32
        %add3A_1405 = arith.addi %mul3A_1403, %add3A_1404 : i32
        %get3A_1406 = arith.index_cast %add3A_1405 : i32 to index
        %get3A_1407 = arith.constant 64 : index
        %get3A_1408 = tpu.vector_load %arg12[%get3A_1406, %get3A_1407] {strides = array<i32>} : memref<320x128xf32, #tpu.memory_space<vmem>>, vector<16xf32>,
        %mul3A_1409 = arith.mulf %get3A_1067, %get3A_1408 : vector<16xf32>
        %get3A_1410 = arith.index_cast %add3A_1405 : i32 to index
        %get3A_1411 = arith.constant 80 : index
        %get3A_1412 = tpu.vector_load %arg12[%get3A_1410, %get3A_1411] {strides = array<i32>} : memref<320x128xf32, #tpu.memory_space<vmem>>, vector<16xf32>,
        %mul3A_1413 = arith.mulf %get3A_1070, %get3A_1412 : vector<16xf32>
        %add3A_1414 = arith.addf %mul3A_1409, %mul3A_1413 : vector<16xf32>
        %get3A_1415 = arith.index_cast %add3A_1405 : i32 to index
        %get3A_1416 = arith.constant 96 : index
        %get3A_1417 = tpu.vector_load %arg12[%get3A_1415, %get3A_1416] {strides = array<i32>} : memref<320x128xf32, #tpu.memory_space<vmem>>, vector<16xf32>,
        %mul3A_1418 = arith.mulf %get3A_1073, %get3A_1417 : vector<16xf32>
        %add3A_1419 = arith.addf %add3A_1414, %mul3A_1418 : vector<16xf32>
        %get3A_1420 = arith.index_cast %add3A_1405 : i32 to index
        %get3A_1421 = arith.constant 112 : index
        %get3A_1422 = tpu.vector_load %arg12[%get3A_1420, %get3A_1421] {strides = array<i32>} : memref<320x128xf32, #tpu.memory_space<vmem>>, vector<16xf32>,
        %mul3A_1423 = arith.mulf %get3A_1076, %get3A_1422 : vector<16xf32>
        %add3A_1424 = arith.addf %add3A_1419, %mul3A_1423 : vector<16xf32>
        %neg3A_1425 = arith.constant 0.000000e+00 : f32
        %neg3A_1426 = vector.broadcast %neg3A_1425 : f32 to vector<16xf32>
        %neg3A_1427 = arith.subf %neg3A_1426, %add3A_1424 : vector<16xf32>
        %add3A_1428 = arith.constant 176 : i32
        %add3A_1429 = arith.addi %mul3A_1099, %add3A_1428 : i32
        %swap3A_1430 = arith.index_cast %add3A_1429 : i32 to index
        %swap3A_1431 = tpu.vector_load %arg16[%swap3A_1430] {strides = array<i32>} : memref<5376xf32, #tpu.memory_space<vmem>>, vector<16xf32>,
        tpu.vector_store %arg16[%swap3A_1430], %neg3A_1427 {strides = array<i32>} : memref<5376xf32, #tpu.memory_space<vmem>>, vector<16xf32>,
        %mul3A_1432 = arith.constant 20 : i32
        %mul3A_1433 = arith.muli %scan3A_1064, %mul3A_1432 : i32
        %add3A_1434 = arith.constant 11 : i32
        %add3A_1435 = arith.addi %mul3A_1433, %add3A_1434 : i32
        %get3A_1436 = arith.index_cast %add3A_1435 : i32 to index
        %get3A_1437 = arith.constant 64 : index
        %get3A_1438 = tpu.vector_load %arg12[%get3A_1436, %get3A_1437] {strides = array<i32>} : memref<320x128xf32, #tpu.memory_space<vmem>>, vector<16xf32>,
        %mul3A_1439 = arith.mulf %get3A_1067, %get3A_1438 : vector<16xf32>
        %get3A_1440 = arith.index_cast %add3A_1435 : i32 to index
        %get3A_1441 = arith.constant 80 : index
        %get3A_1442 = tpu.vector_load %arg12[%get3A_1440, %get3A_1441] {strides = array<i32>} : memref<320x128xf32, #tpu.memory_space<vmem>>, vector<16xf32>,
        %mul3A_1443 = arith.mulf %get3A_1070, %get3A_1442 : vector<16xf32>
        %add3A_1444 = arith.addf %mul3A_1439, %mul3A_1443 : vector<16xf32>
        %get3A_1445 = arith.index_cast %add3A_1435 : i32 to index
        %get3A_1446 = arith.constant 96 : index
        %get3A_1447 = tpu.vector_load %arg12[%get3A_1445, %get3A_1446] {strides = array<i32>} : memref<320x128xf32, #tpu.memory_space<vmem>>, vector<16xf32>,
        %mul3A_1448 = arith.mulf %get3A_1073, %get3A_1447 : vector<16xf32>
        %add3A_1449 = arith.addf %add3A_1444, %mul3A_1448 : vector<16xf32>
        %get3A_1450 = arith.index_cast %add3A_1435 : i32 to index
        %get3A_1451 = arith.constant 112 : index
        %get3A_1452 = tpu.vector_load %arg12[%get3A_1450, %get3A_1451] {strides = array<i32>} : memref<320x128xf32, #tpu.memory_space<vmem>>, vector<16xf32>,
        %mul3A_1453 = arith.mulf %get3A_1076, %get3A_1452 : vector<16xf32>
        %add3A_1454 = arith.addf %add3A_1449, %mul3A_1453 : vector<16xf32>
        %neg3A_1455 = arith.constant 0.000000e+00 : f32
        %neg3A_1456 = vector.broadcast %neg3A_1455 : f32 to vector<16xf32>
        %neg3A_1457 = arith.subf %neg3A_1456, %add3A_1454 : vector<16xf32>
        %add3A_1458 = arith.constant 192 : i32
        %add3A_1459 = arith.addi %mul3A_1099, %add3A_1458 : i32
        %swap3A_1460 = arith.index_cast %add3A_1459 : i32 to index
        %swap3A_1461 = tpu.vector_load %arg16[%swap3A_1460] {strides = array<i32>} : memref<5376xf32, #tpu.memory_space<vmem>>, vector<16xf32>,
        tpu.vector_store %arg16[%swap3A_1460], %neg3A_1457 {strides = array<i32>} : memref<5376xf32, #tpu.memory_space<vmem>>, vector<16xf32>,
        %mul3A_1462 = arith.constant 20 : i32
        %mul3A_1463 = arith.muli %scan3A_1064, %mul3A_1462 : i32
        %add3A_1464 = arith.constant 12 : i32
        %add3A_1465 = arith.addi %mul3A_1463, %add3A_1464 : i32
        %get3A_1466 = arith.index_cast %add3A_1465 : i32 to index
        %get3A_1467 = arith.constant 64 : index
        %get3A_1468 = tpu.vector_load %arg12[%get3A_1466, %get3A_1467] {strides = array<i32>} : memref<320x128xf32, #tpu.memory_space<vmem>>, vector<16xf32>,
        %mul3A_1469 = arith.mulf %get3A_1067, %get3A_1468 : vector<16xf32>
        %get3A_1470 = arith.index_cast %add3A_1465 : i32 to index
        %get3A_1471 = arith.constant 80 : index
        %get3A_1472 = tpu.vector_load %arg12[%get3A_1470, %get3A_1471] {strides = array<i32>} : memref<320x128xf32, #tpu.memory_space<vmem>>, vector<16xf32>,
        %mul3A_1473 = arith.mulf %get3A_1070, %get3A_1472 : vector<16xf32>
        %add3A_1474 = arith.addf %mul3A_1469, %mul3A_1473 : vector<16xf32>
        %get3A_1475 = arith.index_cast %add3A_1465 : i32 to index
        %get3A_1476 = arith.constant 96 : index
        %get3A_1477 = tpu.vector_load %arg12[%get3A_1475, %get3A_1476] {strides = array<i32>} : memref<320x128xf32, #tpu.memory_space<vmem>>, vector<16xf32>,
        %mul3A_1478 = arith.mulf %get3A_1073, %get3A_1477 : vector<16xf32>
        %add3A_1479 = arith.addf %add3A_1474, %mul3A_1478 : vector<16xf32>
        %get3A_1480 = arith.index_cast %add3A_1465 : i32 to index
        %get3A_1481 = arith.constant 112 : index
        %get3A_1482 = tpu.vector_load %arg12[%get3A_1480, %get3A_1481] {strides = array<i32>} : memref<320x128xf32, #tpu.memory_space<vmem>>, vector<16xf32>,
        %mul3A_1483 = arith.mulf %get3A_1076, %get3A_1482 : vector<16xf32>
        %add3A_1484 = arith.addf %add3A_1479, %mul3A_1483 : vector<16xf32>
        %neg3A_1485 = arith.constant 0.000000e+00 : f32
        %neg3A_1486 = vector.broadcast %neg3A_1485 : f32 to vector<16xf32>
        %neg3A_1487 = arith.subf %neg3A_1486, %add3A_1484 : vector<16xf32>
        %add3A_1488 = arith.constant 208 : i32
        %add3A_1489 = arith.addi %mul3A_1099, %add3A_1488 : i32
        %swap3A_1490 = arith.index_cast %add3A_1489 : i32 to index
        %swap3A_1491 = tpu.vector_load %arg16[%swap3A_1490] {strides = array<i32>} : memref<5376xf32, #tpu.memory_space<vmem>>, vector<16xf32>,
        tpu.vector_store %arg16[%swap3A_1490], %neg3A_1487 {strides = array<i32>} : memref<5376xf32, #tpu.memory_space<vmem>>, vector<16xf32>,
        %mul3A_1492 = arith.constant 20 : i32
        %mul3A_1493 = arith.muli %scan3A_1064, %mul3A_1492 : i32
        %add3A_1494 = arith.constant 13 : i32
        %add3A_1495 = arith.addi %mul3A_1493, %add3A_1494 : i32
        %get3A_1496 = arith.index_cast %add3A_1495 : i32 to index
        %get3A_1497 = arith.constant 64 : index
        %get3A_1498 = tpu.vector_load %arg12[%get3A_1496, %get3A_1497] {strides = array<i32>} : memref<320x128xf32, #tpu.memory_space<vmem>>, vector<16xf32>,
        %mul3A_1499 = arith.mulf %get3A_1067, %get3A_1498 : vector<16xf32>
        %get3A_1500 = arith.index_cast %add3A_1495 : i32 to index
        %get3A_1501 = arith.constant 80 : index
        %get3A_1502 = tpu.vector_load %arg12[%get3A_1500, %get3A_1501] {strides = array<i32>} : memref<320x128xf32, #tpu.memory_space<vmem>>, vector<16xf32>,
        %mul3A_1503 = arith.mulf %get3A_1070, %get3A_1502 : vector<16xf32>
        %add3A_1504 = arith.addf %mul3A_1499, %mul3A_1503 : vector<16xf32>
        %get3A_1505 = arith.index_cast %add3A_1495 : i32 to index
        %get3A_1506 = arith.constant 96 : index
        %get3A_1507 = tpu.vector_load %arg12[%get3A_1505, %get3A_1506] {strides = array<i32>} : memref<320x128xf32, #tpu.memory_space<vmem>>, vector<16xf32>,
        %mul3A_1508 = arith.mulf %get3A_1073, %get3A_1507 : vector<16xf32>
        %add3A_1509 = arith.addf %add3A_1504, %mul3A_1508 : vector<16xf32>
        %get3A_1510 = arith.index_cast %add3A_1495 : i32 to index
        %get3A_1511 = arith.constant 112 : index
        %get3A_1512 = tpu.vector_load %arg12[%get3A_1510, %get3A_1511] {strides = array<i32>} : memref<320x128xf32, #tpu.memory_space<vmem>>, vector<16xf32>,
        %mul3A_1513 = arith.mulf %get3A_1076, %get3A_1512 : vector<16xf32>
        %add3A_1514 = arith.addf %add3A_1509, %mul3A_1513 : vector<16xf32>
        %neg3A_1515 = arith.constant 0.000000e+00 : f32
        %neg3A_1516 = vector.broadcast %neg3A_1515 : f32 to vector<16xf32>
        %neg3A_1517 = arith.subf %neg3A_1516, %add3A_1514 : vector<16xf32>
        %add3A_1518 = arith.constant 224 : i32
        %add3A_1519 = arith.addi %mul3A_1099, %add3A_1518 : i32
        %swap3A_1520 = arith.index_cast %add3A_1519 : i32 to index
        %swap3A_1521 = tpu.vector_load %arg16[%swap3A_1520] {strides = array<i32>} : memref<5376xf32, #tpu.memory_space<vmem>>, vector<16xf32>,
        tpu.vector_store %arg16[%swap3A_1520], %neg3A_1517 {strides = array<i32>} : memref<5376xf32, #tpu.memory_space<vmem>>, vector<16xf32>,
        %mul3A_1522 = arith.constant 20 : i32
        %mul3A_1523 = arith.muli %scan3A_1064, %mul3A_1522 : i32
        %add3A_1524 = arith.constant 14 : i32
        %add3A_1525 = arith.addi %mul3A_1523, %add3A_1524 : i32
        %get3A_1526 = arith.index_cast %add3A_1525 : i32 to index
        %get3A_1527 = arith.constant 64 : index
        %get3A_1528 = tpu.vector_load %arg12[%get3A_1526, %get3A_1527] {strides = array<i32>} : memref<320x128xf32, #tpu.memory_space<vmem>>, vector<16xf32>,
        %mul3A_1529 = arith.mulf %get3A_1067, %get3A_1528 : vector<16xf32>
        %get3A_1530 = arith.index_cast %add3A_1525 : i32 to index
        %get3A_1531 = arith.constant 80 : index
        %get3A_1532 = tpu.vector_load %arg12[%get3A_1530, %get3A_1531] {strides = array<i32>} : memref<320x128xf32, #tpu.memory_space<vmem>>, vector<16xf32>,
        %mul3A_1533 = arith.mulf %get3A_1070, %get3A_1532 : vector<16xf32>
        %add3A_1534 = arith.addf %mul3A_1529, %mul3A_1533 : vector<16xf32>
        %get3A_1535 = arith.index_cast %add3A_1525 : i32 to index
        %get3A_1536 = arith.constant 96 : index
        %get3A_1537 = tpu.vector_load %arg12[%get3A_1535, %get3A_1536] {strides = array<i32>} : memref<320x128xf32, #tpu.memory_space<vmem>>, vector<16xf32>,
        %mul3A_1538 = arith.mulf %get3A_1073, %get3A_1537 : vector<16xf32>
        %add3A_1539 = arith.addf %add3A_1534, %mul3A_1538 : vector<16xf32>
        %get3A_1540 = arith.index_cast %add3A_1525 : i32 to index
        %get3A_1541 = arith.constant 112 : index
        %get3A_1542 = tpu.vector_load %arg12[%get3A_1540, %get3A_1541] {strides = array<i32>} : memref<320x128xf32, #tpu.memory_space<vmem>>, vector<16xf32>,
        %mul3A_1543 = arith.mulf %get3A_1076, %get3A_1542 : vector<16xf32>
        %add3A_1544 = arith.addf %add3A_1539, %mul3A_1543 : vector<16xf32>
        %neg3A_1545 = arith.constant 0.000000e+00 : f32
        %neg3A_1546 = vector.broadcast %neg3A_1545 : f32 to vector<16xf32>
        %neg3A_1547 = arith.subf %neg3A_1546, %add3A_1544 : vector<16xf32>
        %add3A_1548 = arith.constant 240 : i32
        %add3A_1549 = arith.addi %mul3A_1099, %add3A_1548 : i32
        %swap3A_1550 = arith.index_cast %add3A_1549 : i32 to index
        %swap3A_1551 = tpu.vector_load %arg16[%swap3A_1550] {strides = array<i32>} : memref<5376xf32, #tpu.memory_space<vmem>>, vector<16xf32>,
        tpu.vector_store %arg16[%swap3A_1550], %neg3A_1547 {strides = array<i32>} : memref<5376xf32, #tpu.memory_space<vmem>>, vector<16xf32>,
        %mul3A_1552 = arith.constant 20 : i32
        %mul3A_1553 = arith.muli %scan3A_1064, %mul3A_1552 : i32
        %add3A_1554 = arith.constant 15 : i32
        %add3A_1555 = arith.addi %mul3A_1553, %add3A_1554 : i32
        %get3A_1556 = arith.index_cast %add3A_1555 : i32 to index
        %get3A_1557 = arith.constant 64 : index
        %get3A_1558 = tpu.vector_load %arg12[%get3A_1556, %get3A_1557] {strides = array<i32>} : memref<320x128xf32, #tpu.memory_space<vmem>>, vector<16xf32>,
        %mul3A_1559 = arith.mulf %get3A_1067, %get3A_1558 : vector<16xf32>
        %get3A_1560 = arith.index_cast %add3A_1555 : i32 to index
        %get3A_1561 = arith.constant 80 : index
        %get3A_1562 = tpu.vector_load %arg12[%get3A_1560, %get3A_1561] {strides = array<i32>} : memref<320x128xf32, #tpu.memory_space<vmem>>, vector<16xf32>,
        %mul3A_1563 = arith.mulf %get3A_1070, %get3A_1562 : vector<16xf32>
        %add3A_1564 = arith.addf %mul3A_1559, %mul3A_1563 : vector<16xf32>
        %get3A_1565 = arith.index_cast %add3A_1555 : i32 to index
        %get3A_1566 = arith.constant 96 : index
        %get3A_1567 = tpu.vector_load %arg12[%get3A_1565, %get3A_1566] {strides = array<i32>} : memref<320x128xf32, #tpu.memory_space<vmem>>, vector<16xf32>,
        %mul3A_1568 = arith.mulf %get3A_1073, %get3A_1567 : vector<16xf32>
        %add3A_1569 = arith.addf %add3A_1564, %mul3A_1568 : vector<16xf32>
        %get3A_1570 = arith.index_cast %add3A_1555 : i32 to index
        %get3A_1571 = arith.constant 112 : index
        %get3A_1572 = tpu.vector_load %arg12[%get3A_1570, %get3A_1571] {strides = array<i32>} : memref<320x128xf32, #tpu.memory_space<vmem>>, vector<16xf32>,
        %mul3A_1573 = arith.mulf %get3A_1076, %get3A_1572 : vector<16xf32>
        %add3A_1574 = arith.addf %add3A_1569, %mul3A_1573 : vector<16xf32>
        %neg3A_1575 = arith.constant 0.000000e+00 : f32
        %neg3A_1576 = vector.broadcast %neg3A_1575 : f32 to vector<16xf32>
        %neg3A_1577 = arith.subf %neg3A_1576, %add3A_1574 : vector<16xf32>
        %add3A_1578 = arith.constant 256 : i32
        %add3A_1579 = arith.addi %mul3A_1099, %add3A_1578 : i32
        %swap3A_1580 = arith.index_cast %add3A_1579 : i32 to index
        %swap3A_1581 = tpu.vector_load %arg16[%swap3A_1580] {strides = array<i32>} : memref<5376xf32, #tpu.memory_space<vmem>>, vector<16xf32>,
        tpu.vector_store %arg16[%swap3A_1580], %neg3A_1577 {strides = array<i32>} : memref<5376xf32, #tpu.memory_space<vmem>>, vector<16xf32>,
        %mul3A_1582 = arith.constant 20 : i32
        %mul3A_1583 = arith.muli %scan3A_1064, %mul3A_1582 : i32
        %add3A_1584 = arith.constant 16 : i32
        %add3A_1585 = arith.addi %mul3A_1583, %add3A_1584 : i32
        %get3A_1586 = arith.index_cast %add3A_1585 : i32 to index
        %get3A_1587 = arith.constant 64 : index
        %get3A_1588 = tpu.vector_load %arg12[%get3A_1586, %get3A_1587] {strides = array<i32>} : memref<320x128xf32, #tpu.memory_space<vmem>>, vector<16xf32>,
        %mul3A_1589 = arith.mulf %get3A_1067, %get3A_1588 : vector<16xf32>
        %get3A_1590 = arith.index_cast %add3A_1585 : i32 to index
        %get3A_1591 = arith.constant 80 : index
        %get3A_1592 = tpu.vector_load %arg12[%get3A_1590, %get3A_1591] {strides = array<i32>} : memref<320x128xf32, #tpu.memory_space<vmem>>, vector<16xf32>,
        %mul3A_1593 = arith.mulf %get3A_1070, %get3A_1592 : vector<16xf32>
        %add3A_1594 = arith.addf %mul3A_1589, %mul3A_1593 : vector<16xf32>
        %get3A_1595 = arith.index_cast %add3A_1585 : i32 to index
        %get3A_1596 = arith.constant 96 : index
        %get3A_1597 = tpu.vector_load %arg12[%get3A_1595, %get3A_1596] {strides = array<i32>} : memref<320x128xf32, #tpu.memory_space<vmem>>, vector<16xf32>,
        %mul3A_1598 = arith.mulf %get3A_1073, %get3A_1597 : vector<16xf32>
        %add3A_1599 = arith.addf %add3A_1594, %mul3A_1598 : vector<16xf32>
        %get3A_1600 = arith.index_cast %add3A_1585 : i32 to index
        %get3A_1601 = arith.constant 112 : index
        %get3A_1602 = tpu.vector_load %arg12[%get3A_1600, %get3A_1601] {strides = array<i32>} : memref<320x128xf32, #tpu.memory_space<vmem>>, vector<16xf32>,
        %mul3A_1603 = arith.mulf %get3A_1076, %get3A_1602 : vector<16xf32>
        %add3A_1604 = arith.addf %add3A_1599, %mul3A_1603 : vector<16xf32>
        %neg3A_1605 = arith.constant 0.000000e+00 : f32
        %neg3A_1606 = vector.broadcast %neg3A_1605 : f32 to vector<16xf32>
        %neg3A_1607 = arith.subf %neg3A_1606, %add3A_1604 : vector<16xf32>
        %add3A_1608 = arith.constant 272 : i32
        %add3A_1609 = arith.addi %mul3A_1099, %add3A_1608 : i32
        %swap3A_1610 = arith.index_cast %add3A_1609 : i32 to index
        %swap3A_1611 = tpu.vector_load %arg16[%swap3A_1610] {strides = array<i32>} : memref<5376xf32, #tpu.memory_space<vmem>>, vector<16xf32>,
        tpu.vector_store %arg16[%swap3A_1610], %neg3A_1607 {strides = array<i32>} : memref<5376xf32, #tpu.memory_space<vmem>>, vector<16xf32>,
        %mul3A_1612 = arith.constant 20 : i32
        %mul3A_1613 = arith.muli %scan3A_1064, %mul3A_1612 : i32
        %add3A_1614 = arith.constant 17 : i32
        %add3A_1615 = arith.addi %mul3A_1613, %add3A_1614 : i32
        %get3A_1616 = arith.index_cast %add3A_1615 : i32 to index
        %get3A_1617 = arith.constant 64 : index
        %get3A_1618 = tpu.vector_load %arg12[%get3A_1616, %get3A_1617] {strides = array<i32>} : memref<320x128xf32, #tpu.memory_space<vmem>>, vector<16xf32>,
        %mul3A_1619 = arith.mulf %get3A_1067, %get3A_1618 : vector<16xf32>
        %get3A_1620 = arith.index_cast %add3A_1615 : i32 to index
        %get3A_1621 = arith.constant 80 : index
        %get3A_1622 = tpu.vector_load %arg12[%get3A_1620, %get3A_1621] {strides = array<i32>} : memref<320x128xf32, #tpu.memory_space<vmem>>, vector<16xf32>,
        %mul3A_1623 = arith.mulf %get3A_1070, %get3A_1622 : vector<16xf32>
        %add3A_1624 = arith.addf %mul3A_1619, %mul3A_1623 : vector<16xf32>
        %get3A_1625 = arith.index_cast %add3A_1615 : i32 to index
        %get3A_1626 = arith.constant 96 : index
        %get3A_1627 = tpu.vector_load %arg12[%get3A_1625, %get3A_1626] {strides = array<i32>} : memref<320x128xf32, #tpu.memory_space<vmem>>, vector<16xf32>,
        %mul3A_1628 = arith.mulf %get3A_1073, %get3A_1627 : vector<16xf32>
        %add3A_1629 = arith.addf %add3A_1624, %mul3A_1628 : vector<16xf32>
        %get3A_1630 = arith.index_cast %add3A_1615 : i32 to index
        %get3A_1631 = arith.constant 112 : index
        %get3A_1632 = tpu.vector_load %arg12[%get3A_1630, %get3A_1631] {strides = array<i32>} : memref<320x128xf32, #tpu.memory_space<vmem>>, vector<16xf32>,
        %mul3A_1633 = arith.mulf %get3A_1076, %get3A_1632 : vector<16xf32>
        %add3A_1634 = arith.addf %add3A_1629, %mul3A_1633 : vector<16xf32>
        %neg3A_1635 = arith.constant 0.000000e+00 : f32
        %neg3A_1636 = vector.broadcast %neg3A_1635 : f32 to vector<16xf32>
        %neg3A_1637 = arith.subf %neg3A_1636, %add3A_1634 : vector<16xf32>
        %add3A_1638 = arith.constant 288 : i32
        %add3A_1639 = arith.addi %mul3A_1099, %add3A_1638 : i32
        %swap3A_1640 = arith.index_cast %add3A_1639 : i32 to index
        %swap3A_1641 = tpu.vector_load %arg16[%swap3A_1640] {strides = array<i32>} : memref<5376xf32, #tpu.memory_space<vmem>>, vector<16xf32>,
        tpu.vector_store %arg16[%swap3A_1640], %neg3A_1637 {strides = array<i32>} : memref<5376xf32, #tpu.memory_space<vmem>>, vector<16xf32>,
        %mul3A_1642 = arith.constant 20 : i32
        %mul3A_1643 = arith.muli %scan3A_1064, %mul3A_1642 : i32
        %add3A_1644 = arith.constant 18 : i32
        %add3A_1645 = arith.addi %mul3A_1643, %add3A_1644 : i32
        %get3A_1646 = arith.index_cast %add3A_1645 : i32 to index
        %get3A_1647 = arith.constant 64 : index
        %get3A_1648 = tpu.vector_load %arg12[%get3A_1646, %get3A_1647] {strides = array<i32>} : memref<320x128xf32, #tpu.memory_space<vmem>>, vector<16xf32>,
        %mul3A_1649 = arith.mulf %get3A_1067, %get3A_1648 : vector<16xf32>
        %get3A_1650 = arith.index_cast %add3A_1645 : i32 to index
        %get3A_1651 = arith.constant 80 : index
        %get3A_1652 = tpu.vector_load %arg12[%get3A_1650, %get3A_1651] {strides = array<i32>} : memref<320x128xf32, #tpu.memory_space<vmem>>, vector<16xf32>,
        %mul3A_1653 = arith.mulf %get3A_1070, %get3A_1652 : vector<16xf32>
        %add3A_1654 = arith.addf %mul3A_1649, %mul3A_1653 : vector<16xf32>
        %get3A_1655 = arith.index_cast %add3A_1645 : i32 to index
        %get3A_1656 = arith.constant 96 : index
        %get3A_1657 = tpu.vector_load %arg12[%get3A_1655, %get3A_1656] {strides = array<i32>} : memref<320x128xf32, #tpu.memory_space<vmem>>, vector<16xf32>,
        %mul3A_1658 = arith.mulf %get3A_1073, %get3A_1657 : vector<16xf32>
        %add3A_1659 = arith.addf %add3A_1654, %mul3A_1658 : vector<16xf32>
        %get3A_1660 = arith.index_cast %add3A_1645 : i32 to index
        %get3A_1661 = arith.constant 112 : index
        %get3A_1662 = tpu.vector_load %arg12[%get3A_1660, %get3A_1661] {strides = array<i32>} : memref<320x128xf32, #tpu.memory_space<vmem>>, vector<16xf32>,
        %mul3A_1663 = arith.mulf %get3A_1076, %get3A_1662 : vector<16xf32>
        %add3A_1664 = arith.addf %add3A_1659, %mul3A_1663 : vector<16xf32>
        %neg3A_1665 = arith.constant 0.000000e+00 : f32
        %neg3A_1666 = vector.broadcast %neg3A_1665 : f32 to vector<16xf32>
        %neg3A_1667 = arith.subf %neg3A_1666, %add3A_1664 : vector<16xf32>
        %add3A_1668 = arith.constant 304 : i32
        %add3A_1669 = arith.addi %mul3A_1099, %add3A_1668 : i32
        %swap3A_1670 = arith.index_cast %add3A_1669 : i32 to index
        %swap3A_1671 = tpu.vector_load %arg16[%swap3A_1670] {strides = array<i32>} : memref<5376xf32, #tpu.memory_space<vmem>>, vector<16xf32>,
        tpu.vector_store %arg16[%swap3A_1670], %neg3A_1667 {strides = array<i32>} : memref<5376xf32, #tpu.memory_space<vmem>>, vector<16xf32>,
        %mul3A_1672 = arith.constant 20 : i32
        %mul3A_1673 = arith.muli %scan3A_1064, %mul3A_1672 : i32
        %add3A_1674 = arith.constant 19 : i32
        %add3A_1675 = arith.addi %mul3A_1673, %add3A_1674 : i32
        %get3A_1676 = arith.index_cast %add3A_1675 : i32 to index
        %get3A_1677 = arith.constant 64 : index
        %get3A_1678 = tpu.vector_load %arg12[%get3A_1676, %get3A_1677] {strides = array<i32>} : memref<320x128xf32, #tpu.memory_space<vmem>>, vector<16xf32>,
        %mul3A_1679 = arith.mulf %get3A_1067, %get3A_1678 : vector<16xf32>
        %get3A_1680 = arith.index_cast %add3A_1675 : i32 to index
        %get3A_1681 = arith.constant 80 : index
        %get3A_1682 = tpu.vector_load %arg12[%get3A_1680, %get3A_1681] {strides = array<i32>} : memref<320x128xf32, #tpu.memory_space<vmem>>, vector<16xf32>,
        %mul3A_1683 = arith.mulf %get3A_1070, %get3A_1682 : vector<16xf32>
        %add3A_1684 = arith.addf %mul3A_1679, %mul3A_1683 : vector<16xf32>
        %get3A_1685 = arith.index_cast %add3A_1675 : i32 to index
        %get3A_1686 = arith.constant 96 : index
        %get3A_1687 = tpu.vector_load %arg12[%get3A_1685, %get3A_1686] {strides = array<i32>} : memref<320x128xf32, #tpu.memory_space<vmem>>, vector<16xf32>,
        %mul3A_1688 = arith.mulf %get3A_1073, %get3A_1687 : vector<16xf32>
        %add3A_1689 = arith.addf %add3A_1684, %mul3A_1688 : vector<16xf32>
        %get3A_1690 = arith.index_cast %add3A_1675 : i32 to index
        %get3A_1691 = arith.constant 112 : index
        %get3A_1692 = tpu.vector_load %arg12[%get3A_1690, %get3A_1691] {strides = array<i32>} : memref<320x128xf32, #tpu.memory_space<vmem>>, vector<16xf32>,
        %mul3A_1693 = arith.mulf %get3A_1076, %get3A_1692 : vector<16xf32>
        %add3A_1694 = arith.addf %add3A_1689, %mul3A_1693 : vector<16xf32>
        %neg3A_1695 = arith.constant 0.000000e+00 : f32
        %neg3A_1696 = vector.broadcast %neg3A_1695 : f32 to vector<16xf32>
        %neg3A_1697 = arith.subf %neg3A_1696, %add3A_1694 : vector<16xf32>
        %add3A_1698 = arith.constant 320 : i32
        %add3A_1699 = arith.addi %mul3A_1099, %add3A_1698 : i32
        %swap3A_1700 = arith.index_cast %add3A_1699 : i32 to index
        %swap3A_1701 = tpu.vector_load %arg16[%swap3A_1700] {strides = array<i32>} : memref<5376xf32, #tpu.memory_space<vmem>>, vector<16xf32>,
        tpu.vector_store %arg16[%swap3A_1700], %neg3A_1697 {strides = array<i32>} : memref<5376xf32, #tpu.memory_space<vmem>>, vector<16xf32>,
      }
      %scan3A_112 = arith.constant 16 : i32
      %iota3A = tpu.iota {dimensions = array<i32: 0>} : vector<16xi32>
      %mul3A_113 = arith.constant 16 : i32
      %mul3A_114 = vector.broadcast %mul3A_113 : i32 to vector<16xi32>
      %mul3A_115 = arith.muli %iota3A, %mul3A_114 : vector<16xi32>
      %scan3A_116 = arith.constant 0 : i32
      %scan3A_117 = arith.constant 0 : i32
      %scan3A_118 = arith.constant 20 : i32
      %scan3A_119 = arith.addi %scan3A_117, %scan3A_118 : i32
      %scan3A_120 = arith.constant 2 : i32
      scf.for %scan3A_427 = %scan3A_117 to %scan3A_119 step %scan3A_120  : i32 {
        %mul3A_428 = arith.constant 256 : i32
        %mul3A_429 = arith.muli %scan3A_427, %mul3A_428 : i32
        %add3A_430 = vector.broadcast %mul3A_429 : i32 to vector<16xi32>
        %add3A_431 = arith.addi %mul3A_115, %add3A_430 : vector<16xi32>
        %gather3A_432 = tpu.vector_load_idx %arg16[%add3A_431] : memref<5376xf32, #tpu.memory_space<vmem>>[vector<16xi32>], vector<16xf32>,
        %mul3A_433 = arith.constant 256 : i32
        %mul3A_434 = arith.muli %scan3A_427, %mul3A_433 : i32
        %add3A_435 = arith.constant 1 : i32
        %add3A_436 = arith.addi %mul3A_434, %add3A_435 : i32
        %add3A_437 = vector.broadcast %add3A_436 : i32 to vector<16xi32>
        %add3A_438 = arith.addi %mul3A_115, %add3A_437 : vector<16xi32>
        %gather3A_439 = tpu.vector_load_idx %arg16[%add3A_438] : memref<5376xf32, #tpu.memory_space<vmem>>[vector<16xi32>], vector<16xf32>,
        %add3A_440 = arith.addf %gather3A_432, %gather3A_439 : vector<16xf32>
        %mul3A_441 = arith.constant 256 : i32
        %mul3A_442 = arith.muli %scan3A_427, %mul3A_441 : i32
        %add3A_443 = arith.constant 2 : i32
        %add3A_444 = arith.addi %mul3A_442, %add3A_443 : i32
        %add3A_445 = vector.broadcast %add3A_444 : i32 to vector<16xi32>
        %add3A_446 = arith.addi %mul3A_115, %add3A_445 : vector<16xi32>
        %gather3A_447 = tpu.vector_load_idx %arg16[%add3A_446] : memref<5376xf32, #tpu.memory_space<vmem>>[vector<16xi32>], vector<16xf32>,
        %add3A_448 = arith.addf %add3A_440, %gather3A_447 : vector<16xf32>
        %mul3A_449 = arith.constant 256 : i32
        %mul3A_450 = arith.muli %scan3A_427, %mul3A_449 : i32
        %add3A_451 = arith.constant 3 : i32
        %add3A_452 = arith.addi %mul3A_450, %add3A_451 : i32
        %add3A_453 = vector.broadcast %add3A_452 : i32 to vector<16xi32>
        %add3A_454 = arith.addi %mul3A_115, %add3A_453 : vector<16xi32>
        %gather3A_455 = tpu.vector_load_idx %arg16[%add3A_454] : memref<5376xf32, #tpu.memory_space<vmem>>[vector<16xi32>], vector<16xf32>,
        %add3A_456 = arith.addf %add3A_448, %gather3A_455 : vector<16xf32>
        %mul3A_457 = arith.constant 256 : i32
        %mul3A_458 = arith.muli %scan3A_427, %mul3A_457 : i32
        %add3A_459 = arith.constant 4 : i32
        %add3A_460 = arith.addi %mul3A_458, %add3A_459 : i32
        %add3A_461 = vector.broadcast %add3A_460 : i32 to vector<16xi32>
        %add3A_462 = arith.addi %mul3A_115, %add3A_461 : vector<16xi32>
        %gather3A_463 = tpu.vector_load_idx %arg16[%add3A_462] : memref<5376xf32, #tpu.memory_space<vmem>>[vector<16xi32>], vector<16xf32>,
        %add3A_464 = arith.addf %add3A_456, %gather3A_463 : vector<16xf32>
        %mul3A_465 = arith.constant 256 : i32
        %mul3A_466 = arith.muli %scan3A_427, %mul3A_465 : i32
        %add3A_467 = arith.constant 5 : i32
        %add3A_468 = arith.addi %mul3A_466, %add3A_467 : i32
        %add3A_469 = vector.broadcast %add3A_468 : i32 to vector<16xi32>
        %add3A_470 = arith.addi %mul3A_115, %add3A_469 : vector<16xi32>
        %gather3A_471 = tpu.vector_load_idx %arg16[%add3A_470] : memref<5376xf32, #tpu.memory_space<vmem>>[vector<16xi32>], vector<16xf32>,
        %add3A_472 = arith.addf %add3A_464, %gather3A_471 : vector<16xf32>
        %mul3A_473 = arith.constant 256 : i32
        %mul3A_474 = arith.muli %scan3A_427, %mul3A_473 : i32
        %add3A_475 = arith.constant 6 : i32
        %add3A_476 = arith.addi %mul3A_474, %add3A_475 : i32
        %add3A_477 = vector.broadcast %add3A_476 : i32 to vector<16xi32>
        %add3A_478 = arith.addi %mul3A_115, %add3A_477 : vector<16xi32>
        %gather3A_479 = tpu.vector_load_idx %arg16[%add3A_478] : memref<5376xf32, #tpu.memory_space<vmem>>[vector<16xi32>], vector<16xf32>,
        %add3A_480 = arith.addf %add3A_472, %gather3A_479 : vector<16xf32>
        %mul3A_481 = arith.constant 256 : i32
        %mul3A_482 = arith.muli %scan3A_427, %mul3A_481 : i32
        %add3A_483 = arith.constant 7 : i32
        %add3A_484 = arith.addi %mul3A_482, %add3A_483 : i32
        %add3A_485 = vector.broadcast %add3A_484 : i32 to vector<16xi32>
        %add3A_486 = arith.addi %mul3A_115, %add3A_485 : vector<16xi32>
        %gather3A_487 = tpu.vector_load_idx %arg16[%add3A_486] : memref<5376xf32, #tpu.memory_space<vmem>>[vector<16xi32>], vector<16xf32>,
        %add3A_488 = arith.addf %add3A_480, %gather3A_487 : vector<16xf32>
        %mul3A_489 = arith.constant 256 : i32
        %mul3A_490 = arith.muli %scan3A_427, %mul3A_489 : i32
        %add3A_491 = arith.constant 8 : i32
        %add3A_492 = arith.addi %mul3A_490, %add3A_491 : i32
        %add3A_493 = vector.broadcast %add3A_492 : i32 to vector<16xi32>
        %add3A_494 = arith.addi %mul3A_115, %add3A_493 : vector<16xi32>
        %gather3A_495 = tpu.vector_load_idx %arg16[%add3A_494] : memref<5376xf32, #tpu.memory_space<vmem>>[vector<16xi32>], vector<16xf32>,
        %add3A_496 = arith.addf %add3A_488, %gather3A_495 : vector<16xf32>
        %mul3A_497 = arith.constant 256 : i32
        %mul3A_498 = arith.muli %scan3A_427, %mul3A_497 : i32
        %add3A_499 = arith.constant 9 : i32
        %add3A_500 = arith.addi %mul3A_498, %add3A_499 : i32
        %add3A_501 = vector.broadcast %add3A_500 : i32 to vector<16xi32>
        %add3A_502 = arith.addi %mul3A_115, %add3A_501 : vector<16xi32>
        %gather3A_503 = tpu.vector_load_idx %arg16[%add3A_502] : memref<5376xf32, #tpu.memory_space<vmem>>[vector<16xi32>], vector<16xf32>,
        %add3A_504 = arith.addf %add3A_496, %gather3A_503 : vector<16xf32>
        %mul3A_505 = arith.constant 256 : i32
        %mul3A_506 = arith.muli %scan3A_427, %mul3A_505 : i32
        %add3A_507 = arith.constant 10 : i32
        %add3A_508 = arith.addi %mul3A_506, %add3A_507 : i32
        %add3A_509 = vector.broadcast %add3A_508 : i32 to vector<16xi32>
        %add3A_510 = arith.addi %mul3A_115, %add3A_509 : vector<16xi32>
        %gather3A_511 = tpu.vector_load_idx %arg16[%add3A_510] : memref<5376xf32, #tpu.memory_space<vmem>>[vector<16xi32>], vector<16xf32>,
        %add3A_512 = arith.addf %add3A_504, %gather3A_511 : vector<16xf32>
        %mul3A_513 = arith.constant 256 : i32
        %mul3A_514 = arith.muli %scan3A_427, %mul3A_513 : i32
        %add3A_515 = arith.constant 11 : i32
        %add3A_516 = arith.addi %mul3A_514, %add3A_515 : i32
        %add3A_517 = vector.broadcast %add3A_516 : i32 to vector<16xi32>
        %add3A_518 = arith.addi %mul3A_115, %add3A_517 : vector<16xi32>
        %gather3A_519 = tpu.vector_load_idx %arg16[%add3A_518] : memref<5376xf32, #tpu.memory_space<vmem>>[vector<16xi32>], vector<16xf32>,
        %add3A_520 = arith.addf %add3A_512, %gather3A_519 : vector<16xf32>
        %mul3A_521 = arith.constant 256 : i32
        %mul3A_522 = arith.muli %scan3A_427, %mul3A_521 : i32
        %add3A_523 = arith.constant 12 : i32
        %add3A_524 = arith.addi %mul3A_522, %add3A_523 : i32
        %add3A_525 = vector.broadcast %add3A_524 : i32 to vector<16xi32>
        %add3A_526 = arith.addi %mul3A_115, %add3A_525 : vector<16xi32>
        %gather3A_527 = tpu.vector_load_idx %arg16[%add3A_526] : memref<5376xf32, #tpu.memory_space<vmem>>[vector<16xi32>], vector<16xf32>,
        %add3A_528 = arith.addf %add3A_520, %gather3A_527 : vector<16xf32>
        %mul3A_529 = arith.constant 256 : i32
        %mul3A_530 = arith.muli %scan3A_427, %mul3A_529 : i32
        %add3A_531 = arith.constant 13 : i32
        %add3A_532 = arith.addi %mul3A_530, %add3A_531 : i32
        %add3A_533 = vector.broadcast %add3A_532 : i32 to vector<16xi32>
        %add3A_534 = arith.addi %mul3A_115, %add3A_533 : vector<16xi32>
        %gather3A_535 = tpu.vector_load_idx %arg16[%add3A_534] : memref<5376xf32, #tpu.memory_space<vmem>>[vector<16xi32>], vector<16xf32>,
        %add3A_536 = arith.addf %add3A_528, %gather3A_535 : vector<16xf32>
        %mul3A_537 = arith.constant 256 : i32
        %mul3A_538 = arith.muli %scan3A_427, %mul3A_537 : i32
        %add3A_539 = arith.constant 14 : i32
        %add3A_540 = arith.addi %mul3A_538, %add3A_539 : i32
        %add3A_541 = vector.broadcast %add3A_540 : i32 to vector<16xi32>
        %add3A_542 = arith.addi %mul3A_115, %add3A_541 : vector<16xi32>
        %gather3A_543 = tpu.vector_load_idx %arg16[%add3A_542] : memref<5376xf32, #tpu.memory_space<vmem>>[vector<16xi32>], vector<16xf32>,
        %add3A_544 = arith.addf %add3A_536, %gather3A_543 : vector<16xf32>
        %mul3A_545 = arith.constant 256 : i32
        %mul3A_546 = arith.muli %scan3A_427, %mul3A_545 : i32
        %add3A_547 = arith.constant 15 : i32
        %add3A_548 = arith.addi %mul3A_546, %add3A_547 : i32
        %add3A_549 = vector.broadcast %add3A_548 : i32 to vector<16xi32>
        %add3A_550 = arith.addi %mul3A_115, %add3A_549 : vector<16xi32>
        %gather3A_551 = tpu.vector_load_idx %arg16[%add3A_550] : memref<5376xf32, #tpu.memory_space<vmem>>[vector<16xi32>], vector<16xf32>,
        %add3A_552 = arith.addf %add3A_544, %gather3A_551 : vector<16xf32>
        %mul3A_553 = arith.constant 16 : i32
        %mul3A_554 = arith.muli %scan3A_427, %mul3A_553 : i32
        %swap3A_555 = arith.index_cast %mul3A_554 : i32 to index
        %swap3A_556 = tpu.vector_load %arg17[%swap3A_555] {strides = array<i32>} : memref<336xf32, #tpu.memory_space<vmem>>, vector<16xf32>,
        tpu.vector_store %arg17[%swap3A_555], %add3A_552 {strides = array<i32>} : memref<336xf32, #tpu.memory_space<vmem>>, vector<16xf32>,
        %scan3A_557 = arith.constant 1 : i32
        %scan3A_558 = arith.addi %scan3A_427, %scan3A_557 : i32
        %mul3A_559 = arith.constant 256 : i32
        %mul3A_560 = arith.muli %scan3A_558, %mul3A_559 : i32
        %add3A_561 = vector.broadcast %mul3A_560 : i32 to vector<16xi32>
        %add3A_562 = arith.addi %mul3A_115, %add3A_561 : vector<16xi32>
        %gather3A_563 = tpu.vector_load_idx %arg16[%add3A_562] : memref<5376xf32, #tpu.memory_space<vmem>>[vector<16xi32>], vector<16xf32>,
        %mul3A_564 = arith.constant 256 : i32
        %mul3A_565 = arith.muli %scan3A_558, %mul3A_564 : i32
        %add3A_566 = arith.constant 1 : i32
        %add3A_567 = arith.addi %mul3A_565, %add3A_566 : i32
        %add3A_568 = vector.broadcast %add3A_567 : i32 to vector<16xi32>
        %add3A_569 = arith.addi %mul3A_115, %add3A_568 : vector<16xi32>
        %gather3A_570 = tpu.vector_load_idx %arg16[%add3A_569] : memref<5376xf32, #tpu.memory_space<vmem>>[vector<16xi32>], vector<16xf32>,
        %add3A_571 = arith.addf %gather3A_563, %gather3A_570 : vector<16xf32>
        %mul3A_572 = arith.constant 256 : i32
        %mul3A_573 = arith.muli %scan3A_558, %mul3A_572 : i32
        %add3A_574 = arith.constant 2 : i32
        %add3A_575 = arith.addi %mul3A_573, %add3A_574 : i32
        %add3A_576 = vector.broadcast %add3A_575 : i32 to vector<16xi32>
        %add3A_577 = arith.addi %mul3A_115, %add3A_576 : vector<16xi32>
        %gather3A_578 = tpu.vector_load_idx %arg16[%add3A_577] : memref<5376xf32, #tpu.memory_space<vmem>>[vector<16xi32>], vector<16xf32>,
        %add3A_579 = arith.addf %add3A_571, %gather3A_578 : vector<16xf32>
        %mul3A_580 = arith.constant 256 : i32
        %mul3A_581 = arith.muli %scan3A_558, %mul3A_580 : i32
        %add3A_582 = arith.constant 3 : i32
        %add3A_583 = arith.addi %mul3A_581, %add3A_582 : i32
        %add3A_584 = vector.broadcast %add3A_583 : i32 to vector<16xi32>
        %add3A_585 = arith.addi %mul3A_115, %add3A_584 : vector<16xi32>
        %gather3A_586 = tpu.vector_load_idx %arg16[%add3A_585] : memref<5376xf32, #tpu.memory_space<vmem>>[vector<16xi32>], vector<16xf32>,
        %add3A_587 = arith.addf %add3A_579, %gather3A_586 : vector<16xf32>
        %mul3A_588 = arith.constant 256 : i32
        %mul3A_589 = arith.muli %scan3A_558, %mul3A_588 : i32
        %add3A_590 = arith.constant 4 : i32
        %add3A_591 = arith.addi %mul3A_589, %add3A_590 : i32
        %add3A_592 = vector.broadcast %add3A_591 : i32 to vector<16xi32>
        %add3A_593 = arith.addi %mul3A_115, %add3A_592 : vector<16xi32>
        %gather3A_594 = tpu.vector_load_idx %arg16[%add3A_593] : memref<5376xf32, #tpu.memory_space<vmem>>[vector<16xi32>], vector<16xf32>,
        %add3A_595 = arith.addf %add3A_587, %gather3A_594 : vector<16xf32>
        %mul3A_596 = arith.constant 256 : i32
        %mul3A_597 = arith.muli %scan3A_558, %mul3A_596 : i32
        %add3A_598 = arith.constant 5 : i32
        %add3A_599 = arith.addi %mul3A_597, %add3A_598 : i32
        %add3A_600 = vector.broadcast %add3A_599 : i32 to vector<16xi32>
        %add3A_601 = arith.addi %mul3A_115, %add3A_600 : vector<16xi32>
        %gather3A_602 = tpu.vector_load_idx %arg16[%add3A_601] : memref<5376xf32, #tpu.memory_space<vmem>>[vector<16xi32>], vector<16xf32>,
        %add3A_603 = arith.addf %add3A_595, %gather3A_602 : vector<16xf32>
        %mul3A_604 = arith.constant 256 : i32
        %mul3A_605 = arith.muli %scan3A_558, %mul3A_604 : i32
        %add3A_606 = arith.constant 6 : i32
        %add3A_607 = arith.addi %mul3A_605, %add3A_606 : i32
        %add3A_608 = vector.broadcast %add3A_607 : i32 to vector<16xi32>
        %add3A_609 = arith.addi %mul3A_115, %add3A_608 : vector<16xi32>
        %gather3A_610 = tpu.vector_load_idx %arg16[%add3A_609] : memref<5376xf32, #tpu.memory_space<vmem>>[vector<16xi32>], vector<16xf32>,
        %add3A_611 = arith.addf %add3A_603, %gather3A_610 : vector<16xf32>
        %mul3A_612 = arith.constant 256 : i32
        %mul3A_613 = arith.muli %scan3A_558, %mul3A_612 : i32
        %add3A_614 = arith.constant 7 : i32
        %add3A_615 = arith.addi %mul3A_613, %add3A_614 : i32
        %add3A_616 = vector.broadcast %add3A_615 : i32 to vector<16xi32>
        %add3A_617 = arith.addi %mul3A_115, %add3A_616 : vector<16xi32>
        %gather3A_618 = tpu.vector_load_idx %arg16[%add3A_617] : memref<5376xf32, #tpu.memory_space<vmem>>[vector<16xi32>], vector<16xf32>,
        %add3A_619 = arith.addf %add3A_611, %gather3A_618 : vector<16xf32>
        %mul3A_620 = arith.constant 256 : i32
        %mul3A_621 = arith.muli %scan3A_558, %mul3A_620 : i32
        %add3A_622 = arith.constant 8 : i32
        %add3A_623 = arith.addi %mul3A_621, %add3A_622 : i32
        %add3A_624 = vector.broadcast %add3A_623 : i32 to vector<16xi32>
        %add3A_625 = arith.addi %mul3A_115, %add3A_624 : vector<16xi32>
        %gather3A_626 = tpu.vector_load_idx %arg16[%add3A_625] : memref<5376xf32, #tpu.memory_space<vmem>>[vector<16xi32>], vector<16xf32>,
        %add3A_627 = arith.addf %add3A_619, %gather3A_626 : vector<16xf32>
        %mul3A_628 = arith.constant 256 : i32
        %mul3A_629 = arith.muli %scan3A_558, %mul3A_628 : i32
        %add3A_630 = arith.constant 9 : i32
        %add3A_631 = arith.addi %mul3A_629, %add3A_630 : i32
        %add3A_632 = vector.broadcast %add3A_631 : i32 to vector<16xi32>
        %add3A_633 = arith.addi %mul3A_115, %add3A_632 : vector<16xi32>
        %gather3A_634 = tpu.vector_load_idx %arg16[%add3A_633] : memref<5376xf32, #tpu.memory_space<vmem>>[vector<16xi32>], vector<16xf32>,
        %add3A_635 = arith.addf %add3A_627, %gather3A_634 : vector<16xf32>
        %mul3A_636 = arith.constant 256 : i32
        %mul3A_637 = arith.muli %scan3A_558, %mul3A_636 : i32
        %add3A_638 = arith.constant 10 : i32
        %add3A_639 = arith.addi %mul3A_637, %add3A_638 : i32
        %add3A_640 = vector.broadcast %add3A_639 : i32 to vector<16xi32>
        %add3A_641 = arith.addi %mul3A_115, %add3A_640 : vector<16xi32>
        %gather3A_642 = tpu.vector_load_idx %arg16[%add3A_641] : memref<5376xf32, #tpu.memory_space<vmem>>[vector<16xi32>], vector<16xf32>,
        %add3A_643 = arith.addf %add3A_635, %gather3A_642 : vector<16xf32>
        %mul3A_644 = arith.constant 256 : i32
        %mul3A_645 = arith.muli %scan3A_558, %mul3A_644 : i32
        %add3A_646 = arith.constant 11 : i32
        %add3A_647 = arith.addi %mul3A_645, %add3A_646 : i32
        %add3A_648 = vector.broadcast %add3A_647 : i32 to vector<16xi32>
        %add3A_649 = arith.addi %mul3A_115, %add3A_648 : vector<16xi32>
        %gather3A_650 = tpu.vector_load_idx %arg16[%add3A_649] : memref<5376xf32, #tpu.memory_space<vmem>>[vector<16xi32>], vector<16xf32>,
        %add3A_651 = arith.addf %add3A_643, %gather3A_650 : vector<16xf32>
        %mul3A_652 = arith.constant 256 : i32
        %mul3A_653 = arith.muli %scan3A_558, %mul3A_652 : i32
        %add3A_654 = arith.constant 12 : i32
        %add3A_655 = arith.addi %mul3A_653, %add3A_654 : i32
        %add3A_656 = vector.broadcast %add3A_655 : i32 to vector<16xi32>
        %add3A_657 = arith.addi %mul3A_115, %add3A_656 : vector<16xi32>
        %gather3A_658 = tpu.vector_load_idx %arg16[%add3A_657] : memref<5376xf32, #tpu.memory_space<vmem>>[vector<16xi32>], vector<16xf32>,
        %add3A_659 = arith.addf %add3A_651, %gather3A_658 : vector<16xf32>
        %mul3A_660 = arith.constant 256 : i32
        %mul3A_661 = arith.muli %scan3A_558, %mul3A_660 : i32
        %add3A_662 = arith.constant 13 : i32
        %add3A_663 = arith.addi %mul3A_661, %add3A_662 : i32
        %add3A_664 = vector.broadcast %add3A_663 : i32 to vector<16xi32>
        %add3A_665 = arith.addi %mul3A_115, %add3A_664 : vector<16xi32>
        %gather3A_666 = tpu.vector_load_idx %arg16[%add3A_665] : memref<5376xf32, #tpu.memory_space<vmem>>[vector<16xi32>], vector<16xf32>,
        %add3A_667 = arith.addf %add3A_659, %gather3A_666 : vector<16xf32>
        %mul3A_668 = arith.constant 256 : i32
        %mul3A_669 = arith.muli %scan3A_558, %mul3A_668 : i32
        %add3A_670 = arith.constant 14 : i32
        %add3A_671 = arith.addi %mul3A_669, %add3A_670 : i32
        %add3A_672 = vector.broadcast %add3A_671 : i32 to vector<16xi32>
        %add3A_673 = arith.addi %mul3A_115, %add3A_672 : vector<16xi32>
        %gather3A_674 = tpu.vector_load_idx %arg16[%add3A_673] : memref<5376xf32, #tpu.memory_space<vmem>>[vector<16xi32>], vector<16xf32>,
        %add3A_675 = arith.addf %add3A_667, %gather3A_674 : vector<16xf32>
        %mul3A_676 = arith.constant 256 : i32
        %mul3A_677 = arith.muli %scan3A_558, %mul3A_676 : i32
        %add3A_678 = arith.constant 15 : i32
        %add3A_679 = arith.addi %mul3A_677, %add3A_678 : i32
        %add3A_680 = vector.broadcast %add3A_679 : i32 to vector<16xi32>
        %add3A_681 = arith.addi %mul3A_115, %add3A_680 : vector<16xi32>
        %gather3A_682 = tpu.vector_load_idx %arg16[%add3A_681] : memref<5376xf32, #tpu.memory_space<vmem>>[vector<16xi32>], vector<16xf32>,
        %add3A_683 = arith.addf %add3A_675, %gather3A_682 : vector<16xf32>
        %mul3A_684 = arith.constant 16 : i32
        %mul3A_685 = arith.muli %scan3A_558, %mul3A_684 : i32
        %swap3A_686 = arith.index_cast %mul3A_685 : i32 to index
        %swap3A_687 = tpu.vector_load %arg17[%swap3A_686] {strides = array<i32>} : memref<336xf32, #tpu.memory_space<vmem>>, vector<16xf32>,
        tpu.vector_store %arg17[%swap3A_686], %add3A_683 {strides = array<i32>} : memref<336xf32, #tpu.memory_space<vmem>>, vector<16xf32>,
      }
      %scan3A_121 = arith.constant 20 : i32
      %scan3A_122 = arith.addi %scan3A_117, %scan3A_121 : i32
      %mul3A_123 = arith.constant 256 : i32
      %mul3A_124 = arith.muli %scan3A_122, %mul3A_123 : i32
      %add3A_125 = vector.broadcast %mul3A_124 : i32 to vector<16xi32>
      %add3A_126 = arith.addi %mul3A_115, %add3A_125 : vector<16xi32>
      %gather3A = tpu.vector_load_idx %arg16[%add3A_126] : memref<5376xf32, #tpu.memory_space<vmem>>[vector<16xi32>], vector<16xf32>,
      %mul3A_127 = arith.constant 256 : i32
      %mul3A_128 = arith.muli %scan3A_122, %mul3A_127 : i32
      %add3A_129 = arith.constant 1 : i32
      %add3A_130 = arith.addi %mul3A_128, %add3A_129 : i32
      %add3A_131 = vector.broadcast %add3A_130 : i32 to vector<16xi32>
      %add3A_132 = arith.addi %mul3A_115, %add3A_131 : vector<16xi32>
      %gather3A_133 = tpu.vector_load_idx %arg16[%add3A_132] : memref<5376xf32, #tpu.memory_space<vmem>>[vector<16xi32>], vector<16xf32>,
      %add3A_134 = arith.addf %gather3A, %gather3A_133 : vector<16xf32>
      %mul3A_135 = arith.constant 256 : i32
      %mul3A_136 = arith.muli %scan3A_122, %mul3A_135 : i32
      %add3A_137 = arith.constant 2 : i32
      %add3A_138 = arith.addi %mul3A_136, %add3A_137 : i32
      %add3A_139 = vector.broadcast %add3A_138 : i32 to vector<16xi32>
      %add3A_140 = arith.addi %mul3A_115, %add3A_139 : vector<16xi32>
      %gather3A_141 = tpu.vector_load_idx %arg16[%add3A_140] : memref<5376xf32, #tpu.memory_space<vmem>>[vector<16xi32>], vector<16xf32>,
      %add3A_142 = arith.addf %add3A_134, %gather3A_141 : vector<16xf32>
      %mul3A_143 = arith.constant 256 : i32
      %mul3A_144 = arith.muli %scan3A_122, %mul3A_143 : i32
      %add3A_145 = arith.constant 3 : i32
      %add3A_146 = arith.addi %mul3A_144, %add3A_145 : i32
      %add3A_147 = vector.broadcast %add3A_146 : i32 to vector<16xi32>
      %add3A_148 = arith.addi %mul3A_115, %add3A_147 : vector<16xi32>
      %gather3A_149 = tpu.vector_load_idx %arg16[%add3A_148] : memref<5376xf32, #tpu.memory_space<vmem>>[vector<16xi32>], vector<16xf32>,
      %add3A_150 = arith.addf %add3A_142, %gather3A_149 : vector<16xf32>
      %mul3A_151 = arith.constant 256 : i32
      %mul3A_152 = arith.muli %scan3A_122, %mul3A_151 : i32
      %add3A_153 = arith.constant 4 : i32
      %add3A_154 = arith.addi %mul3A_152, %add3A_153 : i32
      %add3A_155 = vector.broadcast %add3A_154 : i32 to vector<16xi32>
      %add3A_156 = arith.addi %mul3A_115, %add3A_155 : vector<16xi32>
      %gather3A_157 = tpu.vector_load_idx %arg16[%add3A_156] : memref<5376xf32, #tpu.memory_space<vmem>>[vector<16xi32>], vector<16xf32>,
      %add3A_158 = arith.addf %add3A_150, %gather3A_157 : vector<16xf32>
      %mul3A_159 = arith.constant 256 : i32
      %mul3A_160 = arith.muli %scan3A_122, %mul3A_159 : i32
      %add3A_161 = arith.constant 5 : i32
      %add3A_162 = arith.addi %mul3A_160, %add3A_161 : i32
      %add3A_163 = vector.broadcast %add3A_162 : i32 to vector<16xi32>
      %add3A_164 = arith.addi %mul3A_115, %add3A_163 : vector<16xi32>
      %gather3A_165 = tpu.vector_load_idx %arg16[%add3A_164] : memref<5376xf32, #tpu.memory_space<vmem>>[vector<16xi32>], vector<16xf32>,
      %add3A_166 = arith.addf %add3A_158, %gather3A_165 : vector<16xf32>
      %mul3A_167 = arith.constant 256 : i32
      %mul3A_168 = arith.muli %scan3A_122, %mul3A_167 : i32
      %add3A_169 = arith.constant 6 : i32
      %add3A_170 = arith.addi %mul3A_168, %add3A_169 : i32
      %add3A_171 = vector.broadcast %add3A_170 : i32 to vector<16xi32>
      %add3A_172 = arith.addi %mul3A_115, %add3A_171 : vector<16xi32>
      %gather3A_173 = tpu.vector_load_idx %arg16[%add3A_172] : memref<5376xf32, #tpu.memory_space<vmem>>[vector<16xi32>], vector<16xf32>,
      %add3A_174 = arith.addf %add3A_166, %gather3A_173 : vector<16xf32>
      %mul3A_175 = arith.constant 256 : i32
      %mul3A_176 = arith.muli %scan3A_122, %mul3A_175 : i32
      %add3A_177 = arith.constant 7 : i32
      %add3A_178 = arith.addi %mul3A_176, %add3A_177 : i32
      %add3A_179 = vector.broadcast %add3A_178 : i32 to vector<16xi32>
      %add3A_180 = arith.addi %mul3A_115, %add3A_179 : vector<16xi32>
      %gather3A_181 = tpu.vector_load_idx %arg16[%add3A_180] : memref<5376xf32, #tpu.memory_space<vmem>>[vector<16xi32>], vector<16xf32>,
      %add3A_182 = arith.addf %add3A_174, %gather3A_181 : vector<16xf32>
      %mul3A_183 = arith.constant 256 : i32
      %mul3A_184 = arith.muli %scan3A_122, %mul3A_183 : i32
      %add3A_185 = arith.constant 8 : i32
      %add3A_186 = arith.addi %mul3A_184, %add3A_185 : i32
      %add3A_187 = vector.broadcast %add3A_186 : i32 to vector<16xi32>
      %add3A_188 = arith.addi %mul3A_115, %add3A_187 : vector<16xi32>
      %gather3A_189 = tpu.vector_load_idx %arg16[%add3A_188] : memref<5376xf32, #tpu.memory_space<vmem>>[vector<16xi32>], vector<16xf32>,
      %add3A_190 = arith.addf %add3A_182, %gather3A_189 : vector<16xf32>
      %mul3A_191 = arith.constant 256 : i32
      %mul3A_192 = arith.muli %scan3A_122, %mul3A_191 : i32
      %add3A_193 = arith.constant 9 : i32
      %add3A_194 = arith.addi %mul3A_192, %add3A_193 : i32
      %add3A_195 = vector.broadcast %add3A_194 : i32 to vector<16xi32>
      %add3A_196 = arith.addi %mul3A_115, %add3A_195 : vector<16xi32>
      %gather3A_197 = tpu.vector_load_idx %arg16[%add3A_196] : memref<5376xf32, #tpu.memory_space<vmem>>[vector<16xi32>], vector<16xf32>,
      %add3A_198 = arith.addf %add3A_190, %gather3A_197 : vector<16xf32>
      %mul3A_199 = arith.constant 256 : i32
      %mul3A_200 = arith.muli %scan3A_122, %mul3A_199 : i32
      %add3A_201 = arith.constant 10 : i32
      %add3A_202 = arith.addi %mul3A_200, %add3A_201 : i32
      %add3A_203 = vector.broadcast %add3A_202 : i32 to vector<16xi32>
      %add3A_204 = arith.addi %mul3A_115, %add3A_203 : vector<16xi32>
      %gather3A_205 = tpu.vector_load_idx %arg16[%add3A_204] : memref<5376xf32, #tpu.memory_space<vmem>>[vector<16xi32>], vector<16xf32>,
      %add3A_206 = arith.addf %add3A_198, %gather3A_205 : vector<16xf32>
      %mul3A_207 = arith.constant 256 : i32
      %mul3A_208 = arith.muli %scan3A_122, %mul3A_207 : i32
      %add3A_209 = arith.constant 11 : i32
      %add3A_210 = arith.addi %mul3A_208, %add3A_209 : i32
      %add3A_211 = vector.broadcast %add3A_210 : i32 to vector<16xi32>
      %add3A_212 = arith.addi %mul3A_115, %add3A_211 : vector<16xi32>
      %gather3A_213 = tpu.vector_load_idx %arg16[%add3A_212] : memref<5376xf32, #tpu.memory_space<vmem>>[vector<16xi32>], vector<16xf32>,
      %add3A_214 = arith.addf %add3A_206, %gather3A_213 : vector<16xf32>
      %mul3A_215 = arith.constant 256 : i32
      %mul3A_216 = arith.muli %scan3A_122, %mul3A_215 : i32
      %add3A_217 = arith.constant 12 : i32
      %add3A_218 = arith.addi %mul3A_216, %add3A_217 : i32
      %add3A_219 = vector.broadcast %add3A_218 : i32 to vector<16xi32>
      %add3A_220 = arith.addi %mul3A_115, %add3A_219 : vector<16xi32>
      %gather3A_221 = tpu.vector_load_idx %arg16[%add3A_220] : memref<5376xf32, #tpu.memory_space<vmem>>[vector<16xi32>], vector<16xf32>,
      %add3A_222 = arith.addf %add3A_214, %gather3A_221 : vector<16xf32>
      %mul3A_223 = arith.constant 256 : i32
      %mul3A_224 = arith.muli %scan3A_122, %mul3A_223 : i32
      %add3A_225 = arith.constant 13 : i32
      %add3A_226 = arith.addi %mul3A_224, %add3A_225 : i32
      %add3A_227 = vector.broadcast %add3A_226 : i32 to vector<16xi32>
      %add3A_228 = arith.addi %mul3A_115, %add3A_227 : vector<16xi32>
      %gather3A_229 = tpu.vector_load_idx %arg16[%add3A_228] : memref<5376xf32, #tpu.memory_space<vmem>>[vector<16xi32>], vector<16xf32>,
      %add3A_230 = arith.addf %add3A_222, %gather3A_229 : vector<16xf32>
      %mul3A_231 = arith.constant 256 : i32
      %mul3A_232 = arith.muli %scan3A_122, %mul3A_231 : i32
      %add3A_233 = arith.constant 14 : i32
      %add3A_234 = arith.addi %mul3A_232, %add3A_233 : i32
      %add3A_235 = vector.broadcast %add3A_234 : i32 to vector<16xi32>
      %add3A_236 = arith.addi %mul3A_115, %add3A_235 : vector<16xi32>
      %gather3A_237 = tpu.vector_load_idx %arg16[%add3A_236] : memref<5376xf32, #tpu.memory_space<vmem>>[vector<16xi32>], vector<16xf32>,
      %add3A_238 = arith.addf %add3A_230, %gather3A_237 : vector<16xf32>
      %mul3A_239 = arith.constant 256 : i32
      %mul3A_240 = arith.muli %scan3A_122, %mul3A_239 : i32
      %add3A_241 = arith.constant 15 : i32
      %add3A_242 = arith.addi %mul3A_240, %add3A_241 : i32
      %add3A_243 = vector.broadcast %add3A_242 : i32 to vector<16xi32>
      %add3A_244 = arith.addi %mul3A_115, %add3A_243 : vector<16xi32>
      %gather3A_245 = tpu.vector_load_idx %arg16[%add3A_244] : memref<5376xf32, #tpu.memory_space<vmem>>[vector<16xi32>], vector<16xf32>,
      %add3A_246 = arith.addf %add3A_238, %gather3A_245 : vector<16xf32>
      %mul3A_247 = arith.constant 16 : i32
      %mul3A_248 = arith.muli %scan3A_122, %mul3A_247 : i32
      %swap3A = arith.index_cast %mul3A_248 : i32 to index
      %swap3A_249 = tpu.vector_load %arg17[%swap3A] {strides = array<i32>} : memref<336xf32, #tpu.memory_space<vmem>>, vector<16xf32>,
      tpu.vector_store %arg17[%swap3A], %add3A_246 {strides = array<i32>} : memref<336xf32, #tpu.memory_space<vmem>>, vector<16xf32>,
      %scan3A_250 = arith.constant 21 : i32
      %mul3A_251 = arith.constant 21 : i32
      %mul3A_252 = arith.muli %mul3A_2, %mul3A_251 : i32
      %mul3A_253 = arith.constant 336 : i32
      %mul3A_254 = arith.muli %mul3A_45, %mul3A_253 : i32
      %add3A_255 = arith.addi %mul3A_252, %mul3A_254 : i32
      "tpu.region"() ({
        %run_scoped3A = tpu.sem_alloc : memref<!tpu.dma_semaphore, #tpu.memory_space<semaphore_mem>>
        %dma_start3A_427 = tpu.memref_slice %arg6[%add3A_255] : memref<344064xf32, #tpu.memory_space<hbm>> -> memref<336xf32, #tpu.memory_space<hbm>>
        %dma_start3A_428 = tpu.memref_slice %arg6[%add3A_255] : memref<344064xf32, #tpu.memory_space<hbm>> -> memref<336xf32, #tpu.memory_space<hbm>>
        tpu.enqueue_dma source(%arg17 : memref<336xf32, #tpu.memory_space<vmem>>) target(%dma_start3A_428 : memref<336xf32, #tpu.memory_space<hbm>>) target_semaphore(%run_scoped3A : memref<!tpu.dma_semaphore, #tpu.memory_space<semaphore_mem>>)
        %dma_wait3A_429 = tpu.memref_slice %arg6[%add3A_255] : memref<344064xf32, #tpu.memory_space<hbm>> -> memref<336xf32, #tpu.memory_space<hbm>>
        %dma_wait3A_430 = tpu.memref_slice %arg6[%add3A_255] : memref<344064xf32, #tpu.memory_space<hbm>> -> memref<336xf32, #tpu.memory_space<hbm>>
        tpu.wait_dma2 semaphore(%run_scoped3A : memref<!tpu.dma_semaphore, #tpu.memory_space<semaphore_mem>>) src(%arg17 : memref<336xf32, #tpu.memory_space<vmem>>) dst(%dma_wait3A_430 : memref<336xf32, #tpu.memory_space<hbm>>)
        tpu.yield
      }) : () -> ()
      %lt3A = arith.constant 15 : i32
      %lt3A_256 = arith.cmpi slt, %scan3A_43, %lt3A : i32
      %convert_element_type3A = arith.extui %lt3A_256 : i1 to i32
      %cond3A = arith.constant 0 : i32
      %cond3A_257 = arith.cmpi ne, %convert_element_type3A, %cond3A : i32
      scf.if %cond3A_257 {
        %add3A_427 = arith.constant 2 : i32
        %add3A_428 = arith.addi %mul3A_45, %add3A_427 : i32
        %mul3A_429 = arith.constant 16 : i32
        %mul3A_430 = arith.muli %add3A_428, %mul3A_429 : i32
        %dma_start3A_431 = tpu.memref_slice %arg7[%mul3A_430] : memref<512xi32, #tpu.memory_space<vmem>> -> memref<16xi32, #tpu.memory_space<vmem>>
        %dma_start3A_432 = arith.constant 0 : i32
        %dma_start3A_433 = arith.constant 0 : i32
        %dma_start3A_434 = tpu.memref_slice %arg5[%dma_start3A_432, %dma_start3A_433] : memref<1000000x128xf32, #tpu.memory_space<hbm>> -> memref<1000000x128xf32, #tpu.memory_space<hbm>>
        tpu.enqueue_indirect_dma source(%dma_start3A_434 : memref<1000000x128xf32, #tpu.memory_space<hbm>>) target(%arg10 : memref<16x128xf32, #tpu.memory_space<vmem>>) offsets(%dma_start3A_431 : memref<16xi32, #tpu.memory_space<vmem>>) semaphore(%arg18 : memref<!tpu.dma_semaphore, #tpu.memory_space<semaphore_mem>>)
        %mul3A_435 = arith.constant 16 : i32
        %mul3A_436 = arith.muli %add3A_428, %mul3A_435 : i32
        %dma_start3A_437 = tpu.memref_slice %arg8[%mul3A_436] : memref<512xi32, #tpu.memory_space<vmem>> -> memref<16xi32, #tpu.memory_space<vmem>>
        %dma_start3A_438 = arith.constant 0 : i32
        %dma_start3A_439 = arith.constant 0 : i32
        %dma_start3A_440 = tpu.memref_slice %arg5[%dma_start3A_438, %dma_start3A_439] : memref<1000000x128xf32, #tpu.memory_space<hbm>> -> memref<1000000x128xf32, #tpu.memory_space<hbm>>
        tpu.enqueue_indirect_dma source(%dma_start3A_440 : memref<1000000x128xf32, #tpu.memory_space<hbm>>) target(%arg11 : memref<16x128xf32, #tpu.memory_space<vmem>>) offsets(%dma_start3A_437 : memref<16xi32, #tpu.memory_space<vmem>>) semaphore(%arg18 : memref<!tpu.dma_semaphore, #tpu.memory_space<semaphore_mem>>)
        %mul3A_441 = arith.constant 320 : i32
        %mul3A_442 = arith.muli %add3A_428, %mul3A_441 : i32
        %add3A_443 = arith.constant 0 : i32
        %add3A_444 = arith.addi %mul3A_442, %add3A_443 : i32
        %dma_start3A_445 = arith.constant 0 : i32
        %dma_start3A_446 = arith.constant 0 : i32
        %dma_start3A_447 = tpu.memref_slice %arg12[%dma_start3A_445, %dma_start3A_446] : memref<320x128xf32, #tpu.memory_space<vmem>> -> memref<128x128xf32, #tpu.memory_space<vmem>>
        %dma_start3A_448 = tpu.memref_slice %arg9[%add3A_444] : memref<10240xi32, #tpu.memory_space<vmem>> -> memref<128xi32, #tpu.memory_space<vmem>>
        %dma_start3A_449 = arith.constant 0 : i32
        %dma_start3A_450 = arith.constant 0 : i32
        %dma_start3A_451 = tpu.memref_slice %arg5[%dma_start3A_449, %dma_start3A_450] : memref<1000000x128xf32, #tpu.memory_space<hbm>> -> memref<1000000x128xf32, #tpu.memory_space<hbm>>
        tpu.enqueue_indirect_dma source(%dma_start3A_451 : memref<1000000x128xf32, #tpu.memory_space<hbm>>) target(%dma_start3A_447 : memref<128x128xf32, #tpu.memory_space<vmem>>) offsets(%dma_start3A_448 : memref<128xi32, #tpu.memory_space<vmem>>) semaphore(%arg18 : memref<!tpu.dma_semaphore, #tpu.memory_space<semaphore_mem>>)
        %mul3A_452 = arith.constant 320 : i32
        %mul3A_453 = arith.muli %add3A_428, %mul3A_452 : i32
        %add3A_454 = arith.constant 128 : i32
        %add3A_455 = arith.addi %mul3A_453, %add3A_454 : i32
        %dma_start3A_456 = arith.constant 128 : i32
        %dma_start3A_457 = arith.constant 0 : i32
        %dma_start3A_458 = tpu.memref_slice %arg12[%dma_start3A_456, %dma_start3A_457] : memref<320x128xf32, #tpu.memory_space<vmem>> -> memref<128x128xf32, #tpu.memory_space<vmem>>
        %dma_start3A_459 = tpu.memref_slice %arg9[%add3A_455] : memref<10240xi32, #tpu.memory_space<vmem>> -> memref<128xi32, #tpu.memory_space<vmem>>
        %dma_start3A_460 = arith.constant 0 : i32
        %dma_start3A_461 = arith.constant 0 : i32
        %dma_start3A_462 = tpu.memref_slice %arg5[%dma_start3A_460, %dma_start3A_461] : memref<1000000x128xf32, #tpu.memory_space<hbm>> -> memref<1000000x128xf32, #tpu.memory_space<hbm>>
        tpu.enqueue_indirect_dma source(%dma_start3A_462 : memref<1000000x128xf32, #tpu.memory_space<hbm>>) target(%dma_start3A_458 : memref<128x128xf32, #tpu.memory_space<vmem>>) offsets(%dma_start3A_459 : memref<128xi32, #tpu.memory_space<vmem>>) semaphore(%arg18 : memref<!tpu.dma_semaphore, #tpu.memory_space<semaphore_mem>>)
        %mul3A_463 = arith.constant 320 : i32
        %mul3A_464 = arith.muli %add3A_428, %mul3A_463 : i32
        %add3A_465 = arith.constant 256 : i32
        %add3A_466 = arith.addi %mul3A_464, %add3A_465 : i32
        %dma_start3A_467 = arith.constant 256 : i32
        %dma_start3A_468 = arith.constant 0 : i32
        %dma_start3A_469 = tpu.memref_slice %arg12[%dma_start3A_467, %dma_start3A_468] : memref<320x128xf32, #tpu.memory_space<vmem>> -> memref<64x128xf32, #tpu.memory_space<vmem>>
        %dma_start3A_470 = tpu.memref_slice %arg9[%add3A_466] : memref<10240xi32, #tpu.memory_space<vmem>> -> memref<64xi32, #tpu.memory_space<vmem>>
        %dma_start3A_471 = arith.constant 0 : i32
        %dma_start3A_472 = arith.constant 0 : i32
        %dma_start3A_473 = tpu.memref_slice %arg5[%dma_start3A_471, %dma_start3A_472] : memref<1000000x128xf32, #tpu.memory_space<hbm>> -> memref<1000000x128xf32, #tpu.memory_space<hbm>>
        tpu.enqueue_indirect_dma source(%dma_start3A_473 : memref<1000000x128xf32, #tpu.memory_space<hbm>>) target(%dma_start3A_469 : memref<64x128xf32, #tpu.memory_space<vmem>>) offsets(%dma_start3A_470 : memref<64xi32, #tpu.memory_space<vmem>>) semaphore(%arg18 : memref<!tpu.dma_semaphore, #tpu.memory_space<semaphore_mem>>)
      } else {
      }
      %dma_wait3A_258 = arith.constant 0 : i32
      %dma_wait3A_259 = tpu.memref_slice %arg7[%dma_wait3A_258] : memref<512xi32, #tpu.memory_space<vmem>> -> memref<16xi32, #tpu.memory_space<vmem>>
      %dma_wait3A_260 = arith.constant 0 : i32
      %dma_wait3A_261 = arith.constant 0 : i32
      %dma_wait3A_262 = tpu.memref_slice %arg5[%dma_wait3A_260, %dma_wait3A_261] : memref<1000000x128xf32, #tpu.memory_space<hbm>> -> memref<1000000x128xf32, #tpu.memory_space<hbm>>
      tpu.wait_indirect_dma semaphore(%arg19 : memref<!tpu.dma_semaphore, #tpu.memory_space<semaphore_mem>>) src(%dma_wait3A_262 : memref<1000000x128xf32, #tpu.memory_space<hbm>>) dst(%arg13 : memref<16x128xf32, #tpu.memory_space<vmem>>)
      %dma_wait3A_263 = arith.constant 0 : i32
      %dma_wait3A_264 = tpu.memref_slice %arg8[%dma_wait3A_263] : memref<512xi32, #tpu.memory_space<vmem>> -> memref<16xi32, #tpu.memory_space<vmem>>
      %dma_wait3A_265 = arith.constant 0 : i32
      %dma_wait3A_266 = arith.constant 0 : i32
      %dma_wait3A_267 = tpu.memref_slice %arg5[%dma_wait3A_265, %dma_wait3A_266] : memref<1000000x128xf32, #tpu.memory_space<hbm>> -> memref<1000000x128xf32, #tpu.memory_space<hbm>>
      tpu.wait_indirect_dma semaphore(%arg19 : memref<!tpu.dma_semaphore, #tpu.memory_space<semaphore_mem>>) src(%dma_wait3A_267 : memref<1000000x128xf32, #tpu.memory_space<hbm>>) dst(%arg14 : memref<16x128xf32, #tpu.memory_space<vmem>>)
      %dma_wait3A_268 = arith.constant 0 : i32
      %dma_wait3A_269 = tpu.memref_slice %arg9[%dma_wait3A_268] : memref<10240xi32, #tpu.memory_space<vmem>> -> memref<320xi32, #tpu.memory_space<vmem>>
      %dma_wait3A_270 = arith.constant 0 : i32
      %dma_wait3A_271 = arith.constant 0 : i32
      %dma_wait3A_272 = tpu.memref_slice %arg5[%dma_wait3A_270, %dma_wait3A_271] : memref<1000000x128xf32, #tpu.memory_space<hbm>> -> memref<1000000x128xf32, #tpu.memory_space<hbm>>
      tpu.wait_indirect_dma semaphore(%arg19 : memref<!tpu.dma_semaphore, #tpu.memory_space<semaphore_mem>>) src(%dma_wait3A_272 : memref<1000000x128xf32, #tpu.memory_space<hbm>>) dst(%arg15 : memref<320x128xf32, #tpu.memory_space<vmem>>)
      %add3A_273 = arith.constant 1 : i32
      %add3A_274 = arith.addi %mul3A_45, %add3A_273 : i32
      %scan3A_275 = arith.constant 0 : i32
      %scan3A_276 = arith.constant 0 : i32
      %scan3A_277 = arith.constant 16 : i32
      %scan3A_278 = arith.addi %scan3A_276, %scan3A_277 : i32
      %scan3A_279 = arith.constant 2 : i32
      scf.for %scan3A_427 = %scan3A_276 to %scan3A_278 step %scan3A_279  : i32 {
        %get3A = arith.index_cast %scan3A_427 : i32 to index
        %get3A_428 = arith.constant 0 : index
        %get3A_429 = tpu.vector_load %arg13[%get3A, %get3A_428] {strides = array<i32>} : memref<16x128xf32, #tpu.memory_space<vmem>>, vector<16xf32>,
        %get3A_430 = arith.index_cast %scan3A_427 : i32 to index
        %get3A_431 = arith.constant 16 : index
        %get3A_432 = tpu.vector_load %arg13[%get3A_430, %get3A_431] {strides = array<i32>} : memref<16x128xf32, #tpu.memory_space<vmem>>, vector<16xf32>,
        %get3A_433 = arith.index_cast %scan3A_427 : i32 to index
        %get3A_434 = arith.constant 32 : index
        %get3A_435 = tpu.vector_load %arg13[%get3A_433, %get3A_434] {strides = array<i32>} : memref<16x128xf32, #tpu.memory_space<vmem>>, vector<16xf32>,
        %get3A_436 = arith.index_cast %scan3A_427 : i32 to index
        %get3A_437 = arith.constant 48 : index
        %get3A_438 = tpu.vector_load %arg13[%get3A_436, %get3A_437] {strides = array<i32>} : memref<16x128xf32, #tpu.memory_space<vmem>>, vector<16xf32>,
        %get3A_439 = arith.index_cast %scan3A_427 : i32 to index
        %get3A_440 = arith.constant 64 : index
        %get3A_441 = tpu.vector_load %arg14[%get3A_439, %get3A_440] {strides = array<i32>} : memref<16x128xf32, #tpu.memory_space<vmem>>, vector<16xf32>,
        %mul3A_442 = arith.mulf %get3A_429, %get3A_441 : vector<16xf32>
        %get3A_443 = arith.index_cast %scan3A_427 : i32 to index
        %get3A_444 = arith.constant 80 : index
        %get3A_445 = tpu.vector_load %arg14[%get3A_443, %get3A_444] {strides = array<i32>} : memref<16x128xf32, #tpu.memory_space<vmem>>, vector<16xf32>,
        %mul3A_446 = arith.mulf %get3A_432, %get3A_445 : vector<16xf32>
        %add3A_447 = arith.addf %mul3A_442, %mul3A_446 : vector<16xf32>
        %get3A_448 = arith.index_cast %scan3A_427 : i32 to index
        %get3A_449 = arith.constant 96 : index
        %get3A_450 = tpu.vector_load %arg14[%get3A_448, %get3A_449] {strides = array<i32>} : memref<16x128xf32, #tpu.memory_space<vmem>>, vector<16xf32>,
        %mul3A_451 = arith.mulf %get3A_435, %get3A_450 : vector<16xf32>
        %add3A_452 = arith.addf %add3A_447, %mul3A_451 : vector<16xf32>
        %get3A_453 = arith.index_cast %scan3A_427 : i32 to index
        %get3A_454 = arith.constant 112 : index
        %get3A_455 = tpu.vector_load %arg14[%get3A_453, %get3A_454] {strides = array<i32>} : memref<16x128xf32, #tpu.memory_space<vmem>>, vector<16xf32>,
        %mul3A_456 = arith.mulf %get3A_438, %get3A_455 : vector<16xf32>
        %add3A_457 = arith.addf %add3A_452, %mul3A_456 : vector<16xf32>
        %mul3A_458 = arith.constant 21 : i32
        %mul3A_459 = arith.muli %scan3A_427, %mul3A_458 : i32
        %mul3A_460 = arith.constant 16 : i32
        %mul3A_461 = arith.muli %mul3A_459, %mul3A_460 : i32
        %swap3A_462 = arith.index_cast %mul3A_461 : i32 to index
        %swap3A_463 = tpu.vector_load %arg16[%swap3A_462] {strides = array<i32>} : memref<5376xf32, #tpu.memory_space<vmem>>, vector<16xf32>,
        tpu.vector_store %arg16[%swap3A_462], %add3A_457 {strides = array<i32>} : memref<5376xf32, #tpu.memory_space<vmem>>, vector<16xf32>,
        %mul3A_464 = arith.constant 20 : i32
        %mul3A_465 = arith.muli %scan3A_427, %mul3A_464 : i32
        %add3A_466 = arith.constant 0 : i32
        %add3A_467 = arith.addi %mul3A_465, %add3A_466 : i32
        %get3A_468 = arith.index_cast %add3A_467 : i32 to index
        %get3A_469 = arith.constant 64 : index
        %get3A_470 = tpu.vector_load %arg15[%get3A_468, %get3A_469] {strides = array<i32>} : memref<320x128xf32, #tpu.memory_space<vmem>>, vector<16xf32>,
        %mul3A_471 = arith.mulf %get3A_429, %get3A_470 : vector<16xf32>
        %get3A_472 = arith.index_cast %add3A_467 : i32 to index
        %get3A_473 = arith.constant 80 : index
        %get3A_474 = tpu.vector_load %arg15[%get3A_472, %get3A_473] {strides = array<i32>} : memref<320x128xf32, #tpu.memory_space<vmem>>, vector<16xf32>,
        %mul3A_475 = arith.mulf %get3A_432, %get3A_474 : vector<16xf32>
        %add3A_476 = arith.addf %mul3A_471, %mul3A_475 : vector<16xf32>
        %get3A_477 = arith.index_cast %add3A_467 : i32 to index
        %get3A_478 = arith.constant 96 : index
        %get3A_479 = tpu.vector_load %arg15[%get3A_477, %get3A_478] {strides = array<i32>} : memref<320x128xf32, #tpu.memory_space<vmem>>, vector<16xf32>,
        %mul3A_480 = arith.mulf %get3A_435, %get3A_479 : vector<16xf32>
        %add3A_481 = arith.addf %add3A_476, %mul3A_480 : vector<16xf32>
        %get3A_482 = arith.index_cast %add3A_467 : i32 to index
        %get3A_483 = arith.constant 112 : index
        %get3A_484 = tpu.vector_load %arg15[%get3A_482, %get3A_483] {strides = array<i32>} : memref<320x128xf32, #tpu.memory_space<vmem>>, vector<16xf32>,
        %mul3A_485 = arith.mulf %get3A_438, %get3A_484 : vector<16xf32>
        %add3A_486 = arith.addf %add3A_481, %mul3A_485 : vector<16xf32>
        %neg3A = arith.constant 0.000000e+00 : f32
        %neg3A_487 = vector.broadcast %neg3A : f32 to vector<16xf32>
        %neg3A_488 = arith.subf %neg3A_487, %add3A_486 : vector<16xf32>
        %add3A_489 = arith.constant 16 : i32
        %add3A_490 = arith.addi %mul3A_461, %add3A_489 : i32
        %swap3A_491 = arith.index_cast %add3A_490 : i32 to index
        %swap3A_492 = tpu.vector_load %arg16[%swap3A_491] {strides = array<i32>} : memref<5376xf32, #tpu.memory_space<vmem>>, vector<16xf32>,
        tpu.vector_store %arg16[%swap3A_491], %neg3A_488 {strides = array<i32>} : memref<5376xf32, #tpu.memory_space<vmem>>, vector<16xf32>,
        %mul3A_493 = arith.constant 20 : i32
        %mul3A_494 = arith.muli %scan3A_427, %mul3A_493 : i32
        %add3A_495 = arith.constant 1 : i32
        %add3A_496 = arith.addi %mul3A_494, %add3A_495 : i32
        %get3A_497 = arith.index_cast %add3A_496 : i32 to index
        %get3A_498 = arith.constant 64 : index
        %get3A_499 = tpu.vector_load %arg15[%get3A_497, %get3A_498] {strides = array<i32>} : memref<320x128xf32, #tpu.memory_space<vmem>>, vector<16xf32>,
        %mul3A_500 = arith.mulf %get3A_429, %get3A_499 : vector<16xf32>
        %get3A_501 = arith.index_cast %add3A_496 : i32 to index
        %get3A_502 = arith.constant 80 : index
        %get3A_503 = tpu.vector_load %arg15[%get3A_501, %get3A_502] {strides = array<i32>} : memref<320x128xf32, #tpu.memory_space<vmem>>, vector<16xf32>,
        %mul3A_504 = arith.mulf %get3A_432, %get3A_503 : vector<16xf32>
        %add3A_505 = arith.addf %mul3A_500, %mul3A_504 : vector<16xf32>
        %get3A_506 = arith.index_cast %add3A_496 : i32 to index
        %get3A_507 = arith.constant 96 : index
        %get3A_508 = tpu.vector_load %arg15[%get3A_506, %get3A_507] {strides = array<i32>} : memref<320x128xf32, #tpu.memory_space<vmem>>, vector<16xf32>,
        %mul3A_509 = arith.mulf %get3A_435, %get3A_508 : vector<16xf32>
        %add3A_510 = arith.addf %add3A_505, %mul3A_509 : vector<16xf32>
        %get3A_511 = arith.index_cast %add3A_496 : i32 to index
        %get3A_512 = arith.constant 112 : index
        %get3A_513 = tpu.vector_load %arg15[%get3A_511, %get3A_512] {strides = array<i32>} : memref<320x128xf32, #tpu.memory_space<vmem>>, vector<16xf32>,
        %mul3A_514 = arith.mulf %get3A_438, %get3A_513 : vector<16xf32>
        %add3A_515 = arith.addf %add3A_510, %mul3A_514 : vector<16xf32>
        %neg3A_516 = arith.constant 0.000000e+00 : f32
        %neg3A_517 = vector.broadcast %neg3A_516 : f32 to vector<16xf32>
        %neg3A_518 = arith.subf %neg3A_517, %add3A_515 : vector<16xf32>
        %add3A_519 = arith.constant 32 : i32
        %add3A_520 = arith.addi %mul3A_461, %add3A_519 : i32
        %swap3A_521 = arith.index_cast %add3A_520 : i32 to index
        %swap3A_522 = tpu.vector_load %arg16[%swap3A_521] {strides = array<i32>} : memref<5376xf32, #tpu.memory_space<vmem>>, vector<16xf32>,
        tpu.vector_store %arg16[%swap3A_521], %neg3A_518 {strides = array<i32>} : memref<5376xf32, #tpu.memory_space<vmem>>, vector<16xf32>,
        %mul3A_523 = arith.constant 20 : i32
        %mul3A_524 = arith.muli %scan3A_427, %mul3A_523 : i32
        %add3A_525 = arith.constant 2 : i32
        %add3A_526 = arith.addi %mul3A_524, %add3A_525 : i32
        %get3A_527 = arith.index_cast %add3A_526 : i32 to index
        %get3A_528 = arith.constant 64 : index
        %get3A_529 = tpu.vector_load %arg15[%get3A_527, %get3A_528] {strides = array<i32>} : memref<320x128xf32, #tpu.memory_space<vmem>>, vector<16xf32>,
        %mul3A_530 = arith.mulf %get3A_429, %get3A_529 : vector<16xf32>
        %get3A_531 = arith.index_cast %add3A_526 : i32 to index
        %get3A_532 = arith.constant 80 : index
        %get3A_533 = tpu.vector_load %arg15[%get3A_531, %get3A_532] {strides = array<i32>} : memref<320x128xf32, #tpu.memory_space<vmem>>, vector<16xf32>,
        %mul3A_534 = arith.mulf %get3A_432, %get3A_533 : vector<16xf32>
        %add3A_535 = arith.addf %mul3A_530, %mul3A_534 : vector<16xf32>
        %get3A_536 = arith.index_cast %add3A_526 : i32 to index
        %get3A_537 = arith.constant 96 : index
        %get3A_538 = tpu.vector_load %arg15[%get3A_536, %get3A_537] {strides = array<i32>} : memref<320x128xf32, #tpu.memory_space<vmem>>, vector<16xf32>,
        %mul3A_539 = arith.mulf %get3A_435, %get3A_538 : vector<16xf32>
        %add3A_540 = arith.addf %add3A_535, %mul3A_539 : vector<16xf32>
        %get3A_541 = arith.index_cast %add3A_526 : i32 to index
        %get3A_542 = arith.constant 112 : index
        %get3A_543 = tpu.vector_load %arg15[%get3A_541, %get3A_542] {strides = array<i32>} : memref<320x128xf32, #tpu.memory_space<vmem>>, vector<16xf32>,
        %mul3A_544 = arith.mulf %get3A_438, %get3A_543 : vector<16xf32>
        %add3A_545 = arith.addf %add3A_540, %mul3A_544 : vector<16xf32>
        %neg3A_546 = arith.constant 0.000000e+00 : f32
        %neg3A_547 = vector.broadcast %neg3A_546 : f32 to vector<16xf32>
        %neg3A_548 = arith.subf %neg3A_547, %add3A_545 : vector<16xf32>
        %add3A_549 = arith.constant 48 : i32
        %add3A_550 = arith.addi %mul3A_461, %add3A_549 : i32
        %swap3A_551 = arith.index_cast %add3A_550 : i32 to index
        %swap3A_552 = tpu.vector_load %arg16[%swap3A_551] {strides = array<i32>} : memref<5376xf32, #tpu.memory_space<vmem>>, vector<16xf32>,
        tpu.vector_store %arg16[%swap3A_551], %neg3A_548 {strides = array<i32>} : memref<5376xf32, #tpu.memory_space<vmem>>, vector<16xf32>,
        %mul3A_553 = arith.constant 20 : i32
        %mul3A_554 = arith.muli %scan3A_427, %mul3A_553 : i32
        %add3A_555 = arith.constant 3 : i32
        %add3A_556 = arith.addi %mul3A_554, %add3A_555 : i32
        %get3A_557 = arith.index_cast %add3A_556 : i32 to index
        %get3A_558 = arith.constant 64 : index
        %get3A_559 = tpu.vector_load %arg15[%get3A_557, %get3A_558] {strides = array<i32>} : memref<320x128xf32, #tpu.memory_space<vmem>>, vector<16xf32>,
        %mul3A_560 = arith.mulf %get3A_429, %get3A_559 : vector<16xf32>
        %get3A_561 = arith.index_cast %add3A_556 : i32 to index
        %get3A_562 = arith.constant 80 : index
        %get3A_563 = tpu.vector_load %arg15[%get3A_561, %get3A_562] {strides = array<i32>} : memref<320x128xf32, #tpu.memory_space<vmem>>, vector<16xf32>,
        %mul3A_564 = arith.mulf %get3A_432, %get3A_563 : vector<16xf32>
        %add3A_565 = arith.addf %mul3A_560, %mul3A_564 : vector<16xf32>
        %get3A_566 = arith.index_cast %add3A_556 : i32 to index
        %get3A_567 = arith.constant 96 : index
        %get3A_568 = tpu.vector_load %arg15[%get3A_566, %get3A_567] {strides = array<i32>} : memref<320x128xf32, #tpu.memory_space<vmem>>, vector<16xf32>,
        %mul3A_569 = arith.mulf %get3A_435, %get3A_568 : vector<16xf32>
        %add3A_570 = arith.addf %add3A_565, %mul3A_569 : vector<16xf32>
        %get3A_571 = arith.index_cast %add3A_556 : i32 to index
        %get3A_572 = arith.constant 112 : index
        %get3A_573 = tpu.vector_load %arg15[%get3A_571, %get3A_572] {strides = array<i32>} : memref<320x128xf32, #tpu.memory_space<vmem>>, vector<16xf32>,
        %mul3A_574 = arith.mulf %get3A_438, %get3A_573 : vector<16xf32>
        %add3A_575 = arith.addf %add3A_570, %mul3A_574 : vector<16xf32>
        %neg3A_576 = arith.constant 0.000000e+00 : f32
        %neg3A_577 = vector.broadcast %neg3A_576 : f32 to vector<16xf32>
        %neg3A_578 = arith.subf %neg3A_577, %add3A_575 : vector<16xf32>
        %add3A_579 = arith.constant 64 : i32
        %add3A_580 = arith.addi %mul3A_461, %add3A_579 : i32
        %swap3A_581 = arith.index_cast %add3A_580 : i32 to index
        %swap3A_582 = tpu.vector_load %arg16[%swap3A_581] {strides = array<i32>} : memref<5376xf32, #tpu.memory_space<vmem>>, vector<16xf32>,
        tpu.vector_store %arg16[%swap3A_581], %neg3A_578 {strides = array<i32>} : memref<5376xf32, #tpu.memory_space<vmem>>, vector<16xf32>,
        %mul3A_583 = arith.constant 20 : i32
        %mul3A_584 = arith.muli %scan3A_427, %mul3A_583 : i32
        %add3A_585 = arith.constant 4 : i32
        %add3A_586 = arith.addi %mul3A_584, %add3A_585 : i32
        %get3A_587 = arith.index_cast %add3A_586 : i32 to index
        %get3A_588 = arith.constant 64 : index
        %get3A_589 = tpu.vector_load %arg15[%get3A_587, %get3A_588] {strides = array<i32>} : memref<320x128xf32, #tpu.memory_space<vmem>>, vector<16xf32>,
        %mul3A_590 = arith.mulf %get3A_429, %get3A_589 : vector<16xf32>
        %get3A_591 = arith.index_cast %add3A_586 : i32 to index
        %get3A_592 = arith.constant 80 : index
        %get3A_593 = tpu.vector_load %arg15[%get3A_591, %get3A_592] {strides = array<i32>} : memref<320x128xf32, #tpu.memory_space<vmem>>, vector<16xf32>,
        %mul3A_594 = arith.mulf %get3A_432, %get3A_593 : vector<16xf32>
        %add3A_595 = arith.addf %mul3A_590, %mul3A_594 : vector<16xf32>
        %get3A_596 = arith.index_cast %add3A_586 : i32 to index
        %get3A_597 = arith.constant 96 : index
        %get3A_598 = tpu.vector_load %arg15[%get3A_596, %get3A_597] {strides = array<i32>} : memref<320x128xf32, #tpu.memory_space<vmem>>, vector<16xf32>,
        %mul3A_599 = arith.mulf %get3A_435, %get3A_598 : vector<16xf32>
        %add3A_600 = arith.addf %add3A_595, %mul3A_599 : vector<16xf32>
        %get3A_601 = arith.index_cast %add3A_586 : i32 to index
        %get3A_602 = arith.constant 112 : index
        %get3A_603 = tpu.vector_load %arg15[%get3A_601, %get3A_602] {strides = array<i32>} : memref<320x128xf32, #tpu.memory_space<vmem>>, vector<16xf32>,
        %mul3A_604 = arith.mulf %get3A_438, %get3A_603 : vector<16xf32>
        %add3A_605 = arith.addf %add3A_600, %mul3A_604 : vector<16xf32>
        %neg3A_606 = arith.constant 0.000000e+00 : f32
        %neg3A_607 = vector.broadcast %neg3A_606 : f32 to vector<16xf32>
        %neg3A_608 = arith.subf %neg3A_607, %add3A_605 : vector<16xf32>
        %add3A_609 = arith.constant 80 : i32
        %add3A_610 = arith.addi %mul3A_461, %add3A_609 : i32
        %swap3A_611 = arith.index_cast %add3A_610 : i32 to index
        %swap3A_612 = tpu.vector_load %arg16[%swap3A_611] {strides = array<i32>} : memref<5376xf32, #tpu.memory_space<vmem>>, vector<16xf32>,
        tpu.vector_store %arg16[%swap3A_611], %neg3A_608 {strides = array<i32>} : memref<5376xf32, #tpu.memory_space<vmem>>, vector<16xf32>,
        %mul3A_613 = arith.constant 20 : i32
        %mul3A_614 = arith.muli %scan3A_427, %mul3A_613 : i32
        %add3A_615 = arith.constant 5 : i32
        %add3A_616 = arith.addi %mul3A_614, %add3A_615 : i32
        %get3A_617 = arith.index_cast %add3A_616 : i32 to index
        %get3A_618 = arith.constant 64 : index
        %get3A_619 = tpu.vector_load %arg15[%get3A_617, %get3A_618] {strides = array<i32>} : memref<320x128xf32, #tpu.memory_space<vmem>>, vector<16xf32>,
        %mul3A_620 = arith.mulf %get3A_429, %get3A_619 : vector<16xf32>
        %get3A_621 = arith.index_cast %add3A_616 : i32 to index
        %get3A_622 = arith.constant 80 : index
        %get3A_623 = tpu.vector_load %arg15[%get3A_621, %get3A_622] {strides = array<i32>} : memref<320x128xf32, #tpu.memory_space<vmem>>, vector<16xf32>,
        %mul3A_624 = arith.mulf %get3A_432, %get3A_623 : vector<16xf32>
        %add3A_625 = arith.addf %mul3A_620, %mul3A_624 : vector<16xf32>
        %get3A_626 = arith.index_cast %add3A_616 : i32 to index
        %get3A_627 = arith.constant 96 : index
        %get3A_628 = tpu.vector_load %arg15[%get3A_626, %get3A_627] {strides = array<i32>} : memref<320x128xf32, #tpu.memory_space<vmem>>, vector<16xf32>,
        %mul3A_629 = arith.mulf %get3A_435, %get3A_628 : vector<16xf32>
        %add3A_630 = arith.addf %add3A_625, %mul3A_629 : vector<16xf32>
        %get3A_631 = arith.index_cast %add3A_616 : i32 to index
        %get3A_632 = arith.constant 112 : index
        %get3A_633 = tpu.vector_load %arg15[%get3A_631, %get3A_632] {strides = array<i32>} : memref<320x128xf32, #tpu.memory_space<vmem>>, vector<16xf32>,
        %mul3A_634 = arith.mulf %get3A_438, %get3A_633 : vector<16xf32>
        %add3A_635 = arith.addf %add3A_630, %mul3A_634 : vector<16xf32>
        %neg3A_636 = arith.constant 0.000000e+00 : f32
        %neg3A_637 = vector.broadcast %neg3A_636 : f32 to vector<16xf32>
        %neg3A_638 = arith.subf %neg3A_637, %add3A_635 : vector<16xf32>
        %add3A_639 = arith.constant 96 : i32
        %add3A_640 = arith.addi %mul3A_461, %add3A_639 : i32
        %swap3A_641 = arith.index_cast %add3A_640 : i32 to index
        %swap3A_642 = tpu.vector_load %arg16[%swap3A_641] {strides = array<i32>} : memref<5376xf32, #tpu.memory_space<vmem>>, vector<16xf32>,
        tpu.vector_store %arg16[%swap3A_641], %neg3A_638 {strides = array<i32>} : memref<5376xf32, #tpu.memory_space<vmem>>, vector<16xf32>,
        %mul3A_643 = arith.constant 20 : i32
        %mul3A_644 = arith.muli %scan3A_427, %mul3A_643 : i32
        %add3A_645 = arith.constant 6 : i32
        %add3A_646 = arith.addi %mul3A_644, %add3A_645 : i32
        %get3A_647 = arith.index_cast %add3A_646 : i32 to index
        %get3A_648 = arith.constant 64 : index
        %get3A_649 = tpu.vector_load %arg15[%get3A_647, %get3A_648] {strides = array<i32>} : memref<320x128xf32, #tpu.memory_space<vmem>>, vector<16xf32>,
        %mul3A_650 = arith.mulf %get3A_429, %get3A_649 : vector<16xf32>
        %get3A_651 = arith.index_cast %add3A_646 : i32 to index
        %get3A_652 = arith.constant 80 : index
        %get3A_653 = tpu.vector_load %arg15[%get3A_651, %get3A_652] {strides = array<i32>} : memref<320x128xf32, #tpu.memory_space<vmem>>, vector<16xf32>,
        %mul3A_654 = arith.mulf %get3A_432, %get3A_653 : vector<16xf32>
        %add3A_655 = arith.addf %mul3A_650, %mul3A_654 : vector<16xf32>
        %get3A_656 = arith.index_cast %add3A_646 : i32 to index
        %get3A_657 = arith.constant 96 : index
        %get3A_658 = tpu.vector_load %arg15[%get3A_656, %get3A_657] {strides = array<i32>} : memref<320x128xf32, #tpu.memory_space<vmem>>, vector<16xf32>,
        %mul3A_659 = arith.mulf %get3A_435, %get3A_658 : vector<16xf32>
        %add3A_660 = arith.addf %add3A_655, %mul3A_659 : vector<16xf32>
        %get3A_661 = arith.index_cast %add3A_646 : i32 to index
        %get3A_662 = arith.constant 112 : index
        %get3A_663 = tpu.vector_load %arg15[%get3A_661, %get3A_662] {strides = array<i32>} : memref<320x128xf32, #tpu.memory_space<vmem>>, vector<16xf32>,
        %mul3A_664 = arith.mulf %get3A_438, %get3A_663 : vector<16xf32>
        %add3A_665 = arith.addf %add3A_660, %mul3A_664 : vector<16xf32>
        %neg3A_666 = arith.constant 0.000000e+00 : f32
        %neg3A_667 = vector.broadcast %neg3A_666 : f32 to vector<16xf32>
        %neg3A_668 = arith.subf %neg3A_667, %add3A_665 : vector<16xf32>
        %add3A_669 = arith.constant 112 : i32
        %add3A_670 = arith.addi %mul3A_461, %add3A_669 : i32
        %swap3A_671 = arith.index_cast %add3A_670 : i32 to index
        %swap3A_672 = tpu.vector_load %arg16[%swap3A_671] {strides = array<i32>} : memref<5376xf32, #tpu.memory_space<vmem>>, vector<16xf32>,
        tpu.vector_store %arg16[%swap3A_671], %neg3A_668 {strides = array<i32>} : memref<5376xf32, #tpu.memory_space<vmem>>, vector<16xf32>,
        %mul3A_673 = arith.constant 20 : i32
        %mul3A_674 = arith.muli %scan3A_427, %mul3A_673 : i32
        %add3A_675 = arith.constant 7 : i32
        %add3A_676 = arith.addi %mul3A_674, %add3A_675 : i32
        %get3A_677 = arith.index_cast %add3A_676 : i32 to index
        %get3A_678 = arith.constant 64 : index
        %get3A_679 = tpu.vector_load %arg15[%get3A_677, %get3A_678] {strides = array<i32>} : memref<320x128xf32, #tpu.memory_space<vmem>>, vector<16xf32>,
        %mul3A_680 = arith.mulf %get3A_429, %get3A_679 : vector<16xf32>
        %get3A_681 = arith.index_cast %add3A_676 : i32 to index
        %get3A_682 = arith.constant 80 : index
        %get3A_683 = tpu.vector_load %arg15[%get3A_681, %get3A_682] {strides = array<i32>} : memref<320x128xf32, #tpu.memory_space<vmem>>, vector<16xf32>,
        %mul3A_684 = arith.mulf %get3A_432, %get3A_683 : vector<16xf32>
        %add3A_685 = arith.addf %mul3A_680, %mul3A_684 : vector<16xf32>
        %get3A_686 = arith.index_cast %add3A_676 : i32 to index
        %get3A_687 = arith.constant 96 : index
        %get3A_688 = tpu.vector_load %arg15[%get3A_686, %get3A_687] {strides = array<i32>} : memref<320x128xf32, #tpu.memory_space<vmem>>, vector<16xf32>,
        %mul3A_689 = arith.mulf %get3A_435, %get3A_688 : vector<16xf32>
        %add3A_690 = arith.addf %add3A_685, %mul3A_689 : vector<16xf32>
        %get3A_691 = arith.index_cast %add3A_676 : i32 to index
        %get3A_692 = arith.constant 112 : index
        %get3A_693 = tpu.vector_load %arg15[%get3A_691, %get3A_692] {strides = array<i32>} : memref<320x128xf32, #tpu.memory_space<vmem>>, vector<16xf32>,
        %mul3A_694 = arith.mulf %get3A_438, %get3A_693 : vector<16xf32>
        %add3A_695 = arith.addf %add3A_690, %mul3A_694 : vector<16xf32>
        %neg3A_696 = arith.constant 0.000000e+00 : f32
        %neg3A_697 = vector.broadcast %neg3A_696 : f32 to vector<16xf32>
        %neg3A_698 = arith.subf %neg3A_697, %add3A_695 : vector<16xf32>
        %add3A_699 = arith.constant 128 : i32
        %add3A_700 = arith.addi %mul3A_461, %add3A_699 : i32
        %swap3A_701 = arith.index_cast %add3A_700 : i32 to index
        %swap3A_702 = tpu.vector_load %arg16[%swap3A_701] {strides = array<i32>} : memref<5376xf32, #tpu.memory_space<vmem>>, vector<16xf32>,
        tpu.vector_store %arg16[%swap3A_701], %neg3A_698 {strides = array<i32>} : memref<5376xf32, #tpu.memory_space<vmem>>, vector<16xf32>,
        %mul3A_703 = arith.constant 20 : i32
        %mul3A_704 = arith.muli %scan3A_427, %mul3A_703 : i32
        %add3A_705 = arith.constant 8 : i32
        %add3A_706 = arith.addi %mul3A_704, %add3A_705 : i32
        %get3A_707 = arith.index_cast %add3A_706 : i32 to index
        %get3A_708 = arith.constant 64 : index
        %get3A_709 = tpu.vector_load %arg15[%get3A_707, %get3A_708] {strides = array<i32>} : memref<320x128xf32, #tpu.memory_space<vmem>>, vector<16xf32>,
        %mul3A_710 = arith.mulf %get3A_429, %get3A_709 : vector<16xf32>
        %get3A_711 = arith.index_cast %add3A_706 : i32 to index
        %get3A_712 = arith.constant 80 : index
        %get3A_713 = tpu.vector_load %arg15[%get3A_711, %get3A_712] {strides = array<i32>} : memref<320x128xf32, #tpu.memory_space<vmem>>, vector<16xf32>,
        %mul3A_714 = arith.mulf %get3A_432, %get3A_713 : vector<16xf32>
        %add3A_715 = arith.addf %mul3A_710, %mul3A_714 : vector<16xf32>
        %get3A_716 = arith.index_cast %add3A_706 : i32 to index
        %get3A_717 = arith.constant 96 : index
        %get3A_718 = tpu.vector_load %arg15[%get3A_716, %get3A_717] {strides = array<i32>} : memref<320x128xf32, #tpu.memory_space<vmem>>, vector<16xf32>,
        %mul3A_719 = arith.mulf %get3A_435, %get3A_718 : vector<16xf32>
        %add3A_720 = arith.addf %add3A_715, %mul3A_719 : vector<16xf32>
        %get3A_721 = arith.index_cast %add3A_706 : i32 to index
        %get3A_722 = arith.constant 112 : index
        %get3A_723 = tpu.vector_load %arg15[%get3A_721, %get3A_722] {strides = array<i32>} : memref<320x128xf32, #tpu.memory_space<vmem>>, vector<16xf32>,
        %mul3A_724 = arith.mulf %get3A_438, %get3A_723 : vector<16xf32>
        %add3A_725 = arith.addf %add3A_720, %mul3A_724 : vector<16xf32>
        %neg3A_726 = arith.constant 0.000000e+00 : f32
        %neg3A_727 = vector.broadcast %neg3A_726 : f32 to vector<16xf32>
        %neg3A_728 = arith.subf %neg3A_727, %add3A_725 : vector<16xf32>
        %add3A_729 = arith.constant 144 : i32
        %add3A_730 = arith.addi %mul3A_461, %add3A_729 : i32
        %swap3A_731 = arith.index_cast %add3A_730 : i32 to index
        %swap3A_732 = tpu.vector_load %arg16[%swap3A_731] {strides = array<i32>} : memref<5376xf32, #tpu.memory_space<vmem>>, vector<16xf32>,
        tpu.vector_store %arg16[%swap3A_731], %neg3A_728 {strides = array<i32>} : memref<5376xf32, #tpu.memory_space<vmem>>, vector<16xf32>,
        %mul3A_733 = arith.constant 20 : i32
        %mul3A_734 = arith.muli %scan3A_427, %mul3A_733 : i32
        %add3A_735 = arith.constant 9 : i32
        %add3A_736 = arith.addi %mul3A_734, %add3A_735 : i32
        %get3A_737 = arith.index_cast %add3A_736 : i32 to index
        %get3A_738 = arith.constant 64 : index
        %get3A_739 = tpu.vector_load %arg15[%get3A_737, %get3A_738] {strides = array<i32>} : memref<320x128xf32, #tpu.memory_space<vmem>>, vector<16xf32>,
        %mul3A_740 = arith.mulf %get3A_429, %get3A_739 : vector<16xf32>
        %get3A_741 = arith.index_cast %add3A_736 : i32 to index
        %get3A_742 = arith.constant 80 : index
        %get3A_743 = tpu.vector_load %arg15[%get3A_741, %get3A_742] {strides = array<i32>} : memref<320x128xf32, #tpu.memory_space<vmem>>, vector<16xf32>,
        %mul3A_744 = arith.mulf %get3A_432, %get3A_743 : vector<16xf32>
        %add3A_745 = arith.addf %mul3A_740, %mul3A_744 : vector<16xf32>
        %get3A_746 = arith.index_cast %add3A_736 : i32 to index
        %get3A_747 = arith.constant 96 : index
        %get3A_748 = tpu.vector_load %arg15[%get3A_746, %get3A_747] {strides = array<i32>} : memref<320x128xf32, #tpu.memory_space<vmem>>, vector<16xf32>,
        %mul3A_749 = arith.mulf %get3A_435, %get3A_748 : vector<16xf32>
        %add3A_750 = arith.addf %add3A_745, %mul3A_749 : vector<16xf32>
        %get3A_751 = arith.index_cast %add3A_736 : i32 to index
        %get3A_752 = arith.constant 112 : index
        %get3A_753 = tpu.vector_load %arg15[%get3A_751, %get3A_752] {strides = array<i32>} : memref<320x128xf32, #tpu.memory_space<vmem>>, vector<16xf32>,
        %mul3A_754 = arith.mulf %get3A_438, %get3A_753 : vector<16xf32>
        %add3A_755 = arith.addf %add3A_750, %mul3A_754 : vector<16xf32>
        %neg3A_756 = arith.constant 0.000000e+00 : f32
        %neg3A_757 = vector.broadcast %neg3A_756 : f32 to vector<16xf32>
        %neg3A_758 = arith.subf %neg3A_757, %add3A_755 : vector<16xf32>
        %add3A_759 = arith.constant 160 : i32
        %add3A_760 = arith.addi %mul3A_461, %add3A_759 : i32
        %swap3A_761 = arith.index_cast %add3A_760 : i32 to index
        %swap3A_762 = tpu.vector_load %arg16[%swap3A_761] {strides = array<i32>} : memref<5376xf32, #tpu.memory_space<vmem>>, vector<16xf32>,
        tpu.vector_store %arg16[%swap3A_761], %neg3A_758 {strides = array<i32>} : memref<5376xf32, #tpu.memory_space<vmem>>, vector<16xf32>,
        %mul3A_763 = arith.constant 20 : i32
        %mul3A_764 = arith.muli %scan3A_427, %mul3A_763 : i32
        %add3A_765 = arith.constant 10 : i32
        %add3A_766 = arith.addi %mul3A_764, %add3A_765 : i32
        %get3A_767 = arith.index_cast %add3A_766 : i32 to index
        %get3A_768 = arith.constant 64 : index
        %get3A_769 = tpu.vector_load %arg15[%get3A_767, %get3A_768] {strides = array<i32>} : memref<320x128xf32, #tpu.memory_space<vmem>>, vector<16xf32>,
        %mul3A_770 = arith.mulf %get3A_429, %get3A_769 : vector<16xf32>
        %get3A_771 = arith.index_cast %add3A_766 : i32 to index
        %get3A_772 = arith.constant 80 : index
        %get3A_773 = tpu.vector_load %arg15[%get3A_771, %get3A_772] {strides = array<i32>} : memref<320x128xf32, #tpu.memory_space<vmem>>, vector<16xf32>,
        %mul3A_774 = arith.mulf %get3A_432, %get3A_773 : vector<16xf32>
        %add3A_775 = arith.addf %mul3A_770, %mul3A_774 : vector<16xf32>
        %get3A_776 = arith.index_cast %add3A_766 : i32 to index
        %get3A_777 = arith.constant 96 : index
        %get3A_778 = tpu.vector_load %arg15[%get3A_776, %get3A_777] {strides = array<i32>} : memref<320x128xf32, #tpu.memory_space<vmem>>, vector<16xf32>,
        %mul3A_779 = arith.mulf %get3A_435, %get3A_778 : vector<16xf32>
        %add3A_780 = arith.addf %add3A_775, %mul3A_779 : vector<16xf32>
        %get3A_781 = arith.index_cast %add3A_766 : i32 to index
        %get3A_782 = arith.constant 112 : index
        %get3A_783 = tpu.vector_load %arg15[%get3A_781, %get3A_782] {strides = array<i32>} : memref<320x128xf32, #tpu.memory_space<vmem>>, vector<16xf32>,
        %mul3A_784 = arith.mulf %get3A_438, %get3A_783 : vector<16xf32>
        %add3A_785 = arith.addf %add3A_780, %mul3A_784 : vector<16xf32>
        %neg3A_786 = arith.constant 0.000000e+00 : f32
        %neg3A_787 = vector.broadcast %neg3A_786 : f32 to vector<16xf32>
        %neg3A_788 = arith.subf %neg3A_787, %add3A_785 : vector<16xf32>
        %add3A_789 = arith.constant 176 : i32
        %add3A_790 = arith.addi %mul3A_461, %add3A_789 : i32
        %swap3A_791 = arith.index_cast %add3A_790 : i32 to index
        %swap3A_792 = tpu.vector_load %arg16[%swap3A_791] {strides = array<i32>} : memref<5376xf32, #tpu.memory_space<vmem>>, vector<16xf32>,
        tpu.vector_store %arg16[%swap3A_791], %neg3A_788 {strides = array<i32>} : memref<5376xf32, #tpu.memory_space<vmem>>, vector<16xf32>,
        %mul3A_793 = arith.constant 20 : i32
        %mul3A_794 = arith.muli %scan3A_427, %mul3A_793 : i32
        %add3A_795 = arith.constant 11 : i32
        %add3A_796 = arith.addi %mul3A_794, %add3A_795 : i32
        %get3A_797 = arith.index_cast %add3A_796 : i32 to index
        %get3A_798 = arith.constant 64 : index
        %get3A_799 = tpu.vector_load %arg15[%get3A_797, %get3A_798] {strides = array<i32>} : memref<320x128xf32, #tpu.memory_space<vmem>>, vector<16xf32>,
        %mul3A_800 = arith.mulf %get3A_429, %get3A_799 : vector<16xf32>
        %get3A_801 = arith.index_cast %add3A_796 : i32 to index
        %get3A_802 = arith.constant 80 : index
        %get3A_803 = tpu.vector_load %arg15[%get3A_801, %get3A_802] {strides = array<i32>} : memref<320x128xf32, #tpu.memory_space<vmem>>, vector<16xf32>,
        %mul3A_804 = arith.mulf %get3A_432, %get3A_803 : vector<16xf32>
        %add3A_805 = arith.addf %mul3A_800, %mul3A_804 : vector<16xf32>
        %get3A_806 = arith.index_cast %add3A_796 : i32 to index
        %get3A_807 = arith.constant 96 : index
        %get3A_808 = tpu.vector_load %arg15[%get3A_806, %get3A_807] {strides = array<i32>} : memref<320x128xf32, #tpu.memory_space<vmem>>, vector<16xf32>,
        %mul3A_809 = arith.mulf %get3A_435, %get3A_808 : vector<16xf32>
        %add3A_810 = arith.addf %add3A_805, %mul3A_809 : vector<16xf32>
        %get3A_811 = arith.index_cast %add3A_796 : i32 to index
        %get3A_812 = arith.constant 112 : index
        %get3A_813 = tpu.vector_load %arg15[%get3A_811, %get3A_812] {strides = array<i32>} : memref<320x128xf32, #tpu.memory_space<vmem>>, vector<16xf32>,
        %mul3A_814 = arith.mulf %get3A_438, %get3A_813 : vector<16xf32>
        %add3A_815 = arith.addf %add3A_810, %mul3A_814 : vector<16xf32>
        %neg3A_816 = arith.constant 0.000000e+00 : f32
        %neg3A_817 = vector.broadcast %neg3A_816 : f32 to vector<16xf32>
        %neg3A_818 = arith.subf %neg3A_817, %add3A_815 : vector<16xf32>
        %add3A_819 = arith.constant 192 : i32
        %add3A_820 = arith.addi %mul3A_461, %add3A_819 : i32
        %swap3A_821 = arith.index_cast %add3A_820 : i32 to index
        %swap3A_822 = tpu.vector_load %arg16[%swap3A_821] {strides = array<i32>} : memref<5376xf32, #tpu.memory_space<vmem>>, vector<16xf32>,
        tpu.vector_store %arg16[%swap3A_821], %neg3A_818 {strides = array<i32>} : memref<5376xf32, #tpu.memory_space<vmem>>, vector<16xf32>,
        %mul3A_823 = arith.constant 20 : i32
        %mul3A_824 = arith.muli %scan3A_427, %mul3A_823 : i32
        %add3A_825 = arith.constant 12 : i32
        %add3A_826 = arith.addi %mul3A_824, %add3A_825 : i32
        %get3A_827 = arith.index_cast %add3A_826 : i32 to index
        %get3A_828 = arith.constant 64 : index
        %get3A_829 = tpu.vector_load %arg15[%get3A_827, %get3A_828] {strides = array<i32>} : memref<320x128xf32, #tpu.memory_space<vmem>>, vector<16xf32>,
        %mul3A_830 = arith.mulf %get3A_429, %get3A_829 : vector<16xf32>
        %get3A_831 = arith.index_cast %add3A_826 : i32 to index
        %get3A_832 = arith.constant 80 : index
        %get3A_833 = tpu.vector_load %arg15[%get3A_831, %get3A_832] {strides = array<i32>} : memref<320x128xf32, #tpu.memory_space<vmem>>, vector<16xf32>,
        %mul3A_834 = arith.mulf %get3A_432, %get3A_833 : vector<16xf32>
        %add3A_835 = arith.addf %mul3A_830, %mul3A_834 : vector<16xf32>
        %get3A_836 = arith.index_cast %add3A_826 : i32 to index
        %get3A_837 = arith.constant 96 : index
        %get3A_838 = tpu.vector_load %arg15[%get3A_836, %get3A_837] {strides = array<i32>} : memref<320x128xf32, #tpu.memory_space<vmem>>, vector<16xf32>,
        %mul3A_839 = arith.mulf %get3A_435, %get3A_838 : vector<16xf32>
        %add3A_840 = arith.addf %add3A_835, %mul3A_839 : vector<16xf32>
        %get3A_841 = arith.index_cast %add3A_826 : i32 to index
        %get3A_842 = arith.constant 112 : index
        %get3A_843 = tpu.vector_load %arg15[%get3A_841, %get3A_842] {strides = array<i32>} : memref<320x128xf32, #tpu.memory_space<vmem>>, vector<16xf32>,
        %mul3A_844 = arith.mulf %get3A_438, %get3A_843 : vector<16xf32>
        %add3A_845 = arith.addf %add3A_840, %mul3A_844 : vector<16xf32>
        %neg3A_846 = arith.constant 0.000000e+00 : f32
        %neg3A_847 = vector.broadcast %neg3A_846 : f32 to vector<16xf32>
        %neg3A_848 = arith.subf %neg3A_847, %add3A_845 : vector<16xf32>
        %add3A_849 = arith.constant 208 : i32
        %add3A_850 = arith.addi %mul3A_461, %add3A_849 : i32
        %swap3A_851 = arith.index_cast %add3A_850 : i32 to index
        %swap3A_852 = tpu.vector_load %arg16[%swap3A_851] {strides = array<i32>} : memref<5376xf32, #tpu.memory_space<vmem>>, vector<16xf32>,
        tpu.vector_store %arg16[%swap3A_851], %neg3A_848 {strides = array<i32>} : memref<5376xf32, #tpu.memory_space<vmem>>, vector<16xf32>,
        %mul3A_853 = arith.constant 20 : i32
        %mul3A_854 = arith.muli %scan3A_427, %mul3A_853 : i32
        %add3A_855 = arith.constant 13 : i32
        %add3A_856 = arith.addi %mul3A_854, %add3A_855 : i32
        %get3A_857 = arith.index_cast %add3A_856 : i32 to index
        %get3A_858 = arith.constant 64 : index
        %get3A_859 = tpu.vector_load %arg15[%get3A_857, %get3A_858] {strides = array<i32>} : memref<320x128xf32, #tpu.memory_space<vmem>>, vector<16xf32>,
        %mul3A_860 = arith.mulf %get3A_429, %get3A_859 : vector<16xf32>
        %get3A_861 = arith.index_cast %add3A_856 : i32 to index
        %get3A_862 = arith.constant 80 : index
        %get3A_863 = tpu.vector_load %arg15[%get3A_861, %get3A_862] {strides = array<i32>} : memref<320x128xf32, #tpu.memory_space<vmem>>, vector<16xf32>,
        %mul3A_864 = arith.mulf %get3A_432, %get3A_863 : vector<16xf32>
        %add3A_865 = arith.addf %mul3A_860, %mul3A_864 : vector<16xf32>
        %get3A_866 = arith.index_cast %add3A_856 : i32 to index
        %get3A_867 = arith.constant 96 : index
        %get3A_868 = tpu.vector_load %arg15[%get3A_866, %get3A_867] {strides = array<i32>} : memref<320x128xf32, #tpu.memory_space<vmem>>, vector<16xf32>,
        %mul3A_869 = arith.mulf %get3A_435, %get3A_868 : vector<16xf32>
        %add3A_870 = arith.addf %add3A_865, %mul3A_869 : vector<16xf32>
        %get3A_871 = arith.index_cast %add3A_856 : i32 to index
        %get3A_872 = arith.constant 112 : index
        %get3A_873 = tpu.vector_load %arg15[%get3A_871, %get3A_872] {strides = array<i32>} : memref<320x128xf32, #tpu.memory_space<vmem>>, vector<16xf32>,
        %mul3A_874 = arith.mulf %get3A_438, %get3A_873 : vector<16xf32>
        %add3A_875 = arith.addf %add3A_870, %mul3A_874 : vector<16xf32>
        %neg3A_876 = arith.constant 0.000000e+00 : f32
        %neg3A_877 = vector.broadcast %neg3A_876 : f32 to vector<16xf32>
        %neg3A_878 = arith.subf %neg3A_877, %add3A_875 : vector<16xf32>
        %add3A_879 = arith.constant 224 : i32
        %add3A_880 = arith.addi %mul3A_461, %add3A_879 : i32
        %swap3A_881 = arith.index_cast %add3A_880 : i32 to index
        %swap3A_882 = tpu.vector_load %arg16[%swap3A_881] {strides = array<i32>} : memref<5376xf32, #tpu.memory_space<vmem>>, vector<16xf32>,
        tpu.vector_store %arg16[%swap3A_881], %neg3A_878 {strides = array<i32>} : memref<5376xf32, #tpu.memory_space<vmem>>, vector<16xf32>,
        %mul3A_883 = arith.constant 20 : i32
        %mul3A_884 = arith.muli %scan3A_427, %mul3A_883 : i32
        %add3A_885 = arith.constant 14 : i32
        %add3A_886 = arith.addi %mul3A_884, %add3A_885 : i32
        %get3A_887 = arith.index_cast %add3A_886 : i32 to index
        %get3A_888 = arith.constant 64 : index
        %get3A_889 = tpu.vector_load %arg15[%get3A_887, %get3A_888] {strides = array<i32>} : memref<320x128xf32, #tpu.memory_space<vmem>>, vector<16xf32>,
        %mul3A_890 = arith.mulf %get3A_429, %get3A_889 : vector<16xf32>
        %get3A_891 = arith.index_cast %add3A_886 : i32 to index
        %get3A_892 = arith.constant 80 : index
        %get3A_893 = tpu.vector_load %arg15[%get3A_891, %get3A_892] {strides = array<i32>} : memref<320x128xf32, #tpu.memory_space<vmem>>, vector<16xf32>,
        %mul3A_894 = arith.mulf %get3A_432, %get3A_893 : vector<16xf32>
        %add3A_895 = arith.addf %mul3A_890, %mul3A_894 : vector<16xf32>
        %get3A_896 = arith.index_cast %add3A_886 : i32 to index
        %get3A_897 = arith.constant 96 : index
        %get3A_898 = tpu.vector_load %arg15[%get3A_896, %get3A_897] {strides = array<i32>} : memref<320x128xf32, #tpu.memory_space<vmem>>, vector<16xf32>,
        %mul3A_899 = arith.mulf %get3A_435, %get3A_898 : vector<16xf32>
        %add3A_900 = arith.addf %add3A_895, %mul3A_899 : vector<16xf32>
        %get3A_901 = arith.index_cast %add3A_886 : i32 to index
        %get3A_902 = arith.constant 112 : index
        %get3A_903 = tpu.vector_load %arg15[%get3A_901, %get3A_902] {strides = array<i32>} : memref<320x128xf32, #tpu.memory_space<vmem>>, vector<16xf32>,
        %mul3A_904 = arith.mulf %get3A_438, %get3A_903 : vector<16xf32>
        %add3A_905 = arith.addf %add3A_900, %mul3A_904 : vector<16xf32>
        %neg3A_906 = arith.constant 0.000000e+00 : f32
        %neg3A_907 = vector.broadcast %neg3A_906 : f32 to vector<16xf32>
        %neg3A_908 = arith.subf %neg3A_907, %add3A_905 : vector<16xf32>
        %add3A_909 = arith.constant 240 : i32
        %add3A_910 = arith.addi %mul3A_461, %add3A_909 : i32
        %swap3A_911 = arith.index_cast %add3A_910 : i32 to index
        %swap3A_912 = tpu.vector_load %arg16[%swap3A_911] {strides = array<i32>} : memref<5376xf32, #tpu.memory_space<vmem>>, vector<16xf32>,
        tpu.vector_store %arg16[%swap3A_911], %neg3A_908 {strides = array<i32>} : memref<5376xf32, #tpu.memory_space<vmem>>, vector<16xf32>,
        %mul3A_913 = arith.constant 20 : i32
        %mul3A_914 = arith.muli %scan3A_427, %mul3A_913 : i32
        %add3A_915 = arith.constant 15 : i32
        %add3A_916 = arith.addi %mul3A_914, %add3A_915 : i32
        %get3A_917 = arith.index_cast %add3A_916 : i32 to index
        %get3A_918 = arith.constant 64 : index
        %get3A_919 = tpu.vector_load %arg15[%get3A_917, %get3A_918] {strides = array<i32>} : memref<320x128xf32, #tpu.memory_space<vmem>>, vector<16xf32>,
        %mul3A_920 = arith.mulf %get3A_429, %get3A_919 : vector<16xf32>
        %get3A_921 = arith.index_cast %add3A_916 : i32 to index
        %get3A_922 = arith.constant 80 : index
        %get3A_923 = tpu.vector_load %arg15[%get3A_921, %get3A_922] {strides = array<i32>} : memref<320x128xf32, #tpu.memory_space<vmem>>, vector<16xf32>,
        %mul3A_924 = arith.mulf %get3A_432, %get3A_923 : vector<16xf32>
        %add3A_925 = arith.addf %mul3A_920, %mul3A_924 : vector<16xf32>
        %get3A_926 = arith.index_cast %add3A_916 : i32 to index
        %get3A_927 = arith.constant 96 : index
        %get3A_928 = tpu.vector_load %arg15[%get3A_926, %get3A_927] {strides = array<i32>} : memref<320x128xf32, #tpu.memory_space<vmem>>, vector<16xf32>,
        %mul3A_929 = arith.mulf %get3A_435, %get3A_928 : vector<16xf32>
        %add3A_930 = arith.addf %add3A_925, %mul3A_929 : vector<16xf32>
        %get3A_931 = arith.index_cast %add3A_916 : i32 to index
        %get3A_932 = arith.constant 112 : index
        %get3A_933 = tpu.vector_load %arg15[%get3A_931, %get3A_932] {strides = array<i32>} : memref<320x128xf32, #tpu.memory_space<vmem>>, vector<16xf32>,
        %mul3A_934 = arith.mulf %get3A_438, %get3A_933 : vector<16xf32>
        %add3A_935 = arith.addf %add3A_930, %mul3A_934 : vector<16xf32>
        %neg3A_936 = arith.constant 0.000000e+00 : f32
        %neg3A_937 = vector.broadcast %neg3A_936 : f32 to vector<16xf32>
        %neg3A_938 = arith.subf %neg3A_937, %add3A_935 : vector<16xf32>
        %add3A_939 = arith.constant 256 : i32
        %add3A_940 = arith.addi %mul3A_461, %add3A_939 : i32
        %swap3A_941 = arith.index_cast %add3A_940 : i32 to index
        %swap3A_942 = tpu.vector_load %arg16[%swap3A_941] {strides = array<i32>} : memref<5376xf32, #tpu.memory_space<vmem>>, vector<16xf32>,
        tpu.vector_store %arg16[%swap3A_941], %neg3A_938 {strides = array<i32>} : memref<5376xf32, #tpu.memory_space<vmem>>, vector<16xf32>,
        %mul3A_943 = arith.constant 20 : i32
        %mul3A_944 = arith.muli %scan3A_427, %mul3A_943 : i32
        %add3A_945 = arith.constant 16 : i32
        %add3A_946 = arith.addi %mul3A_944, %add3A_945 : i32
        %get3A_947 = arith.index_cast %add3A_946 : i32 to index
        %get3A_948 = arith.constant 64 : index
        %get3A_949 = tpu.vector_load %arg15[%get3A_947, %get3A_948] {strides = array<i32>} : memref<320x128xf32, #tpu.memory_space<vmem>>, vector<16xf32>,
        %mul3A_950 = arith.mulf %get3A_429, %get3A_949 : vector<16xf32>
        %get3A_951 = arith.index_cast %add3A_946 : i32 to index
        %get3A_952 = arith.constant 80 : index
        %get3A_953 = tpu.vector_load %arg15[%get3A_951, %get3A_952] {strides = array<i32>} : memref<320x128xf32, #tpu.memory_space<vmem>>, vector<16xf32>,
        %mul3A_954 = arith.mulf %get3A_432, %get3A_953 : vector<16xf32>
        %add3A_955 = arith.addf %mul3A_950, %mul3A_954 : vector<16xf32>
        %get3A_956 = arith.index_cast %add3A_946 : i32 to index
        %get3A_957 = arith.constant 96 : index
        %get3A_958 = tpu.vector_load %arg15[%get3A_956, %get3A_957] {strides = array<i32>} : memref<320x128xf32, #tpu.memory_space<vmem>>, vector<16xf32>,
        %mul3A_959 = arith.mulf %get3A_435, %get3A_958 : vector<16xf32>
        %add3A_960 = arith.addf %add3A_955, %mul3A_959 : vector<16xf32>
        %get3A_961 = arith.index_cast %add3A_946 : i32 to index
        %get3A_962 = arith.constant 112 : index
        %get3A_963 = tpu.vector_load %arg15[%get3A_961, %get3A_962] {strides = array<i32>} : memref<320x128xf32, #tpu.memory_space<vmem>>, vector<16xf32>,
        %mul3A_964 = arith.mulf %get3A_438, %get3A_963 : vector<16xf32>
        %add3A_965 = arith.addf %add3A_960, %mul3A_964 : vector<16xf32>
        %neg3A_966 = arith.constant 0.000000e+00 : f32
        %neg3A_967 = vector.broadcast %neg3A_966 : f32 to vector<16xf32>
        %neg3A_968 = arith.subf %neg3A_967, %add3A_965 : vector<16xf32>
        %add3A_969 = arith.constant 272 : i32
        %add3A_970 = arith.addi %mul3A_461, %add3A_969 : i32
        %swap3A_971 = arith.index_cast %add3A_970 : i32 to index
        %swap3A_972 = tpu.vector_load %arg16[%swap3A_971] {strides = array<i32>} : memref<5376xf32, #tpu.memory_space<vmem>>, vector<16xf32>,
        tpu.vector_store %arg16[%swap3A_971], %neg3A_968 {strides = array<i32>} : memref<5376xf32, #tpu.memory_space<vmem>>, vector<16xf32>,
        %mul3A_973 = arith.constant 20 : i32
        %mul3A_974 = arith.muli %scan3A_427, %mul3A_973 : i32
        %add3A_975 = arith.constant 17 : i32
        %add3A_976 = arith.addi %mul3A_974, %add3A_975 : i32
        %get3A_977 = arith.index_cast %add3A_976 : i32 to index
        %get3A_978 = arith.constant 64 : index
        %get3A_979 = tpu.vector_load %arg15[%get3A_977, %get3A_978] {strides = array<i32>} : memref<320x128xf32, #tpu.memory_space<vmem>>, vector<16xf32>,
        %mul3A_980 = arith.mulf %get3A_429, %get3A_979 : vector<16xf32>
        %get3A_981 = arith.index_cast %add3A_976 : i32 to index
        %get3A_982 = arith.constant 80 : index
        %get3A_983 = tpu.vector_load %arg15[%get3A_981, %get3A_982] {strides = array<i32>} : memref<320x128xf32, #tpu.memory_space<vmem>>, vector<16xf32>,
        %mul3A_984 = arith.mulf %get3A_432, %get3A_983 : vector<16xf32>
        %add3A_985 = arith.addf %mul3A_980, %mul3A_984 : vector<16xf32>
        %get3A_986 = arith.index_cast %add3A_976 : i32 to index
        %get3A_987 = arith.constant 96 : index
        %get3A_988 = tpu.vector_load %arg15[%get3A_986, %get3A_987] {strides = array<i32>} : memref<320x128xf32, #tpu.memory_space<vmem>>, vector<16xf32>,
        %mul3A_989 = arith.mulf %get3A_435, %get3A_988 : vector<16xf32>
        %add3A_990 = arith.addf %add3A_985, %mul3A_989 : vector<16xf32>
        %get3A_991 = arith.index_cast %add3A_976 : i32 to index
        %get3A_992 = arith.constant 112 : index
        %get3A_993 = tpu.vector_load %arg15[%get3A_991, %get3A_992] {strides = array<i32>} : memref<320x128xf32, #tpu.memory_space<vmem>>, vector<16xf32>,
        %mul3A_994 = arith.mulf %get3A_438, %get3A_993 : vector<16xf32>
        %add3A_995 = arith.addf %add3A_990, %mul3A_994 : vector<16xf32>
        %neg3A_996 = arith.constant 0.000000e+00 : f32
        %neg3A_997 = vector.broadcast %neg3A_996 : f32 to vector<16xf32>
        %neg3A_998 = arith.subf %neg3A_997, %add3A_995 : vector<16xf32>
        %add3A_999 = arith.constant 288 : i32
        %add3A_1000 = arith.addi %mul3A_461, %add3A_999 : i32
        %swap3A_1001 = arith.index_cast %add3A_1000 : i32 to index
        %swap3A_1002 = tpu.vector_load %arg16[%swap3A_1001] {strides = array<i32>} : memref<5376xf32, #tpu.memory_space<vmem>>, vector<16xf32>,
        tpu.vector_store %arg16[%swap3A_1001], %neg3A_998 {strides = array<i32>} : memref<5376xf32, #tpu.memory_space<vmem>>, vector<16xf32>,
        %mul3A_1003 = arith.constant 20 : i32
        %mul3A_1004 = arith.muli %scan3A_427, %mul3A_1003 : i32
        %add3A_1005 = arith.constant 18 : i32
        %add3A_1006 = arith.addi %mul3A_1004, %add3A_1005 : i32
        %get3A_1007 = arith.index_cast %add3A_1006 : i32 to index
        %get3A_1008 = arith.constant 64 : index
        %get3A_1009 = tpu.vector_load %arg15[%get3A_1007, %get3A_1008] {strides = array<i32>} : memref<320x128xf32, #tpu.memory_space<vmem>>, vector<16xf32>,
        %mul3A_1010 = arith.mulf %get3A_429, %get3A_1009 : vector<16xf32>
        %get3A_1011 = arith.index_cast %add3A_1006 : i32 to index
        %get3A_1012 = arith.constant 80 : index
        %get3A_1013 = tpu.vector_load %arg15[%get3A_1011, %get3A_1012] {strides = array<i32>} : memref<320x128xf32, #tpu.memory_space<vmem>>, vector<16xf32>,
        %mul3A_1014 = arith.mulf %get3A_432, %get3A_1013 : vector<16xf32>
        %add3A_1015 = arith.addf %mul3A_1010, %mul3A_1014 : vector<16xf32>
        %get3A_1016 = arith.index_cast %add3A_1006 : i32 to index
        %get3A_1017 = arith.constant 96 : index
        %get3A_1018 = tpu.vector_load %arg15[%get3A_1016, %get3A_1017] {strides = array<i32>} : memref<320x128xf32, #tpu.memory_space<vmem>>, vector<16xf32>,
        %mul3A_1019 = arith.mulf %get3A_435, %get3A_1018 : vector<16xf32>
        %add3A_1020 = arith.addf %add3A_1015, %mul3A_1019 : vector<16xf32>
        %get3A_1021 = arith.index_cast %add3A_1006 : i32 to index
        %get3A_1022 = arith.constant 112 : index
        %get3A_1023 = tpu.vector_load %arg15[%get3A_1021, %get3A_1022] {strides = array<i32>} : memref<320x128xf32, #tpu.memory_space<vmem>>, vector<16xf32>,
        %mul3A_1024 = arith.mulf %get3A_438, %get3A_1023 : vector<16xf32>
        %add3A_1025 = arith.addf %add3A_1020, %mul3A_1024 : vector<16xf32>
        %neg3A_1026 = arith.constant 0.000000e+00 : f32
        %neg3A_1027 = vector.broadcast %neg3A_1026 : f32 to vector<16xf32>
        %neg3A_1028 = arith.subf %neg3A_1027, %add3A_1025 : vector<16xf32>
        %add3A_1029 = arith.constant 304 : i32
        %add3A_1030 = arith.addi %mul3A_461, %add3A_1029 : i32
        %swap3A_1031 = arith.index_cast %add3A_1030 : i32 to index
        %swap3A_1032 = tpu.vector_load %arg16[%swap3A_1031] {strides = array<i32>} : memref<5376xf32, #tpu.memory_space<vmem>>, vector<16xf32>,
        tpu.vector_store %arg16[%swap3A_1031], %neg3A_1028 {strides = array<i32>} : memref<5376xf32, #tpu.memory_space<vmem>>, vector<16xf32>,
        %mul3A_1033 = arith.constant 20 : i32
        %mul3A_1034 = arith.muli %scan3A_427, %mul3A_1033 : i32
        %add3A_1035 = arith.constant 19 : i32
        %add3A_1036 = arith.addi %mul3A_1034, %add3A_1035 : i32
        %get3A_1037 = arith.index_cast %add3A_1036 : i32 to index
        %get3A_1038 = arith.constant 64 : index
        %get3A_1039 = tpu.vector_load %arg15[%get3A_1037, %get3A_1038] {strides = array<i32>} : memref<320x128xf32, #tpu.memory_space<vmem>>, vector<16xf32>,
        %mul3A_1040 = arith.mulf %get3A_429, %get3A_1039 : vector<16xf32>
        %get3A_1041 = arith.index_cast %add3A_1036 : i32 to index
        %get3A_1042 = arith.constant 80 : index
        %get3A_1043 = tpu.vector_load %arg15[%get3A_1041, %get3A_1042] {strides = array<i32>} : memref<320x128xf32, #tpu.memory_space<vmem>>, vector<16xf32>,
        %mul3A_1044 = arith.mulf %get3A_432, %get3A_1043 : vector<16xf32>
        %add3A_1045 = arith.addf %mul3A_1040, %mul3A_1044 : vector<16xf32>
        %get3A_1046 = arith.index_cast %add3A_1036 : i32 to index
        %get3A_1047 = arith.constant 96 : index
        %get3A_1048 = tpu.vector_load %arg15[%get3A_1046, %get3A_1047] {strides = array<i32>} : memref<320x128xf32, #tpu.memory_space<vmem>>, vector<16xf32>,
        %mul3A_1049 = arith.mulf %get3A_435, %get3A_1048 : vector<16xf32>
        %add3A_1050 = arith.addf %add3A_1045, %mul3A_1049 : vector<16xf32>
        %get3A_1051 = arith.index_cast %add3A_1036 : i32 to index
        %get3A_1052 = arith.constant 112 : index
        %get3A_1053 = tpu.vector_load %arg15[%get3A_1051, %get3A_1052] {strides = array<i32>} : memref<320x128xf32, #tpu.memory_space<vmem>>, vector<16xf32>,
        %mul3A_1054 = arith.mulf %get3A_438, %get3A_1053 : vector<16xf32>
        %add3A_1055 = arith.addf %add3A_1050, %mul3A_1054 : vector<16xf32>
        %neg3A_1056 = arith.constant 0.000000e+00 : f32
        %neg3A_1057 = vector.broadcast %neg3A_1056 : f32 to vector<16xf32>
        %neg3A_1058 = arith.subf %neg3A_1057, %add3A_1055 : vector<16xf32>
        %add3A_1059 = arith.constant 320 : i32
        %add3A_1060 = arith.addi %mul3A_461, %add3A_1059 : i32
        %swap3A_1061 = arith.index_cast %add3A_1060 : i32 to index
        %swap3A_1062 = tpu.vector_load %arg16[%swap3A_1061] {strides = array<i32>} : memref<5376xf32, #tpu.memory_space<vmem>>, vector<16xf32>,
        tpu.vector_store %arg16[%swap3A_1061], %neg3A_1058 {strides = array<i32>} : memref<5376xf32, #tpu.memory_space<vmem>>, vector<16xf32>,
        %scan3A_1063 = arith.constant 1 : i32
        %scan3A_1064 = arith.addi %scan3A_427, %scan3A_1063 : i32
        %get3A_1065 = arith.index_cast %scan3A_1064 : i32 to index
        %get3A_1066 = arith.constant 0 : index
        %get3A_1067 = tpu.vector_load %arg13[%get3A_1065, %get3A_1066] {strides = array<i32>} : memref<16x128xf32, #tpu.memory_space<vmem>>, vector<16xf32>,
        %get3A_1068 = arith.index_cast %scan3A_1064 : i32 to index
        %get3A_1069 = arith.constant 16 : index
        %get3A_1070 = tpu.vector_load %arg13[%get3A_1068, %get3A_1069] {strides = array<i32>} : memref<16x128xf32, #tpu.memory_space<vmem>>, vector<16xf32>,
        %get3A_1071 = arith.index_cast %scan3A_1064 : i32 to index
        %get3A_1072 = arith.constant 32 : index
        %get3A_1073 = tpu.vector_load %arg13[%get3A_1071, %get3A_1072] {strides = array<i32>} : memref<16x128xf32, #tpu.memory_space<vmem>>, vector<16xf32>,
        %get3A_1074 = arith.index_cast %scan3A_1064 : i32 to index
        %get3A_1075 = arith.constant 48 : index
        %get3A_1076 = tpu.vector_load %arg13[%get3A_1074, %get3A_1075] {strides = array<i32>} : memref<16x128xf32, #tpu.memory_space<vmem>>, vector<16xf32>,
        %get3A_1077 = arith.index_cast %scan3A_1064 : i32 to index
        %get3A_1078 = arith.constant 64 : index
        %get3A_1079 = tpu.vector_load %arg14[%get3A_1077, %get3A_1078] {strides = array<i32>} : memref<16x128xf32, #tpu.memory_space<vmem>>, vector<16xf32>,
        %mul3A_1080 = arith.mulf %get3A_1067, %get3A_1079 : vector<16xf32>
        %get3A_1081 = arith.index_cast %scan3A_1064 : i32 to index
        %get3A_1082 = arith.constant 80 : index
        %get3A_1083 = tpu.vector_load %arg14[%get3A_1081, %get3A_1082] {strides = array<i32>} : memref<16x128xf32, #tpu.memory_space<vmem>>, vector<16xf32>,
        %mul3A_1084 = arith.mulf %get3A_1070, %get3A_1083 : vector<16xf32>
        %add3A_1085 = arith.addf %mul3A_1080, %mul3A_1084 : vector<16xf32>
        %get3A_1086 = arith.index_cast %scan3A_1064 : i32 to index
        %get3A_1087 = arith.constant 96 : index
        %get3A_1088 = tpu.vector_load %arg14[%get3A_1086, %get3A_1087] {strides = array<i32>} : memref<16x128xf32, #tpu.memory_space<vmem>>, vector<16xf32>,
        %mul3A_1089 = arith.mulf %get3A_1073, %get3A_1088 : vector<16xf32>
        %add3A_1090 = arith.addf %add3A_1085, %mul3A_1089 : vector<16xf32>
        %get3A_1091 = arith.index_cast %scan3A_1064 : i32 to index
        %get3A_1092 = arith.constant 112 : index
        %get3A_1093 = tpu.vector_load %arg14[%get3A_1091, %get3A_1092] {strides = array<i32>} : memref<16x128xf32, #tpu.memory_space<vmem>>, vector<16xf32>,
        %mul3A_1094 = arith.mulf %get3A_1076, %get3A_1093 : vector<16xf32>
        %add3A_1095 = arith.addf %add3A_1090, %mul3A_1094 : vector<16xf32>
        %mul3A_1096 = arith.constant 21 : i32
        %mul3A_1097 = arith.muli %scan3A_1064, %mul3A_1096 : i32
        %mul3A_1098 = arith.constant 16 : i32
        %mul3A_1099 = arith.muli %mul3A_1097, %mul3A_1098 : i32
        %swap3A_1100 = arith.index_cast %mul3A_1099 : i32 to index
        %swap3A_1101 = tpu.vector_load %arg16[%swap3A_1100] {strides = array<i32>} : memref<5376xf32, #tpu.memory_space<vmem>>, vector<16xf32>,
        tpu.vector_store %arg16[%swap3A_1100], %add3A_1095 {strides = array<i32>} : memref<5376xf32, #tpu.memory_space<vmem>>, vector<16xf32>,
        %mul3A_1102 = arith.constant 20 : i32
        %mul3A_1103 = arith.muli %scan3A_1064, %mul3A_1102 : i32
        %add3A_1104 = arith.constant 0 : i32
        %add3A_1105 = arith.addi %mul3A_1103, %add3A_1104 : i32
        %get3A_1106 = arith.index_cast %add3A_1105 : i32 to index
        %get3A_1107 = arith.constant 64 : index
        %get3A_1108 = tpu.vector_load %arg15[%get3A_1106, %get3A_1107] {strides = array<i32>} : memref<320x128xf32, #tpu.memory_space<vmem>>, vector<16xf32>,
        %mul3A_1109 = arith.mulf %get3A_1067, %get3A_1108 : vector<16xf32>
        %get3A_1110 = arith.index_cast %add3A_1105 : i32 to index
        %get3A_1111 = arith.constant 80 : index
        %get3A_1112 = tpu.vector_load %arg15[%get3A_1110, %get3A_1111] {strides = array<i32>} : memref<320x128xf32, #tpu.memory_space<vmem>>, vector<16xf32>,
        %mul3A_1113 = arith.mulf %get3A_1070, %get3A_1112 : vector<16xf32>
        %add3A_1114 = arith.addf %mul3A_1109, %mul3A_1113 : vector<16xf32>
        %get3A_1115 = arith.index_cast %add3A_1105 : i32 to index
        %get3A_1116 = arith.constant 96 : index
        %get3A_1117 = tpu.vector_load %arg15[%get3A_1115, %get3A_1116] {strides = array<i32>} : memref<320x128xf32, #tpu.memory_space<vmem>>, vector<16xf32>,
        %mul3A_1118 = arith.mulf %get3A_1073, %get3A_1117 : vector<16xf32>
        %add3A_1119 = arith.addf %add3A_1114, %mul3A_1118 : vector<16xf32>
        %get3A_1120 = arith.index_cast %add3A_1105 : i32 to index
        %get3A_1121 = arith.constant 112 : index
        %get3A_1122 = tpu.vector_load %arg15[%get3A_1120, %get3A_1121] {strides = array<i32>} : memref<320x128xf32, #tpu.memory_space<vmem>>, vector<16xf32>,
        %mul3A_1123 = arith.mulf %get3A_1076, %get3A_1122 : vector<16xf32>
        %add3A_1124 = arith.addf %add3A_1119, %mul3A_1123 : vector<16xf32>
        %neg3A_1125 = arith.constant 0.000000e+00 : f32
        %neg3A_1126 = vector.broadcast %neg3A_1125 : f32 to vector<16xf32>
        %neg3A_1127 = arith.subf %neg3A_1126, %add3A_1124 : vector<16xf32>
        %add3A_1128 = arith.constant 16 : i32
        %add3A_1129 = arith.addi %mul3A_1099, %add3A_1128 : i32
        %swap3A_1130 = arith.index_cast %add3A_1129 : i32 to index
        %swap3A_1131 = tpu.vector_load %arg16[%swap3A_1130] {strides = array<i32>} : memref<5376xf32, #tpu.memory_space<vmem>>, vector<16xf32>,
        tpu.vector_store %arg16[%swap3A_1130], %neg3A_1127 {strides = array<i32>} : memref<5376xf32, #tpu.memory_space<vmem>>, vector<16xf32>,
        %mul3A_1132 = arith.constant 20 : i32
        %mul3A_1133 = arith.muli %scan3A_1064, %mul3A_1132 : i32
        %add3A_1134 = arith.constant 1 : i32
        %add3A_1135 = arith.addi %mul3A_1133, %add3A_1134 : i32
        %get3A_1136 = arith.index_cast %add3A_1135 : i32 to index
        %get3A_1137 = arith.constant 64 : index
        %get3A_1138 = tpu.vector_load %arg15[%get3A_1136, %get3A_1137] {strides = array<i32>} : memref<320x128xf32, #tpu.memory_space<vmem>>, vector<16xf32>,
        %mul3A_1139 = arith.mulf %get3A_1067, %get3A_1138 : vector<16xf32>
        %get3A_1140 = arith.index_cast %add3A_1135 : i32 to index
        %get3A_1141 = arith.constant 80 : index
        %get3A_1142 = tpu.vector_load %arg15[%get3A_1140, %get3A_1141] {strides = array<i32>} : memref<320x128xf32, #tpu.memory_space<vmem>>, vector<16xf32>,
        %mul3A_1143 = arith.mulf %get3A_1070, %get3A_1142 : vector<16xf32>
        %add3A_1144 = arith.addf %mul3A_1139, %mul3A_1143 : vector<16xf32>
        %get3A_1145 = arith.index_cast %add3A_1135 : i32 to index
        %get3A_1146 = arith.constant 96 : index
        %get3A_1147 = tpu.vector_load %arg15[%get3A_1145, %get3A_1146] {strides = array<i32>} : memref<320x128xf32, #tpu.memory_space<vmem>>, vector<16xf32>,
        %mul3A_1148 = arith.mulf %get3A_1073, %get3A_1147 : vector<16xf32>
        %add3A_1149 = arith.addf %add3A_1144, %mul3A_1148 : vector<16xf32>
        %get3A_1150 = arith.index_cast %add3A_1135 : i32 to index
        %get3A_1151 = arith.constant 112 : index
        %get3A_1152 = tpu.vector_load %arg15[%get3A_1150, %get3A_1151] {strides = array<i32>} : memref<320x128xf32, #tpu.memory_space<vmem>>, vector<16xf32>,
        %mul3A_1153 = arith.mulf %get3A_1076, %get3A_1152 : vector<16xf32>
        %add3A_1154 = arith.addf %add3A_1149, %mul3A_1153 : vector<16xf32>
        %neg3A_1155 = arith.constant 0.000000e+00 : f32
        %neg3A_1156 = vector.broadcast %neg3A_1155 : f32 to vector<16xf32>
        %neg3A_1157 = arith.subf %neg3A_1156, %add3A_1154 : vector<16xf32>
        %add3A_1158 = arith.constant 32 : i32
        %add3A_1159 = arith.addi %mul3A_1099, %add3A_1158 : i32
        %swap3A_1160 = arith.index_cast %add3A_1159 : i32 to index
        %swap3A_1161 = tpu.vector_load %arg16[%swap3A_1160] {strides = array<i32>} : memref<5376xf32, #tpu.memory_space<vmem>>, vector<16xf32>,
        tpu.vector_store %arg16[%swap3A_1160], %neg3A_1157 {strides = array<i32>} : memref<5376xf32, #tpu.memory_space<vmem>>, vector<16xf32>,
        %mul3A_1162 = arith.constant 20 : i32
        %mul3A_1163 = arith.muli %scan3A_1064, %mul3A_1162 : i32
        %add3A_1164 = arith.constant 2 : i32
        %add3A_1165 = arith.addi %mul3A_1163, %add3A_1164 : i32
        %get3A_1166 = arith.index_cast %add3A_1165 : i32 to index
        %get3A_1167 = arith.constant 64 : index
        %get3A_1168 = tpu.vector_load %arg15[%get3A_1166, %get3A_1167] {strides = array<i32>} : memref<320x128xf32, #tpu.memory_space<vmem>>, vector<16xf32>,
        %mul3A_1169 = arith.mulf %get3A_1067, %get3A_1168 : vector<16xf32>
        %get3A_1170 = arith.index_cast %add3A_1165 : i32 to index
        %get3A_1171 = arith.constant 80 : index
        %get3A_1172 = tpu.vector_load %arg15[%get3A_1170, %get3A_1171] {strides = array<i32>} : memref<320x128xf32, #tpu.memory_space<vmem>>, vector<16xf32>,
        %mul3A_1173 = arith.mulf %get3A_1070, %get3A_1172 : vector<16xf32>
        %add3A_1174 = arith.addf %mul3A_1169, %mul3A_1173 : vector<16xf32>
        %get3A_1175 = arith.index_cast %add3A_1165 : i32 to index
        %get3A_1176 = arith.constant 96 : index
        %get3A_1177 = tpu.vector_load %arg15[%get3A_1175, %get3A_1176] {strides = array<i32>} : memref<320x128xf32, #tpu.memory_space<vmem>>, vector<16xf32>,
        %mul3A_1178 = arith.mulf %get3A_1073, %get3A_1177 : vector<16xf32>
        %add3A_1179 = arith.addf %add3A_1174, %mul3A_1178 : vector<16xf32>
        %get3A_1180 = arith.index_cast %add3A_1165 : i32 to index
        %get3A_1181 = arith.constant 112 : index
        %get3A_1182 = tpu.vector_load %arg15[%get3A_1180, %get3A_1181] {strides = array<i32>} : memref<320x128xf32, #tpu.memory_space<vmem>>, vector<16xf32>,
        %mul3A_1183 = arith.mulf %get3A_1076, %get3A_1182 : vector<16xf32>
        %add3A_1184 = arith.addf %add3A_1179, %mul3A_1183 : vector<16xf32>
        %neg3A_1185 = arith.constant 0.000000e+00 : f32
        %neg3A_1186 = vector.broadcast %neg3A_1185 : f32 to vector<16xf32>
        %neg3A_1187 = arith.subf %neg3A_1186, %add3A_1184 : vector<16xf32>
        %add3A_1188 = arith.constant 48 : i32
        %add3A_1189 = arith.addi %mul3A_1099, %add3A_1188 : i32
        %swap3A_1190 = arith.index_cast %add3A_1189 : i32 to index
        %swap3A_1191 = tpu.vector_load %arg16[%swap3A_1190] {strides = array<i32>} : memref<5376xf32, #tpu.memory_space<vmem>>, vector<16xf32>,
        tpu.vector_store %arg16[%swap3A_1190], %neg3A_1187 {strides = array<i32>} : memref<5376xf32, #tpu.memory_space<vmem>>, vector<16xf32>,
        %mul3A_1192 = arith.constant 20 : i32
        %mul3A_1193 = arith.muli %scan3A_1064, %mul3A_1192 : i32
        %add3A_1194 = arith.constant 3 : i32
        %add3A_1195 = arith.addi %mul3A_1193, %add3A_1194 : i32
        %get3A_1196 = arith.index_cast %add3A_1195 : i32 to index
        %get3A_1197 = arith.constant 64 : index
        %get3A_1198 = tpu.vector_load %arg15[%get3A_1196, %get3A_1197] {strides = array<i32>} : memref<320x128xf32, #tpu.memory_space<vmem>>, vector<16xf32>,
        %mul3A_1199 = arith.mulf %get3A_1067, %get3A_1198 : vector<16xf32>
        %get3A_1200 = arith.index_cast %add3A_1195 : i32 to index
        %get3A_1201 = arith.constant 80 : index
        %get3A_1202 = tpu.vector_load %arg15[%get3A_1200, %get3A_1201] {strides = array<i32>} : memref<320x128xf32, #tpu.memory_space<vmem>>, vector<16xf32>,
        %mul3A_1203 = arith.mulf %get3A_1070, %get3A_1202 : vector<16xf32>
        %add3A_1204 = arith.addf %mul3A_1199, %mul3A_1203 : vector<16xf32>
        %get3A_1205 = arith.index_cast %add3A_1195 : i32 to index
        %get3A_1206 = arith.constant 96 : index
        %get3A_1207 = tpu.vector_load %arg15[%get3A_1205, %get3A_1206] {strides = array<i32>} : memref<320x128xf32, #tpu.memory_space<vmem>>, vector<16xf32>,
        %mul3A_1208 = arith.mulf %get3A_1073, %get3A_1207 : vector<16xf32>
        %add3A_1209 = arith.addf %add3A_1204, %mul3A_1208 : vector<16xf32>
        %get3A_1210 = arith.index_cast %add3A_1195 : i32 to index
        %get3A_1211 = arith.constant 112 : index
        %get3A_1212 = tpu.vector_load %arg15[%get3A_1210, %get3A_1211] {strides = array<i32>} : memref<320x128xf32, #tpu.memory_space<vmem>>, vector<16xf32>,
        %mul3A_1213 = arith.mulf %get3A_1076, %get3A_1212 : vector<16xf32>
        %add3A_1214 = arith.addf %add3A_1209, %mul3A_1213 : vector<16xf32>
        %neg3A_1215 = arith.constant 0.000000e+00 : f32
        %neg3A_1216 = vector.broadcast %neg3A_1215 : f32 to vector<16xf32>
        %neg3A_1217 = arith.subf %neg3A_1216, %add3A_1214 : vector<16xf32>
        %add3A_1218 = arith.constant 64 : i32
        %add3A_1219 = arith.addi %mul3A_1099, %add3A_1218 : i32
        %swap3A_1220 = arith.index_cast %add3A_1219 : i32 to index
        %swap3A_1221 = tpu.vector_load %arg16[%swap3A_1220] {strides = array<i32>} : memref<5376xf32, #tpu.memory_space<vmem>>, vector<16xf32>,
        tpu.vector_store %arg16[%swap3A_1220], %neg3A_1217 {strides = array<i32>} : memref<5376xf32, #tpu.memory_space<vmem>>, vector<16xf32>,
        %mul3A_1222 = arith.constant 20 : i32
        %mul3A_1223 = arith.muli %scan3A_1064, %mul3A_1222 : i32
        %add3A_1224 = arith.constant 4 : i32
        %add3A_1225 = arith.addi %mul3A_1223, %add3A_1224 : i32
        %get3A_1226 = arith.index_cast %add3A_1225 : i32 to index
        %get3A_1227 = arith.constant 64 : index
        %get3A_1228 = tpu.vector_load %arg15[%get3A_1226, %get3A_1227] {strides = array<i32>} : memref<320x128xf32, #tpu.memory_space<vmem>>, vector<16xf32>,
        %mul3A_1229 = arith.mulf %get3A_1067, %get3A_1228 : vector<16xf32>
        %get3A_1230 = arith.index_cast %add3A_1225 : i32 to index
        %get3A_1231 = arith.constant 80 : index
        %get3A_1232 = tpu.vector_load %arg15[%get3A_1230, %get3A_1231] {strides = array<i32>} : memref<320x128xf32, #tpu.memory_space<vmem>>, vector<16xf32>,
        %mul3A_1233 = arith.mulf %get3A_1070, %get3A_1232 : vector<16xf32>
        %add3A_1234 = arith.addf %mul3A_1229, %mul3A_1233 : vector<16xf32>
        %get3A_1235 = arith.index_cast %add3A_1225 : i32 to index
        %get3A_1236 = arith.constant 96 : index
        %get3A_1237 = tpu.vector_load %arg15[%get3A_1235, %get3A_1236] {strides = array<i32>} : memref<320x128xf32, #tpu.memory_space<vmem>>, vector<16xf32>,
        %mul3A_1238 = arith.mulf %get3A_1073, %get3A_1237 : vector<16xf32>
        %add3A_1239 = arith.addf %add3A_1234, %mul3A_1238 : vector<16xf32>
        %get3A_1240 = arith.index_cast %add3A_1225 : i32 to index
        %get3A_1241 = arith.constant 112 : index
        %get3A_1242 = tpu.vector_load %arg15[%get3A_1240, %get3A_1241] {strides = array<i32>} : memref<320x128xf32, #tpu.memory_space<vmem>>, vector<16xf32>,
        %mul3A_1243 = arith.mulf %get3A_1076, %get3A_1242 : vector<16xf32>
        %add3A_1244 = arith.addf %add3A_1239, %mul3A_1243 : vector<16xf32>
        %neg3A_1245 = arith.constant 0.000000e+00 : f32
        %neg3A_1246 = vector.broadcast %neg3A_1245 : f32 to vector<16xf32>
        %neg3A_1247 = arith.subf %neg3A_1246, %add3A_1244 : vector<16xf32>
        %add3A_1248 = arith.constant 80 : i32
        %add3A_1249 = arith.addi %mul3A_1099, %add3A_1248 : i32
        %swap3A_1250 = arith.index_cast %add3A_1249 : i32 to index
        %swap3A_1251 = tpu.vector_load %arg16[%swap3A_1250] {strides = array<i32>} : memref<5376xf32, #tpu.memory_space<vmem>>, vector<16xf32>,
        tpu.vector_store %arg16[%swap3A_1250], %neg3A_1247 {strides = array<i32>} : memref<5376xf32, #tpu.memory_space<vmem>>, vector<16xf32>,
        %mul3A_1252 = arith.constant 20 : i32
        %mul3A_1253 = arith.muli %scan3A_1064, %mul3A_1252 : i32
        %add3A_1254 = arith.constant 5 : i32
        %add3A_1255 = arith.addi %mul3A_1253, %add3A_1254 : i32
        %get3A_1256 = arith.index_cast %add3A_1255 : i32 to index
        %get3A_1257 = arith.constant 64 : index
        %get3A_1258 = tpu.vector_load %arg15[%get3A_1256, %get3A_1257] {strides = array<i32>} : memref<320x128xf32, #tpu.memory_space<vmem>>, vector<16xf32>,
        %mul3A_1259 = arith.mulf %get3A_1067, %get3A_1258 : vector<16xf32>
        %get3A_1260 = arith.index_cast %add3A_1255 : i32 to index
        %get3A_1261 = arith.constant 80 : index
        %get3A_1262 = tpu.vector_load %arg15[%get3A_1260, %get3A_1261] {strides = array<i32>} : memref<320x128xf32, #tpu.memory_space<vmem>>, vector<16xf32>,
        %mul3A_1263 = arith.mulf %get3A_1070, %get3A_1262 : vector<16xf32>
        %add3A_1264 = arith.addf %mul3A_1259, %mul3A_1263 : vector<16xf32>
        %get3A_1265 = arith.index_cast %add3A_1255 : i32 to index
        %get3A_1266 = arith.constant 96 : index
        %get3A_1267 = tpu.vector_load %arg15[%get3A_1265, %get3A_1266] {strides = array<i32>} : memref<320x128xf32, #tpu.memory_space<vmem>>, vector<16xf32>,
        %mul3A_1268 = arith.mulf %get3A_1073, %get3A_1267 : vector<16xf32>
        %add3A_1269 = arith.addf %add3A_1264, %mul3A_1268 : vector<16xf32>
        %get3A_1270 = arith.index_cast %add3A_1255 : i32 to index
        %get3A_1271 = arith.constant 112 : index
        %get3A_1272 = tpu.vector_load %arg15[%get3A_1270, %get3A_1271] {strides = array<i32>} : memref<320x128xf32, #tpu.memory_space<vmem>>, vector<16xf32>,
        %mul3A_1273 = arith.mulf %get3A_1076, %get3A_1272 : vector<16xf32>
        %add3A_1274 = arith.addf %add3A_1269, %mul3A_1273 : vector<16xf32>
        %neg3A_1275 = arith.constant 0.000000e+00 : f32
        %neg3A_1276 = vector.broadcast %neg3A_1275 : f32 to vector<16xf32>
        %neg3A_1277 = arith.subf %neg3A_1276, %add3A_1274 : vector<16xf32>
        %add3A_1278 = arith.constant 96 : i32
        %add3A_1279 = arith.addi %mul3A_1099, %add3A_1278 : i32
        %swap3A_1280 = arith.index_cast %add3A_1279 : i32 to index
        %swap3A_1281 = tpu.vector_load %arg16[%swap3A_1280] {strides = array<i32>} : memref<5376xf32, #tpu.memory_space<vmem>>, vector<16xf32>,
        tpu.vector_store %arg16[%swap3A_1280], %neg3A_1277 {strides = array<i32>} : memref<5376xf32, #tpu.memory_space<vmem>>, vector<16xf32>,
        %mul3A_1282 = arith.constant 20 : i32
        %mul3A_1283 = arith.muli %scan3A_1064, %mul3A_1282 : i32
        %add3A_1284 = arith.constant 6 : i32
        %add3A_1285 = arith.addi %mul3A_1283, %add3A_1284 : i32
        %get3A_1286 = arith.index_cast %add3A_1285 : i32 to index
        %get3A_1287 = arith.constant 64 : index
        %get3A_1288 = tpu.vector_load %arg15[%get3A_1286, %get3A_1287] {strides = array<i32>} : memref<320x128xf32, #tpu.memory_space<vmem>>, vector<16xf32>,
        %mul3A_1289 = arith.mulf %get3A_1067, %get3A_1288 : vector<16xf32>
        %get3A_1290 = arith.index_cast %add3A_1285 : i32 to index
        %get3A_1291 = arith.constant 80 : index
        %get3A_1292 = tpu.vector_load %arg15[%get3A_1290, %get3A_1291] {strides = array<i32>} : memref<320x128xf32, #tpu.memory_space<vmem>>, vector<16xf32>,
        %mul3A_1293 = arith.mulf %get3A_1070, %get3A_1292 : vector<16xf32>
        %add3A_1294 = arith.addf %mul3A_1289, %mul3A_1293 : vector<16xf32>
        %get3A_1295 = arith.index_cast %add3A_1285 : i32 to index
        %get3A_1296 = arith.constant 96 : index
        %get3A_1297 = tpu.vector_load %arg15[%get3A_1295, %get3A_1296] {strides = array<i32>} : memref<320x128xf32, #tpu.memory_space<vmem>>, vector<16xf32>,
        %mul3A_1298 = arith.mulf %get3A_1073, %get3A_1297 : vector<16xf32>
        %add3A_1299 = arith.addf %add3A_1294, %mul3A_1298 : vector<16xf32>
        %get3A_1300 = arith.index_cast %add3A_1285 : i32 to index
        %get3A_1301 = arith.constant 112 : index
        %get3A_1302 = tpu.vector_load %arg15[%get3A_1300, %get3A_1301] {strides = array<i32>} : memref<320x128xf32, #tpu.memory_space<vmem>>, vector<16xf32>,
        %mul3A_1303 = arith.mulf %get3A_1076, %get3A_1302 : vector<16xf32>
        %add3A_1304 = arith.addf %add3A_1299, %mul3A_1303 : vector<16xf32>
        %neg3A_1305 = arith.constant 0.000000e+00 : f32
        %neg3A_1306 = vector.broadcast %neg3A_1305 : f32 to vector<16xf32>
        %neg3A_1307 = arith.subf %neg3A_1306, %add3A_1304 : vector<16xf32>
        %add3A_1308 = arith.constant 112 : i32
        %add3A_1309 = arith.addi %mul3A_1099, %add3A_1308 : i32
        %swap3A_1310 = arith.index_cast %add3A_1309 : i32 to index
        %swap3A_1311 = tpu.vector_load %arg16[%swap3A_1310] {strides = array<i32>} : memref<5376xf32, #tpu.memory_space<vmem>>, vector<16xf32>,
        tpu.vector_store %arg16[%swap3A_1310], %neg3A_1307 {strides = array<i32>} : memref<5376xf32, #tpu.memory_space<vmem>>, vector<16xf32>,
        %mul3A_1312 = arith.constant 20 : i32
        %mul3A_1313 = arith.muli %scan3A_1064, %mul3A_1312 : i32
        %add3A_1314 = arith.constant 7 : i32
        %add3A_1315 = arith.addi %mul3A_1313, %add3A_1314 : i32
        %get3A_1316 = arith.index_cast %add3A_1315 : i32 to index
        %get3A_1317 = arith.constant 64 : index
        %get3A_1318 = tpu.vector_load %arg15[%get3A_1316, %get3A_1317] {strides = array<i32>} : memref<320x128xf32, #tpu.memory_space<vmem>>, vector<16xf32>,
        %mul3A_1319 = arith.mulf %get3A_1067, %get3A_1318 : vector<16xf32>
        %get3A_1320 = arith.index_cast %add3A_1315 : i32 to index
        %get3A_1321 = arith.constant 80 : index
        %get3A_1322 = tpu.vector_load %arg15[%get3A_1320, %get3A_1321] {strides = array<i32>} : memref<320x128xf32, #tpu.memory_space<vmem>>, vector<16xf32>,
        %mul3A_1323 = arith.mulf %get3A_1070, %get3A_1322 : vector<16xf32>
        %add3A_1324 = arith.addf %mul3A_1319, %mul3A_1323 : vector<16xf32>
        %get3A_1325 = arith.index_cast %add3A_1315 : i32 to index
        %get3A_1326 = arith.constant 96 : index
        %get3A_1327 = tpu.vector_load %arg15[%get3A_1325, %get3A_1326] {strides = array<i32>} : memref<320x128xf32, #tpu.memory_space<vmem>>, vector<16xf32>,
        %mul3A_1328 = arith.mulf %get3A_1073, %get3A_1327 : vector<16xf32>
        %add3A_1329 = arith.addf %add3A_1324, %mul3A_1328 : vector<16xf32>
        %get3A_1330 = arith.index_cast %add3A_1315 : i32 to index
        %get3A_1331 = arith.constant 112 : index
        %get3A_1332 = tpu.vector_load %arg15[%get3A_1330, %get3A_1331] {strides = array<i32>} : memref<320x128xf32, #tpu.memory_space<vmem>>, vector<16xf32>,
        %mul3A_1333 = arith.mulf %get3A_1076, %get3A_1332 : vector<16xf32>
        %add3A_1334 = arith.addf %add3A_1329, %mul3A_1333 : vector<16xf32>
        %neg3A_1335 = arith.constant 0.000000e+00 : f32
        %neg3A_1336 = vector.broadcast %neg3A_1335 : f32 to vector<16xf32>
        %neg3A_1337 = arith.subf %neg3A_1336, %add3A_1334 : vector<16xf32>
        %add3A_1338 = arith.constant 128 : i32
        %add3A_1339 = arith.addi %mul3A_1099, %add3A_1338 : i32
        %swap3A_1340 = arith.index_cast %add3A_1339 : i32 to index
        %swap3A_1341 = tpu.vector_load %arg16[%swap3A_1340] {strides = array<i32>} : memref<5376xf32, #tpu.memory_space<vmem>>, vector<16xf32>,
        tpu.vector_store %arg16[%swap3A_1340], %neg3A_1337 {strides = array<i32>} : memref<5376xf32, #tpu.memory_space<vmem>>, vector<16xf32>,
        %mul3A_1342 = arith.constant 20 : i32
        %mul3A_1343 = arith.muli %scan3A_1064, %mul3A_1342 : i32
        %add3A_1344 = arith.constant 8 : i32
        %add3A_1345 = arith.addi %mul3A_1343, %add3A_1344 : i32
        %get3A_1346 = arith.index_cast %add3A_1345 : i32 to index
        %get3A_1347 = arith.constant 64 : index
        %get3A_1348 = tpu.vector_load %arg15[%get3A_1346, %get3A_1347] {strides = array<i32>} : memref<320x128xf32, #tpu.memory_space<vmem>>, vector<16xf32>,
        %mul3A_1349 = arith.mulf %get3A_1067, %get3A_1348 : vector<16xf32>
        %get3A_1350 = arith.index_cast %add3A_1345 : i32 to index
        %get3A_1351 = arith.constant 80 : index
        %get3A_1352 = tpu.vector_load %arg15[%get3A_1350, %get3A_1351] {strides = array<i32>} : memref<320x128xf32, #tpu.memory_space<vmem>>, vector<16xf32>,
        %mul3A_1353 = arith.mulf %get3A_1070, %get3A_1352 : vector<16xf32>
        %add3A_1354 = arith.addf %mul3A_1349, %mul3A_1353 : vector<16xf32>
        %get3A_1355 = arith.index_cast %add3A_1345 : i32 to index
        %get3A_1356 = arith.constant 96 : index
        %get3A_1357 = tpu.vector_load %arg15[%get3A_1355, %get3A_1356] {strides = array<i32>} : memref<320x128xf32, #tpu.memory_space<vmem>>, vector<16xf32>,
        %mul3A_1358 = arith.mulf %get3A_1073, %get3A_1357 : vector<16xf32>
        %add3A_1359 = arith.addf %add3A_1354, %mul3A_1358 : vector<16xf32>
        %get3A_1360 = arith.index_cast %add3A_1345 : i32 to index
        %get3A_1361 = arith.constant 112 : index
        %get3A_1362 = tpu.vector_load %arg15[%get3A_1360, %get3A_1361] {strides = array<i32>} : memref<320x128xf32, #tpu.memory_space<vmem>>, vector<16xf32>,
        %mul3A_1363 = arith.mulf %get3A_1076, %get3A_1362 : vector<16xf32>
        %add3A_1364 = arith.addf %add3A_1359, %mul3A_1363 : vector<16xf32>
        %neg3A_1365 = arith.constant 0.000000e+00 : f32
        %neg3A_1366 = vector.broadcast %neg3A_1365 : f32 to vector<16xf32>
        %neg3A_1367 = arith.subf %neg3A_1366, %add3A_1364 : vector<16xf32>
        %add3A_1368 = arith.constant 144 : i32
        %add3A_1369 = arith.addi %mul3A_1099, %add3A_1368 : i32
        %swap3A_1370 = arith.index_cast %add3A_1369 : i32 to index
        %swap3A_1371 = tpu.vector_load %arg16[%swap3A_1370] {strides = array<i32>} : memref<5376xf32, #tpu.memory_space<vmem>>, vector<16xf32>,
        tpu.vector_store %arg16[%swap3A_1370], %neg3A_1367 {strides = array<i32>} : memref<5376xf32, #tpu.memory_space<vmem>>, vector<16xf32>,
        %mul3A_1372 = arith.constant 20 : i32
        %mul3A_1373 = arith.muli %scan3A_1064, %mul3A_1372 : i32
        %add3A_1374 = arith.constant 9 : i32
        %add3A_1375 = arith.addi %mul3A_1373, %add3A_1374 : i32
        %get3A_1376 = arith.index_cast %add3A_1375 : i32 to index
        %get3A_1377 = arith.constant 64 : index
        %get3A_1378 = tpu.vector_load %arg15[%get3A_1376, %get3A_1377] {strides = array<i32>} : memref<320x128xf32, #tpu.memory_space<vmem>>, vector<16xf32>,
        %mul3A_1379 = arith.mulf %get3A_1067, %get3A_1378 : vector<16xf32>
        %get3A_1380 = arith.index_cast %add3A_1375 : i32 to index
        %get3A_1381 = arith.constant 80 : index
        %get3A_1382 = tpu.vector_load %arg15[%get3A_1380, %get3A_1381] {strides = array<i32>} : memref<320x128xf32, #tpu.memory_space<vmem>>, vector<16xf32>,
        %mul3A_1383 = arith.mulf %get3A_1070, %get3A_1382 : vector<16xf32>
        %add3A_1384 = arith.addf %mul3A_1379, %mul3A_1383 : vector<16xf32>
        %get3A_1385 = arith.index_cast %add3A_1375 : i32 to index
        %get3A_1386 = arith.constant 96 : index
        %get3A_1387 = tpu.vector_load %arg15[%get3A_1385, %get3A_1386] {strides = array<i32>} : memref<320x128xf32, #tpu.memory_space<vmem>>, vector<16xf32>,
        %mul3A_1388 = arith.mulf %get3A_1073, %get3A_1387 : vector<16xf32>
        %add3A_1389 = arith.addf %add3A_1384, %mul3A_1388 : vector<16xf32>
        %get3A_1390 = arith.index_cast %add3A_1375 : i32 to index
        %get3A_1391 = arith.constant 112 : index
        %get3A_1392 = tpu.vector_load %arg15[%get3A_1390, %get3A_1391] {strides = array<i32>} : memref<320x128xf32, #tpu.memory_space<vmem>>, vector<16xf32>,
        %mul3A_1393 = arith.mulf %get3A_1076, %get3A_1392 : vector<16xf32>
        %add3A_1394 = arith.addf %add3A_1389, %mul3A_1393 : vector<16xf32>
        %neg3A_1395 = arith.constant 0.000000e+00 : f32
        %neg3A_1396 = vector.broadcast %neg3A_1395 : f32 to vector<16xf32>
        %neg3A_1397 = arith.subf %neg3A_1396, %add3A_1394 : vector<16xf32>
        %add3A_1398 = arith.constant 160 : i32
        %add3A_1399 = arith.addi %mul3A_1099, %add3A_1398 : i32
        %swap3A_1400 = arith.index_cast %add3A_1399 : i32 to index
        %swap3A_1401 = tpu.vector_load %arg16[%swap3A_1400] {strides = array<i32>} : memref<5376xf32, #tpu.memory_space<vmem>>, vector<16xf32>,
        tpu.vector_store %arg16[%swap3A_1400], %neg3A_1397 {strides = array<i32>} : memref<5376xf32, #tpu.memory_space<vmem>>, vector<16xf32>,
        %mul3A_1402 = arith.constant 20 : i32
        %mul3A_1403 = arith.muli %scan3A_1064, %mul3A_1402 : i32
        %add3A_1404 = arith.constant 10 : i32
        %add3A_1405 = arith.addi %mul3A_1403, %add3A_1404 : i32
        %get3A_1406 = arith.index_cast %add3A_1405 : i32 to index
        %get3A_1407 = arith.constant 64 : index
        %get3A_1408 = tpu.vector_load %arg15[%get3A_1406, %get3A_1407] {strides = array<i32>} : memref<320x128xf32, #tpu.memory_space<vmem>>, vector<16xf32>,
        %mul3A_1409 = arith.mulf %get3A_1067, %get3A_1408 : vector<16xf32>
        %get3A_1410 = arith.index_cast %add3A_1405 : i32 to index
        %get3A_1411 = arith.constant 80 : index
        %get3A_1412 = tpu.vector_load %arg15[%get3A_1410, %get3A_1411] {strides = array<i32>} : memref<320x128xf32, #tpu.memory_space<vmem>>, vector<16xf32>,
        %mul3A_1413 = arith.mulf %get3A_1070, %get3A_1412 : vector<16xf32>
        %add3A_1414 = arith.addf %mul3A_1409, %mul3A_1413 : vector<16xf32>
        %get3A_1415 = arith.index_cast %add3A_1405 : i32 to index
        %get3A_1416 = arith.constant 96 : index
        %get3A_1417 = tpu.vector_load %arg15[%get3A_1415, %get3A_1416] {strides = array<i32>} : memref<320x128xf32, #tpu.memory_space<vmem>>, vector<16xf32>,
        %mul3A_1418 = arith.mulf %get3A_1073, %get3A_1417 : vector<16xf32>
        %add3A_1419 = arith.addf %add3A_1414, %mul3A_1418 : vector<16xf32>
        %get3A_1420 = arith.index_cast %add3A_1405 : i32 to index
        %get3A_1421 = arith.constant 112 : index
        %get3A_1422 = tpu.vector_load %arg15[%get3A_1420, %get3A_1421] {strides = array<i32>} : memref<320x128xf32, #tpu.memory_space<vmem>>, vector<16xf32>,
        %mul3A_1423 = arith.mulf %get3A_1076, %get3A_1422 : vector<16xf32>
        %add3A_1424 = arith.addf %add3A_1419, %mul3A_1423 : vector<16xf32>
        %neg3A_1425 = arith.constant 0.000000e+00 : f32
        %neg3A_1426 = vector.broadcast %neg3A_1425 : f32 to vector<16xf32>
        %neg3A_1427 = arith.subf %neg3A_1426, %add3A_1424 : vector<16xf32>
        %add3A_1428 = arith.constant 176 : i32
        %add3A_1429 = arith.addi %mul3A_1099, %add3A_1428 : i32
        %swap3A_1430 = arith.index_cast %add3A_1429 : i32 to index
        %swap3A_1431 = tpu.vector_load %arg16[%swap3A_1430] {strides = array<i32>} : memref<5376xf32, #tpu.memory_space<vmem>>, vector<16xf32>,
        tpu.vector_store %arg16[%swap3A_1430], %neg3A_1427 {strides = array<i32>} : memref<5376xf32, #tpu.memory_space<vmem>>, vector<16xf32>,
        %mul3A_1432 = arith.constant 20 : i32
        %mul3A_1433 = arith.muli %scan3A_1064, %mul3A_1432 : i32
        %add3A_1434 = arith.constant 11 : i32
        %add3A_1435 = arith.addi %mul3A_1433, %add3A_1434 : i32
        %get3A_1436 = arith.index_cast %add3A_1435 : i32 to index
        %get3A_1437 = arith.constant 64 : index
        %get3A_1438 = tpu.vector_load %arg15[%get3A_1436, %get3A_1437] {strides = array<i32>} : memref<320x128xf32, #tpu.memory_space<vmem>>, vector<16xf32>,
        %mul3A_1439 = arith.mulf %get3A_1067, %get3A_1438 : vector<16xf32>
        %get3A_1440 = arith.index_cast %add3A_1435 : i32 to index
        %get3A_1441 = arith.constant 80 : index
        %get3A_1442 = tpu.vector_load %arg15[%get3A_1440, %get3A_1441] {strides = array<i32>} : memref<320x128xf32, #tpu.memory_space<vmem>>, vector<16xf32>,
        %mul3A_1443 = arith.mulf %get3A_1070, %get3A_1442 : vector<16xf32>
        %add3A_1444 = arith.addf %mul3A_1439, %mul3A_1443 : vector<16xf32>
        %get3A_1445 = arith.index_cast %add3A_1435 : i32 to index
        %get3A_1446 = arith.constant 96 : index
        %get3A_1447 = tpu.vector_load %arg15[%get3A_1445, %get3A_1446] {strides = array<i32>} : memref<320x128xf32, #tpu.memory_space<vmem>>, vector<16xf32>,
        %mul3A_1448 = arith.mulf %get3A_1073, %get3A_1447 : vector<16xf32>
        %add3A_1449 = arith.addf %add3A_1444, %mul3A_1448 : vector<16xf32>
        %get3A_1450 = arith.index_cast %add3A_1435 : i32 to index
        %get3A_1451 = arith.constant 112 : index
        %get3A_1452 = tpu.vector_load %arg15[%get3A_1450, %get3A_1451] {strides = array<i32>} : memref<320x128xf32, #tpu.memory_space<vmem>>, vector<16xf32>,
        %mul3A_1453 = arith.mulf %get3A_1076, %get3A_1452 : vector<16xf32>
        %add3A_1454 = arith.addf %add3A_1449, %mul3A_1453 : vector<16xf32>
        %neg3A_1455 = arith.constant 0.000000e+00 : f32
        %neg3A_1456 = vector.broadcast %neg3A_1455 : f32 to vector<16xf32>
        %neg3A_1457 = arith.subf %neg3A_1456, %add3A_1454 : vector<16xf32>
        %add3A_1458 = arith.constant 192 : i32
        %add3A_1459 = arith.addi %mul3A_1099, %add3A_1458 : i32
        %swap3A_1460 = arith.index_cast %add3A_1459 : i32 to index
        %swap3A_1461 = tpu.vector_load %arg16[%swap3A_1460] {strides = array<i32>} : memref<5376xf32, #tpu.memory_space<vmem>>, vector<16xf32>,
        tpu.vector_store %arg16[%swap3A_1460], %neg3A_1457 {strides = array<i32>} : memref<5376xf32, #tpu.memory_space<vmem>>, vector<16xf32>,
        %mul3A_1462 = arith.constant 20 : i32
        %mul3A_1463 = arith.muli %scan3A_1064, %mul3A_1462 : i32
        %add3A_1464 = arith.constant 12 : i32
        %add3A_1465 = arith.addi %mul3A_1463, %add3A_1464 : i32
        %get3A_1466 = arith.index_cast %add3A_1465 : i32 to index
        %get3A_1467 = arith.constant 64 : index
        %get3A_1468 = tpu.vector_load %arg15[%get3A_1466, %get3A_1467] {strides = array<i32>} : memref<320x128xf32, #tpu.memory_space<vmem>>, vector<16xf32>,
        %mul3A_1469 = arith.mulf %get3A_1067, %get3A_1468 : vector<16xf32>
        %get3A_1470 = arith.index_cast %add3A_1465 : i32 to index
        %get3A_1471 = arith.constant 80 : index
        %get3A_1472 = tpu.vector_load %arg15[%get3A_1470, %get3A_1471] {strides = array<i32>} : memref<320x128xf32, #tpu.memory_space<vmem>>, vector<16xf32>,
        %mul3A_1473 = arith.mulf %get3A_1070, %get3A_1472 : vector<16xf32>
        %add3A_1474 = arith.addf %mul3A_1469, %mul3A_1473 : vector<16xf32>
        %get3A_1475 = arith.index_cast %add3A_1465 : i32 to index
        %get3A_1476 = arith.constant 96 : index
        %get3A_1477 = tpu.vector_load %arg15[%get3A_1475, %get3A_1476] {strides = array<i32>} : memref<320x128xf32, #tpu.memory_space<vmem>>, vector<16xf32>,
        %mul3A_1478 = arith.mulf %get3A_1073, %get3A_1477 : vector<16xf32>
        %add3A_1479 = arith.addf %add3A_1474, %mul3A_1478 : vector<16xf32>
        %get3A_1480 = arith.index_cast %add3A_1465 : i32 to index
        %get3A_1481 = arith.constant 112 : index
        %get3A_1482 = tpu.vector_load %arg15[%get3A_1480, %get3A_1481] {strides = array<i32>} : memref<320x128xf32, #tpu.memory_space<vmem>>, vector<16xf32>,
        %mul3A_1483 = arith.mulf %get3A_1076, %get3A_1482 : vector<16xf32>
        %add3A_1484 = arith.addf %add3A_1479, %mul3A_1483 : vector<16xf32>
        %neg3A_1485 = arith.constant 0.000000e+00 : f32
        %neg3A_1486 = vector.broadcast %neg3A_1485 : f32 to vector<16xf32>
        %neg3A_1487 = arith.subf %neg3A_1486, %add3A_1484 : vector<16xf32>
        %add3A_1488 = arith.constant 208 : i32
        %add3A_1489 = arith.addi %mul3A_1099, %add3A_1488 : i32
        %swap3A_1490 = arith.index_cast %add3A_1489 : i32 to index
        %swap3A_1491 = tpu.vector_load %arg16[%swap3A_1490] {strides = array<i32>} : memref<5376xf32, #tpu.memory_space<vmem>>, vector<16xf32>,
        tpu.vector_store %arg16[%swap3A_1490], %neg3A_1487 {strides = array<i32>} : memref<5376xf32, #tpu.memory_space<vmem>>, vector<16xf32>,
        %mul3A_1492 = arith.constant 20 : i32
        %mul3A_1493 = arith.muli %scan3A_1064, %mul3A_1492 : i32
        %add3A_1494 = arith.constant 13 : i32
        %add3A_1495 = arith.addi %mul3A_1493, %add3A_1494 : i32
        %get3A_1496 = arith.index_cast %add3A_1495 : i32 to index
        %get3A_1497 = arith.constant 64 : index
        %get3A_1498 = tpu.vector_load %arg15[%get3A_1496, %get3A_1497] {strides = array<i32>} : memref<320x128xf32, #tpu.memory_space<vmem>>, vector<16xf32>,
        %mul3A_1499 = arith.mulf %get3A_1067, %get3A_1498 : vector<16xf32>
        %get3A_1500 = arith.index_cast %add3A_1495 : i32 to index
        %get3A_1501 = arith.constant 80 : index
        %get3A_1502 = tpu.vector_load %arg15[%get3A_1500, %get3A_1501] {strides = array<i32>} : memref<320x128xf32, #tpu.memory_space<vmem>>, vector<16xf32>,
        %mul3A_1503 = arith.mulf %get3A_1070, %get3A_1502 : vector<16xf32>
        %add3A_1504 = arith.addf %mul3A_1499, %mul3A_1503 : vector<16xf32>
        %get3A_1505 = arith.index_cast %add3A_1495 : i32 to index
        %get3A_1506 = arith.constant 96 : index
        %get3A_1507 = tpu.vector_load %arg15[%get3A_1505, %get3A_1506] {strides = array<i32>} : memref<320x128xf32, #tpu.memory_space<vmem>>, vector<16xf32>,
        %mul3A_1508 = arith.mulf %get3A_1073, %get3A_1507 : vector<16xf32>
        %add3A_1509 = arith.addf %add3A_1504, %mul3A_1508 : vector<16xf32>
        %get3A_1510 = arith.index_cast %add3A_1495 : i32 to index
        %get3A_1511 = arith.constant 112 : index
        %get3A_1512 = tpu.vector_load %arg15[%get3A_1510, %get3A_1511] {strides = array<i32>} : memref<320x128xf32, #tpu.memory_space<vmem>>, vector<16xf32>,
        %mul3A_1513 = arith.mulf %get3A_1076, %get3A_1512 : vector<16xf32>
        %add3A_1514 = arith.addf %add3A_1509, %mul3A_1513 : vector<16xf32>
        %neg3A_1515 = arith.constant 0.000000e+00 : f32
        %neg3A_1516 = vector.broadcast %neg3A_1515 : f32 to vector<16xf32>
        %neg3A_1517 = arith.subf %neg3A_1516, %add3A_1514 : vector<16xf32>
        %add3A_1518 = arith.constant 224 : i32
        %add3A_1519 = arith.addi %mul3A_1099, %add3A_1518 : i32
        %swap3A_1520 = arith.index_cast %add3A_1519 : i32 to index
        %swap3A_1521 = tpu.vector_load %arg16[%swap3A_1520] {strides = array<i32>} : memref<5376xf32, #tpu.memory_space<vmem>>, vector<16xf32>,
        tpu.vector_store %arg16[%swap3A_1520], %neg3A_1517 {strides = array<i32>} : memref<5376xf32, #tpu.memory_space<vmem>>, vector<16xf32>,
        %mul3A_1522 = arith.constant 20 : i32
        %mul3A_1523 = arith.muli %scan3A_1064, %mul3A_1522 : i32
        %add3A_1524 = arith.constant 14 : i32
        %add3A_1525 = arith.addi %mul3A_1523, %add3A_1524 : i32
        %get3A_1526 = arith.index_cast %add3A_1525 : i32 to index
        %get3A_1527 = arith.constant 64 : index
        %get3A_1528 = tpu.vector_load %arg15[%get3A_1526, %get3A_1527] {strides = array<i32>} : memref<320x128xf32, #tpu.memory_space<vmem>>, vector<16xf32>,
        %mul3A_1529 = arith.mulf %get3A_1067, %get3A_1528 : vector<16xf32>
        %get3A_1530 = arith.index_cast %add3A_1525 : i32 to index
        %get3A_1531 = arith.constant 80 : index
        %get3A_1532 = tpu.vector_load %arg15[%get3A_1530, %get3A_1531] {strides = array<i32>} : memref<320x128xf32, #tpu.memory_space<vmem>>, vector<16xf32>,
        %mul3A_1533 = arith.mulf %get3A_1070, %get3A_1532 : vector<16xf32>
        %add3A_1534 = arith.addf %mul3A_1529, %mul3A_1533 : vector<16xf32>
        %get3A_1535 = arith.index_cast %add3A_1525 : i32 to index
        %get3A_1536 = arith.constant 96 : index
        %get3A_1537 = tpu.vector_load %arg15[%get3A_1535, %get3A_1536] {strides = array<i32>} : memref<320x128xf32, #tpu.memory_space<vmem>>, vector<16xf32>,
        %mul3A_1538 = arith.mulf %get3A_1073, %get3A_1537 : vector<16xf32>
        %add3A_1539 = arith.addf %add3A_1534, %mul3A_1538 : vector<16xf32>
        %get3A_1540 = arith.index_cast %add3A_1525 : i32 to index
        %get3A_1541 = arith.constant 112 : index
        %get3A_1542 = tpu.vector_load %arg15[%get3A_1540, %get3A_1541] {strides = array<i32>} : memref<320x128xf32, #tpu.memory_space<vmem>>, vector<16xf32>,
        %mul3A_1543 = arith.mulf %get3A_1076, %get3A_1542 : vector<16xf32>
        %add3A_1544 = arith.addf %add3A_1539, %mul3A_1543 : vector<16xf32>
        %neg3A_1545 = arith.constant 0.000000e+00 : f32
        %neg3A_1546 = vector.broadcast %neg3A_1545 : f32 to vector<16xf32>
        %neg3A_1547 = arith.subf %neg3A_1546, %add3A_1544 : vector<16xf32>
        %add3A_1548 = arith.constant 240 : i32
        %add3A_1549 = arith.addi %mul3A_1099, %add3A_1548 : i32
        %swap3A_1550 = arith.index_cast %add3A_1549 : i32 to index
        %swap3A_1551 = tpu.vector_load %arg16[%swap3A_1550] {strides = array<i32>} : memref<5376xf32, #tpu.memory_space<vmem>>, vector<16xf32>,
        tpu.vector_store %arg16[%swap3A_1550], %neg3A_1547 {strides = array<i32>} : memref<5376xf32, #tpu.memory_space<vmem>>, vector<16xf32>,
        %mul3A_1552 = arith.constant 20 : i32
        %mul3A_1553 = arith.muli %scan3A_1064, %mul3A_1552 : i32
        %add3A_1554 = arith.constant 15 : i32
        %add3A_1555 = arith.addi %mul3A_1553, %add3A_1554 : i32
        %get3A_1556 = arith.index_cast %add3A_1555 : i32 to index
        %get3A_1557 = arith.constant 64 : index
        %get3A_1558 = tpu.vector_load %arg15[%get3A_1556, %get3A_1557] {strides = array<i32>} : memref<320x128xf32, #tpu.memory_space<vmem>>, vector<16xf32>,
        %mul3A_1559 = arith.mulf %get3A_1067, %get3A_1558 : vector<16xf32>
        %get3A_1560 = arith.index_cast %add3A_1555 : i32 to index
        %get3A_1561 = arith.constant 80 : index
        %get3A_1562 = tpu.vector_load %arg15[%get3A_1560, %get3A_1561] {strides = array<i32>} : memref<320x128xf32, #tpu.memory_space<vmem>>, vector<16xf32>,
        %mul3A_1563 = arith.mulf %get3A_1070, %get3A_1562 : vector<16xf32>
        %add3A_1564 = arith.addf %mul3A_1559, %mul3A_1563 : vector<16xf32>
        %get3A_1565 = arith.index_cast %add3A_1555 : i32 to index
        %get3A_1566 = arith.constant 96 : index
        %get3A_1567 = tpu.vector_load %arg15[%get3A_1565, %get3A_1566] {strides = array<i32>} : memref<320x128xf32, #tpu.memory_space<vmem>>, vector<16xf32>,
        %mul3A_1568 = arith.mulf %get3A_1073, %get3A_1567 : vector<16xf32>
        %add3A_1569 = arith.addf %add3A_1564, %mul3A_1568 : vector<16xf32>
        %get3A_1570 = arith.index_cast %add3A_1555 : i32 to index
        %get3A_1571 = arith.constant 112 : index
        %get3A_1572 = tpu.vector_load %arg15[%get3A_1570, %get3A_1571] {strides = array<i32>} : memref<320x128xf32, #tpu.memory_space<vmem>>, vector<16xf32>,
        %mul3A_1573 = arith.mulf %get3A_1076, %get3A_1572 : vector<16xf32>
        %add3A_1574 = arith.addf %add3A_1569, %mul3A_1573 : vector<16xf32>
        %neg3A_1575 = arith.constant 0.000000e+00 : f32
        %neg3A_1576 = vector.broadcast %neg3A_1575 : f32 to vector<16xf32>
        %neg3A_1577 = arith.subf %neg3A_1576, %add3A_1574 : vector<16xf32>
        %add3A_1578 = arith.constant 256 : i32
        %add3A_1579 = arith.addi %mul3A_1099, %add3A_1578 : i32
        %swap3A_1580 = arith.index_cast %add3A_1579 : i32 to index
        %swap3A_1581 = tpu.vector_load %arg16[%swap3A_1580] {strides = array<i32>} : memref<5376xf32, #tpu.memory_space<vmem>>, vector<16xf32>,
        tpu.vector_store %arg16[%swap3A_1580], %neg3A_1577 {strides = array<i32>} : memref<5376xf32, #tpu.memory_space<vmem>>, vector<16xf32>,
        %mul3A_1582 = arith.constant 20 : i32
        %mul3A_1583 = arith.muli %scan3A_1064, %mul3A_1582 : i32
        %add3A_1584 = arith.constant 16 : i32
        %add3A_1585 = arith.addi %mul3A_1583, %add3A_1584 : i32
        %get3A_1586 = arith.index_cast %add3A_1585 : i32 to index
        %get3A_1587 = arith.constant 64 : index
        %get3A_1588 = tpu.vector_load %arg15[%get3A_1586, %get3A_1587] {strides = array<i32>} : memref<320x128xf32, #tpu.memory_space<vmem>>, vector<16xf32>,
        %mul3A_1589 = arith.mulf %get3A_1067, %get3A_1588 : vector<16xf32>
        %get3A_1590 = arith.index_cast %add3A_1585 : i32 to index
        %get3A_1591 = arith.constant 80 : index
        %get3A_1592 = tpu.vector_load %arg15[%get3A_1590, %get3A_1591] {strides = array<i32>} : memref<320x128xf32, #tpu.memory_space<vmem>>, vector<16xf32>,
        %mul3A_1593 = arith.mulf %get3A_1070, %get3A_1592 : vector<16xf32>
        %add3A_1594 = arith.addf %mul3A_1589, %mul3A_1593 : vector<16xf32>
        %get3A_1595 = arith.index_cast %add3A_1585 : i32 to index
        %get3A_1596 = arith.constant 96 : index
        %get3A_1597 = tpu.vector_load %arg15[%get3A_1595, %get3A_1596] {strides = array<i32>} : memref<320x128xf32, #tpu.memory_space<vmem>>, vector<16xf32>,
        %mul3A_1598 = arith.mulf %get3A_1073, %get3A_1597 : vector<16xf32>
        %add3A_1599 = arith.addf %add3A_1594, %mul3A_1598 : vector<16xf32>
        %get3A_1600 = arith.index_cast %add3A_1585 : i32 to index
        %get3A_1601 = arith.constant 112 : index
        %get3A_1602 = tpu.vector_load %arg15[%get3A_1600, %get3A_1601] {strides = array<i32>} : memref<320x128xf32, #tpu.memory_space<vmem>>, vector<16xf32>,
        %mul3A_1603 = arith.mulf %get3A_1076, %get3A_1602 : vector<16xf32>
        %add3A_1604 = arith.addf %add3A_1599, %mul3A_1603 : vector<16xf32>
        %neg3A_1605 = arith.constant 0.000000e+00 : f32
        %neg3A_1606 = vector.broadcast %neg3A_1605 : f32 to vector<16xf32>
        %neg3A_1607 = arith.subf %neg3A_1606, %add3A_1604 : vector<16xf32>
        %add3A_1608 = arith.constant 272 : i32
        %add3A_1609 = arith.addi %mul3A_1099, %add3A_1608 : i32
        %swap3A_1610 = arith.index_cast %add3A_1609 : i32 to index
        %swap3A_1611 = tpu.vector_load %arg16[%swap3A_1610] {strides = array<i32>} : memref<5376xf32, #tpu.memory_space<vmem>>, vector<16xf32>,
        tpu.vector_store %arg16[%swap3A_1610], %neg3A_1607 {strides = array<i32>} : memref<5376xf32, #tpu.memory_space<vmem>>, vector<16xf32>,
        %mul3A_1612 = arith.constant 20 : i32
        %mul3A_1613 = arith.muli %scan3A_1064, %mul3A_1612 : i32
        %add3A_1614 = arith.constant 17 : i32
        %add3A_1615 = arith.addi %mul3A_1613, %add3A_1614 : i32
        %get3A_1616 = arith.index_cast %add3A_1615 : i32 to index
        %get3A_1617 = arith.constant 64 : index
        %get3A_1618 = tpu.vector_load %arg15[%get3A_1616, %get3A_1617] {strides = array<i32>} : memref<320x128xf32, #tpu.memory_space<vmem>>, vector<16xf32>,
        %mul3A_1619 = arith.mulf %get3A_1067, %get3A_1618 : vector<16xf32>
        %get3A_1620 = arith.index_cast %add3A_1615 : i32 to index
        %get3A_1621 = arith.constant 80 : index
        %get3A_1622 = tpu.vector_load %arg15[%get3A_1620, %get3A_1621] {strides = array<i32>} : memref<320x128xf32, #tpu.memory_space<vmem>>, vector<16xf32>,
        %mul3A_1623 = arith.mulf %get3A_1070, %get3A_1622 : vector<16xf32>
        %add3A_1624 = arith.addf %mul3A_1619, %mul3A_1623 : vector<16xf32>
        %get3A_1625 = arith.index_cast %add3A_1615 : i32 to index
        %get3A_1626 = arith.constant 96 : index
        %get3A_1627 = tpu.vector_load %arg15[%get3A_1625, %get3A_1626] {strides = array<i32>} : memref<320x128xf32, #tpu.memory_space<vmem>>, vector<16xf32>,
        %mul3A_1628 = arith.mulf %get3A_1073, %get3A_1627 : vector<16xf32>
        %add3A_1629 = arith.addf %add3A_1624, %mul3A_1628 : vector<16xf32>
        %get3A_1630 = arith.index_cast %add3A_1615 : i32 to index
        %get3A_1631 = arith.constant 112 : index
        %get3A_1632 = tpu.vector_load %arg15[%get3A_1630, %get3A_1631] {strides = array<i32>} : memref<320x128xf32, #tpu.memory_space<vmem>>, vector<16xf32>,
        %mul3A_1633 = arith.mulf %get3A_1076, %get3A_1632 : vector<16xf32>
        %add3A_1634 = arith.addf %add3A_1629, %mul3A_1633 : vector<16xf32>
        %neg3A_1635 = arith.constant 0.000000e+00 : f32
        %neg3A_1636 = vector.broadcast %neg3A_1635 : f32 to vector<16xf32>
        %neg3A_1637 = arith.subf %neg3A_1636, %add3A_1634 : vector<16xf32>
        %add3A_1638 = arith.constant 288 : i32
        %add3A_1639 = arith.addi %mul3A_1099, %add3A_1638 : i32
        %swap3A_1640 = arith.index_cast %add3A_1639 : i32 to index
        %swap3A_1641 = tpu.vector_load %arg16[%swap3A_1640] {strides = array<i32>} : memref<5376xf32, #tpu.memory_space<vmem>>, vector<16xf32>,
        tpu.vector_store %arg16[%swap3A_1640], %neg3A_1637 {strides = array<i32>} : memref<5376xf32, #tpu.memory_space<vmem>>, vector<16xf32>,
        %mul3A_1642 = arith.constant 20 : i32
        %mul3A_1643 = arith.muli %scan3A_1064, %mul3A_1642 : i32
        %add3A_1644 = arith.constant 18 : i32
        %add3A_1645 = arith.addi %mul3A_1643, %add3A_1644 : i32
        %get3A_1646 = arith.index_cast %add3A_1645 : i32 to index
        %get3A_1647 = arith.constant 64 : index
        %get3A_1648 = tpu.vector_load %arg15[%get3A_1646, %get3A_1647] {strides = array<i32>} : memref<320x128xf32, #tpu.memory_space<vmem>>, vector<16xf32>,
        %mul3A_1649 = arith.mulf %get3A_1067, %get3A_1648 : vector<16xf32>
        %get3A_1650 = arith.index_cast %add3A_1645 : i32 to index
        %get3A_1651 = arith.constant 80 : index
        %get3A_1652 = tpu.vector_load %arg15[%get3A_1650, %get3A_1651] {strides = array<i32>} : memref<320x128xf32, #tpu.memory_space<vmem>>, vector<16xf32>,
        %mul3A_1653 = arith.mulf %get3A_1070, %get3A_1652 : vector<16xf32>
        %add3A_1654 = arith.addf %mul3A_1649, %mul3A_1653 : vector<16xf32>
        %get3A_1655 = arith.index_cast %add3A_1645 : i32 to index
        %get3A_1656 = arith.constant 96 : index
        %get3A_1657 = tpu.vector_load %arg15[%get3A_1655, %get3A_1656] {strides = array<i32>} : memref<320x128xf32, #tpu.memory_space<vmem>>, vector<16xf32>,
        %mul3A_1658 = arith.mulf %get3A_1073, %get3A_1657 : vector<16xf32>
        %add3A_1659 = arith.addf %add3A_1654, %mul3A_1658 : vector<16xf32>
        %get3A_1660 = arith.index_cast %add3A_1645 : i32 to index
        %get3A_1661 = arith.constant 112 : index
        %get3A_1662 = tpu.vector_load %arg15[%get3A_1660, %get3A_1661] {strides = array<i32>} : memref<320x128xf32, #tpu.memory_space<vmem>>, vector<16xf32>,
        %mul3A_1663 = arith.mulf %get3A_1076, %get3A_1662 : vector<16xf32>
        %add3A_1664 = arith.addf %add3A_1659, %mul3A_1663 : vector<16xf32>
        %neg3A_1665 = arith.constant 0.000000e+00 : f32
        %neg3A_1666 = vector.broadcast %neg3A_1665 : f32 to vector<16xf32>
        %neg3A_1667 = arith.subf %neg3A_1666, %add3A_1664 : vector<16xf32>
        %add3A_1668 = arith.constant 304 : i32
        %add3A_1669 = arith.addi %mul3A_1099, %add3A_1668 : i32
        %swap3A_1670 = arith.index_cast %add3A_1669 : i32 to index
        %swap3A_1671 = tpu.vector_load %arg16[%swap3A_1670] {strides = array<i32>} : memref<5376xf32, #tpu.memory_space<vmem>>, vector<16xf32>,
        tpu.vector_store %arg16[%swap3A_1670], %neg3A_1667 {strides = array<i32>} : memref<5376xf32, #tpu.memory_space<vmem>>, vector<16xf32>,
        %mul3A_1672 = arith.constant 20 : i32
        %mul3A_1673 = arith.muli %scan3A_1064, %mul3A_1672 : i32
        %add3A_1674 = arith.constant 19 : i32
        %add3A_1675 = arith.addi %mul3A_1673, %add3A_1674 : i32
        %get3A_1676 = arith.index_cast %add3A_1675 : i32 to index
        %get3A_1677 = arith.constant 64 : index
        %get3A_1678 = tpu.vector_load %arg15[%get3A_1676, %get3A_1677] {strides = array<i32>} : memref<320x128xf32, #tpu.memory_space<vmem>>, vector<16xf32>,
        %mul3A_1679 = arith.mulf %get3A_1067, %get3A_1678 : vector<16xf32>
        %get3A_1680 = arith.index_cast %add3A_1675 : i32 to index
        %get3A_1681 = arith.constant 80 : index
        %get3A_1682 = tpu.vector_load %arg15[%get3A_1680, %get3A_1681] {strides = array<i32>} : memref<320x128xf32, #tpu.memory_space<vmem>>, vector<16xf32>,
        %mul3A_1683 = arith.mulf %get3A_1070, %get3A_1682 : vector<16xf32>
        %add3A_1684 = arith.addf %mul3A_1679, %mul3A_1683 : vector<16xf32>
        %get3A_1685 = arith.index_cast %add3A_1675 : i32 to index
        %get3A_1686 = arith.constant 96 : index
        %get3A_1687 = tpu.vector_load %arg15[%get3A_1685, %get3A_1686] {strides = array<i32>} : memref<320x128xf32, #tpu.memory_space<vmem>>, vector<16xf32>,
        %mul3A_1688 = arith.mulf %get3A_1073, %get3A_1687 : vector<16xf32>
        %add3A_1689 = arith.addf %add3A_1684, %mul3A_1688 : vector<16xf32>
        %get3A_1690 = arith.index_cast %add3A_1675 : i32 to index
        %get3A_1691 = arith.constant 112 : index
        %get3A_1692 = tpu.vector_load %arg15[%get3A_1690, %get3A_1691] {strides = array<i32>} : memref<320x128xf32, #tpu.memory_space<vmem>>, vector<16xf32>,
        %mul3A_1693 = arith.mulf %get3A_1076, %get3A_1692 : vector<16xf32>
        %add3A_1694 = arith.addf %add3A_1689, %mul3A_1693 : vector<16xf32>
        %neg3A_1695 = arith.constant 0.000000e+00 : f32
        %neg3A_1696 = vector.broadcast %neg3A_1695 : f32 to vector<16xf32>
        %neg3A_1697 = arith.subf %neg3A_1696, %add3A_1694 : vector<16xf32>
        %add3A_1698 = arith.constant 320 : i32
        %add3A_1699 = arith.addi %mul3A_1099, %add3A_1698 : i32
        %swap3A_1700 = arith.index_cast %add3A_1699 : i32 to index
        %swap3A_1701 = tpu.vector_load %arg16[%swap3A_1700] {strides = array<i32>} : memref<5376xf32, #tpu.memory_space<vmem>>, vector<16xf32>,
        tpu.vector_store %arg16[%swap3A_1700], %neg3A_1697 {strides = array<i32>} : memref<5376xf32, #tpu.memory_space<vmem>>, vector<16xf32>,
      }
      %scan3A_280 = arith.constant 16 : i32
      %iota3A_281 = tpu.iota {dimensions = array<i32: 0>} : vector<16xi32>
      %mul3A_282 = arith.constant 16 : i32
      %mul3A_283 = vector.broadcast %mul3A_282 : i32 to vector<16xi32>
      %mul3A_284 = arith.muli %iota3A_281, %mul3A_283 : vector<16xi32>
      %scan3A_285 = arith.constant 0 : i32
      %scan3A_286 = arith.constant 0 : i32
      %scan3A_287 = arith.constant 20 : i32
      %scan3A_288 = arith.addi %scan3A_286, %scan3A_287 : i32
      %scan3A_289 = arith.constant 2 : i32
      scf.for %scan3A_427 = %scan3A_286 to %scan3A_288 step %scan3A_289  : i32 {
        %mul3A_428 = arith.constant 256 : i32
        %mul3A_429 = arith.muli %scan3A_427, %mul3A_428 : i32
        %add3A_430 = vector.broadcast %mul3A_429 : i32 to vector<16xi32>
        %add3A_431 = arith.addi %mul3A_284, %add3A_430 : vector<16xi32>
        %gather3A_432 = tpu.vector_load_idx %arg16[%add3A_431] : memref<5376xf32, #tpu.memory_space<vmem>>[vector<16xi32>], vector<16xf32>,
        %mul3A_433 = arith.constant 256 : i32
        %mul3A_434 = arith.muli %scan3A_427, %mul3A_433 : i32
        %add3A_435 = arith.constant 1 : i32
        %add3A_436 = arith.addi %mul3A_434, %add3A_435 : i32
        %add3A_437 = vector.broadcast %add3A_436 : i32 to vector<16xi32>
        %add3A_438 = arith.addi %mul3A_284, %add3A_437 : vector<16xi32>
        %gather3A_439 = tpu.vector_load_idx %arg16[%add3A_438] : memref<5376xf32, #tpu.memory_space<vmem>>[vector<16xi32>], vector<16xf32>,
        %add3A_440 = arith.addf %gather3A_432, %gather3A_439 : vector<16xf32>
        %mul3A_441 = arith.constant 256 : i32
        %mul3A_442 = arith.muli %scan3A_427, %mul3A_441 : i32
        %add3A_443 = arith.constant 2 : i32
        %add3A_444 = arith.addi %mul3A_442, %add3A_443 : i32
        %add3A_445 = vector.broadcast %add3A_444 : i32 to vector<16xi32>
        %add3A_446 = arith.addi %mul3A_284, %add3A_445 : vector<16xi32>
        %gather3A_447 = tpu.vector_load_idx %arg16[%add3A_446] : memref<5376xf32, #tpu.memory_space<vmem>>[vector<16xi32>], vector<16xf32>,
        %add3A_448 = arith.addf %add3A_440, %gather3A_447 : vector<16xf32>
        %mul3A_449 = arith.constant 256 : i32
        %mul3A_450 = arith.muli %scan3A_427, %mul3A_449 : i32
        %add3A_451 = arith.constant 3 : i32
        %add3A_452 = arith.addi %mul3A_450, %add3A_451 : i32
        %add3A_453 = vector.broadcast %add3A_452 : i32 to vector<16xi32>
        %add3A_454 = arith.addi %mul3A_284, %add3A_453 : vector<16xi32>
        %gather3A_455 = tpu.vector_load_idx %arg16[%add3A_454] : memref<5376xf32, #tpu.memory_space<vmem>>[vector<16xi32>], vector<16xf32>,
        %add3A_456 = arith.addf %add3A_448, %gather3A_455 : vector<16xf32>
        %mul3A_457 = arith.constant 256 : i32
        %mul3A_458 = arith.muli %scan3A_427, %mul3A_457 : i32
        %add3A_459 = arith.constant 4 : i32
        %add3A_460 = arith.addi %mul3A_458, %add3A_459 : i32
        %add3A_461 = vector.broadcast %add3A_460 : i32 to vector<16xi32>
        %add3A_462 = arith.addi %mul3A_284, %add3A_461 : vector<16xi32>
        %gather3A_463 = tpu.vector_load_idx %arg16[%add3A_462] : memref<5376xf32, #tpu.memory_space<vmem>>[vector<16xi32>], vector<16xf32>,
        %add3A_464 = arith.addf %add3A_456, %gather3A_463 : vector<16xf32>
        %mul3A_465 = arith.constant 256 : i32
        %mul3A_466 = arith.muli %scan3A_427, %mul3A_465 : i32
        %add3A_467 = arith.constant 5 : i32
        %add3A_468 = arith.addi %mul3A_466, %add3A_467 : i32
        %add3A_469 = vector.broadcast %add3A_468 : i32 to vector<16xi32>
        %add3A_470 = arith.addi %mul3A_284, %add3A_469 : vector<16xi32>
        %gather3A_471 = tpu.vector_load_idx %arg16[%add3A_470] : memref<5376xf32, #tpu.memory_space<vmem>>[vector<16xi32>], vector<16xf32>,
        %add3A_472 = arith.addf %add3A_464, %gather3A_471 : vector<16xf32>
        %mul3A_473 = arith.constant 256 : i32
        %mul3A_474 = arith.muli %scan3A_427, %mul3A_473 : i32
        %add3A_475 = arith.constant 6 : i32
        %add3A_476 = arith.addi %mul3A_474, %add3A_475 : i32
        %add3A_477 = vector.broadcast %add3A_476 : i32 to vector<16xi32>
        %add3A_478 = arith.addi %mul3A_284, %add3A_477 : vector<16xi32>
        %gather3A_479 = tpu.vector_load_idx %arg16[%add3A_478] : memref<5376xf32, #tpu.memory_space<vmem>>[vector<16xi32>], vector<16xf32>,
        %add3A_480 = arith.addf %add3A_472, %gather3A_479 : vector<16xf32>
        %mul3A_481 = arith.constant 256 : i32
        %mul3A_482 = arith.muli %scan3A_427, %mul3A_481 : i32
        %add3A_483 = arith.constant 7 : i32
        %add3A_484 = arith.addi %mul3A_482, %add3A_483 : i32
        %add3A_485 = vector.broadcast %add3A_484 : i32 to vector<16xi32>
        %add3A_486 = arith.addi %mul3A_284, %add3A_485 : vector<16xi32>
        %gather3A_487 = tpu.vector_load_idx %arg16[%add3A_486] : memref<5376xf32, #tpu.memory_space<vmem>>[vector<16xi32>], vector<16xf32>,
        %add3A_488 = arith.addf %add3A_480, %gather3A_487 : vector<16xf32>
        %mul3A_489 = arith.constant 256 : i32
        %mul3A_490 = arith.muli %scan3A_427, %mul3A_489 : i32
        %add3A_491 = arith.constant 8 : i32
        %add3A_492 = arith.addi %mul3A_490, %add3A_491 : i32
        %add3A_493 = vector.broadcast %add3A_492 : i32 to vector<16xi32>
        %add3A_494 = arith.addi %mul3A_284, %add3A_493 : vector<16xi32>
        %gather3A_495 = tpu.vector_load_idx %arg16[%add3A_494] : memref<5376xf32, #tpu.memory_space<vmem>>[vector<16xi32>], vector<16xf32>,
        %add3A_496 = arith.addf %add3A_488, %gather3A_495 : vector<16xf32>
        %mul3A_497 = arith.constant 256 : i32
        %mul3A_498 = arith.muli %scan3A_427, %mul3A_497 : i32
        %add3A_499 = arith.constant 9 : i32
        %add3A_500 = arith.addi %mul3A_498, %add3A_499 : i32
        %add3A_501 = vector.broadcast %add3A_500 : i32 to vector<16xi32>
        %add3A_502 = arith.addi %mul3A_284, %add3A_501 : vector<16xi32>
        %gather3A_503 = tpu.vector_load_idx %arg16[%add3A_502] : memref<5376xf32, #tpu.memory_space<vmem>>[vector<16xi32>], vector<16xf32>,
        %add3A_504 = arith.addf %add3A_496, %gather3A_503 : vector<16xf32>
        %mul3A_505 = arith.constant 256 : i32
        %mul3A_506 = arith.muli %scan3A_427, %mul3A_505 : i32
        %add3A_507 = arith.constant 10 : i32
        %add3A_508 = arith.addi %mul3A_506, %add3A_507 : i32
        %add3A_509 = vector.broadcast %add3A_508 : i32 to vector<16xi32>
        %add3A_510 = arith.addi %mul3A_284, %add3A_509 : vector<16xi32>
        %gather3A_511 = tpu.vector_load_idx %arg16[%add3A_510] : memref<5376xf32, #tpu.memory_space<vmem>>[vector<16xi32>], vector<16xf32>,
        %add3A_512 = arith.addf %add3A_504, %gather3A_511 : vector<16xf32>
        %mul3A_513 = arith.constant 256 : i32
        %mul3A_514 = arith.muli %scan3A_427, %mul3A_513 : i32
        %add3A_515 = arith.constant 11 : i32
        %add3A_516 = arith.addi %mul3A_514, %add3A_515 : i32
        %add3A_517 = vector.broadcast %add3A_516 : i32 to vector<16xi32>
        %add3A_518 = arith.addi %mul3A_284, %add3A_517 : vector<16xi32>
        %gather3A_519 = tpu.vector_load_idx %arg16[%add3A_518] : memref<5376xf32, #tpu.memory_space<vmem>>[vector<16xi32>], vector<16xf32>,
        %add3A_520 = arith.addf %add3A_512, %gather3A_519 : vector<16xf32>
        %mul3A_521 = arith.constant 256 : i32
        %mul3A_522 = arith.muli %scan3A_427, %mul3A_521 : i32
        %add3A_523 = arith.constant 12 : i32
        %add3A_524 = arith.addi %mul3A_522, %add3A_523 : i32
        %add3A_525 = vector.broadcast %add3A_524 : i32 to vector<16xi32>
        %add3A_526 = arith.addi %mul3A_284, %add3A_525 : vector<16xi32>
        %gather3A_527 = tpu.vector_load_idx %arg16[%add3A_526] : memref<5376xf32, #tpu.memory_space<vmem>>[vector<16xi32>], vector<16xf32>,
        %add3A_528 = arith.addf %add3A_520, %gather3A_527 : vector<16xf32>
        %mul3A_529 = arith.constant 256 : i32
        %mul3A_530 = arith.muli %scan3A_427, %mul3A_529 : i32
        %add3A_531 = arith.constant 13 : i32
        %add3A_532 = arith.addi %mul3A_530, %add3A_531 : i32
        %add3A_533 = vector.broadcast %add3A_532 : i32 to vector<16xi32>
        %add3A_534 = arith.addi %mul3A_284, %add3A_533 : vector<16xi32>
        %gather3A_535 = tpu.vector_load_idx %arg16[%add3A_534] : memref<5376xf32, #tpu.memory_space<vmem>>[vector<16xi32>], vector<16xf32>,
        %add3A_536 = arith.addf %add3A_528, %gather3A_535 : vector<16xf32>
        %mul3A_537 = arith.constant 256 : i32
        %mul3A_538 = arith.muli %scan3A_427, %mul3A_537 : i32
        %add3A_539 = arith.constant 14 : i32
        %add3A_540 = arith.addi %mul3A_538, %add3A_539 : i32
        %add3A_541 = vector.broadcast %add3A_540 : i32 to vector<16xi32>
        %add3A_542 = arith.addi %mul3A_284, %add3A_541 : vector<16xi32>
        %gather3A_543 = tpu.vector_load_idx %arg16[%add3A_542] : memref<5376xf32, #tpu.memory_space<vmem>>[vector<16xi32>], vector<16xf32>,
        %add3A_544 = arith.addf %add3A_536, %gather3A_543 : vector<16xf32>
        %mul3A_545 = arith.constant 256 : i32
        %mul3A_546 = arith.muli %scan3A_427, %mul3A_545 : i32
        %add3A_547 = arith.constant 15 : i32
        %add3A_548 = arith.addi %mul3A_546, %add3A_547 : i32
        %add3A_549 = vector.broadcast %add3A_548 : i32 to vector<16xi32>
        %add3A_550 = arith.addi %mul3A_284, %add3A_549 : vector<16xi32>
        %gather3A_551 = tpu.vector_load_idx %arg16[%add3A_550] : memref<5376xf32, #tpu.memory_space<vmem>>[vector<16xi32>], vector<16xf32>,
        %add3A_552 = arith.addf %add3A_544, %gather3A_551 : vector<16xf32>
        %mul3A_553 = arith.constant 16 : i32
        %mul3A_554 = arith.muli %scan3A_427, %mul3A_553 : i32
        %swap3A_555 = arith.index_cast %mul3A_554 : i32 to index
        %swap3A_556 = tpu.vector_load %arg17[%swap3A_555] {strides = array<i32>} : memref<336xf32, #tpu.memory_space<vmem>>, vector<16xf32>,
        tpu.vector_store %arg17[%swap3A_555], %add3A_552 {strides = array<i32>} : memref<336xf32, #tpu.memory_space<vmem>>, vector<16xf32>,
        %scan3A_557 = arith.constant 1 : i32
        %scan3A_558 = arith.addi %scan3A_427, %scan3A_557 : i32
        %mul3A_559 = arith.constant 256 : i32
        %mul3A_560 = arith.muli %scan3A_558, %mul3A_559 : i32
        %add3A_561 = vector.broadcast %mul3A_560 : i32 to vector<16xi32>
        %add3A_562 = arith.addi %mul3A_284, %add3A_561 : vector<16xi32>
        %gather3A_563 = tpu.vector_load_idx %arg16[%add3A_562] : memref<5376xf32, #tpu.memory_space<vmem>>[vector<16xi32>], vector<16xf32>,
        %mul3A_564 = arith.constant 256 : i32
        %mul3A_565 = arith.muli %scan3A_558, %mul3A_564 : i32
        %add3A_566 = arith.constant 1 : i32
        %add3A_567 = arith.addi %mul3A_565, %add3A_566 : i32
        %add3A_568 = vector.broadcast %add3A_567 : i32 to vector<16xi32>
        %add3A_569 = arith.addi %mul3A_284, %add3A_568 : vector<16xi32>
        %gather3A_570 = tpu.vector_load_idx %arg16[%add3A_569] : memref<5376xf32, #tpu.memory_space<vmem>>[vector<16xi32>], vector<16xf32>,
        %add3A_571 = arith.addf %gather3A_563, %gather3A_570 : vector<16xf32>
        %mul3A_572 = arith.constant 256 : i32
        %mul3A_573 = arith.muli %scan3A_558, %mul3A_572 : i32
        %add3A_574 = arith.constant 2 : i32
        %add3A_575 = arith.addi %mul3A_573, %add3A_574 : i32
        %add3A_576 = vector.broadcast %add3A_575 : i32 to vector<16xi32>
        %add3A_577 = arith.addi %mul3A_284, %add3A_576 : vector<16xi32>
        %gather3A_578 = tpu.vector_load_idx %arg16[%add3A_577] : memref<5376xf32, #tpu.memory_space<vmem>>[vector<16xi32>], vector<16xf32>,
        %add3A_579 = arith.addf %add3A_571, %gather3A_578 : vector<16xf32>
        %mul3A_580 = arith.constant 256 : i32
        %mul3A_581 = arith.muli %scan3A_558, %mul3A_580 : i32
        %add3A_582 = arith.constant 3 : i32
        %add3A_583 = arith.addi %mul3A_581, %add3A_582 : i32
        %add3A_584 = vector.broadcast %add3A_583 : i32 to vector<16xi32>
        %add3A_585 = arith.addi %mul3A_284, %add3A_584 : vector<16xi32>
        %gather3A_586 = tpu.vector_load_idx %arg16[%add3A_585] : memref<5376xf32, #tpu.memory_space<vmem>>[vector<16xi32>], vector<16xf32>,
        %add3A_587 = arith.addf %add3A_579, %gather3A_586 : vector<16xf32>
        %mul3A_588 = arith.constant 256 : i32
        %mul3A_589 = arith.muli %scan3A_558, %mul3A_588 : i32
        %add3A_590 = arith.constant 4 : i32
        %add3A_591 = arith.addi %mul3A_589, %add3A_590 : i32
        %add3A_592 = vector.broadcast %add3A_591 : i32 to vector<16xi32>
        %add3A_593 = arith.addi %mul3A_284, %add3A_592 : vector<16xi32>
        %gather3A_594 = tpu.vector_load_idx %arg16[%add3A_593] : memref<5376xf32, #tpu.memory_space<vmem>>[vector<16xi32>], vector<16xf32>,
        %add3A_595 = arith.addf %add3A_587, %gather3A_594 : vector<16xf32>
        %mul3A_596 = arith.constant 256 : i32
        %mul3A_597 = arith.muli %scan3A_558, %mul3A_596 : i32
        %add3A_598 = arith.constant 5 : i32
        %add3A_599 = arith.addi %mul3A_597, %add3A_598 : i32
        %add3A_600 = vector.broadcast %add3A_599 : i32 to vector<16xi32>
        %add3A_601 = arith.addi %mul3A_284, %add3A_600 : vector<16xi32>
        %gather3A_602 = tpu.vector_load_idx %arg16[%add3A_601] : memref<5376xf32, #tpu.memory_space<vmem>>[vector<16xi32>], vector<16xf32>,
        %add3A_603 = arith.addf %add3A_595, %gather3A_602 : vector<16xf32>
        %mul3A_604 = arith.constant 256 : i32
        %mul3A_605 = arith.muli %scan3A_558, %mul3A_604 : i32
        %add3A_606 = arith.constant 6 : i32
        %add3A_607 = arith.addi %mul3A_605, %add3A_606 : i32
        %add3A_608 = vector.broadcast %add3A_607 : i32 to vector<16xi32>
        %add3A_609 = arith.addi %mul3A_284, %add3A_608 : vector<16xi32>
        %gather3A_610 = tpu.vector_load_idx %arg16[%add3A_609] : memref<5376xf32, #tpu.memory_space<vmem>>[vector<16xi32>], vector<16xf32>,
        %add3A_611 = arith.addf %add3A_603, %gather3A_610 : vector<16xf32>
        %mul3A_612 = arith.constant 256 : i32
        %mul3A_613 = arith.muli %scan3A_558, %mul3A_612 : i32
        %add3A_614 = arith.constant 7 : i32
        %add3A_615 = arith.addi %mul3A_613, %add3A_614 : i32
        %add3A_616 = vector.broadcast %add3A_615 : i32 to vector<16xi32>
        %add3A_617 = arith.addi %mul3A_284, %add3A_616 : vector<16xi32>
        %gather3A_618 = tpu.vector_load_idx %arg16[%add3A_617] : memref<5376xf32, #tpu.memory_space<vmem>>[vector<16xi32>], vector<16xf32>,
        %add3A_619 = arith.addf %add3A_611, %gather3A_618 : vector<16xf32>
        %mul3A_620 = arith.constant 256 : i32
        %mul3A_621 = arith.muli %scan3A_558, %mul3A_620 : i32
        %add3A_622 = arith.constant 8 : i32
        %add3A_623 = arith.addi %mul3A_621, %add3A_622 : i32
        %add3A_624 = vector.broadcast %add3A_623 : i32 to vector<16xi32>
        %add3A_625 = arith.addi %mul3A_284, %add3A_624 : vector<16xi32>
        %gather3A_626 = tpu.vector_load_idx %arg16[%add3A_625] : memref<5376xf32, #tpu.memory_space<vmem>>[vector<16xi32>], vector<16xf32>,
        %add3A_627 = arith.addf %add3A_619, %gather3A_626 : vector<16xf32>
        %mul3A_628 = arith.constant 256 : i32
        %mul3A_629 = arith.muli %scan3A_558, %mul3A_628 : i32
        %add3A_630 = arith.constant 9 : i32
        %add3A_631 = arith.addi %mul3A_629, %add3A_630 : i32
        %add3A_632 = vector.broadcast %add3A_631 : i32 to vector<16xi32>
        %add3A_633 = arith.addi %mul3A_284, %add3A_632 : vector<16xi32>
        %gather3A_634 = tpu.vector_load_idx %arg16[%add3A_633] : memref<5376xf32, #tpu.memory_space<vmem>>[vector<16xi32>], vector<16xf32>,
        %add3A_635 = arith.addf %add3A_627, %gather3A_634 : vector<16xf32>
        %mul3A_636 = arith.constant 256 : i32
        %mul3A_637 = arith.muli %scan3A_558, %mul3A_636 : i32
        %add3A_638 = arith.constant 10 : i32
        %add3A_639 = arith.addi %mul3A_637, %add3A_638 : i32
        %add3A_640 = vector.broadcast %add3A_639 : i32 to vector<16xi32>
        %add3A_641 = arith.addi %mul3A_284, %add3A_640 : vector<16xi32>
        %gather3A_642 = tpu.vector_load_idx %arg16[%add3A_641] : memref<5376xf32, #tpu.memory_space<vmem>>[vector<16xi32>], vector<16xf32>,
        %add3A_643 = arith.addf %add3A_635, %gather3A_642 : vector<16xf32>
        %mul3A_644 = arith.constant 256 : i32
        %mul3A_645 = arith.muli %scan3A_558, %mul3A_644 : i32
        %add3A_646 = arith.constant 11 : i32
        %add3A_647 = arith.addi %mul3A_645, %add3A_646 : i32
        %add3A_648 = vector.broadcast %add3A_647 : i32 to vector<16xi32>
        %add3A_649 = arith.addi %mul3A_284, %add3A_648 : vector<16xi32>
        %gather3A_650 = tpu.vector_load_idx %arg16[%add3A_649] : memref<5376xf32, #tpu.memory_space<vmem>>[vector<16xi32>], vector<16xf32>,
        %add3A_651 = arith.addf %add3A_643, %gather3A_650 : vector<16xf32>
        %mul3A_652 = arith.constant 256 : i32
        %mul3A_653 = arith.muli %scan3A_558, %mul3A_652 : i32
        %add3A_654 = arith.constant 12 : i32
        %add3A_655 = arith.addi %mul3A_653, %add3A_654 : i32
        %add3A_656 = vector.broadcast %add3A_655 : i32 to vector<16xi32>
        %add3A_657 = arith.addi %mul3A_284, %add3A_656 : vector<16xi32>
        %gather3A_658 = tpu.vector_load_idx %arg16[%add3A_657] : memref<5376xf32, #tpu.memory_space<vmem>>[vector<16xi32>], vector<16xf32>,
        %add3A_659 = arith.addf %add3A_651, %gather3A_658 : vector<16xf32>
        %mul3A_660 = arith.constant 256 : i32
        %mul3A_661 = arith.muli %scan3A_558, %mul3A_660 : i32
        %add3A_662 = arith.constant 13 : i32
        %add3A_663 = arith.addi %mul3A_661, %add3A_662 : i32
        %add3A_664 = vector.broadcast %add3A_663 : i32 to vector<16xi32>
        %add3A_665 = arith.addi %mul3A_284, %add3A_664 : vector<16xi32>
        %gather3A_666 = tpu.vector_load_idx %arg16[%add3A_665] : memref<5376xf32, #tpu.memory_space<vmem>>[vector<16xi32>], vector<16xf32>,
        %add3A_667 = arith.addf %add3A_659, %gather3A_666 : vector<16xf32>
        %mul3A_668 = arith.constant 256 : i32
        %mul3A_669 = arith.muli %scan3A_558, %mul3A_668 : i32
        %add3A_670 = arith.constant 14 : i32
        %add3A_671 = arith.addi %mul3A_669, %add3A_670 : i32
        %add3A_672 = vector.broadcast %add3A_671 : i32 to vector<16xi32>
        %add3A_673 = arith.addi %mul3A_284, %add3A_672 : vector<16xi32>
        %gather3A_674 = tpu.vector_load_idx %arg16[%add3A_673] : memref<5376xf32, #tpu.memory_space<vmem>>[vector<16xi32>], vector<16xf32>,
        %add3A_675 = arith.addf %add3A_667, %gather3A_674 : vector<16xf32>
        %mul3A_676 = arith.constant 256 : i32
        %mul3A_677 = arith.muli %scan3A_558, %mul3A_676 : i32
        %add3A_678 = arith.constant 15 : i32
        %add3A_679 = arith.addi %mul3A_677, %add3A_678 : i32
        %add3A_680 = vector.broadcast %add3A_679 : i32 to vector<16xi32>
        %add3A_681 = arith.addi %mul3A_284, %add3A_680 : vector<16xi32>
        %gather3A_682 = tpu.vector_load_idx %arg16[%add3A_681] : memref<5376xf32, #tpu.memory_space<vmem>>[vector<16xi32>], vector<16xf32>,
        %add3A_683 = arith.addf %add3A_675, %gather3A_682 : vector<16xf32>
        %mul3A_684 = arith.constant 16 : i32
        %mul3A_685 = arith.muli %scan3A_558, %mul3A_684 : i32
        %swap3A_686 = arith.index_cast %mul3A_685 : i32 to index
        %swap3A_687 = tpu.vector_load %arg17[%swap3A_686] {strides = array<i32>} : memref<336xf32, #tpu.memory_space<vmem>>, vector<16xf32>,
        tpu.vector_store %arg17[%swap3A_686], %add3A_683 {strides = array<i32>} : memref<336xf32, #tpu.memory_space<vmem>>, vector<16xf32>,
      }
      %scan3A_290 = arith.constant 20 : i32
      %scan3A_291 = arith.addi %scan3A_286, %scan3A_290 : i32
      %mul3A_292 = arith.constant 256 : i32
      %mul3A_293 = arith.muli %scan3A_291, %mul3A_292 : i32
      %add3A_294 = vector.broadcast %mul3A_293 : i32 to vector<16xi32>
      %add3A_295 = arith.addi %mul3A_284, %add3A_294 : vector<16xi32>
      %gather3A_296 = tpu.vector_load_idx %arg16[%add3A_295] : memref<5376xf32, #tpu.memory_space<vmem>>[vector<16xi32>], vector<16xf32>,
      %mul3A_297 = arith.constant 256 : i32
      %mul3A_298 = arith.muli %scan3A_291, %mul3A_297 : i32
      %add3A_299 = arith.constant 1 : i32
      %add3A_300 = arith.addi %mul3A_298, %add3A_299 : i32
      %add3A_301 = vector.broadcast %add3A_300 : i32 to vector<16xi32>
      %add3A_302 = arith.addi %mul3A_284, %add3A_301 : vector<16xi32>
      %gather3A_303 = tpu.vector_load_idx %arg16[%add3A_302] : memref<5376xf32, #tpu.memory_space<vmem>>[vector<16xi32>], vector<16xf32>,
      %add3A_304 = arith.addf %gather3A_296, %gather3A_303 : vector<16xf32>
      %mul3A_305 = arith.constant 256 : i32
      %mul3A_306 = arith.muli %scan3A_291, %mul3A_305 : i32
      %add3A_307 = arith.constant 2 : i32
      %add3A_308 = arith.addi %mul3A_306, %add3A_307 : i32
      %add3A_309 = vector.broadcast %add3A_308 : i32 to vector<16xi32>
      %add3A_310 = arith.addi %mul3A_284, %add3A_309 : vector<16xi32>
      %gather3A_311 = tpu.vector_load_idx %arg16[%add3A_310] : memref<5376xf32, #tpu.memory_space<vmem>>[vector<16xi32>], vector<16xf32>,
      %add3A_312 = arith.addf %add3A_304, %gather3A_311 : vector<16xf32>
      %mul3A_313 = arith.constant 256 : i32
      %mul3A_314 = arith.muli %scan3A_291, %mul3A_313 : i32
      %add3A_315 = arith.constant 3 : i32
      %add3A_316 = arith.addi %mul3A_314, %add3A_315 : i32
      %add3A_317 = vector.broadcast %add3A_316 : i32 to vector<16xi32>
      %add3A_318 = arith.addi %mul3A_284, %add3A_317 : vector<16xi32>
      %gather3A_319 = tpu.vector_load_idx %arg16[%add3A_318] : memref<5376xf32, #tpu.memory_space<vmem>>[vector<16xi32>], vector<16xf32>,
      %add3A_320 = arith.addf %add3A_312, %gather3A_319 : vector<16xf32>
      %mul3A_321 = arith.constant 256 : i32
      %mul3A_322 = arith.muli %scan3A_291, %mul3A_321 : i32
      %add3A_323 = arith.constant 4 : i32
      %add3A_324 = arith.addi %mul3A_322, %add3A_323 : i32
      %add3A_325 = vector.broadcast %add3A_324 : i32 to vector<16xi32>
      %add3A_326 = arith.addi %mul3A_284, %add3A_325 : vector<16xi32>
      %gather3A_327 = tpu.vector_load_idx %arg16[%add3A_326] : memref<5376xf32, #tpu.memory_space<vmem>>[vector<16xi32>], vector<16xf32>,
      %add3A_328 = arith.addf %add3A_320, %gather3A_327 : vector<16xf32>
      %mul3A_329 = arith.constant 256 : i32
      %mul3A_330 = arith.muli %scan3A_291, %mul3A_329 : i32
      %add3A_331 = arith.constant 5 : i32
      %add3A_332 = arith.addi %mul3A_330, %add3A_331 : i32
      %add3A_333 = vector.broadcast %add3A_332 : i32 to vector<16xi32>
      %add3A_334 = arith.addi %mul3A_284, %add3A_333 : vector<16xi32>
      %gather3A_335 = tpu.vector_load_idx %arg16[%add3A_334] : memref<5376xf32, #tpu.memory_space<vmem>>[vector<16xi32>], vector<16xf32>,
      %add3A_336 = arith.addf %add3A_328, %gather3A_335 : vector<16xf32>
      %mul3A_337 = arith.constant 256 : i32
      %mul3A_338 = arith.muli %scan3A_291, %mul3A_337 : i32
      %add3A_339 = arith.constant 6 : i32
      %add3A_340 = arith.addi %mul3A_338, %add3A_339 : i32
      %add3A_341 = vector.broadcast %add3A_340 : i32 to vector<16xi32>
      %add3A_342 = arith.addi %mul3A_284, %add3A_341 : vector<16xi32>
      %gather3A_343 = tpu.vector_load_idx %arg16[%add3A_342] : memref<5376xf32, #tpu.memory_space<vmem>>[vector<16xi32>], vector<16xf32>,
      %add3A_344 = arith.addf %add3A_336, %gather3A_343 : vector<16xf32>
      %mul3A_345 = arith.constant 256 : i32
      %mul3A_346 = arith.muli %scan3A_291, %mul3A_345 : i32
      %add3A_347 = arith.constant 7 : i32
      %add3A_348 = arith.addi %mul3A_346, %add3A_347 : i32
      %add3A_349 = vector.broadcast %add3A_348 : i32 to vector<16xi32>
      %add3A_350 = arith.addi %mul3A_284, %add3A_349 : vector<16xi32>
      %gather3A_351 = tpu.vector_load_idx %arg16[%add3A_350] : memref<5376xf32, #tpu.memory_space<vmem>>[vector<16xi32>], vector<16xf32>,
      %add3A_352 = arith.addf %add3A_344, %gather3A_351 : vector<16xf32>
      %mul3A_353 = arith.constant 256 : i32
      %mul3A_354 = arith.muli %scan3A_291, %mul3A_353 : i32
      %add3A_355 = arith.constant 8 : i32
      %add3A_356 = arith.addi %mul3A_354, %add3A_355 : i32
      %add3A_357 = vector.broadcast %add3A_356 : i32 to vector<16xi32>
      %add3A_358 = arith.addi %mul3A_284, %add3A_357 : vector<16xi32>
      %gather3A_359 = tpu.vector_load_idx %arg16[%add3A_358] : memref<5376xf32, #tpu.memory_space<vmem>>[vector<16xi32>], vector<16xf32>,
      %add3A_360 = arith.addf %add3A_352, %gather3A_359 : vector<16xf32>
      %mul3A_361 = arith.constant 256 : i32
      %mul3A_362 = arith.muli %scan3A_291, %mul3A_361 : i32
      %add3A_363 = arith.constant 9 : i32
      %add3A_364 = arith.addi %mul3A_362, %add3A_363 : i32
      %add3A_365 = vector.broadcast %add3A_364 : i32 to vector<16xi32>
      %add3A_366 = arith.addi %mul3A_284, %add3A_365 : vector<16xi32>
      %gather3A_367 = tpu.vector_load_idx %arg16[%add3A_366] : memref<5376xf32, #tpu.memory_space<vmem>>[vector<16xi32>], vector<16xf32>,
      %add3A_368 = arith.addf %add3A_360, %gather3A_367 : vector<16xf32>
      %mul3A_369 = arith.constant 256 : i32
      %mul3A_370 = arith.muli %scan3A_291, %mul3A_369 : i32
      %add3A_371 = arith.constant 10 : i32
      %add3A_372 = arith.addi %mul3A_370, %add3A_371 : i32
      %add3A_373 = vector.broadcast %add3A_372 : i32 to vector<16xi32>
      %add3A_374 = arith.addi %mul3A_284, %add3A_373 : vector<16xi32>
      %gather3A_375 = tpu.vector_load_idx %arg16[%add3A_374] : memref<5376xf32, #tpu.memory_space<vmem>>[vector<16xi32>], vector<16xf32>,
      %add3A_376 = arith.addf %add3A_368, %gather3A_375 : vector<16xf32>
      %mul3A_377 = arith.constant 256 : i32
      %mul3A_378 = arith.muli %scan3A_291, %mul3A_377 : i32
      %add3A_379 = arith.constant 11 : i32
      %add3A_380 = arith.addi %mul3A_378, %add3A_379 : i32
      %add3A_381 = vector.broadcast %add3A_380 : i32 to vector<16xi32>
      %add3A_382 = arith.addi %mul3A_284, %add3A_381 : vector<16xi32>
      %gather3A_383 = tpu.vector_load_idx %arg16[%add3A_382] : memref<5376xf32, #tpu.memory_space<vmem>>[vector<16xi32>], vector<16xf32>,
      %add3A_384 = arith.addf %add3A_376, %gather3A_383 : vector<16xf32>
      %mul3A_385 = arith.constant 256 : i32
      %mul3A_386 = arith.muli %scan3A_291, %mul3A_385 : i32
      %add3A_387 = arith.constant 12 : i32
      %add3A_388 = arith.addi %mul3A_386, %add3A_387 : i32
      %add3A_389 = vector.broadcast %add3A_388 : i32 to vector<16xi32>
      %add3A_390 = arith.addi %mul3A_284, %add3A_389 : vector<16xi32>
      %gather3A_391 = tpu.vector_load_idx %arg16[%add3A_390] : memref<5376xf32, #tpu.memory_space<vmem>>[vector<16xi32>], vector<16xf32>,
      %add3A_392 = arith.addf %add3A_384, %gather3A_391 : vector<16xf32>
      %mul3A_393 = arith.constant 256 : i32
      %mul3A_394 = arith.muli %scan3A_291, %mul3A_393 : i32
      %add3A_395 = arith.constant 13 : i32
      %add3A_396 = arith.addi %mul3A_394, %add3A_395 : i32
      %add3A_397 = vector.broadcast %add3A_396 : i32 to vector<16xi32>
      %add3A_398 = arith.addi %mul3A_284, %add3A_397 : vector<16xi32>
      %gather3A_399 = tpu.vector_load_idx %arg16[%add3A_398] : memref<5376xf32, #tpu.memory_space<vmem>>[vector<16xi32>], vector<16xf32>,
      %add3A_400 = arith.addf %add3A_392, %gather3A_399 : vector<16xf32>
      %mul3A_401 = arith.constant 256 : i32
      %mul3A_402 = arith.muli %scan3A_291, %mul3A_401 : i32
      %add3A_403 = arith.constant 14 : i32
      %add3A_404 = arith.addi %mul3A_402, %add3A_403 : i32
      %add3A_405 = vector.broadcast %add3A_404 : i32 to vector<16xi32>
      %add3A_406 = arith.addi %mul3A_284, %add3A_405 : vector<16xi32>
      %gather3A_407 = tpu.vector_load_idx %arg16[%add3A_406] : memref<5376xf32, #tpu.memory_space<vmem>>[vector<16xi32>], vector<16xf32>,
      %add3A_408 = arith.addf %add3A_400, %gather3A_407 : vector<16xf32>
      %mul3A_409 = arith.constant 256 : i32
      %mul3A_410 = arith.muli %scan3A_291, %mul3A_409 : i32
      %add3A_411 = arith.constant 15 : i32
      %add3A_412 = arith.addi %mul3A_410, %add3A_411 : i32
      %add3A_413 = vector.broadcast %add3A_412 : i32 to vector<16xi32>
      %add3A_414 = arith.addi %mul3A_284, %add3A_413 : vector<16xi32>
      %gather3A_415 = tpu.vector_load_idx %arg16[%add3A_414] : memref<5376xf32, #tpu.memory_space<vmem>>[vector<16xi32>], vector<16xf32>,
      %add3A_416 = arith.addf %add3A_408, %gather3A_415 : vector<16xf32>
      %mul3A_417 = arith.constant 16 : i32
      %mul3A_418 = arith.muli %scan3A_291, %mul3A_417 : i32
      %swap3A_419 = arith.index_cast %mul3A_418 : i32 to index
      %swap3A_420 = tpu.vector_load %arg17[%swap3A_419] {strides = array<i32>} : memref<336xf32, #tpu.memory_space<vmem>>, vector<16xf32>,
      tpu.vector_store %arg17[%swap3A_419], %add3A_416 {strides = array<i32>} : memref<336xf32, #tpu.memory_space<vmem>>, vector<16xf32>,
      %scan3A_421 = arith.constant 21 : i32
      %mul3A_422 = arith.constant 21 : i32
      %mul3A_423 = arith.muli %mul3A_2, %mul3A_422 : i32
      %mul3A_424 = arith.constant 336 : i32
      %mul3A_425 = arith.muli %add3A_274, %mul3A_424 : i32
      %add3A_426 = arith.addi %mul3A_423, %mul3A_425 : i32
      "tpu.region"() ({
        %run_scoped3A = tpu.sem_alloc : memref<!tpu.dma_semaphore, #tpu.memory_space<semaphore_mem>>
        %dma_start3A_427 = tpu.memref_slice %arg6[%add3A_426] : memref<344064xf32, #tpu.memory_space<hbm>> -> memref<336xf32, #tpu.memory_space<hbm>>
        %dma_start3A_428 = tpu.memref_slice %arg6[%add3A_426] : memref<344064xf32, #tpu.memory_space<hbm>> -> memref<336xf32, #tpu.memory_space<hbm>>
        tpu.enqueue_dma source(%arg17 : memref<336xf32, #tpu.memory_space<vmem>>) target(%dma_start3A_428 : memref<336xf32, #tpu.memory_space<hbm>>) target_semaphore(%run_scoped3A : memref<!tpu.dma_semaphore, #tpu.memory_space<semaphore_mem>>)
        %dma_wait3A_429 = tpu.memref_slice %arg6[%add3A_426] : memref<344064xf32, #tpu.memory_space<hbm>> -> memref<336xf32, #tpu.memory_space<hbm>>
        %dma_wait3A_430 = tpu.memref_slice %arg6[%add3A_426] : memref<344064xf32, #tpu.memory_space<hbm>> -> memref<336xf32, #tpu.memory_space<hbm>>
        tpu.wait_dma2 semaphore(%run_scoped3A : memref<!tpu.dma_semaphore, #tpu.memory_space<semaphore_mem>>) src(%arg17 : memref<336xf32, #tpu.memory_space<vmem>>) dst(%dma_wait3A_430 : memref<336xf32, #tpu.memory_space<hbm>>)
        tpu.yield
      }) : () -> ()
    }
    %scan3A_42 = arith.constant 16 : i32
    return
  }
}

module attributes {stable_mosaic.version = 14 : i64} {
  func.func @_repack_body(%arg0: i32, %arg1: memref<64x16384xf32, #tpu.memory_space<vmem>>, %arg2: memref<64x16384xf32, #tpu.memory_space<vmem>>, %arg3: memref<16384x128xf32, #tpu.memory_space<vmem>>) attributes {dimension_semantics = [#tpu.dimension_semantics<arbitrary>], iteration_bounds = array<i64: 62>, scalar_prefetch = 0 : i64, scratch_operands = 0 : i64, tpu.core_type = #tpu.core_type<tc>, window_params = [{transform_indices = @transform_0, window_bounds = array<i64: 64, 16384>}, {transform_indices = @transform_1, window_bounds = array<i64: 64, 16384>}, {transform_indices = @transform_2, window_bounds = array<i64: 16384, 128>}]} {
    %get3A = arith.constant 0 : index
    %get3A_0 = arith.constant 0 : index
    %get3A_1 = vector.load %arg1[%get3A, %get3A_0] : memref<64x16384xf32, #tpu.memory_space<vmem>>, vector<64x16384xf32>
    %get3A_2 = arith.constant 0 : index
    %get3A_3 = arith.constant 0 : index
    %get3A_4 = vector.load %arg2[%get3A_2, %get3A_3] : memref<64x16384xf32, #tpu.memory_space<vmem>>, vector<64x16384xf32>
    %concatenate3A = tpu.concatenate %get3A_1, %get3A_4 in 0 : vector<64x16384xf32>, vector<64x16384xf32> -> vector<128x16384xf32>
    %transpose3A = tpu.transpose %concatenate3A, [1, 0] : vector<128x16384xf32> -> vector<16384x128xf32>
    %swap3A = arith.constant 0 : index
    %swap3A_5 = arith.constant 0 : index
    %swap3A_6 = vector.load %arg3[%swap3A, %swap3A_5] : memref<16384x128xf32, #tpu.memory_space<vmem>>, vector<16384x128xf32>
    tpu.vector_store %arg3[%swap3A, %swap3A_5], %transpose3A {strides = array<i32>} : memref<16384x128xf32, #tpu.memory_space<vmem>>, vector<16384x128xf32>,
    return
  }
  func.func @transform_0(%arg0: i32) -> (i32, i32) {
    %c0_i32 = arith.constant 0 : i32
    %c0_i32_0 = arith.constant 0 : i32
    return %c0_i32, %arg0 : i32, i32
  }
  func.func @transform_1(%arg0: i32) -> (i32, i32) {
    %c0_i32 = arith.constant 0 : i32
    %c0_i32_0 = arith.constant 0 : i32
    return %c0_i32, %arg0 : i32, i32
  }
  func.func @transform_2(%arg0: i32) -> (i32, i32) {
    %c0_i32 = arith.constant 0 : i32
    %c0_i32_0 = arith.constant 0 : i32
    return %arg0, %c0_i32 : i32, i32
  }
}

module attributes {stable_mosaic.version = 14 : i64} {
  func.func @_tc_loss_kernel(%arg0: memref<2688x128xf32, #tpu.memory_space<vmem>>, %arg1: memref<1x1xf32, #tpu.memory_space<smem>>) attributes {dimension_semantics = [], scalar_prefetch = 0 : i64, scratch_operands = 0 : i64, tpu.core_type = #tpu.core_type<tc>} {
    %get3A = arith.constant 0 : index
    %get3A_0 = arith.constant 0 : index
    %get3A_1 = vector.load %arg0[%get3A, %get3A_0] : memref<2688x128xf32, #tpu.memory_space<vmem>>, vector<2688x128xf32>
    %logistic3A = arith.negf %get3A_1 : vector<2688x128xf32>
    %logistic3A_2 = math.exp %logistic3A : vector<2688x128xf32>
    %logistic3A_3 = arith.constant 1.000000e+00 : f32
    %logistic3A_4 = vector.broadcast %logistic3A_3 : f32 to vector<2688x128xf32>
    %logistic3A_5 = arith.addf %logistic3A_4, %logistic3A_2 : vector<2688x128xf32>
    %logistic3A_6 = arith.divf %logistic3A_4, %logistic3A_5 : vector<2688x128xf32>
    %add3A = arith.constant 1.000000e-10 : f32
    %add3A_7 = vector.broadcast %add3A : f32 to vector<2688x128xf32>
    %add3A_8 = arith.addf %logistic3A_6, %add3A_7 : vector<2688x128xf32>
    %log3A = math.log %add3A_8 : vector<2688x128xf32>
    %neg3A = arith.constant 0.000000e+00 : f32
    %neg3A_9 = vector.broadcast %neg3A : f32 to vector<2688x128xf32>
    %neg3A_10 = arith.subf %neg3A_9, %log3A : vector<2688x128xf32>
    %reduce_sum3A = vector.shape_cast %neg3A_10 : vector<2688x128xf32> to vector<1x2688x128xf32>
    %reduce_sum3A_11 = arith.constant dense<0.000000e+00> : vector<1xf32>
    %reduce_sum3A_12 = vector.multi_reduction <add>, %reduce_sum3A, %reduce_sum3A_11 [1, 2] : vector<1x2688x128xf32> to vector<1xf32>
    %reduce_sum3A_13 = vector.shape_cast %reduce_sum3A_12 : vector<1xf32> to vector<1x1x1xf32>
    %reduce_sum3A_14 = vector.extract %reduce_sum3A_13[0, 0, 0] : f32 from vector<1x1x1xf32>
    %div3A = arith.constant 1.638400e+04 : f32
    %div3A_15 = arith.divf %reduce_sum3A_14, %div3A : f32
    %swap3A = arith.constant 0 : index
    %swap3A_16 = arith.constant 0 : index
    %swap3A_17 = memref.load %arg1[%swap3A, %swap3A_16] : memref<1x1xf32, #tpu.memory_space<smem>>
    memref.store %div3A_15, %arg1[%swap3A, %swap3A_16] : memref<1x1xf32, #tpu.memory_space<smem>>
    return
  }
}

</mosaic_0001>

<sc_bundles>
// kernel: kernel.5.cloned.1.call-start
scs
__scs_entry_jumppad:
0x0: {  	(pc) =	sbr.rel $0x88, $3  }
0x1: {  	(tag) =	ssettag $0x0;
	lr =	simm.s32 $0x1  }
0x2: {  	[smem:$0x3F9C] =	sst lr;
	_ =	strace $0xD0000000  }
0x3: {  	_ = 	snop  }
0x4: {  	_ = 	snop  }
0x5: {  	_ = 	snop  }
0x6: {  	_ = 	snop  }
0x7: {  	_ = 	snop  }
__scs_overlays_trampoline_lowered:
0x8: {  	[smem:$0x3FAB] =	sst s0  }
0x9: {  	[smem:$0x3FAC] =	sst s1  }
0xa: {  	[smem:$0x3FAD] =	sst s2  }
0xb: {  	[smem:$0x3FAE] =	sst s3  }
0xc: {  	[smem:$0x3FAF] =	sst s4  }
0xd: {  	[smem:$0x3FB0] =	sst s5  }
0xe: {  	[smem:$0x3FB1] =	sst s6  }
0xf: {  	[smem:$0x3FB2] =	sst s7  }
0x10: {  	[smem:$0x3FB3] =	sst s8  }
0x11: {  	[smem:$0x3FB4] =	sst s9;
	s0 =	simm.s32 @!p0 $0x0  }
0x12: {  	s1 =	sld [smem:$0x3F9A];
	s0 =	simm.s32 @p0 $0x1  }
0x13: {  	[smem:$0x3FB5] =	sst s0;
	s0 =	simm.s32 @!p1 $0x0  }
0x14: {  	s2 =	sld [smem:$0x3F99];
	s0 =	simm.s32 @p1 $0x1  }
0x15: {  	[smem:$0x3FB6] =	sst s0;
	s0 =	simm.s32 @!p2 $0x0  }
0x16: {  	s3 =	sld [smem:$0x3FDB];
	s0 =	simm.s32 @p2 $0x1  }
0x17: {  	s4 =	simm.s32 $0x1BF5;
	[smem:$0x3FB8] =	sst s0  }
0x18: {  	s0 =	sld [smem:$0x3F9B];
	_ =	swait.ge [sflag:s4], $0x0  }
0x19: {  	s7 =	sld [smem:$0x3F9C]  }
0x1a: {  	s8 =	sadd.s32 $0xFFFFE003, lr  }
0x1b: {  	s9 =	sadd.s32 $0xFFFFFEF7, lr;
	s5 =	simm.s32 $0xFFFFFFFF;
	p2 =	slt.u32 s8, $0xFFFFF086  }
0x1c: {  	p1 =	slt.u32 s9, $0xF7A;
	s5 =	simm.s32 @!p2 $0x0  }
0x1d: {  	s5 =	simm.s32 @p1 $0x1;
	p0 =	seq.s32 s7, s2  }
0x1e: {  	s7 =	smul.u32 @!p0 $0xF7A, s2;
	p2 =	seq.s32 @!p0 s5, $0x0  }
0x1f: {  	s9 =	smul.u32 $0xF7A, s1;
	s8 =	simm.s32 @!p0 $0x1BF5;
	p2 =	por !p2, p0  }
0x20: {  	[sflag:s8] =	ssyncset.s32 @!p0 $0xFFFFF086;
	s6 =	sadd.s32 @!p0 s3, s7;
	s7 =	simm.s32 @!p0 $0x108  }
0x21: {  	s3 =	sadd.s32 s3, s9;
	s6 =	sadd.s32 @!p0 $0x88, s6;
	s7 =	simm.s32 @p2 $0x1082  }
0x22: {  	[simem:s7], [sflag:s8] =	dma.local @!p0 [hbm:s6], $0xF7A  }
0x23: {  	s9 =	sor.u32 $0xD0000000, s2;
	s6 =	simm.s32 $0x108;
	_ =	swait.ge @!p0 [sflag:s8], $0x0  }
0x24: {  	s3 =	sadd.s32 $0x88, s3;
	s6 =	simm.s32 @!p1 $0x1082;
	[sflag:s4] =	ssyncset.s32 $0xFFFFF086  }
0x25: {  	[simem:s6], [sflag:s4] =	dma.local [hbm:s3], $0xF7A  }
0x26: {  	[smem:$0x3F9C] =	sst s1;
	(tag) =	ssettag s2;
	_ =	strace s9  }
0x27: {  	s1 =	sld [smem:$0x3FAC]  }
0x28: {  	s2 =	sld [smem:$0x3FAD]  }
0x29: {  	s4 =	sld [smem:$0x3FAF]  }
0x2a: {  	p0 =	seq.s32 s5, $0x0;
	s5 =	sld [smem:$0x3FB0]  }
0x2b: {  	s6 =	sld [smem:$0x3FB1]  }
0x2c: {  	s7 =	sld [smem:$0x3FB2]  }
0x2d: {  	s3 =	simm.s32 $0x108;
	s8 =	sld [smem:$0x3FB3]  }
0x2e: {  	s3 =	simm.s32 @!p0 $0x1082;
	s9 =	sld [smem:$0x3FB4]  }
0x2f: {  	lr =	sadd.s32 s0, s3;
	s0 =	sld [smem:$0x3FAB]  }
0x30: {  	s3 =	sld [smem:$0x3FAE]  }
0x31: {  	[smem:$0x3FB7] =	sst s10  }
0x32: {  	s10 =	sld [smem:$0x3FB5];
	_ =	sdelay $0x3  }
0x33: {  	p0 =	seq.s32 s10, $0x1;
	s10 =	sld [smem:$0x3FB7];
	_ =	sdelay $0x3  }
0x34: {  	[smem:$0x3FB7] =	sst s10  }
0x35: {  	s10 =	sld [smem:$0x3FB6];
	_ =	sdelay $0x3  }
0x36: {  	p1 =	seq.s32 s10, $0x1;
	s10 =	sld [smem:$0x3FB7];
	_ =	sdelay $0x3  }
0x37: {  	[smem:$0x3FB7] =	sst s10  }
0x38: {  	s10 =	sld [smem:$0x3FB8]  }
0x39: {  	_ = 	snop;
	(pc) =	sbr.ind lr, $3  }
0x3a: {  	_ = 	snop  }
0x3b: {  	_ = 	snop  }
0x3c: {  	p2 =	seq.s32 s10, $0x1;
	s10 =	sld [smem:$0x3FB7]  }
0x3d: {  	_ =	shalt  }
0x3e: {  	_ =	shalt  }
0x3f: {  	_ =	shalt  }
0x40: {  	_ =	shalt  }
0x41: {  	_ =	shalt  }
0x42: {  	_ =	shalt  }
0x43: {  	_ =	shalt  }
0x44: {  	_ =	shalt  }
0x45: {  	_ =	shalt  }
0x46: {  	_ =	shalt  }
0x47: {  	_ =	shalt  }
0x48: {  	_ =	shalt  }
0x49: {  	_ =	shalt  }
0x4a: {  	_ =	shalt  }
0x4b: {  	_ =	shalt  }
0x4c: {  	_ =	shalt  }
0x4d: {  	_ =	shalt  }
0x4e: {  	_ =	shalt  }
0x4f: {  	_ =	shalt  }
0x50: {  	_ =	shalt  }
0x51: {  	_ =	shalt  }
0x52: {  	_ =	shalt  }
0x53: {  	_ =	shalt  }
0x54: {  	_ =	shalt  }
0x55: {  	_ =	shalt  }
0x56: {  	_ =	shalt  }
0x57: {  	_ =	shalt  }
0x58: {  	_ =	shalt  }
0x59: {  	_ =	shalt  }
0x5a: {  	_ =	shalt  }
0x5b: {  	_ =	shalt  }
0x5c: {  	_ =	shalt  }
0x5d: {  	_ =	shalt  }
0x5e: {  	_ =	shalt  }
0x5f: {  	_ =	shalt  }
0x60: {  	_ =	shalt  }
0x61: {  	_ =	shalt  }
0x62: {  	_ =	shalt  }
0x63: {  	_ =	shalt  }
0x64: {  	_ =	shalt  }
0x65: {  	_ =	shalt  }
0x66: {  	_ =	shalt  }
0x67: {  	_ =	shalt  }
0x68: {  	_ =	shalt  }
0x69: {  	_ =	shalt  }
0x6a: {  	_ =	shalt  }
0x6b: {  	_ =	shalt  }
0x6c: {  	_ =	shalt  }
0x6d: {  	_ =	shalt  }
0x6e: {  	_ =	shalt  }
0x6f: {  	_ =	shalt  }
0x70: {  	_ =	shalt  }
0x71: {  	_ =	shalt  }
0x72: {  	_ =	shalt  }
0x73: {  	_ =	shalt  }
0x74: {  	_ =	shalt  }
0x75: {  	_ =	shalt  }
0x76: {  	_ =	shalt  }
0x77: {  	_ =	shalt  }
0x78: {  	_ =	shalt  }
0x79: {  	_ =	shalt  }
0x7a: {  	_ =	shalt  }
0x7b: {  	_ =	shalt  }
0x7c: {  	_ =	shalt  }
0x7d: {  	_ =	shalt  }
0x7e: {  	_ =	shalt  }
0x7f: {  	_ =	shalt  }
0x80: {  	_ =	shalt  }
0x81: {  	_ =	shalt  }
0x82: {  	_ =	shalt  }
0x83: {  	_ =	shalt  }
0x84: {  	_ =	shalt  }
0x85: {  	_ =	shalt  }
0x86: {  	_ =	shalt  }
0x87: {  	_ =	shalt  }
.Lfunc_end0:
.L_simem_size_0:
called_computation_lowered:
.L_overlay_start_0:
0x88: {  	s2 =	sld [smem:$0x3FD9]  }
0x89: {  	s3 =	sld [smem:$0x3FFE];
	_ =	sdelay $0x1  }
0x8a: {  	s1 =	srdreg.scid  }
0x8b: {  	s0 =	sand.u32 $0x1, s1  }
0x8c: {  	s17 =	sshll.u32 s0, $0xA;
	s2 =	sadd.s32 s3, s2  }
0x8d: {  	s2 =	sadd.s32 s2, s17  }
0x8e: {  	[smem:$0x3FC3] =	sst s2  }
0x8f: {  	_ = 	snop  }
0x90: {  	s2 =	sld [smem:$0x3FC9]  }
0x91: {  	s18 =	sld [smem:$0x3FC8];
	(tm) =	ssettm $0x1  }
0x92: {  	s4 =	sld [smem:$0x3FFB];
	_ =	sdelay $0x3  }
0x93: {  	_ =	strace s4  }
0x94: {  	s4 =	sld [smem:$0x3FFC];
	_ =	sdelay $0x3  }
0x95: {  	_ =	strace s4  }
0x96: {  	s4 =	sld [smem:$0x3FFD];
	_ =	sdelay $0x3  }
0x97: {  	_ =	strace s4  }
0x98: {  	_ =	strace $0x8FFFFFFF  }
0x99: {  	s19 =	sld [smem:$0x3FDB];
	_ =	sdelay $0x1  }
0x9a: {  	s5 =	simm.s32 $_scs_section_size  }
0x9b: {  	s6 =	simm.s32 $_size__tile_overlayer_lowered;
	s7 =	simm.s32 $_tile_overlayer_lowered  }
0x9c: {  	s22 =	simm.s32 $0x1BFF;
	s21 =	sshll.u32 s7, $0x1;
	s4 =	sadd.s32 s5, s19  }
0x9d: {  	s8 =	simm.s32 $0x0;
	s20 =	sshll.u32 s6, $0x1;
	s6 =	sadd.s32 s21, s4  }
0x9e: {  	[timem:s8], [sflag:s22] =	dma.local [hbm:s6], s20  }
0x9f: {  	_ =	swait.ge [sflag:s22], s20  }
0xa0: {  	s5 =	ssub.s32 $0x0, s20;
	[sflag:s22] =	ssyncset.done $0x0  }
0xa1: {  	[sflag:s22] =	ssyncadd.s32 s5;
	_ =	sdelay $0x1  }
0xa2: {  	s23 =	simm.s32 $0x1B8B  }
0xa3: {  	_ =	swait.ge [sflag:s23], $0x1  }
0xa4: {  	[sflag:s23] =	ssyncset.done $0x0  }
0xa5: {  	s25 =	simm.s32 $0x1B8E;
	s24 =	sld [smem:$0x3FFE];
	[sflag:s23] =	ssyncadd.s32 $0xFFFFFFFF  }
0xa6: {  	s26 =	simm.s32 $execute0_lowered;
	[smem:$0x3FD2] =	sst s25  }
0xa7: {  	s6 =	sshll.u32 s26, $0x1;
	_ =	strace $0x80000046;
	[dreg:$0x1] =	wrdreg $0xFFFFFFFF  }
0xa8: {  	s28 =	simm.s32 $_size_execute0_lowered;
	s4 =	sadd.s32 s4, s6;
	[dreg:$0x0] =	wrdreg $0x0  }
0xa9: {  	s6 =	sshll.u32 s28, $0x1;
	[dreg:$0x2] =	wrdreg s4  }
0xaa: {  	[dreg:$0x3] =	wrdreg s6  }
0xab: {  	[dreg:$0x4] =	wrdreg $0xC0  }
0xac: {  	_ =	task [dreg:s8], $0x5FFFF  }
0xad: {  	[dreg:$0x1] =	wrdreg $0xFFFFFFFF  }
0xae: {  	[dreg:$0x0] =	wrdreg $0x60  }
0xaf: {  	[dreg:$0x2] =	wrdreg s2  }
0xb0: {  	[dreg:$0x3] =	wrdreg s18  }
0xb1: {  	[dreg:$0x4] =	wrdreg s24  }
0xb2: {  	[dreg:$0x5] =	wrdreg $0x9  }
0xb3: {  	_ =	task.clear_ibuf [dreg:s8], $0x6FFFF;
	_ =	strace $0x90000046  }
0xb4: {  	s29 =	simm.s32 $0x9;
	_ =	strace $0x80000048  }
0xb5: {  	_ =	swait.ge [sflag:s29], $0x1  }
0xb6: {  	[sflag:s29] =	ssyncadd.s32 $0xFFFFFFFF  }
0xb7: {  	_ =	strace $0x90000048  }
0xb8: {  	_ =	sfence  }
0xb9: {  	s30 =	sld [smem:$0x0];
	_ =	sdelay $0x2  }
0xba: {  	s31 =	sshll.u32 s1, $0xD;
	s1 =	sshrl.u32 s1, $0x2  }
0xbb: {  	s3 =	sand.u32 $0x4000, s31;
	s1 =	sadd.s32 s1, s30  }
0xbc: {  	s0 =	sor.u32 s3, s0;
	s1 =	sshll.u32 s1, $0x11  }
0xbd: {  	s0 =	sor.u32 s1, s0  }
0xbe: {  	s0 =	sadd.s32 $0x8F2B, s0  }
0xbf: {  	[sflag:s0] =	ssyncadd.remote.s32 $0x1  }
0xc0: {  	_ =	sfence.sel $0xFFFF  }
0xc1: {  	[dreg:$0x0] =	wrdreg $0xFFFFFFFF;
	(pc) =	sbr.abs _section_cstart, $3  }
0xc2: {  	[dreg:$0x1] =	wrdreg $0xFFFFFFFF  }
0xc3: {  	_ =	task.clear_ibuf [dreg:s8], $0x2FFFF;
	_ =	strace $0x9FFFFFFF  }
0xc4: {  	(tm) =	ssettm $0x7FFFFFFF  }
0xc5: {  	_ =	shalt  }
tec
execute0_lowered:
.L_overlay_start_1:
0x0: {  	(tag) =	ssettag $0x1  }
0x1: {  	s0 =	rddreg [dreg:$0x0]  }
0x2: {  	s1 =	srdreg.scid;
	s6 =	rddreg [dreg:$0x1]  }
0x3: {  	s2 =	stileid.u32;
	s4 =	rddreg [dreg:$0x2]  }
0x4: {  	s10 =	simm.s32 $0x3;
	s13 =	simm.s32 $0x10;
	s16 =	simm.s32 $0x80  }
0x5: {  	s20 =	simm.s32 $0x40;
	s23 =	simm.s32 $0xDC00;
	s24 =	simm.s32 $0xE400  }
0x6: {  	v0 =	vlaneseq.u32;
	s25 =	simm.s32 $0xEC00;
	s26 =	simm.s32 $0x12C00;
	s28 =	simm.s32 $0x16C00  }
0x7: {  	s29 =	simm.s32 $0x1;
	s1 =	sand.u32 $0x1, s1;
	s2 =	sshll.u32 s2, $0x1;
	v0 =	vmul.u32 $0x10, v0  }
0x8: {  	s30 =	simm.s32 $0x18C00;
	s31 =	simm.s32 $0x1A100;
	s8 =	sor.u32 s1, s2  }
0x9: {  	s2 =	simm.s32 $0x0;
	s1 =	ssub.s32 $0x2, s1;
	s3 =	smul.u32 $0x500, s8;
	v1 =	vor.u32 $0x1400, v0  }
0xa: {  	[smem:$0x7FF] =	sst s2;
	s5 =	sshrl.u32 s1, $0x1;
	s9 =	sshll.u32 s8, $0x6;
	v2 =	vor.u32 $0x1401, v0;
	v3 =	vor.u32 $0x1402, v0;
	v4 =	vor.u32 $0x1403, v0  }
0xb: {  	s8 =	smul.u32 $0x2A00, s8;
	v5 =	vor.u32 $0x1404, v0;
	v6 =	vor.u32 $0x1405, v0;
	v7 =	vor.u32 $0x1406, v0;
	_ =	strace $0x80000047;
	s1 =	ssub.s32 s1, s5  }
0xc: {  	v8 =	vor.u32 $0x1407, v0;
	v9 =	vor.u32 $0x1408, v0;
	v10 =	vor.u32 $0x1409, v0;
	s5 =	sadd.s32 s0, s9;
	s6 =	sadd.s32 s6, s9;
	s0 =	simm.s32 $0x0  }
0xd: {  	v11 =	vor.u32 $0x140A, v0;
	v12 =	vor.u32 $0x140B, v0;
	v13 =	vor.u32 $0x140C, v0;
	s7 =	sadd.s32 s3, s4;
	s3 =	sadd.s32 $0xA600, s4;
	s4 =	sadd.s32 $0xF4CA00, s4  }
0xe: {  	v14 =	vor.u32 $0x140D, v0;
	v15 =	vor.u32 $0x140E, v0;
	v16 =	vor.u32 $0x140F, v0;
	s9 =	smax.u32 s1, $0x1;
	s1 =	simm.s32 $0x2;
	s7 =	sadd.s32 $0x600, s7  }
.LBB2_1:
0xf: {  	[tilespmem:s2], [sflag:$0x3] =	stream.linear.gather [hbm4b:s5+s2], $0x200, $0x38;
	[tilespmem:$0x1A280] =	vst v63  }
0x10: {  	_ =	swait.ge [sflag:s10], $0x200  }
0x11: {  	[sflag:s10] =	ssyncset.done $0x0  }
0x12: {  	s11 =	simm.s32 $0x200;
	[sflag:s10] =	ssyncadd.s32 $0xFFFFFE00  }
0x13: {  	[tilespmem:s11], [sflag:$0x3] =	stream.linear.gather [hbm4b:s6+s2], $0x200, $0x38;
	[tilespmem:$0x1A280] =	vst v63  }
0x14: {  	_ =	swait.ge [sflag:s10], $0x200  }
0x15: {  	[sflag:s10] =	ssyncset.done $0x0  }
0x16: {  	s12 =	simm.s32 $0x400;
	[sflag:s10] =	ssyncadd.s32 $0xFFFFFE00  }
0x17: {  	[tilespmem:s12], [sflag:$0x3] =	stream.linear.gather [hbm4b:s7+s2], $0x2800, $0x38;
	[tilespmem:$0x1A280] =	vst v63  }
0x18: {  	_ =	swait.ge [sflag:s10], $0x2800  }
0x19: {  	[sflag:s10] =	ssyncset.done $0x0  }
0x1a: {  	s14 =	simm.s32 $0x2C00;
	[sflag:s10] =	ssyncadd.s32 $0xFFFFD800  }
0x1b: {  	[tilespmem:s14], [sflag:$0x1] =	stream.indirect.gather [hbm4b:s3+s13], $0x80, s2, s13, $0xb8;
	[tilespmem:$0x1A280] =	vst v63  }
0x1c: {  	s15 =	simm.s32 $0x3400  }
0x1d: {  	[tilespmem:s15], [sflag:$0x1] =	stream.indirect.gather [hbm4b:s3+s13], $0x80, s11, s13, $0xb8;
	[tilespmem:$0x1A280] =	vst v63  }
0x1e: {  	s17 =	simm.s32 $0x3C00  }
0x1f: {  	[tilespmem:s17], [sflag:$0x1] =	stream.indirect.gather [hbm4b:s3+s16], $0x80, s12, s16, $0xb8;
	[tilespmem:$0x1A280] =	vst v63  }
0x20: {  	s18 =	simm.s32 $0x480;
	s19 =	simm.s32 $0x7C00  }
0x21: {  	[tilespmem:s19], [sflag:$0x1] =	stream.indirect.gather [hbm4b:s3+s16], $0x80, s18, s16, $0xb8;
	[tilespmem:$0x1A280] =	vst v63  }
0x22: {  	s21 =	simm.s32 $0x500;
	s22 =	simm.s32 $0xBC00;
	s14 =	simm.s32 $0x0  }
0x23: {  	[tilespmem:s22], [sflag:$0x1] =	stream.indirect.gather [hbm4b:s3+s20], $0x80, s21, s20, $0xb8;
	[tilespmem:$0x1A280] =	vst v63  }
.LBB2_2:
0x24: {  	s15 =	sshllo.u32 s14, $0x1  }
0x25: {  	s11 =	sshll.u32 s15, $0x4;
	s17 =	smul.u32 $0x500, s15  }
0x26: {  	[tilespmem:s23], [sflag:$0x2] =	stream.indirect.gather [hbm4b:s3+s13], $0x80, s11, s13, $0xb8;
	[tilespmem:$0x1A280] =	vst v63  }
0x27: {  	s11 =	sadd.s32 $0x200, s11;
	s21 =	sshra.s32 s17, $0x2  }
0x28: {  	[tilespmem:s24], [sflag:$0x2] =	stream.indirect.gather [hbm4b:s3+s13], $0x80, s11, s13, $0xb8;
	[tilespmem:$0x1A280] =	vst v63  }
0x29: {  	s17 =	sadd.s32 $0x400, s21  }
0x2a: {  	[tilespmem:s25], [sflag:$0x2] =	stream.indirect.gather [hbm4b:s3+s16], $0x80, s17, s16, $0xb8;
	[tilespmem:$0x1A280] =	vst v63  }
0x2b: {  	s22 =	sadd.s32 $0x480, s21  }
0x2c: {  	[tilespmem:s26], [sflag:$0x2] =	stream.indirect.gather [hbm4b:s3+s16], $0x80, s22, s16, $0xb8;
	[tilespmem:$0x1A280] =	vst v63  }
0x2d: {  	s11 =	sadd.s32 $0x500, s21  }
0x2e: {  	[tilespmem:s28], [sflag:$0x2] =	stream.indirect.gather [hbm4b:s3+s20], $0x80, s11, s20, $0xb8;
	[tilespmem:$0x1A280] =	vst v63  }
0x2f: {  	_ =	swait.ge [sflag:s29], $0x800  }
0x30: {  	[sflag:s29] =	ssyncset.done $0x0  }
0x31: {  	[sflag:s29] =	ssyncadd.s32 $0xFFFFF800  }
0x32: {  	_ =	swait.ge [sflag:s29], $0x800  }
0x33: {  	[sflag:s29] =	ssyncset.done $0x0  }
0x34: {  	[sflag:s29] =	ssyncadd.s32 $0xFFFFF800  }
0x35: {  	_ =	swait.ge [sflag:s29], $0xA000  }
0x36: {  	[sflag:s29] =	ssyncset.done $0x0  }
0x37: {  	s18 =	simm.s32 $0x0;
	s17 =	sshll.u32 s14, $0x1;
	[sflag:s29] =	ssyncadd.s32 $0xFFFF6000  }
.LBB2_3:
0x38: {  	s11 =	sshll.u32 s18, $0x7  }
0x39: {  	v17 =	vld [tilespmem:s11+$0x2C00]  }
0x3a: {  	v18 =	vld [tilespmem:s11+$0x2C10]  }
0x3b: {  	v21 =	vld [tilespmem:s11+$0x3440]  }
0x3c: {  	v22 =	vld [tilespmem:s11+$0x3450]  }
0x3d: {  	v19 =	vld [tilespmem:s11+$0x2C20]  }
0x3e: {  	v23 =	vld [tilespmem:s11+$0x3460]  }
0x3f: {  	v20 =	vld [tilespmem:s11+$0x2C30]  }
0x40: {  	v24 =	vld [tilespmem:s11+$0x3470]  }
0x41: {  	v21 =	vmul.f32 v21, v17;
	v22 =	vmul.f32 v22, v18;
	_ =	sdelay $0x1  }
0x42: {  	v41 =	vmul.f32 v23, v19;
	v21 =	vadd.f32 v22, v21;
	_ =	sdelay $0x1  }
0x43: {  	v42 =	vmul.f32 v24, v20;
	v21 =	vadd.f32 v41, v21  }
0x44: {  	s19 =	smul.u32 $0x150, s18  }
0x45: {  	s12 =	smul.u32 $0x2800, s18;
	v21 =	vadd.f32 v42, v21;
	_ =	sdelay $0x1  }
0x46: {  	s21 =	sshra.s32 s12, $0x2;
	[tilespmem:s19+$0x18C00] =	vst v21  }
0x47: {  	v21 =	vld [tilespmem:s21+$0x3C40]  }
0x48: {  	v43 =	vld [tilespmem:s21+$0x3C50];
	_ =	sdelay $0x1  }
0x49: {  	v44 =	vld [tilespmem:s21+$0x3C60];
	_ =	sdelay $0x1  }
0x4a: {  	v45 =	vld [tilespmem:s21+$0x3C70]  }
0x4b: {  	v21 =	vmul.f32 v21, v17;
	v22 =	vmul.f32 v43, v18;
	_ =	sdelay $0x1  }
0x4c: {  	v46 =	vmul.f32 v44, v19;
	v21 =	vadd.f32 v22, v21;
	_ =	sdelay $0x1  }
0x4d: {  	v47 =	vmul.f32 v45, v20;
	v21 =	vadd.f32 v46, v21;
	_ =	sdelay $0x1  }
0x4e: {  	v21 =	vadd.f32 v47, v21;
	_ =	sdelay $0x1  }
0x4f: {  	v21 =	vsub.f32 $0.0e+00, v21;
	_ =	sdelay $0x1  }
0x50: {  	[tilespmem:s19+$0x18C10] =	vst v21  }
0x51: {  	v21 =	vld [tilespmem:s21+$0x3CC0]  }
0x52: {  	v48 =	vld [tilespmem:s21+$0x3CD0];
	_ =	sdelay $0x1  }
0x53: {  	v49 =	vld [tilespmem:s21+$0x3CE0];
	_ =	sdelay $0x1  }
0x54: {  	v50 =	vld [tilespmem:s21+$0x3CF0]  }
0x55: {  	v21 =	vmul.f32 v21, v17;
	v22 =	vmul.f32 v48, v18;
	_ =	sdelay $0x1  }
0x56: {  	v51 =	vmul.f32 v49, v19;
	v21 =	vadd.f32 v22, v21;
	_ =	sdelay $0x1  }
0x57: {  	v52 =	vmul.f32 v50, v20;
	v21 =	vadd.f32 v51, v21;
	_ =	sdelay $0x1  }
0x58: {  	v21 =	vadd.f32 v52, v21;
	_ =	sdelay $0x1  }
0x59: {  	v21 =	vsub.f32 $0.0e+00, v21;
	_ =	sdelay $0x1  }
0x5a: {  	[tilespmem:s19+$0x18C20] =	vst v21  }
0x5b: {  	v21 =	vld [tilespmem:s21+$0x3D40]  }
0x5c: {  	v53 =	vld [tilespmem:s21+$0x3D50];
	_ =	sdelay $0x1  }
0x5d: {  	v54 =	vld [tilespmem:s21+$0x3D60];
	_ =	sdelay $0x1  }
0x5e: {  	v55 =	vld [tilespmem:s21+$0x3D70]  }
0x5f: {  	v21 =	vmul.f32 v21, v17;
	v22 =	vmul.f32 v53, v18;
	_ =	sdelay $0x1  }
0x60: {  	v56 =	vmul.f32 v54, v19;
	v21 =	vadd.f32 v22, v21;
	_ =	sdelay $0x1  }
0x61: {  	v57 =	vmul.f32 v55, v20;
	v21 =	vadd.f32 v56, v21;
	_ =	sdelay $0x1  }
0x62: {  	v21 =	vadd.f32 v57, v21;
	_ =	sdelay $0x1  }
0x63: {  	v21 =	vsub.f32 $0.0e+00, v21;
	_ =	sdelay $0x1  }
0x64: {  	[tilespmem:s19+$0x18C30] =	vst v21  }
0x65: {  	v21 =	vld [tilespmem:s21+$0x3DC0]  }
0x66: {  	v58 =	vld [tilespmem:s21+$0x3DD0];
	_ =	sdelay $0x1  }
0x67: {  	v59 =	vld [tilespmem:s21+$0x3DE0];
	_ =	sdelay $0x1  }
0x68: {  	v60 =	vld [tilespmem:s21+$0x3DF0]  }
0x69: {  	v21 =	vmul.f32 v21, v17;
	v22 =	vmul.f32 v58, v18;
	_ =	sdelay $0x1  }
0x6a: {  	v61 =	vmul.f32 v59, v19;
	v21 =	vadd.f32 v22, v21;
	_ =	sdelay $0x1  }
0x6b: {  	v62 =	vmul.f32 v60, v20;
	v21 =	vadd.f32 v61, v21;
	_ =	sdelay $0x1  }
0x6c: {  	v21 =	vadd.f32 v62, v21;
	_ =	sdelay $0x1  }
0x6d: {  	v21 =	vsub.f32 $0.0e+00, v21;
	_ =	sdelay $0x1  }
0x6e: {  	[tilespmem:s19+$0x18C40] =	vst v21  }
0x6f: {  	v21 =	vld [tilespmem:s21+$0x3E40]  }
0x70: {  	v63 =	vld [tilespmem:s21+$0x3E50];
	_ =	sdelay $0x1  }
0x71: {  	v28 =	vld [tilespmem:s21+$0x3E60];
	_ =	sdelay $0x1  }
0x72: {  	v29 =	vld [tilespmem:s21+$0x3E70]  }
0x73: {  	v21 =	vmul.f32 v21, v17;
	v22 =	vmul.f32 v63, v18;
	_ =	sdelay $0x1  }
0x74: {  	v30 =	vmul.f32 v28, v19;
	v21 =	vadd.f32 v22, v21;
	_ =	sdelay $0x1  }
0x75: {  	v31 =	vmul.f32 v29, v20;
	v21 =	vadd.f32 v30, v21;
	_ =	sdelay $0x1  }
0x76: {  	v21 =	vadd.f32 v31, v21;
	_ =	sdelay $0x1  }
0x77: {  	v21 =	vsub.f32 $0.0e+00, v21;
	_ =	sdelay $0x1  }
0x78: {  	[tilespmem:s19+$0x18C50] =	vst v21  }
0x79: {  	v21 =	vld [tilespmem:s21+$0x3EC0]  }
0x7a: {  	v32 =	vld [tilespmem:s21+$0x3ED0];
	_ =	sdelay $0x1  }
0x7b: {  	v33 =	vld [tilespmem:s21+$0x3EE0];
	_ =	sdelay $0x1  }
0x7c: {  	v34 =	vld [tilespmem:s21+$0x3EF0]  }
0x7d: {  	v21 =	vmul.f32 v21, v17;
	v22 =	vmul.f32 v32, v18;
	_ =	sdelay $0x1  }
0x7e: {  	v35 =	vmul.f32 v33, v19;
	v21 =	vadd.f32 v22, v21;
	_ =	sdelay $0x1  }
0x7f: {  	v36 =	vmul.f32 v34, v20;
	v21 =	vadd.f32 v35, v21;
	_ =	sdelay $0x1  }
0x80: {  	v21 =	vadd.f32 v36, v21;
	_ =	sdelay $0x1  }
0x81: {  	v21 =	vsub.f32 $0.0e+00, v21;
	_ =	sdelay $0x1  }
0x82: {  	[tilespmem:s19+$0x18C60] =	vst v21  }
0x83: {  	v21 =	vld [tilespmem:s21+$0x3F40]  }
0x84: {  	v37 =	vld [tilespmem:s21+$0x3F50];
	_ =	sdelay $0x1  }
0x85: {  	v38 =	vld [tilespmem:s21+$0x3F60];
	_ =	sdelay $0x1  }
0x86: {  	v39 =	vld [tilespmem:s21+$0x3F70]  }
0x87: {  	v21 =	vmul.f32 v21, v17;
	v22 =	vmul.f32 v37, v18;
	_ =	sdelay $0x1  }
0x88: {  	v40 =	vmul.f32 v38, v19;
	v21 =	vadd.f32 v22, v21;
	_ =	sdelay $0x1  }
0x89: {  	v41 =	vmul.f32 v39, v20;
	v21 =	vadd.f32 v40, v21;
	_ =	sdelay $0x1  }
0x8a: {  	v21 =	vadd.f32 v41, v21;
	_ =	sdelay $0x1  }
0x8b: {  	v21 =	vsub.f32 $0.0e+00, v21;
	_ =	sdelay $0x1  }
0x8c: {  	[tilespmem:s19+$0x18C70] =	vst v21  }
0x8d: {  	v21 =	vld [tilespmem:s21+$0x3FC0]  }
0x8e: {  	v42 =	vld [tilespmem:s21+$0x3FD0];
	_ =	sdelay $0x1  }
0x8f: {  	v43 =	vld [tilespmem:s21+$0x3FE0];
	_ =	sdelay $0x1  }
0x90: {  	v44 =	vld [tilespmem:s21+$0x3FF0]  }
0x91: {  	v21 =	vmul.f32 v21, v17;
	v22 =	vmul.f32 v42, v18;
	_ =	sdelay $0x1  }
0x92: {  	v45 =	vmul.f32 v43, v19;
	v21 =	vadd.f32 v22, v21;
	_ =	sdelay $0x1  }
0x93: {  	v46 =	vmul.f32 v44, v20;
	v21 =	vadd.f32 v45, v21;
	_ =	sdelay $0x1  }
0x94: {  	v21 =	vadd.f32 v46, v21;
	_ =	sdelay $0x1  }
0x95: {  	v21 =	vsub.f32 $0.0e+00, v21  }
0x96: {  	s22 =	sand.u32 $0x1FE0, s19  }
0x97: {  	[tilespmem:s22+$0x18C80] =	vst v21  }
0x98: {  	v21 =	vld [tilespmem:s21+$0x4040]  }
0x99: {  	v47 =	vld [tilespmem:s21+$0x4050];
	_ =	sdelay $0x1  }
0x9a: {  	v48 =	vld [tilespmem:s21+$0x4060];
	_ =	sdelay $0x1  }
0x9b: {  	v49 =	vld [tilespmem:s21+$0x4070]  }
0x9c: {  	v21 =	vmul.f32 v21, v17;
	v22 =	vmul.f32 v47, v18;
	_ =	sdelay $0x1  }
0x9d: {  	v50 =	vmul.f32 v48, v19;
	v21 =	vadd.f32 v22, v21;
	_ =	sdelay $0x1  }
0x9e: {  	v51 =	vmul.f32 v49, v20;
	v21 =	vadd.f32 v50, v21;
	_ =	sdelay $0x1  }
0x9f: {  	v21 =	vadd.f32 v51, v21;
	_ =	sdelay $0x1  }
0xa0: {  	v21 =	vsub.f32 $0.0e+00, v21;
	_ =	sdelay $0x1  }
0xa1: {  	[tilespmem:s19+$0x18C90] =	vst v21  }
0xa2: {  	v21 =	vld [tilespmem:s21+$0x40C0]  }
0xa3: {  	v52 =	vld [tilespmem:s21+$0x40D0];
	_ =	sdelay $0x1  }
0xa4: {  	v53 =	vld [tilespmem:s21+$0x40E0];
	_ =	sdelay $0x1  }
0xa5: {  	v54 =	vld [tilespmem:s21+$0x40F0]  }
0xa6: {  	v21 =	vmul.f32 v21, v17;
	v22 =	vmul.f32 v52, v18;
	_ =	sdelay $0x1  }
0xa7: {  	v55 =	vmul.f32 v53, v19;
	v21 =	vadd.f32 v22, v21;
	_ =	sdelay $0x1  }
0xa8: {  	v56 =	vmul.f32 v54, v20;
	v21 =	vadd.f32 v55, v21;
	_ =	sdelay $0x1  }
0xa9: {  	v21 =	vadd.f32 v56, v21;
	_ =	sdelay $0x1  }
0xaa: {  	v21 =	vsub.f32 $0.0e+00, v21;
	_ =	sdelay $0x1  }
0xab: {  	[tilespmem:s19+$0x18CA0] =	vst v21  }
0xac: {  	v21 =	vld [tilespmem:s21+$0x4140]  }
0xad: {  	v57 =	vld [tilespmem:s21+$0x4150];
	_ =	sdelay $0x1  }
0xae: {  	v58 =	vld [tilespmem:s21+$0x4160];
	_ =	sdelay $0x1  }
0xaf: {  	v59 =	vld [tilespmem:s21+$0x4170]  }
0xb0: {  	v21 =	vmul.f32 v21, v17;
	v22 =	vmul.f32 v57, v18;
	_ =	sdelay $0x1  }
0xb1: {  	v60 =	vmul.f32 v58, v19;
	v21 =	vadd.f32 v22, v21;
	_ =	sdelay $0x1  }
0xb2: {  	v61 =	vmul.f32 v59, v20;
	v21 =	vadd.f32 v60, v21;
	_ =	sdelay $0x1  }
0xb3: {  	v21 =	vadd.f32 v61, v21;
	_ =	sdelay $0x1  }
0xb4: {  	v21 =	vsub.f32 $0.0e+00, v21;
	_ =	sdelay $0x1  }
0xb5: {  	[tilespmem:s19+$0x18CB0] =	vst v21  }
0xb6: {  	v21 =	vld [tilespmem:s21+$0x41C0]  }
0xb7: {  	v62 =	vld [tilespmem:s21+$0x41D0];
	_ =	sdelay $0x1  }
0xb8: {  	v63 =	vld [tilespmem:s21+$0x41E0];
	_ =	sdelay $0x1  }
0xb9: {  	v28 =	vld [tilespmem:s21+$0x41F0]  }
0xba: {  	v21 =	vmul.f32 v21, v17;
	v22 =	vmul.f32 v62, v18;
	_ =	sdelay $0x1  }
0xbb: {  	v29 =	vmul.f32 v63, v19;
	v21 =	vadd.f32 v22, v21;
	_ =	sdelay $0x1  }
0xbc: {  	v30 =	vmul.f32 v28, v20;
	v21 =	vadd.f32 v29, v21;
	_ =	sdelay $0x1  }
0xbd: {  	v21 =	vadd.f32 v30, v21;
	_ =	sdelay $0x1  }
0xbe: {  	v21 =	vsub.f32 $0.0e+00, v21;
	_ =	sdelay $0x1  }
0xbf: {  	[tilespmem:s19+$0x18CC0] =	vst v21  }
0xc0: {  	v21 =	vld [tilespmem:s21+$0x4240]  }
0xc1: {  	v31 =	vld [tilespmem:s21+$0x4250];
	_ =	sdelay $0x1  }
0xc2: {  	v32 =	vld [tilespmem:s21+$0x4260];
	_ =	sdelay $0x1  }
0xc3: {  	v33 =	vld [tilespmem:s21+$0x4270]  }
0xc4: {  	v21 =	vmul.f32 v21, v17;
	v22 =	vmul.f32 v31, v18;
	_ =	sdelay $0x1  }
0xc5: {  	v34 =	vmul.f32 v32, v19;
	v21 =	vadd.f32 v22, v21;
	_ =	sdelay $0x1  }
0xc6: {  	v35 =	vmul.f32 v33, v20;
	v21 =	vadd.f32 v34, v21;
	_ =	sdelay $0x1  }
0xc7: {  	v21 =	vadd.f32 v35, v21;
	_ =	sdelay $0x1  }
0xc8: {  	v21 =	vsub.f32 $0.0e+00, v21;
	_ =	sdelay $0x1  }
0xc9: {  	[tilespmem:s19+$0x18CD0] =	vst v21  }
0xca: {  	v21 =	vld [tilespmem:s21+$0x42C0]  }
0xcb: {  	v36 =	vld [tilespmem:s21+$0x42D0];
	_ =	sdelay $0x1  }
0xcc: {  	v37 =	vld [tilespmem:s21+$0x42E0];
	_ =	sdelay $0x1  }
0xcd: {  	v38 =	vld [tilespmem:s21+$0x42F0]  }
0xce: {  	v21 =	vmul.f32 v21, v17;
	v22 =	vmul.f32 v36, v18;
	_ =	sdelay $0x1  }
0xcf: {  	v39 =	vmul.f32 v37, v19;
	v21 =	vadd.f32 v22, v21;
	_ =	sdelay $0x1  }
0xd0: {  	v40 =	vmul.f32 v38, v20;
	v21 =	vadd.f32 v39, v21;
	_ =	sdelay $0x1  }
0xd1: {  	v21 =	vadd.f32 v40, v21;
	_ =	sdelay $0x1  }
0xd2: {  	v21 =	vsub.f32 $0.0e+00, v21;
	_ =	sdelay $0x1  }
0xd3: {  	[tilespmem:s19+$0x18CE0] =	vst v21  }
0xd4: {  	v21 =	vld [tilespmem:s21+$0x4340]  }
0xd5: {  	v41 =	vld [tilespmem:s21+$0x4350];
	_ =	sdelay $0x1  }
0xd6: {  	v42 =	vld [tilespmem:s21+$0x4360];
	_ =	sdelay $0x1  }
0xd7: {  	v43 =	vld [tilespmem:s21+$0x4370]  }
0xd8: {  	v21 =	vmul.f32 v21, v17;
	v22 =	vmul.f32 v41, v18;
	_ =	sdelay $0x1  }
0xd9: {  	v44 =	vmul.f32 v42, v19;
	v21 =	vadd.f32 v22, v21;
	_ =	sdelay $0x1  }
0xda: {  	v45 =	vmul.f32 v43, v20;
	v21 =	vadd.f32 v44, v21;
	_ =	sdelay $0x1  }
0xdb: {  	v21 =	vadd.f32 v45, v21;
	_ =	sdelay $0x1  }
0xdc: {  	v21 =	vsub.f32 $0.0e+00, v21;
	_ =	sdelay $0x1  }
0xdd: {  	[tilespmem:s19+$0x18CF0] =	vst v21  }
0xde: {  	v21 =	vld [tilespmem:s21+$0x43C0]  }
0xdf: {  	v46 =	vld [tilespmem:s21+$0x43D0];
	_ =	sdelay $0x1  }
0xe0: {  	v47 =	vld [tilespmem:s21+$0x43E0];
	_ =	sdelay $0x1  }
0xe1: {  	v48 =	vld [tilespmem:s21+$0x43F0]  }
0xe2: {  	v21 =	vmul.f32 v21, v17;
	v22 =	vmul.f32 v46, v18;
	_ =	sdelay $0x1  }
0xe3: {  	v49 =	vmul.f32 v47, v19;
	v21 =	vadd.f32 v22, v21;
	_ =	sdelay $0x1  }
0xe4: {  	v50 =	vmul.f32 v48, v20;
	v21 =	vadd.f32 v49, v21;
	_ =	sdelay $0x1  }
0xe5: {  	v21 =	vadd.f32 v50, v21;
	_ =	sdelay $0x1  }
0xe6: {  	v21 =	vsub.f32 $0.0e+00, v21;
	_ =	sdelay $0x1  }
0xe7: {  	[tilespmem:s22+$0x18D00] =	vst v21  }
0xe8: {  	v21 =	vld [tilespmem:s21+$0x4440]  }
0xe9: {  	v51 =	vld [tilespmem:s21+$0x4450];
	_ =	sdelay $0x1  }
0xea: {  	v52 =	vld [tilespmem:s21+$0x4460];
	_ =	sdelay $0x1  }
0xeb: {  	v53 =	vld [tilespmem:s21+$0x4470]  }
0xec: {  	v21 =	vmul.f32 v21, v17;
	v22 =	vmul.f32 v51, v18;
	_ =	sdelay $0x1  }
0xed: {  	v54 =	vmul.f32 v52, v19;
	v21 =	vadd.f32 v22, v21;
	_ =	sdelay $0x1  }
0xee: {  	v55 =	vmul.f32 v53, v20;
	v21 =	vadd.f32 v54, v21;
	_ =	sdelay $0x1  }
0xef: {  	v21 =	vadd.f32 v55, v21;
	_ =	sdelay $0x1  }
0xf0: {  	v21 =	vsub.f32 $0.0e+00, v21;
	_ =	sdelay $0x1  }
0xf1: {  	[tilespmem:s19+$0x18D10] =	vst v21  }
0xf2: {  	v21 =	vld [tilespmem:s21+$0x44C0]  }
0xf3: {  	v56 =	vld [tilespmem:s21+$0x44D0];
	_ =	sdelay $0x1  }
0xf4: {  	v57 =	vld [tilespmem:s21+$0x44E0];
	_ =	sdelay $0x1  }
0xf5: {  	v58 =	vld [tilespmem:s21+$0x44F0]  }
0xf6: {  	v21 =	vmul.f32 v21, v17;
	v22 =	vmul.f32 v56, v18;
	_ =	sdelay $0x1  }
0xf7: {  	v59 =	vmul.f32 v57, v19;
	v21 =	vadd.f32 v22, v21;
	_ =	sdelay $0x1  }
0xf8: {  	v60 =	vmul.f32 v58, v20;
	v21 =	vadd.f32 v59, v21;
	_ =	sdelay $0x1  }
0xf9: {  	v21 =	vadd.f32 v60, v21;
	_ =	sdelay $0x1  }
0xfa: {  	v21 =	vsub.f32 $0.0e+00, v21;
	_ =	sdelay $0x1  }
0xfb: {  	[tilespmem:s19+$0x18D20] =	vst v21  }
0xfc: {  	v21 =	vld [tilespmem:s21+$0x4540]  }
0xfd: {  	v61 =	vld [tilespmem:s21+$0x4550];
	_ =	sdelay $0x1  }
0xfe: {  	v62 =	vld [tilespmem:s21+$0x4560];
	_ =	sdelay $0x1  }
0xff: {  	v63 =	vld [tilespmem:s21+$0x4570]  }
0x100: {  	v21 =	vmul.f32 v21, v17;
	v22 =	vmul.f32 v61, v18;
	_ =	sdelay $0x1  }
0x101: {  	v27 =	vmul.f32 v62, v19;
	v21 =	vadd.f32 v22, v21;
	_ =	sdelay $0x1  }
0x102: {  	v28 =	vmul.f32 v63, v20;
	v21 =	vadd.f32 v27, v21;
	_ =	sdelay $0x1  }
0x103: {  	v21 =	vadd.f32 v28, v21;
	_ =	sdelay $0x1  }
0x104: {  	v21 =	vsub.f32 $0.0e+00, v21;
	_ =	sdelay $0x1  }
0x105: {  	[tilespmem:s19+$0x18D30] =	vst v21  }
0x106: {  	v21 =	vld [tilespmem:s21+$0x45C0]  }
0x107: {  	v29 =	vld [tilespmem:s21+$0x45D0];
	_ =	sdelay $0x1  }
0x108: {  	v30 =	vld [tilespmem:s21+$0x45E0];
	_ =	sdelay $0x1  }
0x109: {  	v31 =	vld [tilespmem:s21+$0x45F0]  }
0x10a: {  	v17 =	vmul.f32 v21, v17;
	v18 =	vmul.f32 v29, v18;
	_ =	sdelay $0x1  }
0x10b: {  	v17 =	vadd.f32 v18, v17;
	v18 =	vmul.f32 v30, v19;
	_ =	sdelay $0x1  }
0x10c: {  	v17 =	vadd.f32 v18, v17;
	v18 =	vmul.f32 v31, v20;
	_ =	sdelay $0x1  }
0x10d: {  	v17 =	vadd.f32 v18, v17;
	_ =	sdelay $0x1  }
0x10e: {  	v17 =	vsub.f32 $0.0e+00, v17  }
0x10f: {  	s21 =	sor.u32 $0x1, s18  }
0x110: {  	s22 =	sshll.u32 s21, $0x7;
	[tilespmem:s19+$0x18D40] =	vst v17  }
0x111: {  	v17 =	vld [tilespmem:s22+$0x2C00]  }
0x112: {  	v18 =	vld [tilespmem:s22+$0x2C10]  }
0x113: {  	v32 =	vld [tilespmem:s22+$0x3440]  }
0x114: {  	v33 =	vld [tilespmem:s22+$0x3450]  }
0x115: {  	v19 =	vld [tilespmem:s22+$0x2C20]  }
0x116: {  	v34 =	vld [tilespmem:s22+$0x3460]  }
0x117: {  	v20 =	vld [tilespmem:s22+$0x2C30]  }
0x118: {  	v35 =	vld [tilespmem:s22+$0x3470]  }
0x119: {  	v21 =	vmul.f32 v32, v17;
	v22 =	vmul.f32 v33, v18;
	_ =	sdelay $0x1  }
0x11a: {  	v36 =	vmul.f32 v34, v19;
	v21 =	vadd.f32 v22, v21;
	_ =	sdelay $0x1  }
0x11b: {  	v37 =	vmul.f32 v35, v20;
	v21 =	vadd.f32 v36, v21  }
0x11c: {  	s11 =	smul.u32 $0x2800, s21  }
0x11d: {  	s19 =	smul.u32 $0x150, s21;
	v21 =	vadd.f32 v37, v21;
	_ =	sdelay $0x1  }
0x11e: {  	s11 =	sshra.s32 s11, $0x2;
	[tilespmem:s19+$0x18C00] =	vst v21  }
0x11f: {  	v21 =	vld [tilespmem:s11+$0x3C40]  }
0x120: {  	v38 =	vld [tilespmem:s11+$0x3C50];
	_ =	sdelay $0x1  }
0x121: {  	v39 =	vld [tilespmem:s11+$0x3C60];
	_ =	sdelay $0x1  }
0x122: {  	v40 =	vld [tilespmem:s11+$0x3C70]  }
0x123: {  	v21 =	vmul.f32 v21, v17;
	v22 =	vmul.f32 v38, v18;
	_ =	sdelay $0x1  }
0x124: {  	v41 =	vmul.f32 v39, v19;
	v21 =	vadd.f32 v22, v21;
	_ =	sdelay $0x1  }
0x125: {  	v42 =	vmul.f32 v40, v20;
	v21 =	vadd.f32 v41, v21;
	_ =	sdelay $0x1  }
0x126: {  	v21 =	vadd.f32 v42, v21;
	_ =	sdelay $0x1  }
0x127: {  	v21 =	vsub.f32 $0.0e+00, v21;
	_ =	sdelay $0x1  }
0x128: {  	[tilespmem:s19+$0x18C10] =	vst v21  }
0x129: {  	v21 =	vld [tilespmem:s11+$0x3CC0]  }
0x12a: {  	v43 =	vld [tilespmem:s11+$0x3CD0];
	_ =	sdelay $0x1  }
0x12b: {  	v44 =	vld [tilespmem:s11+$0x3CE0];
	_ =	sdelay $0x1  }
0x12c: {  	v45 =	vld [tilespmem:s11+$0x3CF0]  }
0x12d: {  	v21 =	vmul.f32 v21, v17;
	v22 =	vmul.f32 v43, v18;
	_ =	sdelay $0x1  }
0x12e: {  	v46 =	vmul.f32 v44, v19;
	v21 =	vadd.f32 v22, v21;
	_ =	sdelay $0x1  }
0x12f: {  	v47 =	vmul.f32 v45, v20;
	v21 =	vadd.f32 v46, v21;
	_ =	sdelay $0x1  }
0x130: {  	v21 =	vadd.f32 v47, v21;
	_ =	sdelay $0x1  }
0x131: {  	v21 =	vsub.f32 $0.0e+00, v21;
	_ =	sdelay $0x1  }
0x132: {  	[tilespmem:s19+$0x18C20] =	vst v21  }
0x133: {  	v21 =	vld [tilespmem:s11+$0x3D40]  }
0x134: {  	v48 =	vld [tilespmem:s11+$0x3D50];
	_ =	sdelay $0x1  }
0x135: {  	v49 =	vld [tilespmem:s11+$0x3D60];
	_ =	sdelay $0x1  }
0x136: {  	v50 =	vld [tilespmem:s11+$0x3D70]  }
0x137: {  	v21 =	vmul.f32 v21, v17;
	v22 =	vmul.f32 v48, v18;
	_ =	sdelay $0x1  }
0x138: {  	v51 =	vmul.f32 v49, v19;
	v21 =	vadd.f32 v22, v21;
	_ =	sdelay $0x1  }
0x139: {  	v52 =	vmul.f32 v50, v20;
	v21 =	vadd.f32 v51, v21;
	_ =	sdelay $0x1  }
0x13a: {  	v21 =	vadd.f32 v52, v21;
	_ =	sdelay $0x1  }
0x13b: {  	v21 =	vsub.f32 $0.0e+00, v21;
	_ =	sdelay $0x1  }
0x13c: {  	[tilespmem:s19+$0x18C30] =	vst v21  }
0x13d: {  	v21 =	vld [tilespmem:s11+$0x3DC0]  }
0x13e: {  	v53 =	vld [tilespmem:s11+$0x3DD0];
	_ =	sdelay $0x1  }
0x13f: {  	v54 =	vld [tilespmem:s11+$0x3DE0];
	_ =	sdelay $0x1  }
0x140: {  	v55 =	vld [tilespmem:s11+$0x3DF0]  }
0x141: {  	v21 =	vmul.f32 v21, v17;
	v22 =	vmul.f32 v53, v18;
	_ =	sdelay $0x1  }
0x142: {  	v56 =	vmul.f32 v54, v19;
	v21 =	vadd.f32 v22, v21;
	_ =	sdelay $0x1  }
0x143: {  	v57 =	vmul.f32 v55, v20;
	v21 =	vadd.f32 v56, v21;
	_ =	sdelay $0x1  }
0x144: {  	v21 =	vadd.f32 v57, v21;
	_ =	sdelay $0x1  }
0x145: {  	v21 =	vsub.f32 $0.0e+00, v21;
	_ =	sdelay $0x1  }
0x146: {  	[tilespmem:s19+$0x18C40] =	vst v21  }
0x147: {  	v21 =	vld [tilespmem:s11+$0x3E40]  }
0x148: {  	v58 =	vld [tilespmem:s11+$0x3E50];
	_ =	sdelay $0x1  }
0x149: {  	v59 =	vld [tilespmem:s11+$0x3E60];
	_ =	sdelay $0x1  }
0x14a: {  	v60 =	vld [tilespmem:s11+$0x3E70]  }
0x14b: {  	v21 =	vmul.f32 v21, v17;
	v22 =	vmul.f32 v58, v18;
	_ =	sdelay $0x1  }
0x14c: {  	v61 =	vmul.f32 v59, v19;
	v21 =	vadd.f32 v22, v21;
	_ =	sdelay $0x1  }
0x14d: {  	v62 =	vmul.f32 v60, v20;
	v21 =	vadd.f32 v61, v21;
	_ =	sdelay $0x1  }
0x14e: {  	v21 =	vadd.f32 v62, v21;
	_ =	sdelay $0x1  }
0x14f: {  	v21 =	vsub.f32 $0.0e+00, v21;
	_ =	sdelay $0x1  }
0x150: {  	[tilespmem:s19+$0x18C50] =	vst v21  }
0x151: {  	v21 =	vld [tilespmem:s11+$0x3EC0]  }
0x152: {  	v63 =	vld [tilespmem:s11+$0x3ED0];
	_ =	sdelay $0x1  }
0x153: {  	v28 =	vld [tilespmem:s11+$0x3EE0];
	_ =	sdelay $0x1  }
0x154: {  	v29 =	vld [tilespmem:s11+$0x3EF0]  }
0x155: {  	v21 =	vmul.f32 v21, v17;
	v22 =	vmul.f32 v63, v18;
	_ =	sdelay $0x1  }
0x156: {  	v30 =	vmul.f32 v28, v19;
	v21 =	vadd.f32 v22, v21;
	_ =	sdelay $0x1  }
0x157: {  	v31 =	vmul.f32 v29, v20;
	v21 =	vadd.f32 v30, v21;
	_ =	sdelay $0x1  }
0x158: {  	v21 =	vadd.f32 v31, v21;
	_ =	sdelay $0x1  }
0x159: {  	v21 =	vsub.f32 $0.0e+00, v21;
	_ =	sdelay $0x1  }
0x15a: {  	[tilespmem:s19+$0x18C60] =	vst v21  }
0x15b: {  	v21 =	vld [tilespmem:s11+$0x3F40]  }
0x15c: {  	v32 =	vld [tilespmem:s11+$0x3F50];
	_ =	sdelay $0x1  }
0x15d: {  	v33 =	vld [tilespmem:s11+$0x3F60];
	_ =	sdelay $0x1  }
0x15e: {  	v34 =	vld [tilespmem:s11+$0x3F70]  }
0x15f: {  	v21 =	vmul.f32 v21, v17;
	v22 =	vmul.f32 v32, v18;
	_ =	sdelay $0x1  }
0x160: {  	v35 =	vmul.f32 v33, v19;
	v21 =	vadd.f32 v22, v21;
	_ =	sdelay $0x1  }
0x161: {  	v36 =	vmul.f32 v34, v20;
	v21 =	vadd.f32 v35, v21;
	_ =	sdelay $0x1  }
0x162: {  	v21 =	vadd.f32 v36, v21;
	_ =	sdelay $0x1  }
0x163: {  	v21 =	vsub.f32 $0.0e+00, v21;
	_ =	sdelay $0x1  }
0x164: {  	[tilespmem:s19+$0x18C70] =	vst v21  }
0x165: {  	v21 =	vld [tilespmem:s11+$0x3FC0]  }
0x166: {  	v37 =	vld [tilespmem:s11+$0x3FD0];
	_ =	sdelay $0x1  }
0x167: {  	v38 =	vld [tilespmem:s11+$0x3FE0];
	_ =	sdelay $0x1  }
0x168: {  	v39 =	vld [tilespmem:s11+$0x3FF0]  }
0x169: {  	v21 =	vmul.f32 v21, v17;
	v22 =	vmul.f32 v37, v18;
	_ =	sdelay $0x1  }
0x16a: {  	v40 =	vmul.f32 v38, v19;
	v21 =	vadd.f32 v22, v21;
	_ =	sdelay $0x1  }
0x16b: {  	v41 =	vmul.f32 v39, v20;
	v21 =	vadd.f32 v40, v21;
	_ =	sdelay $0x1  }
0x16c: {  	v21 =	vadd.f32 v41, v21;
	_ =	sdelay $0x1  }
0x16d: {  	v21 =	vsub.f32 $0.0e+00, v21  }
0x16e: {  	s12 =	sand.u32 $0x1FF0, s19  }
0x16f: {  	[tilespmem:s12+$0x18C80] =	vst v21  }
0x170: {  	v21 =	vld [tilespmem:s11+$0x4040]  }
0x171: {  	v42 =	vld [tilespmem:s11+$0x4050];
	_ =	sdelay $0x1  }
0x172: {  	v43 =	vld [tilespmem:s11+$0x4060];
	_ =	sdelay $0x1  }
0x173: {  	v44 =	vld [tilespmem:s11+$0x4070]  }
0x174: {  	v21 =	vmul.f32 v21, v17;
	v22 =	vmul.f32 v42, v18;
	_ =	sdelay $0x1  }
0x175: {  	v45 =	vmul.f32 v43, v19;
	v21 =	vadd.f32 v22, v21;
	_ =	sdelay $0x1  }
0x176: {  	v46 =	vmul.f32 v44, v20;
	v21 =	vadd.f32 v45, v21;
	_ =	sdelay $0x1  }
0x177: {  	v21 =	vadd.f32 v46, v21;
	_ =	sdelay $0x1  }
0x178: {  	v21 =	vsub.f32 $0.0e+00, v21;
	_ =	sdelay $0x1  }
0x179: {  	[tilespmem:s19+$0x18C90] =	vst v21  }
0x17a: {  	v21 =	vld [tilespmem:s11+$0x40C0]  }
0x17b: {  	v47 =	vld [tilespmem:s11+$0x40D0];
	_ =	sdelay $0x1  }
0x17c: {  	v48 =	vld [tilespmem:s11+$0x40E0];
	_ =	sdelay $0x1  }
0x17d: {  	v49 =	vld [tilespmem:s11+$0x40F0]  }
0x17e: {  	v21 =	vmul.f32 v21, v17;
	v22 =	vmul.f32 v47, v18;
	_ =	sdelay $0x1  }
0x17f: {  	v50 =	vmul.f32 v48, v19;
	v21 =	vadd.f32 v22, v21;
	_ =	sdelay $0x1  }
0x180: {  	v51 =	vmul.f32 v49, v20;
	v21 =	vadd.f32 v50, v21;
	_ =	sdelay $0x1  }
0x181: {  	v21 =	vadd.f32 v51, v21;
	_ =	sdelay $0x1  }
0x182: {  	v21 =	vsub.f32 $0.0e+00, v21;
	_ =	sdelay $0x1  }
0x183: {  	[tilespmem:s19+$0x18CA0] =	vst v21  }
0x184: {  	v21 =	vld [tilespmem:s11+$0x4140]  }
0x185: {  	v52 =	vld [tilespmem:s11+$0x4150];
	_ =	sdelay $0x1  }
0x186: {  	v53 =	vld [tilespmem:s11+$0x4160];
	_ =	sdelay $0x1  }
0x187: {  	v54 =	vld [tilespmem:s11+$0x4170]  }
0x188: {  	v21 =	vmul.f32 v21, v17;
	v22 =	vmul.f32 v52, v18;
	_ =	sdelay $0x1  }
0x189: {  	v55 =	vmul.f32 v53, v19;
	v21 =	vadd.f32 v22, v21;
	_ =	sdelay $0x1  }
0x18a: {  	v56 =	vmul.f32 v54, v20;
	v21 =	vadd.f32 v55, v21;
	_ =	sdelay $0x1  }
0x18b: {  	v21 =	vadd.f32 v56, v21;
	_ =	sdelay $0x1  }
0x18c: {  	v21 =	vsub.f32 $0.0e+00, v21;
	_ =	sdelay $0x1  }
0x18d: {  	[tilespmem:s19+$0x18CB0] =	vst v21  }
0x18e: {  	v21 =	vld [tilespmem:s11+$0x41C0]  }
0x18f: {  	v57 =	vld [tilespmem:s11+$0x41D0];
	_ =	sdelay $0x1  }
0x190: {  	v58 =	vld [tilespmem:s11+$0x41E0];
	_ =	sdelay $0x1  }
0x191: {  	v59 =	vld [tilespmem:s11+$0x41F0]  }
0x192: {  	v21 =	vmul.f32 v21, v17;
	v22 =	vmul.f32 v57, v18;
	_ =	sdelay $0x1  }
0x193: {  	v60 =	vmul.f32 v58, v19;
	v21 =	vadd.f32 v22, v21;
	_ =	sdelay $0x1  }
0x194: {  	v61 =	vmul.f32 v59, v20;
	v21 =	vadd.f32 v60, v21;
	_ =	sdelay $0x1  }
0x195: {  	v21 =	vadd.f32 v61, v21;
	_ =	sdelay $0x1  }
0x196: {  	v21 =	vsub.f32 $0.0e+00, v21;
	_ =	sdelay $0x1  }
0x197: {  	[tilespmem:s19+$0x18CC0] =	vst v21  }
0x198: {  	v21 =	vld [tilespmem:s11+$0x4240]  }
0x199: {  	v62 =	vld [tilespmem:s11+$0x4250];
	_ =	sdelay $0x1  }
0x19a: {  	v63 =	vld [tilespmem:s11+$0x4260];
	_ =	sdelay $0x1  }
0x19b: {  	v28 =	vld [tilespmem:s11+$0x4270]  }
0x19c: {  	v21 =	vmul.f32 v21, v17;
	v22 =	vmul.f32 v62, v18;
	_ =	sdelay $0x1  }
0x19d: {  	v29 =	vmul.f32 v63, v19;
	v21 =	vadd.f32 v22, v21;
	_ =	sdelay $0x1  }
0x19e: {  	v30 =	vmul.f32 v28, v20;
	v21 =	vadd.f32 v29, v21;
	_ =	sdelay $0x1  }
0x19f: {  	v21 =	vadd.f32 v30, v21;
	_ =	sdelay $0x1  }
0x1a0: {  	v21 =	vsub.f32 $0.0e+00, v21;
	_ =	sdelay $0x1  }
0x1a1: {  	[tilespmem:s19+$0x18CD0] =	vst v21  }
0x1a2: {  	v21 =	vld [tilespmem:s11+$0x42C0]  }
0x1a3: {  	v31 =	vld [tilespmem:s11+$0x42D0];
	_ =	sdelay $0x1  }
0x1a4: {  	v32 =	vld [tilespmem:s11+$0x42E0];
	_ =	sdelay $0x1  }
0x1a5: {  	v33 =	vld [tilespmem:s11+$0x42F0]  }
0x1a6: {  	v21 =	vmul.f32 v21, v17;
	v22 =	vmul.f32 v31, v18;
	_ =	sdelay $0x1  }
0x1a7: {  	v34 =	vmul.f32 v32, v19;
	v21 =	vadd.f32 v22, v21;
	_ =	sdelay $0x1  }
0x1a8: {  	v35 =	vmul.f32 v33, v20;
	v21 =	vadd.f32 v34, v21;
	_ =	sdelay $0x1  }
0x1a9: {  	v21 =	vadd.f32 v35, v21;
	_ =	sdelay $0x1  }
0x1aa: {  	v21 =	vsub.f32 $0.0e+00, v21;
	_ =	sdelay $0x1  }
0x1ab: {  	[tilespmem:s19+$0x18CE0] =	vst v21  }
0x1ac: {  	v21 =	vld [tilespmem:s11+$0x4340]  }
0x1ad: {  	v36 =	vld [tilespmem:s11+$0x4350];
	_ =	sdelay $0x1  }
0x1ae: {  	v37 =	vld [tilespmem:s11+$0x4360];
	_ =	sdelay $0x1  }
0x1af: {  	v38 =	vld [tilespmem:s11+$0x4370]  }
0x1b0: {  	v21 =	vmul.f32 v21, v17;
	v22 =	vmul.f32 v36, v18;
	_ =	sdelay $0x1  }
0x1b1: {  	v39 =	vmul.f32 v37, v19;
	v21 =	vadd.f32 v22, v21;
	_ =	sdelay $0x1  }
0x1b2: {  	v40 =	vmul.f32 v38, v20;
	v21 =	vadd.f32 v39, v21;
	_ =	sdelay $0x1  }
0x1b3: {  	v21 =	vadd.f32 v40, v21;
	_ =	sdelay $0x1  }
0x1b4: {  	v21 =	vsub.f32 $0.0e+00, v21;
	_ =	sdelay $0x1  }
0x1b5: {  	[tilespmem:s19+$0x18CF0] =	vst v21  }
0x1b6: {  	v21 =	vld [tilespmem:s11+$0x43C0]  }
0x1b7: {  	v41 =	vld [tilespmem:s11+$0x43D0];
	_ =	sdelay $0x1  }
0x1b8: {  	v42 =	vld [tilespmem:s11+$0x43E0];
	_ =	sdelay $0x1  }
0x1b9: {  	v43 =	vld [tilespmem:s11+$0x43F0]  }
0x1ba: {  	v21 =	vmul.f32 v21, v17;
	v22 =	vmul.f32 v41, v18;
	_ =	sdelay $0x1  }
0x1bb: {  	v44 =	vmul.f32 v42, v19;
	v21 =	vadd.f32 v22, v21;
	_ =	sdelay $0x1  }
0x1bc: {  	v45 =	vmul.f32 v43, v20;
	v21 =	vadd.f32 v44, v21;
	_ =	sdelay $0x1  }
0x1bd: {  	v21 =	vadd.f32 v45, v21;
	_ =	sdelay $0x1  }
0x1be: {  	v21 =	vsub.f32 $0.0e+00, v21;
	_ =	sdelay $0x1  }
0x1bf: {  	[tilespmem:s12+$0x18D00] =	vst v21  }
0x1c0: {  	v21 =	vld [tilespmem:s11+$0x4440]  }
0x1c1: {  	v46 =	vld [tilespmem:s11+$0x4450];
	_ =	sdelay $0x1  }
0x1c2: {  	v47 =	vld [tilespmem:s11+$0x4460];
	_ =	sdelay $0x1  }
0x1c3: {  	v48 =	vld [tilespmem:s11+$0x4470]  }
0x1c4: {  	v21 =	vmul.f32 v21, v17;
	v22 =	vmul.f32 v46, v18;
	_ =	sdelay $0x1  }
0x1c5: {  	v49 =	vmul.f32 v47, v19;
	v21 =	vadd.f32 v22, v21;
	_ =	sdelay $0x1  }
0x1c6: {  	v50 =	vmul.f32 v48, v20;
	v21 =	vadd.f32 v49, v21;
	_ =	sdelay $0x1  }
0x1c7: {  	v21 =	vadd.f32 v50, v21;
	_ =	sdelay $0x1  }
0x1c8: {  	v21 =	vsub.f32 $0.0e+00, v21;
	_ =	sdelay $0x1  }
0x1c9: {  	[tilespmem:s19+$0x18D10] =	vst v21  }
0x1ca: {  	v21 =	vld [tilespmem:s11+$0x44C0]  }
0x1cb: {  	v51 =	vld [tilespmem:s11+$0x44D0];
	_ =	sdelay $0x1  }
0x1cc: {  	v52 =	vld [tilespmem:s11+$0x44E0];
	_ =	sdelay $0x1  }
0x1cd: {  	v53 =	vld [tilespmem:s11+$0x44F0]  }
0x1ce: {  	v21 =	vmul.f32 v21, v17;
	v22 =	vmul.f32 v51, v18;
	_ =	sdelay $0x1  }
0x1cf: {  	v54 =	vmul.f32 v52, v19;
	v21 =	vadd.f32 v22, v21;
	_ =	sdelay $0x1  }
0x1d0: {  	v55 =	vmul.f32 v53, v20;
	v21 =	vadd.f32 v54, v21;
	_ =	sdelay $0x1  }
0x1d1: {  	v21 =	vadd.f32 v55, v21;
	_ =	sdelay $0x1  }
0x1d2: {  	v21 =	vsub.f32 $0.0e+00, v21;
	_ =	sdelay $0x1  }
0x1d3: {  	[tilespmem:s19+$0x18D20] =	vst v21  }
0x1d4: {  	v21 =	vld [tilespmem:s11+$0x4540]  }
0x1d5: {  	v56 =	vld [tilespmem:s11+$0x4550];
	_ =	sdelay $0x1  }
0x1d6: {  	v57 =	vld [tilespmem:s11+$0x4560];
	_ =	sdelay $0x1  }
0x1d7: {  	v58 =	vld [tilespmem:s11+$0x4570]  }
0x1d8: {  	v21 =	vmul.f32 v21, v17;
	v22 =	vmul.f32 v56, v18;
	_ =	sdelay $0x1  }
0x1d9: {  	v59 =	vmul.f32 v57, v19;
	v21 =	vadd.f32 v22, v21;
	_ =	sdelay $0x1  }
0x1da: {  	v60 =	vmul.f32 v58, v20;
	v21 =	vadd.f32 v59, v21;
	_ =	sdelay $0x1  }
0x1db: {  	v21 =	vadd.f32 v60, v21;
	_ =	sdelay $0x1  }
0x1dc: {  	v21 =	vsub.f32 $0.0e+00, v21;
	_ =	sdelay $0x1  }
0x1dd: {  	[tilespmem:s19+$0x18D30] =	vst v21  }
0x1de: {  	v21 =	vld [tilespmem:s11+$0x45C0]  }
0x1df: {  	v61 =	vld [tilespmem:s11+$0x45D0];
	_ =	sdelay $0x1  }
0x1e0: {  	v62 =	vld [tilespmem:s11+$0x45E0];
	_ =	sdelay $0x1  }
0x1e1: {  	v63 =	vld [tilespmem:s11+$0x45F0]  }
0x1e2: {  	v17 =	vmul.f32 v21, v17;
	v18 =	vmul.f32 v61, v18;
	_ =	sdelay $0x1  }
0x1e3: {  	v17 =	vadd.f32 v18, v17;
	v18 =	vmul.f32 v62, v19;
	_ =	sdelay $0x1  }
0x1e4: {  	v17 =	vadd.f32 v18, v17;
	v18 =	vmul.f32 v63, v20  }
0x1e5: {  	p0 =	slt.u32 s18, $0xE  }
.Ltmp0:
0x1e6: {  	v17 =	vadd.f32 v18, v17;
	(pc) =	sbr.rel @p0 .LBB2_3-.Ltmp0, $4  }
0x1e7: {  	_ = 	snop  }
0x1e8: {  	v17 =	vsub.f32 $0.0e+00, v17  }
0x1e9: {  	s22 =	sadd.s32 $0x2, s18  }
0x1ea: {  	s21 =	simm.s32 $0x10F;
	s18 =	smov.u32 s22;
	[tilespmem:s19+$0x18D40] =	vst v17;
	s19 =	simm.s32 $0x1A110  }
0x1eb: {  	s11 =	simm.s32 $0x0  }
0x1ec: {  	s12 =	simm.s32 $0x1;
	v17 =	vor.u32 s11, v0  }
0x1ed: {  	v18 =	vor.u32 s12, v0  }
0x1ee: {  	s18 =	simm.s32 $0x2  }
0x1ef: {  	v19 =	vor.u32 s18, v0  }
0x1f0: {  	s22 =	simm.s32 $0x3  }
0x1f1: {  	v20 =	vor.u32 s22, v0;
	v17 =	vld.idx.msk [tilespmem:v17+s30+$0x0], $0xffff  }
0x1f2: {  	s12 =	simm.s32 $0x4;
	v18 =	vld.idx.msk [tilespmem:v18+s30+$0x0], $0xffff  }
0x1f3: {  	v21 =	vor.u32 s12, v0  }
0x1f4: {  	s18 =	simm.s32 $0x5;
	v19 =	vld.idx.msk [tilespmem:v19+s30+$0x0], $0xffff  }
0x1f5: {  	v22 =	vor.u32 s18, v0  }
0x1f6: {  	s22 =	simm.s32 $0x6;
	v20 =	vld.idx.msk [tilespmem:v20+s30+$0x0], $0xffff  }
0x1f7: {  	v23 =	vor.u32 s22, v0;
	v17 =	vadd.f32 v18, v17  }
0x1f8: {  	s12 =	simm.s32 $0x7;
	v18 =	vld.idx.msk [tilespmem:v21+s30+$0x0], $0xffff  }
0x1f9: {  	v42 =	vor.u32 s12, v0;
	v17 =	vadd.f32 v19, v17  }
0x1fa: {  	s18 =	simm.s32 $0x8;
	v19 =	vld.idx.msk [tilespmem:v22+s30+$0x0], $0xffff  }
0x1fb: {  	v43 =	vor.u32 s18, v0;
	v17 =	vadd.f32 v20, v17  }
0x1fc: {  	s22 =	simm.s32 $0x9;
	v20 =	vld.idx.msk [tilespmem:v23+s30+$0x0], $0xffff  }
0x1fd: {  	v44 =	vor.u32 s22, v0;
	v17 =	vadd.f32 v18, v17  }
0x1fe: {  	s12 =	simm.s32 $0xA;
	v18 =	vld.idx.msk [tilespmem:v42+s30+$0x0], $0xffff  }
0x1ff: {  	v45 =	vor.u32 s12, v0;
	v17 =	vadd.f32 v19, v17  }
0x200: {  	s18 =	simm.s32 $0xB;
	v19 =	vld.idx.msk [tilespmem:v43+s30+$0x0], $0xffff  }
0x201: {  	v46 =	vor.u32 s18, v0;
	v17 =	vadd.f32 v20, v17  }
0x202: {  	s22 =	simm.s32 $0xC;
	v20 =	vld.idx.msk [tilespmem:v44+s30+$0x0], $0xffff  }
0x203: {  	v47 =	vor.u32 s22, v0;
	v17 =	vadd.f32 v18, v17  }
0x204: {  	s12 =	simm.s32 $0xD;
	v18 =	vld.idx.msk [tilespmem:v45+s30+$0x0], $0xffff  }
0x205: {  	v48 =	vor.u32 s12, v0;
	v17 =	vadd.f32 v19, v17  }
0x206: {  	s18 =	simm.s32 $0xE;
	v19 =	vld.idx.msk [tilespmem:v46+s30+$0x0], $0xffff  }
0x207: {  	v49 =	vor.u32 s18, v0;
	v17 =	vadd.f32 v20, v17  }
0x208: {  	s22 =	simm.s32 $0xF;
	v20 =	vld.idx.msk [tilespmem:v47+s30+$0x0], $0xffff  }
0x209: {  	v50 =	vor.u32 s22, v0;
	v17 =	vadd.f32 v18, v17  }
0x20a: {  	v18 =	vld.idx.msk [tilespmem:v48+s30+$0x0], $0xffff  }
0x20b: {  	v17 =	vadd.f32 v19, v17  }
0x20c: {  	v19 =	vld.idx.msk [tilespmem:v49+s30+$0x0], $0xffff  }
0x20d: {  	v17 =	vadd.f32 v20, v17  }
0x20e: {  	v20 =	vld.idx.msk [tilespmem:v50+s30+$0x0], $0xffff  }
0x20f: {  	v17 =	vadd.f32 v18, v17  }
0x210: {  	s12 =	simm.s32 $0x100  }
0x211: {  	s18 =	simm.s32 $0x101;
	v18 =	vor.u32 s12, v0;
	v17 =	vadd.f32 v19, v17  }
0x212: {  	v19 =	vor.u32 s18, v0  }
0x213: {  	s22 =	simm.s32 $0x102;
	v17 =	vadd.f32 v20, v17  }
0x214: {  	v20 =	vor.u32 s22, v0  }
0x215: {  	s12 =	simm.s32 $0x103;
	[tilespmem:s19+$0xFFFFFFF0] =	vst v17  }
0x216: {  	v17 =	vor.u32 s12, v0;
	v18 =	vld.idx.msk [tilespmem:v18+s30+$0x0], $0xffff  }
0x217: {  	s18 =	simm.s32 $0x104;
	v19 =	vld.idx.msk [tilespmem:v19+s30+$0x0], $0xffff  }
0x218: {  	v51 =	vor.u32 s18, v0  }
0x219: {  	s22 =	simm.s32 $0x105;
	v20 =	vld.idx.msk [tilespmem:v20+s30+$0x0], $0xffff  }
0x21a: {  	v52 =	vor.u32 s22, v0  }
0x21b: {  	s12 =	simm.s32 $0x106;
	v17 =	vld.idx.msk [tilespmem:v17+s30+$0x0], $0xffff  }
0x21c: {  	v53 =	vor.u32 s12, v0;
	v18 =	vadd.f32 v19, v18  }
0x21d: {  	s18 =	simm.s32 $0x107;
	v19 =	vld.idx.msk [tilespmem:v51+s30+$0x0], $0xffff  }
0x21e: {  	v54 =	vor.u32 s18, v0;
	v18 =	vadd.f32 v20, v18  }
0x21f: {  	s22 =	simm.s32 $0x108;
	v20 =	vld.idx.msk [tilespmem:v52+s30+$0x0], $0xffff  }
0x220: {  	v55 =	vor.u32 s22, v0;
	v17 =	vadd.f32 v17, v18  }
0x221: {  	s12 =	simm.s32 $0x109;
	v18 =	vld.idx.msk [tilespmem:v53+s30+$0x0], $0xffff  }
0x222: {  	v56 =	vor.u32 s12, v0;
	v17 =	vadd.f32 v19, v17  }
0x223: {  	s18 =	simm.s32 $0x10A;
	v19 =	vld.idx.msk [tilespmem:v54+s30+$0x0], $0xffff  }
0x224: {  	v57 =	vor.u32 s18, v0;
	v17 =	vadd.f32 v20, v17  }
0x225: {  	s22 =	simm.s32 $0x10B;
	v20 =	vld.idx.msk [tilespmem:v55+s30+$0x0], $0xffff  }
0x226: {  	v58 =	vor.u32 s22, v0;
	v17 =	vadd.f32 v18, v17  }
0x227: {  	s12 =	simm.s32 $0x10C;
	v18 =	vld.idx.msk [tilespmem:v56+s30+$0x0], $0xffff  }
0x228: {  	v59 =	vor.u32 s12, v0;
	v17 =	vadd.f32 v19, v17  }
0x229: {  	s18 =	simm.s32 $0x10D;
	v19 =	vld.idx.msk [tilespmem:v57+s30+$0x0], $0xffff  }
0x22a: {  	v60 =	vor.u32 s18, v0;
	v17 =	vadd.f32 v20, v17  }
0x22b: {  	s22 =	simm.s32 $0x10E;
	v20 =	vld.idx.msk [tilespmem:v58+s30+$0x0], $0xffff  }
0x22c: {  	v61 =	vor.u32 s22, v0;
	v17 =	vadd.f32 v18, v17  }
0x22d: {  	v18 =	vld.idx.msk [tilespmem:v59+s30+$0x0], $0xffff  }
0x22e: {  	v62 =	vor.u32 s21, v0;
	v17 =	vadd.f32 v19, v17  }
0x22f: {  	v19 =	vld.idx.msk [tilespmem:v60+s30+$0x0], $0xffff  }
0x230: {  	v17 =	vadd.f32 v20, v17  }
0x231: {  	v20 =	vld.idx.msk [tilespmem:v61+s30+$0x0], $0xffff  }
0x232: {  	v17 =	vadd.f32 v18, v17  }
0x233: {  	v63 =	vld.idx.msk [tilespmem:v62+s30+$0x0], $0xffff  }
0x234: {  	v17 =	vadd.f32 v19, v17  }
0x235: {  	s12 =	simm.s32 $0x200  }
0x236: {  	s22 =	simm.s32 $0x201;
	v19 =	vadd.f32 v20, v17;
	v17 =	vor.u32 s12, v0  }
0x237: {  	s21 =	simm.s32 $0x2;
	v18 =	vor.u32 s22, v0  }
0x238: {  	s11 =	simm.s32 $0x202;
	s18 =	simm.s32 $0x30F;
	s22 =	simm.s32 $0x1A110;
	v19 =	vadd.f32 v63, v19  }
.LBB2_5:
0x239: {  	s21 =	sadd.s32 $0x2, s21;
	v20 =	vor.u32 s11, v0;
	s19 =	sadd.s32 $0x20, s19  }
0x23a: {  	s11 =	sadd.s32 $0xFFFFFEF4, s18;
	p0 =	slt.u32 s21, $0x12;
	[tilespmem:s22+$0x0] =	vst v19;
	s22 =	smov.u32 s19  }
0x23b: {  	v19 =	vor.u32 s11, v0;
	v17 =	vld.idx.msk [tilespmem:v17+s30+$0x0], $0xffff  }
0x23c: {  	s11 =	sadd.s32 $0xFFFFFEF5, s18;
	v18 =	vld.idx.msk [tilespmem:v18+s30+$0x0], $0xffff  }
0x23d: {  	v21 =	vor.u32 s11, v0  }
0x23e: {  	s11 =	sadd.s32 $0xFFFFFEF6, s18;
	v20 =	vld.idx.msk [tilespmem:v20+s30+$0x0], $0xffff  }
0x23f: {  	v22 =	vor.u32 s11, v0  }
0x240: {  	s11 =	sadd.s32 $0xFFFFFEF7, s18;
	v19 =	vld.idx.msk [tilespmem:v19+s30+$0x0], $0xffff  }
0x241: {  	v23 =	vor.u32 s11, v0  }
0x242: {  	s11 =	sadd.s32 $0xFFFFFEF8, s18;
	v17 =	vadd.f32 v18, v17;
	v18 =	vld.idx.msk [tilespmem:v21+s30+$0x0], $0xffff  }
0x243: {  	v21 =	vor.u32 s11, v0  }
0x244: {  	s11 =	sadd.s32 $0xFFFFFEF9, s18;
	v17 =	vadd.f32 v20, v17;
	v20 =	vld.idx.msk [tilespmem:v22+s30+$0x0], $0xffff  }
0x245: {  	v22 =	vor.u32 s11, v0  }
0x246: {  	s11 =	sadd.s32 $0xFFFFFEFA, s18;
	v17 =	vadd.f32 v19, v17;
	v19 =	vld.idx.msk [tilespmem:v23+s30+$0x0], $0xffff  }
0x247: {  	v23 =	vor.u32 s11, v0  }
0x248: {  	s11 =	sadd.s32 $0xFFFFFEFB, s18;
	v17 =	vadd.f32 v18, v17;
	v18 =	vld.idx.msk [tilespmem:v21+s30+$0x0], $0xffff  }
0x249: {  	v21 =	vor.u32 s11, v0  }
0x24a: {  	s11 =	sadd.s32 $0xFFFFFEFC, s18;
	v17 =	vadd.f32 v20, v17;
	v20 =	vld.idx.msk [tilespmem:v22+s30+$0x0], $0xffff  }
0x24b: {  	v22 =	vor.u32 s11, v0  }
0x24c: {  	s11 =	sadd.s32 $0xFFFFFEFD, s18;
	v17 =	vadd.f32 v19, v17;
	v19 =	vld.idx.msk [tilespmem:v23+s30+$0x0], $0xffff  }
0x24d: {  	v23 =	vor.u32 s11, v0  }
0x24e: {  	s11 =	sadd.s32 $0xFFFFFEFE, s18;
	v17 =	vadd.f32 v18, v17;
	v18 =	vld.idx.msk [tilespmem:v21+s30+$0x0], $0xffff  }
0x24f: {  	v21 =	vor.u32 s11, v0  }
0x250: {  	s11 =	sadd.s32 $0xFFFFFEFF, s18;
	v17 =	vadd.f32 v20, v17;
	v20 =	vld.idx.msk [tilespmem:v22+s30+$0x0], $0xffff  }
0x251: {  	v22 =	vor.u32 s11, v0  }
0x252: {  	s11 =	sadd.s32 $0xFFFFFF00, s18;
	v17 =	vadd.f32 v19, v17;
	v19 =	vld.idx.msk [tilespmem:v23+s30+$0x0], $0xffff  }
0x253: {  	v23 =	vor.u32 s11, v0  }
0x254: {  	v17 =	vadd.f32 v18, v17;
	v18 =	vld.idx.msk [tilespmem:v21+s30+$0x0], $0xffff;
	_ =	sdelay $0x1  }
0x255: {  	v17 =	vadd.f32 v20, v17;
	v20 =	vld.idx.msk [tilespmem:v22+s30+$0x0], $0xffff;
	_ =	sdelay $0x1  }
0x256: {  	v17 =	vadd.f32 v19, v17;
	v19 =	vld.idx.msk [tilespmem:v23+s30+$0x0], $0xffff;
	_ =	sdelay $0x1  }
0x257: {  	v17 =	vadd.f32 v18, v17  }
0x258: {  	s12 =	sadd.s32 $0xFFFFFFF2, s18;
	s11 =	sadd.s32 $0xFFFFFFF1, s18  }
0x259: {  	v18 =	vor.u32 s11, v0;
	v17 =	vadd.f32 v20, v17;
	v20 =	vor.u32 s12, v0  }
0x25a: {  	s11 =	sadd.s32 $0xFFFFFFF3, s18  }
0x25b: {  	v17 =	vadd.f32 v19, v17;
	v19 =	vor.u32 s11, v0  }
0x25c: {  	s11 =	sadd.s32 $0xFFFFFFF4, s18  }
0x25d: {  	[tilespmem:s19+$0xFFFFFFF0] =	vst v17;
	v17 =	vor.u32 s11, v0  }
0x25e: {  	s11 =	sadd.s32 $0xFFFFFFF5, s18;
	v18 =	vld.idx.msk [tilespmem:v18+s30+$0x0], $0xffff  }
0x25f: {  	v21 =	vor.u32 s11, v0;
	v20 =	vld.idx.msk [tilespmem:v20+s30+$0x0], $0xffff  }
0x260: {  	s11 =	sadd.s32 $0xFFFFFFF6, s18;
	v19 =	vld.idx.msk [tilespmem:v19+s30+$0x0], $0xffff  }
0x261: {  	v22 =	vor.u32 s11, v0  }
0x262: {  	s11 =	sadd.s32 $0xFFFFFFF7, s18;
	v17 =	vld.idx.msk [tilespmem:v17+s30+$0x0], $0xffff  }
0x263: {  	v23 =	vor.u32 s11, v0  }
0x264: {  	s11 =	sadd.s32 $0xFFFFFFF8, s18;
	v21 =	vld.idx.msk [tilespmem:v21+s30+$0x0], $0xffff  }
0x265: {  	v18 =	vadd.f32 v20, v18;
	v20 =	vor.u32 s11, v0  }
0x266: {  	s11 =	sadd.s32 $0xFFFFFFF9, s18;
	v22 =	vld.idx.msk [tilespmem:v22+s30+$0x0], $0xffff  }
0x267: {  	v18 =	vadd.f32 v19, v18;
	v19 =	vor.u32 s11, v0  }
0x268: {  	s11 =	sadd.s32 $0xFFFFFFFA, s18;
	v23 =	vld.idx.msk [tilespmem:v23+s30+$0x0], $0xffff  }
0x269: {  	v17 =	vadd.f32 v17, v18;
	v18 =	vor.u32 s11, v0  }
0x26a: {  	s11 =	sadd.s32 $0xFFFFFFFB, s18;
	v20 =	vld.idx.msk [tilespmem:v20+s30+$0x0], $0xffff  }
0x26b: {  	v17 =	vadd.f32 v21, v17;
	v21 =	vor.u32 s11, v0  }
0x26c: {  	s11 =	sadd.s32 $0xFFFFFFFC, s18;
	v19 =	vld.idx.msk [tilespmem:v19+s30+$0x0], $0xffff  }
0x26d: {  	v17 =	vadd.f32 v22, v17;
	v22 =	vor.u32 s11, v0  }
0x26e: {  	s11 =	sadd.s32 $0xFFFFFFFD, s18;
	v18 =	vld.idx.msk [tilespmem:v18+s30+$0x0], $0xffff  }
0x26f: {  	v17 =	vadd.f32 v23, v17;
	v23 =	vor.u32 s11, v0  }
0x270: {  	s11 =	sadd.s32 $0xFFFFFFFE, s18;
	v21 =	vld.idx.msk [tilespmem:v21+s30+$0x0], $0xffff  }
0x271: {  	v17 =	vadd.f32 v20, v17;
	v20 =	vor.u32 s11, v0  }
0x272: {  	s11 =	sadd.s32 $0xFFFFFFFF, s18;
	v22 =	vld.idx.msk [tilespmem:v22+s30+$0x0], $0xffff  }
0x273: {  	v17 =	vadd.f32 v19, v17;
	v19 =	vor.u32 s11, v0  }
0x274: {  	v23 =	vld.idx.msk [tilespmem:v23+s30+$0x0], $0xffff  }
0x275: {  	v17 =	vadd.f32 v18, v17;
	v18 =	vor.u32 s18, v0  }
0x276: {  	v20 =	vld.idx.msk [tilespmem:v20+s30+$0x0], $0xffff  }
0x277: {  	v17 =	vadd.f32 v21, v17  }
0x278: {  	v19 =	vld.idx.msk [tilespmem:v19+s30+$0x0], $0xffff  }
0x279: {  	v17 =	vadd.f32 v22, v17  }
0x27a: {  	v21 =	vld.idx.msk [tilespmem:v18+s30+$0x0], $0xffff  }
0x27b: {  	v17 =	vadd.f32 v23, v17  }
0x27c: {  	s18 =	sadd.s32 $0x200, s18  }
.Ltmp1:
0x27d: {  	s11 =	sadd.s32 $0xFFFFFEF1, s18;
	v18 =	vadd.f32 v20, v17;
	(pc) =	sbr.rel @p0 .LBB2_5-.Ltmp1, $4  }
0x27e: {  	v17 =	vor.u32 s11, v0  }
0x27f: {  	s11 =	sadd.s32 $0xFFFFFEF2, s18;
	v19 =	vadd.f32 v19, v18  }
0x280: {  	v18 =	vor.u32 s11, v0  }
0x281: {  	s11 =	sadd.s32 $0xFFFFFEF3, s18;
	v19 =	vadd.f32 v21, v19  }
0x282: {  	_ =	sdelay $0x1  }
0x283: {  	v20 =	vor.u32 s11, v0  }
0x284: {  	s21 =	sadd.s32 $0xFFFFFEF4, s18;
	[tilespmem:s22+$0x0] =	vst v19  }
0x285: {  	v19 =	vor.u32 s21, v0;
	v17 =	vld.idx.msk [tilespmem:v17+s30+$0x0], $0xffff  }
0x286: {  	s22 =	sadd.s32 $0xFFFFFEF5, s18;
	v18 =	vld.idx.msk [tilespmem:v18+s30+$0x0], $0xffff  }
0x287: {  	v21 =	vor.u32 s22, v0  }
0x288: {  	s12 =	sadd.s32 $0xFFFFFEF6, s18;
	v20 =	vld.idx.msk [tilespmem:v20+s30+$0x0], $0xffff  }
0x289: {  	v22 =	vor.u32 s12, v0  }
0x28a: {  	s21 =	sadd.s32 $0xFFFFFEF7, s18;
	v19 =	vld.idx.msk [tilespmem:v19+s30+$0x0], $0xffff  }
0x28b: {  	v23 =	vor.u32 s21, v0;
	v17 =	vadd.f32 v18, v17  }
0x28c: {  	s22 =	sadd.s32 $0xFFFFFEF8, s18;
	v18 =	vld.idx.msk [tilespmem:v21+s30+$0x0], $0xffff  }
0x28d: {  	v29 =	vor.u32 s22, v0;
	v17 =	vadd.f32 v20, v17  }
0x28e: {  	s12 =	sadd.s32 $0xFFFFFEF9, s18;
	v30 =	vld.idx.msk [tilespmem:v22+s30+$0x0], $0xffff  }
0x28f: {  	v31 =	vor.u32 s12, v0;
	v17 =	vadd.f32 v19, v17  }
0x290: {  	s21 =	sadd.s32 $0xFFFFFEFA, s18;
	v19 =	vld.idx.msk [tilespmem:v23+s30+$0x0], $0xffff  }
0x291: {  	v32 =	vor.u32 s21, v0;
	v17 =	vadd.f32 v18, v17  }
0x292: {  	s22 =	sadd.s32 $0xFFFFFEFB, s18;
	v18 =	vld.idx.msk [tilespmem:v29+s30+$0x0], $0xffff  }
0x293: {  	v33 =	vor.u32 s22, v0;
	v17 =	vadd.f32 v30, v17  }
0x294: {  	s12 =	sadd.s32 $0xFFFFFEFC, s18;
	v34 =	vld.idx.msk [tilespmem:v31+s30+$0x0], $0xffff  }
0x295: {  	v35 =	vor.u32 s12, v0;
	v17 =	vadd.f32 v19, v17  }
0x296: {  	s21 =	sadd.s32 $0xFFFFFEFD, s18;
	v19 =	vld.idx.msk [tilespmem:v32+s30+$0x0], $0xffff  }
0x297: {  	v36 =	vor.u32 s21, v0;
	v17 =	vadd.f32 v18, v17  }
0x298: {  	s22 =	sadd.s32 $0xFFFFFEFE, s18;
	v18 =	vld.idx.msk [tilespmem:v33+s30+$0x0], $0xffff  }
0x299: {  	v37 =	vor.u32 s22, v0;
	v17 =	vadd.f32 v34, v17  }
0x29a: {  	s12 =	sadd.s32 $0xFFFFFEFF, s18;
	v38 =	vld.idx.msk [tilespmem:v35+s30+$0x0], $0xffff  }
0x29b: {  	v39 =	vor.u32 s12, v0;
	v17 =	vadd.f32 v19, v17  }
0x29c: {  	s21 =	sadd.s32 $0xFFFFFF00, s18;
	v19 =	vld.idx.msk [tilespmem:v36+s30+$0x0], $0xffff  }
0x29d: {  	v40 =	vor.u32 s21, v0;
	v17 =	vadd.f32 v18, v17  }
0x29e: {  	v18 =	vld.idx.msk [tilespmem:v37+s30+$0x0], $0xffff  }
0x29f: {  	v17 =	vadd.f32 v38, v17  }
0x2a0: {  	v41 =	vld.idx.msk [tilespmem:v39+s30+$0x0], $0xffff  }
0x2a1: {  	v17 =	vadd.f32 v19, v17  }
0x2a2: {  	v19 =	vld.idx.msk [tilespmem:v40+s30+$0x0], $0xffff  }
0x2a3: {  	v17 =	vadd.f32 v18, v17  }
0x2a4: {  	s22 =	sadd.s32 $0xFFFFFFF1, s18  }
0x2a5: {  	s12 =	sadd.s32 $0xFFFFFFF2, s18;
	v18 =	vor.u32 s22, v0;
	v17 =	vadd.f32 v41, v17  }
0x2a6: {  	v42 =	vor.u32 s12, v0  }
0x2a7: {  	s21 =	sadd.s32 $0xFFFFFFF3, s18;
	v17 =	vadd.f32 v19, v17  }
0x2a8: {  	s12 =	sadd.s32 $0x20, s19;
	v19 =	vor.u32 s21, v0  }
0x2a9: {  	s22 =	sadd.s32 $0xFFFFFFF4, s18;
	[tilespmem:s12+$0xFFFFFFF0] =	vst v17  }
0x2aa: {  	v17 =	vor.u32 s22, v0;
	v18 =	vld.idx.msk [tilespmem:v18+s30+$0x0], $0xffff  }
0x2ab: {  	s19 =	sadd.s32 $0xFFFFFFF5, s18;
	v20 =	vld.idx.msk [tilespmem:v42+s30+$0x0], $0xffff  }
0x2ac: {  	v43 =	vor.u32 s19, v0  }
0x2ad: {  	s21 =	sadd.s32 $0xFFFFFFF6, s18;
	v19 =	vld.idx.msk [tilespmem:v19+s30+$0x0], $0xffff  }
0x2ae: {  	v44 =	vor.u32 s21, v0  }
0x2af: {  	s22 =	sadd.s32 $0xFFFFFFF7, s18;
	v17 =	vld.idx.msk [tilespmem:v17+s30+$0x0], $0xffff  }
0x2b0: {  	v45 =	vor.u32 s22, v0;
	v18 =	vadd.f32 v20, v18  }
0x2b1: {  	s19 =	sadd.s32 $0xFFFFFFF8, s18;
	v46 =	vld.idx.msk [tilespmem:v43+s30+$0x0], $0xffff  }
0x2b2: {  	v47 =	vor.u32 s19, v0;
	v18 =	vadd.f32 v19, v18  }
0x2b3: {  	s21 =	sadd.s32 $0xFFFFFFF9, s18;
	v19 =	vld.idx.msk [tilespmem:v44+s30+$0x0], $0xffff  }
0x2b4: {  	v48 =	vor.u32 s21, v0;
	v17 =	vadd.f32 v17, v18  }
0x2b5: {  	s22 =	sadd.s32 $0xFFFFFFFA, s18;
	v18 =	vld.idx.msk [tilespmem:v45+s30+$0x0], $0xffff  }
0x2b6: {  	v49 =	vor.u32 s22, v0;
	v17 =	vadd.f32 v46, v17  }
0x2b7: {  	s19 =	sadd.s32 $0xFFFFFFFB, s18;
	v50 =	vld.idx.msk [tilespmem:v47+s30+$0x0], $0xffff  }
0x2b8: {  	v51 =	vor.u32 s19, v0;
	v17 =	vadd.f32 v19, v17  }
0x2b9: {  	s21 =	sadd.s32 $0xFFFFFFFC, s18;
	v19 =	vld.idx.msk [tilespmem:v48+s30+$0x0], $0xffff  }
0x2ba: {  	v52 =	vor.u32 s21, v0;
	v17 =	vadd.f32 v18, v17  }
0x2bb: {  	s22 =	sadd.s32 $0xFFFFFFFD, s18;
	v18 =	vld.idx.msk [tilespmem:v49+s30+$0x0], $0xffff  }
0x2bc: {  	v53 =	vor.u32 s22, v0;
	v17 =	vadd.f32 v50, v17  }
0x2bd: {  	s19 =	sadd.s32 $0xFFFFFFFE, s18;
	v54 =	vld.idx.msk [tilespmem:v51+s30+$0x0], $0xffff  }
0x2be: {  	v55 =	vor.u32 s19, v0;
	v17 =	vadd.f32 v19, v17  }
0x2bf: {  	s21 =	sadd.s32 $0xFFFFFFFF, s18;
	v19 =	vld.idx.msk [tilespmem:v52+s30+$0x0], $0xffff  }
0x2c0: {  	v56 =	vor.u32 s21, v0;
	v17 =	vadd.f32 v18, v17  }
0x2c1: {  	v18 =	vld.idx.msk [tilespmem:v53+s30+$0x0], $0xffff  }
0x2c2: {  	v57 =	vor.u32 s18, v0;
	v17 =	vadd.f32 v54, v17  }
0x2c3: {  	v58 =	vld.idx.msk [tilespmem:v55+s30+$0x0], $0xffff  }
0x2c4: {  	v17 =	vadd.f32 v19, v17  }
0x2c5: {  	v19 =	vld.idx.msk [tilespmem:v56+s30+$0x0], $0xffff  }
0x2c6: {  	v17 =	vadd.f32 v18, v17  }
0x2c7: {  	v18 =	vld.idx.msk [tilespmem:v57+s30+$0x0], $0xffff  }
0x2c8: {  	v17 =	vadd.f32 v58, v17;
	_ =	sdelay $0x1  }
0x2c9: {  	v17 =	vadd.f32 v19, v17;
	_ =	sdelay $0x1  }
0x2ca: {  	v17 =	vadd.f32 v18, v17;
	_ =	sdelay $0x1  }
0x2cb: {  	[tilespmem:s12+$0x0] =	vst v17  }
0x2cc: {  	v17 =	vld.idx.msk [tilespmem:v1+s30+$0x0], $0xffff  }
0x2cd: {  	v18 =	vld.idx.msk [tilespmem:v2+s30+$0x0], $0xffff;
	_ =	sdelay $0x1  }
0x2ce: {  	v19 =	vld.idx.msk [tilespmem:v3+s30+$0x0], $0xffff;
	_ =	sdelay $0x1  }
0x2cf: {  	v59 =	vld.idx.msk [tilespmem:v4+s30+$0x0], $0xffff  }
0x2d0: {  	v17 =	vadd.f32 v18, v17  }
0x2d1: {  	v18 =	vld.idx.msk [tilespmem:v5+s30+$0x0], $0xffff  }
0x2d2: {  	v17 =	vadd.f32 v19, v17  }
0x2d3: {  	v19 =	vld.idx.msk [tilespmem:v6+s30+$0x0], $0xffff  }
0x2d4: {  	v17 =	vadd.f32 v59, v17  }
0x2d5: {  	v60 =	vld.idx.msk [tilespmem:v7+s30+$0x0], $0xffff  }
0x2d6: {  	v17 =	vadd.f32 v18, v17  }
0x2d7: {  	v18 =	vld.idx.msk [tilespmem:v8+s30+$0x0], $0xffff  }
0x2d8: {  	v17 =	vadd.f32 v19, v17  }
0x2d9: {  	v19 =	vld.idx.msk [tilespmem:v9+s30+$0x0], $0xffff  }
0x2da: {  	v17 =	vadd.f32 v60, v17  }
0x2db: {  	v61 =	vld.idx.msk [tilespmem:v10+s30+$0x0], $0xffff  }
0x2dc: {  	v17 =	vadd.f32 v18, v17  }
0x2dd: {  	v18 =	vld.idx.msk [tilespmem:v11+s30+$0x0], $0xffff  }
0x2de: {  	v17 =	vadd.f32 v19, v17  }
0x2df: {  	v19 =	vld.idx.msk [tilespmem:v12+s30+$0x0], $0xffff  }
0x2e0: {  	v17 =	vadd.f32 v61, v17  }
0x2e1: {  	v62 =	vld.idx.msk [tilespmem:v13+s30+$0x0], $0xffff  }
0x2e2: {  	v17 =	vadd.f32 v18, v17  }
0x2e3: {  	v18 =	vld.idx.msk [tilespmem:v14+s30+$0x0], $0xffff  }
0x2e4: {  	v17 =	vadd.f32 v19, v17  }
0x2e5: {  	v19 =	vld.idx.msk [tilespmem:v15+s30+$0x0], $0xffff  }
0x2e6: {  	v17 =	vadd.f32 v62, v17  }
0x2e7: {  	v63 =	vld.idx.msk [tilespmem:v16+s30+$0x0], $0xffff  }
0x2e8: {  	v17 =	vadd.f32 v18, v17;
	_ =	sdelay $0x1  }
0x2e9: {  	s22 =	smul.u32 $0x2A0, s14;
	v17 =	vadd.f32 v19, v17;
	_ =	sdelay $0x1  }
0x2ea: {  	s11 =	sadd.s32 s8, s22;
	v17 =	vadd.f32 v63, v17  }
0x2eb: {  	s11 =	sshrl.u32 s11, $0x3  }
0x2ec: {  	p0 =	seq.s32 s14, $0xF;
	s11 =	sadd.s32 s4, s11;
	[tilespmem:$0x1A240] =	vst v17  }
0x2ed: {  	[hbm4b:s11+s2] =	stream.linear.scatter [tilespmem:s31], [sflag:$0x3], $0x150, $0x38;
	[tilespmem:$0x1A280] =	vst v63  }
0x2ee: {  	s18 =	simm.s32 @!p0 $0x2C00;
	_ =	swait.ge [sflag:s10], $0x150  }
0x2ef: {  	s11 =	sadd.s32 @!p0 $0x2, s17;
	s17 =	simm.s32 @!p0 $0x10;
	[sflag:s10] =	ssyncset.done $0x0  }
0x2f0: {  	s12 =	sshll.u32 @!p0 s11, $0x4;
	s11 =	smul.u32 @!p0 $0x500, s11;
	[sflag:s10] =	ssyncadd.s32 $0xFFFFFEB0  }
0x2f1: {  	[tilespmem:s18], [sflag:$0x1] =	stream.indirect.gather @!p0 [hbm4b:s3+s17], $0x80, s12, s17, $0xb8;
	[tilespmem:$0x1A280] =	vst v63  }
0x2f2: {  	s11 =	sshra.s32 @!p0 s11, $0x2;
	s12 =	sadd.s32 @!p0 $0x200, s12;
	s18 =	simm.s32 @!p0 $0x3400  }
0x2f3: {  	[tilespmem:s18], [sflag:$0x1] =	stream.indirect.gather @!p0 [hbm4b:s3+s17], $0x80, s12, s17, $0xb8;
	[tilespmem:$0x1A280] =	vst v63  }
0x2f4: {  	s12 =	sadd.s32 @!p0 $0x400, s11;
	s17 =	simm.s32 @!p0 $0x80;
	s18 =	simm.s32 @!p0 $0x3C00  }
0x2f5: {  	[tilespmem:s18], [sflag:$0x1] =	stream.indirect.gather @!p0 [hbm4b:s3+s17], $0x80, s12, s17, $0xb8;
	[tilespmem:$0x1A280] =	vst v63  }
0x2f6: {  	s12 =	sadd.s32 @!p0 $0x480, s11;
	s18 =	simm.s32 @!p0 $0x7C00  }
0x2f7: {  	[tilespmem:s18], [sflag:$0x1] =	stream.indirect.gather @!p0 [hbm4b:s3+s17], $0x80, s12, s17, $0xb8;
	[tilespmem:$0x1A280] =	vst v63  }
0x2f8: {  	s11 =	sadd.s32 @!p0 $0x500, s11;
	s12 =	simm.s32 @!p0 $0x40;
	s17 =	simm.s32 @!p0 $0xBC00  }
0x2f9: {  	[tilespmem:s17], [sflag:$0x1] =	stream.indirect.gather @!p0 [hbm4b:s3+s12], $0x80, s11, s12, $0xb8;
	[tilespmem:$0x1A280] =	vst v63  }
0x2fa: {  	_ =	swait.ge [sflag:s1], $0x800  }
0x2fb: {  	[sflag:s1] =	ssyncset.done $0x0  }
0x2fc: {  	[sflag:s1] =	ssyncadd.s32 $0xFFFFF800  }
0x2fd: {  	_ =	swait.ge [sflag:s1], $0x800  }
0x2fe: {  	[sflag:s1] =	ssyncset.done $0x0  }
0x2ff: {  	[sflag:s1] =	ssyncadd.s32 $0xFFFFF800  }
0x300: {  	_ =	swait.ge [sflag:s1], $0xA000  }
0x301: {  	[sflag:s1] =	ssyncset.done $0x0  }
0x302: {  	s17 =	simm.s32 $0x0;
	[sflag:s1] =	ssyncadd.s32 $0xFFFF6000  }
.LBB2_7:
0x303: {  	s11 =	sshll.u32 s17, $0x7  }
0x304: {  	v17 =	vld [tilespmem:s11+$0xDC00]  }
0x305: {  	v18 =	vld [tilespmem:s11+$0xDC10]  }
0x306: {  	v21 =	vld [tilespmem:s11+$0xE440]  }
0x307: {  	v22 =	vld [tilespmem:s11+$0xE450]  }
0x308: {  	v19 =	vld [tilespmem:s11+$0xDC20]  }
0x309: {  	v23 =	vld [tilespmem:s11+$0xE460]  }
0x30a: {  	v20 =	vld [tilespmem:s11+$0xDC30]  }
0x30b: {  	v24 =	vld [tilespmem:s11+$0xE470]  }
0x30c: {  	v21 =	vmul.f32 v21, v17;
	v22 =	vmul.f32 v22, v18;
	_ =	sdelay $0x1  }
0x30d: {  	v41 =	vmul.f32 v23, v19;
	v21 =	vadd.f32 v22, v21;
	_ =	sdelay $0x1  }
0x30e: {  	v42 =	vmul.f32 v24, v20;
	v21 =	vadd.f32 v41, v21  }
0x30f: {  	s18 =	smul.u32 $0x150, s17  }
0x310: {  	s21 =	smul.u32 $0x2800, s17;
	v21 =	vadd.f32 v42, v21;
	_ =	sdelay $0x1  }
0x311: {  	s19 =	sshra.s32 s21, $0x2;
	[tilespmem:s18+$0x18C00] =	vst v21  }
0x312: {  	v21 =	vld [tilespmem:s19+$0xEC40]  }
0x313: {  	v43 =	vld [tilespmem:s19+$0xEC50];
	_ =	sdelay $0x1  }
0x314: {  	v44 =	vld [tilespmem:s19+$0xEC60];
	_ =	sdelay $0x1  }
0x315: {  	v45 =	vld [tilespmem:s19+$0xEC70]  }
0x316: {  	v21 =	vmul.f32 v21, v17;
	v22 =	vmul.f32 v43, v18;
	_ =	sdelay $0x1  }
0x317: {  	v46 =	vmul.f32 v44, v19;
	v21 =	vadd.f32 v22, v21;
	_ =	sdelay $0x1  }
0x318: {  	v47 =	vmul.f32 v45, v20;
	v21 =	vadd.f32 v46, v21;
	_ =	sdelay $0x1  }
0x319: {  	v21 =	vadd.f32 v47, v21;
	_ =	sdelay $0x1  }
0x31a: {  	v21 =	vsub.f32 $0.0e+00, v21;
	_ =	sdelay $0x1  }
0x31b: {  	[tilespmem:s18+$0x18C10] =	vst v21  }
0x31c: {  	v21 =	vld [tilespmem:s19+$0xECC0]  }
0x31d: {  	v48 =	vld [tilespmem:s19+$0xECD0];
	_ =	sdelay $0x1  }
0x31e: {  	v49 =	vld [tilespmem:s19+$0xECE0];
	_ =	sdelay $0x1  }
0x31f: {  	v50 =	vld [tilespmem:s19+$0xECF0]  }
0x320: {  	v21 =	vmul.f32 v21, v17;
	v22 =	vmul.f32 v48, v18;
	_ =	sdelay $0x1  }
0x321: {  	v51 =	vmul.f32 v49, v19;
	v21 =	vadd.f32 v22, v21;
	_ =	sdelay $0x1  }
0x322: {  	v52 =	vmul.f32 v50, v20;
	v21 =	vadd.f32 v51, v21;
	_ =	sdelay $0x1  }
0x323: {  	v21 =	vadd.f32 v52, v21;
	_ =	sdelay $0x1  }
0x324: {  	v21 =	vsub.f32 $0.0e+00, v21;
	_ =	sdelay $0x1  }
0x325: {  	[tilespmem:s18+$0x18C20] =	vst v21  }
0x326: {  	v21 =	vld [tilespmem:s19+$0xED40]  }
0x327: {  	v53 =	vld [tilespmem:s19+$0xED50];
	_ =	sdelay $0x1  }
0x328: {  	v54 =	vld [tilespmem:s19+$0xED60];
	_ =	sdelay $0x1  }
0x329: {  	v55 =	vld [tilespmem:s19+$0xED70]  }
0x32a: {  	v21 =	vmul.f32 v21, v17;
	v22 =	vmul.f32 v53, v18;
	_ =	sdelay $0x1  }
0x32b: {  	v56 =	vmul.f32 v54, v19;
	v21 =	vadd.f32 v22, v21;
	_ =	sdelay $0x1  }
0x32c: {  	v57 =	vmul.f32 v55, v20;
	v21 =	vadd.f32 v56, v21;
	_ =	sdelay $0x1  }
0x32d: {  	v21 =	vadd.f32 v57, v21;
	_ =	sdelay $0x1  }
0x32e: {  	v21 =	vsub.f32 $0.0e+00, v21;
	_ =	sdelay $0x1  }
0x32f: {  	[tilespmem:s18+$0x18C30] =	vst v21  }
0x330: {  	v21 =	vld [tilespmem:s19+$0xEDC0]  }
0x331: {  	v58 =	vld [tilespmem:s19+$0xEDD0];
	_ =	sdelay $0x1  }
0x332: {  	v59 =	vld [tilespmem:s19+$0xEDE0];
	_ =	sdelay $0x1  }
0x333: {  	v60 =	vld [tilespmem:s19+$0xEDF0]  }
0x334: {  	v21 =	vmul.f32 v21, v17;
	v22 =	vmul.f32 v58, v18;
	_ =	sdelay $0x1  }
0x335: {  	v61 =	vmul.f32 v59, v19;
	v21 =	vadd.f32 v22, v21;
	_ =	sdelay $0x1  }
0x336: {  	v62 =	vmul.f32 v60, v20;
	v21 =	vadd.f32 v61, v21;
	_ =	sdelay $0x1  }
0x337: {  	v21 =	vadd.f32 v62, v21;
	_ =	sdelay $0x1  }
0x338: {  	v21 =	vsub.f32 $0.0e+00, v21;
	_ =	sdelay $0x1  }
0x339: {  	[tilespmem:s18+$0x18C40] =	vst v21  }
0x33a: {  	v21 =	vld [tilespmem:s19+$0xEE40]  }
0x33b: {  	v63 =	vld [tilespmem:s19+$0xEE50];
	_ =	sdelay $0x1  }
0x33c: {  	v28 =	vld [tilespmem:s19+$0xEE60];
	_ =	sdelay $0x1  }
0x33d: {  	v29 =	vld [tilespmem:s19+$0xEE70]  }
0x33e: {  	v21 =	vmul.f32 v21, v17;
	v22 =	vmul.f32 v63, v18;
	_ =	sdelay $0x1  }
0x33f: {  	v30 =	vmul.f32 v28, v19;
	v21 =	vadd.f32 v22, v21;
	_ =	sdelay $0x1  }
0x340: {  	v31 =	vmul.f32 v29, v20;
	v21 =	vadd.f32 v30, v21;
	_ =	sdelay $0x1  }
0x341: {  	v21 =	vadd.f32 v31, v21;
	_ =	sdelay $0x1  }
0x342: {  	v21 =	vsub.f32 $0.0e+00, v21;
	_ =	sdelay $0x1  }
0x343: {  	[tilespmem:s18+$0x18C50] =	vst v21  }
0x344: {  	v21 =	vld [tilespmem:s19+$0xEEC0]  }
0x345: {  	v32 =	vld [tilespmem:s19+$0xEED0];
	_ =	sdelay $0x1  }
0x346: {  	v33 =	vld [tilespmem:s19+$0xEEE0];
	_ =	sdelay $0x1  }
0x347: {  	v34 =	vld [tilespmem:s19+$0xEEF0]  }
0x348: {  	v21 =	vmul.f32 v21, v17;
	v22 =	vmul.f32 v32, v18;
	_ =	sdelay $0x1  }
0x349: {  	v35 =	vmul.f32 v33, v19;
	v21 =	vadd.f32 v22, v21;
	_ =	sdelay $0x1  }
0x34a: {  	v36 =	vmul.f32 v34, v20;
	v21 =	vadd.f32 v35, v21;
	_ =	sdelay $0x1  }
0x34b: {  	v21 =	vadd.f32 v36, v21;
	_ =	sdelay $0x1  }
0x34c: {  	v21 =	vsub.f32 $0.0e+00, v21;
	_ =	sdelay $0x1  }
0x34d: {  	[tilespmem:s18+$0x18C60] =	vst v21  }
0x34e: {  	v21 =	vld [tilespmem:s19+$0xEF40]  }
0x34f: {  	v37 =	vld [tilespmem:s19+$0xEF50];
	_ =	sdelay $0x1  }
0x350: {  	v38 =	vld [tilespmem:s19+$0xEF60];
	_ =	sdelay $0x1  }
0x351: {  	v39 =	vld [tilespmem:s19+$0xEF70]  }
0x352: {  	v21 =	vmul.f32 v21, v17;
	v22 =	vmul.f32 v37, v18;
	_ =	sdelay $0x1  }
0x353: {  	v40 =	vmul.f32 v38, v19;
	v21 =	vadd.f32 v22, v21;
	_ =	sdelay $0x1  }
0x354: {  	v41 =	vmul.f32 v39, v20;
	v21 =	vadd.f32 v40, v21;
	_ =	sdelay $0x1  }
0x355: {  	v21 =	vadd.f32 v41, v21;
	_ =	sdelay $0x1  }
0x356: {  	v21 =	vsub.f32 $0.0e+00, v21;
	_ =	sdelay $0x1  }
0x357: {  	[tilespmem:s18+$0x18C70] =	vst v21  }
0x358: {  	v21 =	vld [tilespmem:s19+$0xEFC0]  }
0x359: {  	v42 =	vld [tilespmem:s19+$0xEFD0];
	_ =	sdelay $0x1  }
0x35a: {  	v43 =	vld [tilespmem:s19+$0xEFE0];
	_ =	sdelay $0x1  }
0x35b: {  	v44 =	vld [tilespmem:s19+$0xEFF0]  }
0x35c: {  	v21 =	vmul.f32 v21, v17;
	v22 =	vmul.f32 v42, v18;
	_ =	sdelay $0x1  }
0x35d: {  	v45 =	vmul.f32 v43, v19;
	v21 =	vadd.f32 v22, v21;
	_ =	sdelay $0x1  }
0x35e: {  	v46 =	vmul.f32 v44, v20;
	v21 =	vadd.f32 v45, v21;
	_ =	sdelay $0x1  }
0x35f: {  	v21 =	vadd.f32 v46, v21;
	_ =	sdelay $0x1  }
0x360: {  	v21 =	vsub.f32 $0.0e+00, v21  }
0x361: {  	s21 =	sand.u32 $0x1FE0, s18  }
0x362: {  	[tilespmem:s21+$0x18C80] =	vst v21  }
0x363: {  	v21 =	vld [tilespmem:s19+$0xF040]  }
0x364: {  	v47 =	vld [tilespmem:s19+$0xF050];
	_ =	sdelay $0x1  }
0x365: {  	v48 =	vld [tilespmem:s19+$0xF060];
	_ =	sdelay $0x1  }
0x366: {  	v49 =	vld [tilespmem:s19+$0xF070]  }
0x367: {  	v21 =	vmul.f32 v21, v17;
	v22 =	vmul.f32 v47, v18;
	_ =	sdelay $0x1  }
0x368: {  	v50 =	vmul.f32 v48, v19;
	v21 =	vadd.f32 v22, v21;
	_ =	sdelay $0x1  }
0x369: {  	v51 =	vmul.f32 v49, v20;
	v21 =	vadd.f32 v50, v21;
	_ =	sdelay $0x1  }
0x36a: {  	v21 =	vadd.f32 v51, v21;
	_ =	sdelay $0x1  }
0x36b: {  	v21 =	vsub.f32 $0.0e+00, v21;
	_ =	sdelay $0x1  }
0x36c: {  	[tilespmem:s18+$0x18C90] =	vst v21  }
0x36d: {  	v21 =	vld [tilespmem:s19+$0xF0C0]  }
0x36e: {  	v52 =	vld [tilespmem:s19+$0xF0D0];
	_ =	sdelay $0x1  }
0x36f: {  	v53 =	vld [tilespmem:s19+$0xF0E0];
	_ =	sdelay $0x1  }
0x370: {  	v54 =	vld [tilespmem:s19+$0xF0F0]  }
0x371: {  	v21 =	vmul.f32 v21, v17;
	v22 =	vmul.f32 v52, v18;
	_ =	sdelay $0x1  }
0x372: {  	v55 =	vmul.f32 v53, v19;
	v21 =	vadd.f32 v22, v21;
	_ =	sdelay $0x1  }
0x373: {  	v56 =	vmul.f32 v54, v20;
	v21 =	vadd.f32 v55, v21;
	_ =	sdelay $0x1  }
0x374: {  	v21 =	vadd.f32 v56, v21;
	_ =	sdelay $0x1  }
0x375: {  	v21 =	vsub.f32 $0.0e+00, v21;
	_ =	sdelay $0x1  }
0x376: {  	[tilespmem:s18+$0x18CA0] =	vst v21  }
0x377: {  	v21 =	vld [tilespmem:s19+$0xF140]  }
0x378: {  	v57 =	vld [tilespmem:s19+$0xF150];
	_ =	sdelay $0x1  }
0x379: {  	v58 =	vld [tilespmem:s19+$0xF160];
	_ =	sdelay $0x1  }
0x37a: {  	v59 =	vld [tilespmem:s19+$0xF170]  }
0x37b: {  	v21 =	vmul.f32 v21, v17;
	v22 =	vmul.f32 v57, v18;
	_ =	sdelay $0x1  }
0x37c: {  	v60 =	vmul.f32 v58, v19;
	v21 =	vadd.f32 v22, v21;
	_ =	sdelay $0x1  }
0x37d: {  	v61 =	vmul.f32 v59, v20;
	v21 =	vadd.f32 v60, v21;
	_ =	sdelay $0x1  }
0x37e: {  	v21 =	vadd.f32 v61, v21;
	_ =	sdelay $0x1  }
0x37f: {  	v21 =	vsub.f32 $0.0e+00, v21;
	_ =	sdelay $0x1  }
0x380: {  	[tilespmem:s18+$0x18CB0] =	vst v21  }
0x381: {  	v21 =	vld [tilespmem:s19+$0xF1C0]  }
0x382: {  	v62 =	vld [tilespmem:s19+$0xF1D0];
	_ =	sdelay $0x1  }
0x383: {  	v63 =	vld [tilespmem:s19+$0xF1E0];
	_ =	sdelay $0x1  }
0x384: {  	v28 =	vld [tilespmem:s19+$0xF1F0]  }
0x385: {  	v21 =	vmul.f32 v21, v17;
	v22 =	vmul.f32 v62, v18;
	_ =	sdelay $0x1  }
0x386: {  	v29 =	vmul.f32 v63, v19;
	v21 =	vadd.f32 v22, v21;
	_ =	sdelay $0x1  }
0x387: {  	v30 =	vmul.f32 v28, v20;
	v21 =	vadd.f32 v29, v21;
	_ =	sdelay $0x1  }
0x388: {  	v21 =	vadd.f32 v30, v21;
	_ =	sdelay $0x1  }
0x389: {  	v21 =	vsub.f32 $0.0e+00, v21;
	_ =	sdelay $0x1  }
0x38a: {  	[tilespmem:s18+$0x18CC0] =	vst v21  }
0x38b: {  	v21 =	vld [tilespmem:s19+$0xF240]  }
0x38c: {  	v31 =	vld [tilespmem:s19+$0xF250];
	_ =	sdelay $0x1  }
0x38d: {  	v32 =	vld [tilespmem:s19+$0xF260];
	_ =	sdelay $0x1  }
0x38e: {  	v33 =	vld [tilespmem:s19+$0xF270]  }
0x38f: {  	v21 =	vmul.f32 v21, v17;
	v22 =	vmul.f32 v31, v18;
	_ =	sdelay $0x1  }
0x390: {  	v34 =	vmul.f32 v32, v19;
	v21 =	vadd.f32 v22, v21;
	_ =	sdelay $0x1  }
0x391: {  	v35 =	vmul.f32 v33, v20;
	v21 =	vadd.f32 v34, v21;
	_ =	sdelay $0x1  }
0x392: {  	v21 =	vadd.f32 v35, v21;
	_ =	sdelay $0x1  }
0x393: {  	v21 =	vsub.f32 $0.0e+00, v21;
	_ =	sdelay $0x1  }
0x394: {  	[tilespmem:s18+$0x18CD0] =	vst v21  }
0x395: {  	v21 =	vld [tilespmem:s19+$0xF2C0]  }
0x396: {  	v36 =	vld [tilespmem:s19+$0xF2D0];
	_ =	sdelay $0x1  }
0x397: {  	v37 =	vld [tilespmem:s19+$0xF2E0];
	_ =	sdelay $0x1  }
0x398: {  	v38 =	vld [tilespmem:s19+$0xF2F0]  }
0x399: {  	v21 =	vmul.f32 v21, v17;
	v22 =	vmul.f32 v36, v18;
	_ =	sdelay $0x1  }
0x39a: {  	v39 =	vmul.f32 v37, v19;
	v21 =	vadd.f32 v22, v21;
	_ =	sdelay $0x1  }
0x39b: {  	v40 =	vmul.f32 v38, v20;
	v21 =	vadd.f32 v39, v21;
	_ =	sdelay $0x1  }
0x39c: {  	v21 =	vadd.f32 v40, v21;
	_ =	sdelay $0x1  }
0x39d: {  	v21 =	vsub.f32 $0.0e+00, v21;
	_ =	sdelay $0x1  }
0x39e: {  	[tilespmem:s18+$0x18CE0] =	vst v21  }
0x39f: {  	v21 =	vld [tilespmem:s19+$0xF340]  }
0x3a0: {  	v41 =	vld [tilespmem:s19+$0xF350];
	_ =	sdelay $0x1  }
0x3a1: {  	v42 =	vld [tilespmem:s19+$0xF360];
	_ =	sdelay $0x1  }
0x3a2: {  	v43 =	vld [tilespmem:s19+$0xF370]  }
0x3a3: {  	v21 =	vmul.f32 v21, v17;
	v22 =	vmul.f32 v41, v18;
	_ =	sdelay $0x1  }
0x3a4: {  	v44 =	vmul.f32 v42, v19;
	v21 =	vadd.f32 v22, v21;
	_ =	sdelay $0x1  }
0x3a5: {  	v45 =	vmul.f32 v43, v20;
	v21 =	vadd.f32 v44, v21;
	_ =	sdelay $0x1  }
0x3a6: {  	v21 =	vadd.f32 v45, v21;
	_ =	sdelay $0x1  }
0x3a7: {  	v21 =	vsub.f32 $0.0e+00, v21;
	_ =	sdelay $0x1  }
0x3a8: {  	[tilespmem:s18+$0x18CF0] =	vst v21  }
0x3a9: {  	v21 =	vld [tilespmem:s19+$0xF3C0]  }
0x3aa: {  	v46 =	vld [tilespmem:s19+$0xF3D0];
	_ =	sdelay $0x1  }
0x3ab: {  	v47 =	vld [tilespmem:s19+$0xF3E0];
	_ =	sdelay $0x1  }
0x3ac: {  	v48 =	vld [tilespmem:s19+$0xF3F0]  }
0x3ad: {  	v21 =	vmul.f32 v21, v17;
	v22 =	vmul.f32 v46, v18;
	_ =	sdelay $0x1  }
0x3ae: {  	v49 =	vmul.f32 v47, v19;
	v21 =	vadd.f32 v22, v21;
	_ =	sdelay $0x1  }
0x3af: {  	v50 =	vmul.f32 v48, v20;
	v21 =	vadd.f32 v49, v21;
	_ =	sdelay $0x1  }
0x3b0: {  	v21 =	vadd.f32 v50, v21;
	_ =	sdelay $0x1  }
0x3b1: {  	v21 =	vsub.f32 $0.0e+00, v21;
	_ =	sdelay $0x1  }
0x3b2: {  	[tilespmem:s21+$0x18D00] =	vst v21  }
0x3b3: {  	v21 =	vld [tilespmem:s19+$0xF440]  }
0x3b4: {  	v51 =	vld [tilespmem:s19+$0xF450];
	_ =	sdelay $0x1  }
0x3b5: {  	v52 =	vld [tilespmem:s19+$0xF460];
	_ =	sdelay $0x1  }
0x3b6: {  	v53 =	vld [tilespmem:s19+$0xF470]  }
0x3b7: {  	v21 =	vmul.f32 v21, v17;
	v22 =	vmul.f32 v51, v18;
	_ =	sdelay $0x1  }
0x3b8: {  	v54 =	vmul.f32 v52, v19;
	v21 =	vadd.f32 v22, v21;
	_ =	sdelay $0x1  }
0x3b9: {  	v55 =	vmul.f32 v53, v20;
	v21 =	vadd.f32 v54, v21;
	_ =	sdelay $0x1  }
0x3ba: {  	v21 =	vadd.f32 v55, v21;
	_ =	sdelay $0x1  }
0x3bb: {  	v21 =	vsub.f32 $0.0e+00, v21;
	_ =	sdelay $0x1  }
0x3bc: {  	[tilespmem:s18+$0x18D10] =	vst v21  }
0x3bd: {  	v21 =	vld [tilespmem:s19+$0xF4C0]  }
0x3be: {  	v56 =	vld [tilespmem:s19+$0xF4D0];
	_ =	sdelay $0x1  }
0x3bf: {  	v57 =	vld [tilespmem:s19+$0xF4E0];
	_ =	sdelay $0x1  }
0x3c0: {  	v58 =	vld [tilespmem:s19+$0xF4F0]  }
0x3c1: {  	v21 =	vmul.f32 v21, v17;
	v22 =	vmul.f32 v56, v18;
	_ =	sdelay $0x1  }
0x3c2: {  	v59 =	vmul.f32 v57, v19;
	v21 =	vadd.f32 v22, v21;
	_ =	sdelay $0x1  }
0x3c3: {  	v60 =	vmul.f32 v58, v20;
	v21 =	vadd.f32 v59, v21;
	_ =	sdelay $0x1  }
0x3c4: {  	v21 =	vadd.f32 v60, v21;
	_ =	sdelay $0x1  }
0x3c5: {  	v21 =	vsub.f32 $0.0e+00, v21;
	_ =	sdelay $0x1  }
0x3c6: {  	[tilespmem:s18+$0x18D20] =	vst v21  }
0x3c7: {  	v21 =	vld [tilespmem:s19+$0xF540]  }
0x3c8: {  	v61 =	vld [tilespmem:s19+$0xF550];
	_ =	sdelay $0x1  }
0x3c9: {  	v62 =	vld [tilespmem:s19+$0xF560];
	_ =	sdelay $0x1  }
0x3ca: {  	v63 =	vld [tilespmem:s19+$0xF570]  }
0x3cb: {  	v21 =	vmul.f32 v21, v17;
	v22 =	vmul.f32 v61, v18;
	_ =	sdelay $0x1  }
0x3cc: {  	v27 =	vmul.f32 v62, v19;
	v21 =	vadd.f32 v22, v21;
	_ =	sdelay $0x1  }
0x3cd: {  	v28 =	vmul.f32 v63, v20;
	v21 =	vadd.f32 v27, v21;
	_ =	sdelay $0x1  }
0x3ce: {  	v21 =	vadd.f32 v28, v21;
	_ =	sdelay $0x1  }
0x3cf: {  	v21 =	vsub.f32 $0.0e+00, v21;
	_ =	sdelay $0x1  }
0x3d0: {  	[tilespmem:s18+$0x18D30] =	vst v21  }
0x3d1: {  	v21 =	vld [tilespmem:s19+$0xF5C0]  }
0x3d2: {  	v29 =	vld [tilespmem:s19+$0xF5D0];
	_ =	sdelay $0x1  }
0x3d3: {  	v30 =	vld [tilespmem:s19+$0xF5E0];
	_ =	sdelay $0x1  }
0x3d4: {  	v31 =	vld [tilespmem:s19+$0xF5F0]  }
0x3d5: {  	v17 =	vmul.f32 v21, v17;
	v18 =	vmul.f32 v29, v18;
	_ =	sdelay $0x1  }
0x3d6: {  	v17 =	vadd.f32 v18, v17;
	v18 =	vmul.f32 v30, v19;
	_ =	sdelay $0x1  }
0x3d7: {  	v17 =	vadd.f32 v18, v17;
	v18 =	vmul.f32 v31, v20;
	_ =	sdelay $0x1  }
0x3d8: {  	v17 =	vadd.f32 v18, v17;
	_ =	sdelay $0x1  }
0x3d9: {  	v17 =	vsub.f32 $0.0e+00, v17  }
0x3da: {  	s22 =	sor.u32 $0x1, s17  }
0x3db: {  	s12 =	sshll.u32 s22, $0x7;
	[tilespmem:s18+$0x18D40] =	vst v17  }
0x3dc: {  	v17 =	vld [tilespmem:s12+$0xDC00]  }
0x3dd: {  	v18 =	vld [tilespmem:s12+$0xDC10]  }
0x3de: {  	v32 =	vld [tilespmem:s12+$0xE440]  }
0x3df: {  	v33 =	vld [tilespmem:s12+$0xE450]  }
0x3e0: {  	v19 =	vld [tilespmem:s12+$0xDC20]  }
0x3e1: {  	v34 =	vld [tilespmem:s12+$0xE460]  }
0x3e2: {  	v20 =	vld [tilespmem:s12+$0xDC30]  }
0x3e3: {  	v35 =	vld [tilespmem:s12+$0xE470]  }
0x3e4: {  	v21 =	vmul.f32 v32, v17;
	v22 =	vmul.f32 v33, v18;
	_ =	sdelay $0x1  }
0x3e5: {  	v36 =	vmul.f32 v34, v19;
	v21 =	vadd.f32 v22, v21;
	_ =	sdelay $0x1  }
0x3e6: {  	v37 =	vmul.f32 v35, v20;
	v21 =	vadd.f32 v36, v21  }
0x3e7: {  	s11 =	smul.u32 $0x2800, s22  }
0x3e8: {  	s18 =	smul.u32 $0x150, s22;
	v21 =	vadd.f32 v37, v21;
	_ =	sdelay $0x1  }
0x3e9: {  	s11 =	sshra.s32 s11, $0x2;
	[tilespmem:s18+$0x18C00] =	vst v21  }
0x3ea: {  	v21 =	vld [tilespmem:s11+$0xEC40]  }
0x3eb: {  	v38 =	vld [tilespmem:s11+$0xEC50];
	_ =	sdelay $0x1  }
0x3ec: {  	v39 =	vld [tilespmem:s11+$0xEC60];
	_ =	sdelay $0x1  }
0x3ed: {  	v40 =	vld [tilespmem:s11+$0xEC70]  }
0x3ee: {  	v21 =	vmul.f32 v21, v17;
	v22 =	vmul.f32 v38, v18;
	_ =	sdelay $0x1  }
0x3ef: {  	v41 =	vmul.f32 v39, v19;
	v21 =	vadd.f32 v22, v21;
	_ =	sdelay $0x1  }
0x3f0: {  	v42 =	vmul.f32 v40, v20;
	v21 =	vadd.f32 v41, v21;
	_ =	sdelay $0x1  }
0x3f1: {  	v21 =	vadd.f32 v42, v21;
	_ =	sdelay $0x1  }
0x3f2: {  	v21 =	vsub.f32 $0.0e+00, v21;
	_ =	sdelay $0x1  }
0x3f3: {  	[tilespmem:s18+$0x18C10] =	vst v21  }
0x3f4: {  	v21 =	vld [tilespmem:s11+$0xECC0]  }
0x3f5: {  	v43 =	vld [tilespmem:s11+$0xECD0];
	_ =	sdelay $0x1  }
0x3f6: {  	v44 =	vld [tilespmem:s11+$0xECE0];
	_ =	sdelay $0x1  }
0x3f7: {  	v45 =	vld [tilespmem:s11+$0xECF0]  }
0x3f8: {  	v21 =	vmul.f32 v21, v17;
	v22 =	vmul.f32 v43, v18;
	_ =	sdelay $0x1  }
0x3f9: {  	v46 =	vmul.f32 v44, v19;
	v21 =	vadd.f32 v22, v21;
	_ =	sdelay $0x1  }
0x3fa: {  	v47 =	vmul.f32 v45, v20;
	v21 =	vadd.f32 v46, v21;
	_ =	sdelay $0x1  }
0x3fb: {  	v21 =	vadd.f32 v47, v21;
	_ =	sdelay $0x1  }
0x3fc: {  	v21 =	vsub.f32 $0.0e+00, v21;
	_ =	sdelay $0x1  }
0x3fd: {  	[tilespmem:s18+$0x18C20] =	vst v21  }
0x3fe: {  	v21 =	vld [tilespmem:s11+$0xED40]  }
0x3ff: {  	v48 =	vld [tilespmem:s11+$0xED50];
	_ =	sdelay $0x1  }
0x400: {  	v49 =	vld [tilespmem:s11+$0xED60];
	_ =	sdelay $0x1  }
0x401: {  	v50 =	vld [tilespmem:s11+$0xED70]  }
0x402: {  	v21 =	vmul.f32 v21, v17;
	v22 =	vmul.f32 v48, v18;
	_ =	sdelay $0x1  }
0x403: {  	v51 =	vmul.f32 v49, v19;
	v21 =	vadd.f32 v22, v21;
	_ =	sdelay $0x1  }
0x404: {  	v52 =	vmul.f32 v50, v20;
	v21 =	vadd.f32 v51, v21;
	_ =	sdelay $0x1  }
0x405: {  	v21 =	vadd.f32 v52, v21;
	_ =	sdelay $0x1  }
0x406: {  	v21 =	vsub.f32 $0.0e+00, v21;
	_ =	sdelay $0x1  }
0x407: {  	[tilespmem:s18+$0x18C30] =	vst v21  }
0x408: {  	v21 =	vld [tilespmem:s11+$0xEDC0]  }
0x409: {  	v53 =	vld [tilespmem:s11+$0xEDD0];
	_ =	sdelay $0x1  }
0x40a: {  	v54 =	vld [tilespmem:s11+$0xEDE0];
	_ =	sdelay $0x1  }
0x40b: {  	v55 =	vld [tilespmem:s11+$0xEDF0]  }
0x40c: {  	v21 =	vmul.f32 v21, v17;
	v22 =	vmul.f32 v53, v18;
	_ =	sdelay $0x1  }
0x40d: {  	v56 =	vmul.f32 v54, v19;
	v21 =	vadd.f32 v22, v21;
	_ =	sdelay $0x1  }
0x40e: {  	v57 =	vmul.f32 v55, v20;
	v21 =	vadd.f32 v56, v21;
	_ =	sdelay $0x1  }
0x40f: {  	v21 =	vadd.f32 v57, v21;
	_ =	sdelay $0x1  }
0x410: {  	v21 =	vsub.f32 $0.0e+00, v21;
	_ =	sdelay $0x1  }
0x411: {  	[tilespmem:s18+$0x18C40] =	vst v21  }
0x412: {  	v21 =	vld [tilespmem:s11+$0xEE40]  }
0x413: {  	v58 =	vld [tilespmem:s11+$0xEE50];
	_ =	sdelay $0x1  }
0x414: {  	v59 =	vld [tilespmem:s11+$0xEE60];
	_ =	sdelay $0x1  }
0x415: {  	v60 =	vld [tilespmem:s11+$0xEE70]  }
0x416: {  	v21 =	vmul.f32 v21, v17;
	v22 =	vmul.f32 v58, v18;
	_ =	sdelay $0x1  }
0x417: {  	v61 =	vmul.f32 v59, v19;
	v21 =	vadd.f32 v22, v21;
	_ =	sdelay $0x1  }
0x418: {  	v62 =	vmul.f32 v60, v20;
	v21 =	vadd.f32 v61, v21;
	_ =	sdelay $0x1  }
0x419: {  	v21 =	vadd.f32 v62, v21;
	_ =	sdelay $0x1  }
0x41a: {  	v21 =	vsub.f32 $0.0e+00, v21;
	_ =	sdelay $0x1  }
0x41b: {  	[tilespmem:s18+$0x18C50] =	vst v21  }
0x41c: {  	v21 =	vld [tilespmem:s11+$0xEEC0]  }
0x41d: {  	v63 =	vld [tilespmem:s11+$0xEED0];
	_ =	sdelay $0x1  }
0x41e: {  	v28 =	vld [tilespmem:s11+$0xEEE0];
	_ =	sdelay $0x1  }
0x41f: {  	v29 =	vld [tilespmem:s11+$0xEEF0]  }
0x420: {  	v21 =	vmul.f32 v21, v17;
	v22 =	vmul.f32 v63, v18;
	_ =	sdelay $0x1  }
0x421: {  	v30 =	vmul.f32 v28, v19;
	v21 =	vadd.f32 v22, v21;
	_ =	sdelay $0x1  }
0x422: {  	v31 =	vmul.f32 v29, v20;
	v21 =	vadd.f32 v30, v21;
	_ =	sdelay $0x1  }
0x423: {  	v21 =	vadd.f32 v31, v21;
	_ =	sdelay $0x1  }
0x424: {  	v21 =	vsub.f32 $0.0e+00, v21;
	_ =	sdelay $0x1  }
0x425: {  	[tilespmem:s18+$0x18C60] =	vst v21  }
0x426: {  	v21 =	vld [tilespmem:s11+$0xEF40]  }
0x427: {  	v32 =	vld [tilespmem:s11+$0xEF50];
	_ =	sdelay $0x1  }
0x428: {  	v33 =	vld [tilespmem:s11+$0xEF60];
	_ =	sdelay $0x1  }
0x429: {  	v34 =	vld [tilespmem:s11+$0xEF70]  }
0x42a: {  	v21 =	vmul.f32 v21, v17;
	v22 =	vmul.f32 v32, v18;
	_ =	sdelay $0x1  }
0x42b: {  	v35 =	vmul.f32 v33, v19;
	v21 =	vadd.f32 v22, v21;
	_ =	sdelay $0x1  }
0x42c: {  	v36 =	vmul.f32 v34, v20;
	v21 =	vadd.f32 v35, v21;
	_ =	sdelay $0x1  }
0x42d: {  	v21 =	vadd.f32 v36, v21;
	_ =	sdelay $0x1  }
0x42e: {  	v21 =	vsub.f32 $0.0e+00, v21;
	_ =	sdelay $0x1  }
0x42f: {  	[tilespmem:s18+$0x18C70] =	vst v21  }
0x430: {  	v21 =	vld [tilespmem:s11+$0xEFC0]  }
0x431: {  	v37 =	vld [tilespmem:s11+$0xEFD0];
	_ =	sdelay $0x1  }
0x432: {  	v38 =	vld [tilespmem:s11+$0xEFE0];
	_ =	sdelay $0x1  }
0x433: {  	v39 =	vld [tilespmem:s11+$0xEFF0]  }
0x434: {  	v21 =	vmul.f32 v21, v17;
	v22 =	vmul.f32 v37, v18;
	_ =	sdelay $0x1  }
0x435: {  	v40 =	vmul.f32 v38, v19;
	v21 =	vadd.f32 v22, v21;
	_ =	sdelay $0x1  }
0x436: {  	v41 =	vmul.f32 v39, v20;
	v21 =	vadd.f32 v40, v21;
	_ =	sdelay $0x1  }
0x437: {  	v21 =	vadd.f32 v41, v21;
	_ =	sdelay $0x1  }
0x438: {  	v21 =	vsub.f32 $0.0e+00, v21  }
0x439: {  	s12 =	sand.u32 $0x1FF0, s18  }
0x43a: {  	[tilespmem:s12+$0x18C80] =	vst v21  }
0x43b: {  	v21 =	vld [tilespmem:s11+$0xF040]  }
0x43c: {  	v42 =	vld [tilespmem:s11+$0xF050];
	_ =	sdelay $0x1  }
0x43d: {  	v43 =	vld [tilespmem:s11+$0xF060];
	_ =	sdelay $0x1  }
0x43e: {  	v44 =	vld [tilespmem:s11+$0xF070]  }
0x43f: {  	v21 =	vmul.f32 v21, v17;
	v22 =	vmul.f32 v42, v18;
	_ =	sdelay $0x1  }
0x440: {  	v45 =	vmul.f32 v43, v19;
	v21 =	vadd.f32 v22, v21;
	_ =	sdelay $0x1  }
0x441: {  	v46 =	vmul.f32 v44, v20;
	v21 =	vadd.f32 v45, v21;
	_ =	sdelay $0x1  }
0x442: {  	v21 =	vadd.f32 v46, v21;
	_ =	sdelay $0x1  }
0x443: {  	v21 =	vsub.f32 $0.0e+00, v21;
	_ =	sdelay $0x1  }
0x444: {  	[tilespmem:s18+$0x18C90] =	vst v21  }
0x445: {  	v21 =	vld [tilespmem:s11+$0xF0C0]  }
0x446: {  	v47 =	vld [tilespmem:s11+$0xF0D0];
	_ =	sdelay $0x1  }
0x447: {  	v48 =	vld [tilespmem:s11+$0xF0E0];
	_ =	sdelay $0x1  }
0x448: {  	v49 =	vld [tilespmem:s11+$0xF0F0]  }
0x449: {  	v21 =	vmul.f32 v21, v17;
	v22 =	vmul.f32 v47, v18;
	_ =	sdelay $0x1  }
0x44a: {  	v50 =	vmul.f32 v48, v19;
	v21 =	vadd.f32 v22, v21;
	_ =	sdelay $0x1  }
0x44b: {  	v51 =	vmul.f32 v49, v20;
	v21 =	vadd.f32 v50, v21;
	_ =	sdelay $0x1  }
0x44c: {  	v21 =	vadd.f32 v51, v21;
	_ =	sdelay $0x1  }
0x44d: {  	v21 =	vsub.f32 $0.0e+00, v21;
	_ =	sdelay $0x1  }
0x44e: {  	[tilespmem:s18+$0x18CA0] =	vst v21  }
0x44f: {  	v21 =	vld [tilespmem:s11+$0xF140]  }
0x450: {  	v52 =	vld [tilespmem:s11+$0xF150];
	_ =	sdelay $0x1  }
0x451: {  	v53 =	vld [tilespmem:s11+$0xF160];
	_ =	sdelay $0x1  }
0x452: {  	v54 =	vld [tilespmem:s11+$0xF170]  }
0x453: {  	v21 =	vmul.f32 v21, v17;
	v22 =	vmul.f32 v52, v18;
	_ =	sdelay $0x1  }
0x454: {  	v55 =	vmul.f32 v53, v19;
	v21 =	vadd.f32 v22, v21;
	_ =	sdelay $0x1  }
0x455: {  	v56 =	vmul.f32 v54, v20;
	v21 =	vadd.f32 v55, v21;
	_ =	sdelay $0x1  }
0x456: {  	v21 =	vadd.f32 v56, v21;
	_ =	sdelay $0x1  }
0x457: {  	v21 =	vsub.f32 $0.0e+00, v21;
	_ =	sdelay $0x1  }
0x458: {  	[tilespmem:s18+$0x18CB0] =	vst v21  }
0x459: {  	v21 =	vld [tilespmem:s11+$0xF1C0]  }
0x45a: {  	v57 =	vld [tilespmem:s11+$0xF1D0];
	_ =	sdelay $0x1  }
0x45b: {  	v58 =	vld [tilespmem:s11+$0xF1E0];
	_ =	sdelay $0x1  }
0x45c: {  	v59 =	vld [tilespmem:s11+$0xF1F0]  }
0x45d: {  	v21 =	vmul.f32 v21, v17;
	v22 =	vmul.f32 v57, v18;
	_ =	sdelay $0x1  }
0x45e: {  	v60 =	vmul.f32 v58, v19;
	v21 =	vadd.f32 v22, v21;
	_ =	sdelay $0x1  }
0x45f: {  	v61 =	vmul.f32 v59, v20;
	v21 =	vadd.f32 v60, v21;
	_ =	sdelay $0x1  }
0x460: {  	v21 =	vadd.f32 v61, v21;
	_ =	sdelay $0x1  }
0x461: {  	v21 =	vsub.f32 $0.0e+00, v21;
	_ =	sdelay $0x1  }
0x462: {  	[tilespmem:s18+$0x18CC0] =	vst v21  }
0x463: {  	v21 =	vld [tilespmem:s11+$0xF240]  }
0x464: {  	v62 =	vld [tilespmem:s11+$0xF250];
	_ =	sdelay $0x1  }
0x465: {  	v63 =	vld [tilespmem:s11+$0xF260];
	_ =	sdelay $0x1  }
0x466: {  	v28 =	vld [tilespmem:s11+$0xF270]  }
0x467: {  	v21 =	vmul.f32 v21, v17;
	v22 =	vmul.f32 v62, v18;
	_ =	sdelay $0x1  }
0x468: {  	v29 =	vmul.f32 v63, v19;
	v21 =	vadd.f32 v22, v21;
	_ =	sdelay $0x1  }
0x469: {  	v30 =	vmul.f32 v28, v20;
	v21 =	vadd.f32 v29, v21;
	_ =	sdelay $0x1  }
0x46a: {  	v21 =	vadd.f32 v30, v21;
	_ =	sdelay $0x1  }
0x46b: {  	v21 =	vsub.f32 $0.0e+00, v21;
	_ =	sdelay $0x1  }
0x46c: {  	[tilespmem:s18+$0x18CD0] =	vst v21  }
0x46d: {  	v21 =	vld [tilespmem:s11+$0xF2C0]  }
0x46e: {  	v31 =	vld [tilespmem:s11+$0xF2D0];
	_ =	sdelay $0x1  }
0x46f: {  	v32 =	vld [tilespmem:s11+$0xF2E0];
	_ =	sdelay $0x1  }
0x470: {  	v33 =	vld [tilespmem:s11+$0xF2F0]  }
0x471: {  	v21 =	vmul.f32 v21, v17;
	v22 =	vmul.f32 v31, v18;
	_ =	sdelay $0x1  }
0x472: {  	v34 =	vmul.f32 v32, v19;
	v21 =	vadd.f32 v22, v21;
	_ =	sdelay $0x1  }
0x473: {  	v35 =	vmul.f32 v33, v20;
	v21 =	vadd.f32 v34, v21;
	_ =	sdelay $0x1  }
0x474: {  	v21 =	vadd.f32 v35, v21;
	_ =	sdelay $0x1  }
0x475: {  	v21 =	vsub.f32 $0.0e+00, v21;
	_ =	sdelay $0x1  }
0x476: {  	[tilespmem:s18+$0x18CE0] =	vst v21  }
0x477: {  	v21 =	vld [tilespmem:s11+$0xF340]  }
0x478: {  	v36 =	vld [tilespmem:s11+$0xF350];
	_ =	sdelay $0x1  }
0x479: {  	v37 =	vld [tilespmem:s11+$0xF360];
	_ =	sdelay $0x1  }
0x47a: {  	v38 =	vld [tilespmem:s11+$0xF370]  }
0x47b: {  	v21 =	vmul.f32 v21, v17;
	v22 =	vmul.f32 v36, v18;
	_ =	sdelay $0x1  }
0x47c: {  	v39 =	vmul.f32 v37, v19;
	v21 =	vadd.f32 v22, v21;
	_ =	sdelay $0x1  }
0x47d: {  	v40 =	vmul.f32 v38, v20;
	v21 =	vadd.f32 v39, v21;
	_ =	sdelay $0x1  }
0x47e: {  	v21 =	vadd.f32 v40, v21;
	_ =	sdelay $0x1  }
0x47f: {  	v21 =	vsub.f32 $0.0e+00, v21;
	_ =	sdelay $0x1  }
0x480: {  	[tilespmem:s18+$0x18CF0] =	vst v21  }
0x481: {  	v21 =	vld [tilespmem:s11+$0xF3C0]  }
0x482: {  	v41 =	vld [tilespmem:s11+$0xF3D0];
	_ =	sdelay $0x1  }
0x483: {  	v42 =	vld [tilespmem:s11+$0xF3E0];
	_ =	sdelay $0x1  }
0x484: {  	v43 =	vld [tilespmem:s11+$0xF3F0]  }
0x485: {  	v21 =	vmul.f32 v21, v17;
	v22 =	vmul.f32 v41, v18;
	_ =	sdelay $0x1  }
0x486: {  	v44 =	vmul.f32 v42, v19;
	v21 =	vadd.f32 v22, v21;
	_ =	sdelay $0x1  }
0x487: {  	v45 =	vmul.f32 v43, v20;
	v21 =	vadd.f32 v44, v21;
	_ =	sdelay $0x1  }
0x488: {  	v21 =	vadd.f32 v45, v21;
	_ =	sdelay $0x1  }
0x489: {  	v21 =	vsub.f32 $0.0e+00, v21;
	_ =	sdelay $0x1  }
0x48a: {  	[tilespmem:s12+$0x18D00] =	vst v21  }
0x48b: {  	v21 =	vld [tilespmem:s11+$0xF440]  }
0x48c: {  	v46 =	vld [tilespmem:s11+$0xF450];
	_ =	sdelay $0x1  }
0x48d: {  	v47 =	vld [tilespmem:s11+$0xF460];
	_ =	sdelay $0x1  }
0x48e: {  	v48 =	vld [tilespmem:s11+$0xF470]  }
0x48f: {  	v21 =	vmul.f32 v21, v17;
	v22 =	vmul.f32 v46, v18;
	_ =	sdelay $0x1  }
0x490: {  	v49 =	vmul.f32 v47, v19;
	v21 =	vadd.f32 v22, v21;
	_ =	sdelay $0x1  }
0x491: {  	v50 =	vmul.f32 v48, v20;
	v21 =	vadd.f32 v49, v21;
	_ =	sdelay $0x1  }
0x492: {  	v21 =	vadd.f32 v50, v21;
	_ =	sdelay $0x1  }
0x493: {  	v21 =	vsub.f32 $0.0e+00, v21;
	_ =	sdelay $0x1  }
0x494: {  	[tilespmem:s18+$0x18D10] =	vst v21  }
0x495: {  	v21 =	vld [tilespmem:s11+$0xF4C0]  }
0x496: {  	v51 =	vld [tilespmem:s11+$0xF4D0];
	_ =	sdelay $0x1  }
0x497: {  	v52 =	vld [tilespmem:s11+$0xF4E0];
	_ =	sdelay $0x1  }
0x498: {  	v53 =	vld [tilespmem:s11+$0xF4F0]  }
0x499: {  	v21 =	vmul.f32 v21, v17;
	v22 =	vmul.f32 v51, v18;
	_ =	sdelay $0x1  }
0x49a: {  	v54 =	vmul.f32 v52, v19;
	v21 =	vadd.f32 v22, v21;
	_ =	sdelay $0x1  }
0x49b: {  	v55 =	vmul.f32 v53, v20;
	v21 =	vadd.f32 v54, v21;
	_ =	sdelay $0x1  }
0x49c: {  	v21 =	vadd.f32 v55, v21;
	_ =	sdelay $0x1  }
0x49d: {  	v21 =	vsub.f32 $0.0e+00, v21;
	_ =	sdelay $0x1  }
0x49e: {  	[tilespmem:s18+$0x18D20] =	vst v21  }
0x49f: {  	v21 =	vld [tilespmem:s11+$0xF540]  }
0x4a0: {  	v56 =	vld [tilespmem:s11+$0xF550];
	_ =	sdelay $0x1  }
0x4a1: {  	v57 =	vld [tilespmem:s11+$0xF560];
	_ =	sdelay $0x1  }
0x4a2: {  	v58 =	vld [tilespmem:s11+$0xF570]  }
0x4a3: {  	v21 =	vmul.f32 v21, v17;
	v22 =	vmul.f32 v56, v18;
	_ =	sdelay $0x1  }
0x4a4: {  	v59 =	vmul.f32 v57, v19;
	v21 =	vadd.f32 v22, v21;
	_ =	sdelay $0x1  }
0x4a5: {  	v60 =	vmul.f32 v58, v20;
	v21 =	vadd.f32 v59, v21;
	_ =	sdelay $0x1  }
0x4a6: {  	v21 =	vadd.f32 v60, v21;
	_ =	sdelay $0x1  }
0x4a7: {  	v21 =	vsub.f32 $0.0e+00, v21;
	_ =	sdelay $0x1  }
0x4a8: {  	[tilespmem:s18+$0x18D30] =	vst v21  }
0x4a9: {  	v21 =	vld [tilespmem:s11+$0xF5C0]  }
0x4aa: {  	v61 =	vld [tilespmem:s11+$0xF5D0];
	_ =	sdelay $0x1  }
0x4ab: {  	v62 =	vld [tilespmem:s11+$0xF5E0];
	_ =	sdelay $0x1  }
0x4ac: {  	v63 =	vld [tilespmem:s11+$0xF5F0]  }
0x4ad: {  	v17 =	vmul.f32 v21, v17;
	v18 =	vmul.f32 v61, v18;
	_ =	sdelay $0x1  }
0x4ae: {  	v17 =	vadd.f32 v18, v17;
	v18 =	vmul.f32 v62, v19;
	_ =	sdelay $0x1  }
0x4af: {  	v17 =	vadd.f32 v18, v17;
	v18 =	vmul.f32 v63, v20  }
0x4b0: {  	p0 =	slt.u32 s17, $0xE  }
.Ltmp2:
0x4b1: {  	v17 =	vadd.f32 v18, v17;
	(pc) =	sbr.rel @p0 .LBB2_7-.Ltmp2, $4  }
0x4b2: {  	_ = 	snop  }
0x4b3: {  	v17 =	vsub.f32 $0.0e+00, v17  }
0x4b4: {  	s22 =	sadd.s32 $0x2, s17  }
0x4b5: {  	s19 =	simm.s32 $0x10F;
	s17 =	smov.u32 s22;
	[tilespmem:s18+$0x18D40] =	vst v17;
	s18 =	simm.s32 $0x1A110  }
0x4b6: {  	s11 =	simm.s32 $0x0  }
0x4b7: {  	s12 =	simm.s32 $0x1;
	v17 =	vor.u32 s11, v0  }
0x4b8: {  	v18 =	vor.u32 s12, v0  }
0x4b9: {  	s17 =	simm.s32 $0x2  }
0x4ba: {  	v19 =	vor.u32 s17, v0  }
0x4bb: {  	s21 =	simm.s32 $0x3  }
0x4bc: {  	v20 =	vor.u32 s21, v0;
	v17 =	vld.idx.msk [tilespmem:v17+s30+$0x0], $0xffff  }
0x4bd: {  	s22 =	simm.s32 $0x4;
	v18 =	vld.idx.msk [tilespmem:v18+s30+$0x0], $0xffff  }
0x4be: {  	v21 =	vor.u32 s22, v0  }
0x4bf: {  	s12 =	simm.s32 $0x5;
	v19 =	vld.idx.msk [tilespmem:v19+s30+$0x0], $0xffff  }
0x4c0: {  	v22 =	vor.u32 s12, v0  }
0x4c1: {  	s17 =	simm.s32 $0x6;
	v20 =	vld.idx.msk [tilespmem:v20+s30+$0x0], $0xffff  }
0x4c2: {  	v23 =	vor.u32 s17, v0;
	v17 =	vadd.f32 v18, v17  }
0x4c3: {  	s21 =	simm.s32 $0x7;
	v18 =	vld.idx.msk [tilespmem:v21+s30+$0x0], $0xffff  }
0x4c4: {  	v42 =	vor.u32 s21, v0;
	v17 =	vadd.f32 v19, v17  }
0x4c5: {  	s22 =	simm.s32 $0x8;
	v19 =	vld.idx.msk [tilespmem:v22+s30+$0x0], $0xffff  }
0x4c6: {  	v43 =	vor.u32 s22, v0;
	v17 =	vadd.f32 v20, v17  }
0x4c7: {  	s12 =	simm.s32 $0x9;
	v20 =	vld.idx.msk [tilespmem:v23+s30+$0x0], $0xffff  }
0x4c8: {  	v44 =	vor.u32 s12, v0;
	v17 =	vadd.f32 v18, v17  }
0x4c9: {  	s17 =	simm.s32 $0xA;
	v18 =	vld.idx.msk [tilespmem:v42+s30+$0x0], $0xffff  }
0x4ca: {  	v45 =	vor.u32 s17, v0;
	v17 =	vadd.f32 v19, v17  }
0x4cb: {  	s21 =	simm.s32 $0xB;
	v19 =	vld.idx.msk [tilespmem:v43+s30+$0x0], $0xffff  }
0x4cc: {  	v46 =	vor.u32 s21, v0;
	v17 =	vadd.f32 v20, v17  }
0x4cd: {  	s22 =	simm.s32 $0xC;
	v20 =	vld.idx.msk [tilespmem:v44+s30+$0x0], $0xffff  }
0x4ce: {  	v47 =	vor.u32 s22, v0;
	v17 =	vadd.f32 v18, v17  }
0x4cf: {  	s12 =	simm.s32 $0xD;
	v18 =	vld.idx.msk [tilespmem:v45+s30+$0x0], $0xffff  }
0x4d0: {  	v48 =	vor.u32 s12, v0;
	v17 =	vadd.f32 v19, v17  }
0x4d1: {  	s17 =	simm.s32 $0xE;
	v19 =	vld.idx.msk [tilespmem:v46+s30+$0x0], $0xffff  }
0x4d2: {  	v49 =	vor.u32 s17, v0;
	v17 =	vadd.f32 v20, v17  }
0x4d3: {  	s21 =	simm.s32 $0xF;
	v20 =	vld.idx.msk [tilespmem:v47+s30+$0x0], $0xffff  }
0x4d4: {  	v50 =	vor.u32 s21, v0;
	v17 =	vadd.f32 v18, v17  }
0x4d5: {  	v18 =	vld.idx.msk [tilespmem:v48+s30+$0x0], $0xffff  }
0x4d6: {  	v17 =	vadd.f32 v19, v17  }
0x4d7: {  	v19 =	vld.idx.msk [tilespmem:v49+s30+$0x0], $0xffff  }
0x4d8: {  	v17 =	vadd.f32 v20, v17  }
0x4d9: {  	v20 =	vld.idx.msk [tilespmem:v50+s30+$0x0], $0xffff  }
0x4da: {  	v17 =	vadd.f32 v18, v17  }
0x4db: {  	s22 =	simm.s32 $0x100  }
0x4dc: {  	s12 =	simm.s32 $0x101;
	v18 =	vor.u32 s22, v0;
	v17 =	vadd.f32 v19, v17  }
0x4dd: {  	v19 =	vor.u32 s12, v0  }
0x4de: {  	s17 =	simm.s32 $0x102;
	v17 =	vadd.f32 v20, v17  }
0x4df: {  	v20 =	vor.u32 s17, v0  }
0x4e0: {  	s21 =	simm.s32 $0x103;
	[tilespmem:s18+$0xFFFFFFF0] =	vst v17  }
0x4e1: {  	v17 =	vor.u32 s21, v0;
	v18 =	vld.idx.msk [tilespmem:v18+s30+$0x0], $0xffff  }
0x4e2: {  	s22 =	simm.s32 $0x104;
	v19 =	vld.idx.msk [tilespmem:v19+s30+$0x0], $0xffff  }
0x4e3: {  	v51 =	vor.u32 s22, v0  }
0x4e4: {  	s12 =	simm.s32 $0x105;
	v20 =	vld.idx.msk [tilespmem:v20+s30+$0x0], $0xffff  }
0x4e5: {  	v52 =	vor.u32 s12, v0  }
0x4e6: {  	s17 =	simm.s32 $0x106;
	v17 =	vld.idx.msk [tilespmem:v17+s30+$0x0], $0xffff  }
0x4e7: {  	v53 =	vor.u32 s17, v0;
	v18 =	vadd.f32 v19, v18  }
0x4e8: {  	s21 =	simm.s32 $0x107;
	v19 =	vld.idx.msk [tilespmem:v51+s30+$0x0], $0xffff  }
0x4e9: {  	v54 =	vor.u32 s21, v0;
	v18 =	vadd.f32 v20, v18  }
0x4ea: {  	s22 =	simm.s32 $0x108;
	v20 =	vld.idx.msk [tilespmem:v52+s30+$0x0], $0xffff  }
0x4eb: {  	v55 =	vor.u32 s22, v0;
	v17 =	vadd.f32 v17, v18  }
0x4ec: {  	s12 =	simm.s32 $0x109;
	v18 =	vld.idx.msk [tilespmem:v53+s30+$0x0], $0xffff  }
0x4ed: {  	v56 =	vor.u32 s12, v0;
	v17 =	vadd.f32 v19, v17  }
0x4ee: {  	s17 =	simm.s32 $0x10A;
	v19 =	vld.idx.msk [tilespmem:v54+s30+$0x0], $0xffff  }
0x4ef: {  	v57 =	vor.u32 s17, v0;
	v17 =	vadd.f32 v20, v17  }
0x4f0: {  	s21 =	simm.s32 $0x10B;
	v20 =	vld.idx.msk [tilespmem:v55+s30+$0x0], $0xffff  }
0x4f1: {  	v58 =	vor.u32 s21, v0;
	v17 =	vadd.f32 v18, v17  }
0x4f2: {  	s22 =	simm.s32 $0x10C;
	v18 =	vld.idx.msk [tilespmem:v56+s30+$0x0], $0xffff  }
0x4f3: {  	v59 =	vor.u32 s22, v0;
	v17 =	vadd.f32 v19, v17  }
0x4f4: {  	s12 =	simm.s32 $0x10D;
	v19 =	vld.idx.msk [tilespmem:v57+s30+$0x0], $0xffff  }
0x4f5: {  	v60 =	vor.u32 s12, v0;
	v17 =	vadd.f32 v20, v17  }
0x4f6: {  	s17 =	simm.s32 $0x10E;
	v20 =	vld.idx.msk [tilespmem:v58+s30+$0x0], $0xffff  }
0x4f7: {  	v61 =	vor.u32 s17, v0;
	v17 =	vadd.f32 v18, v17  }
0x4f8: {  	v18 =	vld.idx.msk [tilespmem:v59+s30+$0x0], $0xffff  }
0x4f9: {  	v62 =	vor.u32 s19, v0;
	v17 =	vadd.f32 v19, v17  }
0x4fa: {  	v19 =	vld.idx.msk [tilespmem:v60+s30+$0x0], $0xffff  }
0x4fb: {  	v17 =	vadd.f32 v20, v17  }
0x4fc: {  	v20 =	vld.idx.msk [tilespmem:v61+s30+$0x0], $0xffff  }
0x4fd: {  	v17 =	vadd.f32 v18, v17  }
0x4fe: {  	v63 =	vld.idx.msk [tilespmem:v62+s30+$0x0], $0xffff  }
0x4ff: {  	v17 =	vadd.f32 v19, v17  }
0x500: {  	s21 =	simm.s32 $0x200  }
0x501: {  	s22 =	simm.s32 $0x201;
	v19 =	vadd.f32 v20, v17;
	v17 =	vor.u32 s21, v0  }
0x502: {  	s19 =	simm.s32 $0x2;
	v18 =	vor.u32 s22, v0  }
0x503: {  	s11 =	simm.s32 $0x202;
	s17 =	simm.s32 $0x30F;
	s21 =	simm.s32 $0x1A110;
	v19 =	vadd.f32 v63, v19  }
.LBB2_9:
0x504: {  	s19 =	sadd.s32 $0x2, s19;
	v20 =	vor.u32 s11, v0;
	s18 =	sadd.s32 $0x20, s18  }
0x505: {  	s11 =	sadd.s32 $0xFFFFFEF4, s17;
	p0 =	slt.u32 s19, $0x12;
	[tilespmem:s21+$0x0] =	vst v19;
	s21 =	smov.u32 s18  }
0x506: {  	v19 =	vor.u32 s11, v0;
	v17 =	vld.idx.msk [tilespmem:v17+s30+$0x0], $0xffff  }
0x507: {  	s11 =	sadd.s32 $0xFFFFFEF5, s17;
	v18 =	vld.idx.msk [tilespmem:v18+s30+$0x0], $0xffff  }
0x508: {  	v21 =	vor.u32 s11, v0  }
0x509: {  	s11 =	sadd.s32 $0xFFFFFEF6, s17;
	v20 =	vld.idx.msk [tilespmem:v20+s30+$0x0], $0xffff  }
0x50a: {  	v22 =	vor.u32 s11, v0  }
0x50b: {  	s11 =	sadd.s32 $0xFFFFFEF7, s17;
	v19 =	vld.idx.msk [tilespmem:v19+s30+$0x0], $0xffff  }
0x50c: {  	v23 =	vor.u32 s11, v0  }
0x50d: {  	s11 =	sadd.s32 $0xFFFFFEF8, s17;
	v17 =	vadd.f32 v18, v17;
	v18 =	vld.idx.msk [tilespmem:v21+s30+$0x0], $0xffff  }
0x50e: {  	v21 =	vor.u32 s11, v0  }
0x50f: {  	s11 =	sadd.s32 $0xFFFFFEF9, s17;
	v17 =	vadd.f32 v20, v17;
	v20 =	vld.idx.msk [tilespmem:v22+s30+$0x0], $0xffff  }
0x510: {  	v22 =	vor.u32 s11, v0  }
0x511: {  	s11 =	sadd.s32 $0xFFFFFEFA, s17;
	v17 =	vadd.f32 v19, v17;
	v19 =	vld.idx.msk [tilespmem:v23+s30+$0x0], $0xffff  }
0x512: {  	v23 =	vor.u32 s11, v0  }
0x513: {  	s11 =	sadd.s32 $0xFFFFFEFB, s17;
	v17 =	vadd.f32 v18, v17;
	v18 =	vld.idx.msk [tilespmem:v21+s30+$0x0], $0xffff  }
0x514: {  	v21 =	vor.u32 s11, v0  }
0x515: {  	s11 =	sadd.s32 $0xFFFFFEFC, s17;
	v17 =	vadd.f32 v20, v17;
	v20 =	vld.idx.msk [tilespmem:v22+s30+$0x0], $0xffff  }
0x516: {  	v22 =	vor.u32 s11, v0  }
0x517: {  	s11 =	sadd.s32 $0xFFFFFEFD, s17;
	v17 =	vadd.f32 v19, v17;
	v19 =	vld.idx.msk [tilespmem:v23+s30+$0x0], $0xffff  }
0x518: {  	v23 =	vor.u32 s11, v0  }
0x519: {  	s11 =	sadd.s32 $0xFFFFFEFE, s17;
	v17 =	vadd.f32 v18, v17;
	v18 =	vld.idx.msk [tilespmem:v21+s30+$0x0], $0xffff  }
0x51a: {  	v21 =	vor.u32 s11, v0  }
0x51b: {  	s11 =	sadd.s32 $0xFFFFFEFF, s17;
	v17 =	vadd.f32 v20, v17;
	v20 =	vld.idx.msk [tilespmem:v22+s30+$0x0], $0xffff  }
0x51c: {  	v22 =	vor.u32 s11, v0  }
0x51d: {  	s11 =	sadd.s32 $0xFFFFFF00, s17;
	v17 =	vadd.f32 v19, v17;
	v19 =	vld.idx.msk [tilespmem:v23+s30+$0x0], $0xffff  }
0x51e: {  	v23 =	vor.u32 s11, v0  }
0x51f: {  	v17 =	vadd.f32 v18, v17;
	v18 =	vld.idx.msk [tilespmem:v21+s30+$0x0], $0xffff;
	_ =	sdelay $0x1  }
0x520: {  	v17 =	vadd.f32 v20, v17;
	v20 =	vld.idx.msk [tilespmem:v22+s30+$0x0], $0xffff;
	_ =	sdelay $0x1  }
0x521: {  	v17 =	vadd.f32 v19, v17;
	v19 =	vld.idx.msk [tilespmem:v23+s30+$0x0], $0xffff;
	_ =	sdelay $0x1  }
0x522: {  	v17 =	vadd.f32 v18, v17  }
0x523: {  	s12 =	sadd.s32 $0xFFFFFFF2, s17;
	s11 =	sadd.s32 $0xFFFFFFF1, s17  }
0x524: {  	v18 =	vor.u32 s11, v0;
	v17 =	vadd.f32 v20, v17;
	v20 =	vor.u32 s12, v0  }
0x525: {  	s11 =	sadd.s32 $0xFFFFFFF3, s17  }
0x526: {  	v17 =	vadd.f32 v19, v17;
	v19 =	vor.u32 s11, v0  }
0x527: {  	s11 =	sadd.s32 $0xFFFFFFF4, s17  }
0x528: {  	[tilespmem:s18+$0xFFFFFFF0] =	vst v17;
	v17 =	vor.u32 s11, v0  }
0x529: {  	s11 =	sadd.s32 $0xFFFFFFF5, s17;
	v18 =	vld.idx.msk [tilespmem:v18+s30+$0x0], $0xffff  }
0x52a: {  	v21 =	vor.u32 s11, v0;
	v20 =	vld.idx.msk [tilespmem:v20+s30+$0x0], $0xffff  }
0x52b: {  	s11 =	sadd.s32 $0xFFFFFFF6, s17;
	v19 =	vld.idx.msk [tilespmem:v19+s30+$0x0], $0xffff  }
0x52c: {  	v22 =	vor.u32 s11, v0  }
0x52d: {  	s11 =	sadd.s32 $0xFFFFFFF7, s17;
	v17 =	vld.idx.msk [tilespmem:v17+s30+$0x0], $0xffff  }
0x52e: {  	v23 =	vor.u32 s11, v0  }
0x52f: {  	s11 =	sadd.s32 $0xFFFFFFF8, s17;
	v21 =	vld.idx.msk [tilespmem:v21+s30+$0x0], $0xffff  }
0x530: {  	v18 =	vadd.f32 v20, v18;
	v20 =	vor.u32 s11, v0  }
0x531: {  	s11 =	sadd.s32 $0xFFFFFFF9, s17;
	v22 =	vld.idx.msk [tilespmem:v22+s30+$0x0], $0xffff  }
0x532: {  	v18 =	vadd.f32 v19, v18;
	v19 =	vor.u32 s11, v0  }
0x533: {  	s11 =	sadd.s32 $0xFFFFFFFA, s17;
	v23 =	vld.idx.msk [tilespmem:v23+s30+$0x0], $0xffff  }
0x534: {  	v17 =	vadd.f32 v17, v18;
	v18 =	vor.u32 s11, v0  }
0x535: {  	s11 =	sadd.s32 $0xFFFFFFFB, s17;
	v20 =	vld.idx.msk [tilespmem:v20+s30+$0x0], $0xffff  }
0x536: {  	v17 =	vadd.f32 v21, v17;
	v21 =	vor.u32 s11, v0  }
0x537: {  	s11 =	sadd.s32 $0xFFFFFFFC, s17;
	v19 =	vld.idx.msk [tilespmem:v19+s30+$0x0], $0xffff  }
0x538: {  	v17 =	vadd.f32 v22, v17;
	v22 =	vor.u32 s11, v0  }
0x539: {  	s11 =	sadd.s32 $0xFFFFFFFD, s17;
	v18 =	vld.idx.msk [tilespmem:v18+s30+$0x0], $0xffff  }
0x53a: {  	v17 =	vadd.f32 v23, v17;
	v23 =	vor.u32 s11, v0  }
0x53b: {  	s11 =	sadd.s32 $0xFFFFFFFE, s17;
	v21 =	vld.idx.msk [tilespmem:v21+s30+$0x0], $0xffff  }
0x53c: {  	v17 =	vadd.f32 v20, v17;
	v20 =	vor.u32 s11, v0  }
0x53d: {  	s11 =	sadd.s32 $0xFFFFFFFF, s17;
	v22 =	vld.idx.msk [tilespmem:v22+s30+$0x0], $0xffff  }
0x53e: {  	v17 =	vadd.f32 v19, v17;
	v19 =	vor.u32 s11, v0  }
0x53f: {  	v23 =	vld.idx.msk [tilespmem:v23+s30+$0x0], $0xffff  }
0x540: {  	v17 =	vadd.f32 v18, v17;
	v18 =	vor.u32 s17, v0  }
0x541: {  	v20 =	vld.idx.msk [tilespmem:v20+s30+$0x0], $0xffff  }
0x542: {  	v17 =	vadd.f32 v21, v17  }
0x543: {  	v19 =	vld.idx.msk [tilespmem:v19+s30+$0x0], $0xffff  }
0x544: {  	v17 =	vadd.f32 v22, v17  }
0x545: {  	v21 =	vld.idx.msk [tilespmem:v18+s30+$0x0], $0xffff  }
0x546: {  	v17 =	vadd.f32 v23, v17  }
0x547: {  	s17 =	sadd.s32 $0x200, s17  }
.Ltmp3:
0x548: {  	s11 =	sadd.s32 $0xFFFFFEF1, s17;
	v18 =	vadd.f32 v20, v17;
	(pc) =	sbr.rel @p0 .LBB2_9-.Ltmp3, $4  }
0x549: {  	v17 =	vor.u32 s11, v0  }
0x54a: {  	s11 =	sadd.s32 $0xFFFFFEF2, s17;
	v19 =	vadd.f32 v19, v18  }
0x54b: {  	v18 =	vor.u32 s11, v0  }
0x54c: {  	s11 =	sadd.s32 $0xFFFFFEF3, s17;
	v19 =	vadd.f32 v21, v19  }
0x54d: {  	_ =	sdelay $0x1  }
0x54e: {  	v20 =	vor.u32 s11, v0  }
0x54f: {  	s12 =	sadd.s32 $0xFFFFFEF4, s17;
	[tilespmem:s21+$0x0] =	vst v19  }
0x550: {  	v19 =	vor.u32 s12, v0;
	v17 =	vld.idx.msk [tilespmem:v17+s30+$0x0], $0xffff  }
0x551: {  	s19 =	sadd.s32 $0xFFFFFEF5, s17;
	v18 =	vld.idx.msk [tilespmem:v18+s30+$0x0], $0xffff  }
0x552: {  	v21 =	vor.u32 s19, v0  }
0x553: {  	s21 =	sadd.s32 $0xFFFFFEF6, s17;
	v20 =	vld.idx.msk [tilespmem:v20+s30+$0x0], $0xffff  }
0x554: {  	v22 =	vor.u32 s21, v0  }
0x555: {  	s22 =	sadd.s32 $0xFFFFFEF7, s17;
	v19 =	vld.idx.msk [tilespmem:v19+s30+$0x0], $0xffff  }
0x556: {  	v23 =	vor.u32 s22, v0;
	v17 =	vadd.f32 v18, v17  }
0x557: {  	s12 =	sadd.s32 $0xFFFFFEF8, s17;
	v18 =	vld.idx.msk [tilespmem:v21+s30+$0x0], $0xffff  }
0x558: {  	v29 =	vor.u32 s12, v0;
	v17 =	vadd.f32 v20, v17  }
0x559: {  	s19 =	sadd.s32 $0xFFFFFEF9, s17;
	v30 =	vld.idx.msk [tilespmem:v22+s30+$0x0], $0xffff  }
0x55a: {  	v31 =	vor.u32 s19, v0;
	v17 =	vadd.f32 v19, v17  }
0x55b: {  	s21 =	sadd.s32 $0xFFFFFEFA, s17;
	v19 =	vld.idx.msk [tilespmem:v23+s30+$0x0], $0xffff  }
0x55c: {  	v32 =	vor.u32 s21, v0;
	v17 =	vadd.f32 v18, v17  }
0x55d: {  	s22 =	sadd.s32 $0xFFFFFEFB, s17;
	v18 =	vld.idx.msk [tilespmem:v29+s30+$0x0], $0xffff  }
0x55e: {  	v33 =	vor.u32 s22, v0;
	v17 =	vadd.f32 v30, v17  }
0x55f: {  	s12 =	sadd.s32 $0xFFFFFEFC, s17;
	v34 =	vld.idx.msk [tilespmem:v31+s30+$0x0], $0xffff  }
0x560: {  	v35 =	vor.u32 s12, v0;
	v17 =	vadd.f32 v19, v17  }
0x561: {  	s19 =	sadd.s32 $0xFFFFFEFD, s17;
	v19 =	vld.idx.msk [tilespmem:v32+s30+$0x0], $0xffff  }
0x562: {  	v36 =	vor.u32 s19, v0;
	v17 =	vadd.f32 v18, v17  }
0x563: {  	s21 =	sadd.s32 $0xFFFFFEFE, s17;
	v18 =	vld.idx.msk [tilespmem:v33+s30+$0x0], $0xffff  }
0x564: {  	v37 =	vor.u32 s21, v0;
	v17 =	vadd.f32 v34, v17  }
0x565: {  	s22 =	sadd.s32 $0xFFFFFEFF, s17;
	v38 =	vld.idx.msk [tilespmem:v35+s30+$0x0], $0xffff  }
0x566: {  	v39 =	vor.u32 s22, v0;
	v17 =	vadd.f32 v19, v17  }
0x567: {  	s12 =	sadd.s32 $0xFFFFFF00, s17;
	v19 =	vld.idx.msk [tilespmem:v36+s30+$0x0], $0xffff  }
0x568: {  	v40 =	vor.u32 s12, v0;
	v17 =	vadd.f32 v18, v17  }
0x569: {  	v18 =	vld.idx.msk [tilespmem:v37+s30+$0x0], $0xffff  }
0x56a: {  	v17 =	vadd.f32 v38, v17  }
0x56b: {  	v41 =	vld.idx.msk [tilespmem:v39+s30+$0x0], $0xffff  }
0x56c: {  	v17 =	vadd.f32 v19, v17  }
0x56d: {  	v19 =	vld.idx.msk [tilespmem:v40+s30+$0x0], $0xffff  }
0x56e: {  	v17 =	vadd.f32 v18, v17  }
0x56f: {  	s19 =	sadd.s32 $0xFFFFFFF1, s17  }
0x570: {  	s12 =	sadd.s32 $0xFFFFFFF2, s17;
	v18 =	vor.u32 s19, v0;
	v17 =	vadd.f32 v41, v17  }
0x571: {  	v42 =	vor.u32 s12, v0  }
0x572: {  	s21 =	sadd.s32 $0xFFFFFFF3, s17;
	v17 =	vadd.f32 v19, v17  }
0x573: {  	s12 =	sadd.s32 $0x20, s18;
	v19 =	vor.u32 s21, v0  }
0x574: {  	s22 =	sadd.s32 $0xFFFFFFF4, s17;
	[tilespmem:s12+$0xFFFFFFF0] =	vst v17  }
0x575: {  	v17 =	vor.u32 s22, v0;
	v18 =	vld.idx.msk [tilespmem:v18+s30+$0x0], $0xffff  }
0x576: {  	s18 =	sadd.s32 $0xFFFFFFF5, s17;
	v20 =	vld.idx.msk [tilespmem:v42+s30+$0x0], $0xffff  }
0x577: {  	v43 =	vor.u32 s18, v0  }
0x578: {  	s19 =	sadd.s32 $0xFFFFFFF6, s17;
	v19 =	vld.idx.msk [tilespmem:v19+s30+$0x0], $0xffff  }
0x579: {  	v44 =	vor.u32 s19, v0  }
0x57a: {  	s21 =	sadd.s32 $0xFFFFFFF7, s17;
	v17 =	vld.idx.msk [tilespmem:v17+s30+$0x0], $0xffff  }
0x57b: {  	v45 =	vor.u32 s21, v0;
	v18 =	vadd.f32 v20, v18  }
0x57c: {  	s22 =	sadd.s32 $0xFFFFFFF8, s17;
	v46 =	vld.idx.msk [tilespmem:v43+s30+$0x0], $0xffff  }
0x57d: {  	v47 =	vor.u32 s22, v0;
	v18 =	vadd.f32 v19, v18  }
0x57e: {  	s18 =	sadd.s32 $0xFFFFFFF9, s17;
	v19 =	vld.idx.msk [tilespmem:v44+s30+$0x0], $0xffff  }
0x57f: {  	v48 =	vor.u32 s18, v0;
	v17 =	vadd.f32 v17, v18  }
0x580: {  	s19 =	sadd.s32 $0xFFFFFFFA, s17;
	v18 =	vld.idx.msk [tilespmem:v45+s30+$0x0], $0xffff  }
0x581: {  	v49 =	vor.u32 s19, v0;
	v17 =	vadd.f32 v46, v17  }
0x582: {  	s21 =	sadd.s32 $0xFFFFFFFB, s17;
	v50 =	vld.idx.msk [tilespmem:v47+s30+$0x0], $0xffff  }
0x583: {  	v51 =	vor.u32 s21, v0;
	v17 =	vadd.f32 v19, v17  }
0x584: {  	s22 =	sadd.s32 $0xFFFFFFFC, s17;
	v19 =	vld.idx.msk [tilespmem:v48+s30+$0x0], $0xffff  }
0x585: {  	v52 =	vor.u32 s22, v0;
	v17 =	vadd.f32 v18, v17  }
0x586: {  	s18 =	sadd.s32 $0xFFFFFFFD, s17;
	v18 =	vld.idx.msk [tilespmem:v49+s30+$0x0], $0xffff  }
0x587: {  	v53 =	vor.u32 s18, v0;
	v17 =	vadd.f32 v50, v17  }
0x588: {  	s19 =	sadd.s32 $0xFFFFFFFE, s17;
	v54 =	vld.idx.msk [tilespmem:v51+s30+$0x0], $0xffff  }
0x589: {  	v55 =	vor.u32 s19, v0;
	v17 =	vadd.f32 v19, v17  }
0x58a: {  	s21 =	sadd.s32 $0xFFFFFFFF, s17;
	v19 =	vld.idx.msk [tilespmem:v52+s30+$0x0], $0xffff  }
0x58b: {  	v56 =	vor.u32 s21, v0;
	v17 =	vadd.f32 v18, v17  }
0x58c: {  	v18 =	vld.idx.msk [tilespmem:v53+s30+$0x0], $0xffff  }
0x58d: {  	v57 =	vor.u32 s17, v0;
	v17 =	vadd.f32 v54, v17  }
0x58e: {  	v58 =	vld.idx.msk [tilespmem:v55+s30+$0x0], $0xffff  }
0x58f: {  	v17 =	vadd.f32 v19, v17  }
0x590: {  	v19 =	vld.idx.msk [tilespmem:v56+s30+$0x0], $0xffff  }
0x591: {  	v17 =	vadd.f32 v18, v17  }
0x592: {  	v18 =	vld.idx.msk [tilespmem:v57+s30+$0x0], $0xffff  }
0x593: {  	v17 =	vadd.f32 v58, v17;
	_ =	sdelay $0x1  }
0x594: {  	v17 =	vadd.f32 v19, v17;
	_ =	sdelay $0x1  }
0x595: {  	v17 =	vadd.f32 v18, v17;
	_ =	sdelay $0x1  }
0x596: {  	[tilespmem:s12+$0x0] =	vst v17  }
0x597: {  	v17 =	vld.idx.msk [tilespmem:v1+s30+$0x0], $0xffff  }
0x598: {  	v18 =	vld.idx.msk [tilespmem:v2+s30+$0x0], $0xffff;
	_ =	sdelay $0x1  }
0x599: {  	v19 =	vld.idx.msk [tilespmem:v3+s30+$0x0], $0xffff;
	_ =	sdelay $0x1  }
0x59a: {  	v59 =	vld.idx.msk [tilespmem:v4+s30+$0x0], $0xffff  }
0x59b: {  	v17 =	vadd.f32 v18, v17  }
0x59c: {  	v18 =	vld.idx.msk [tilespmem:v5+s30+$0x0], $0xffff  }
0x59d: {  	v17 =	vadd.f32 v19, v17  }
0x59e: {  	v19 =	vld.idx.msk [tilespmem:v6+s30+$0x0], $0xffff  }
0x59f: {  	v17 =	vadd.f32 v59, v17  }
0x5a0: {  	v60 =	vld.idx.msk [tilespmem:v7+s30+$0x0], $0xffff  }
0x5a1: {  	v17 =	vadd.f32 v18, v17  }
0x5a2: {  	v18 =	vld.idx.msk [tilespmem:v8+s30+$0x0], $0xffff  }
0x5a3: {  	v17 =	vadd.f32 v19, v17  }
0x5a4: {  	v19 =	vld.idx.msk [tilespmem:v9+s30+$0x0], $0xffff  }
0x5a5: {  	v17 =	vadd.f32 v60, v17  }
0x5a6: {  	v61 =	vld.idx.msk [tilespmem:v10+s30+$0x0], $0xffff  }
0x5a7: {  	v17 =	vadd.f32 v18, v17  }
0x5a8: {  	v18 =	vld.idx.msk [tilespmem:v11+s30+$0x0], $0xffff  }
0x5a9: {  	v17 =	vadd.f32 v19, v17  }
0x5aa: {  	v19 =	vld.idx.msk [tilespmem:v12+s30+$0x0], $0xffff  }
0x5ab: {  	v17 =	vadd.f32 v61, v17  }
0x5ac: {  	v62 =	vld.idx.msk [tilespmem:v13+s30+$0x0], $0xffff  }
0x5ad: {  	v17 =	vadd.f32 v18, v17  }
0x5ae: {  	v18 =	vld.idx.msk [tilespmem:v14+s30+$0x0], $0xffff  }
0x5af: {  	v17 =	vadd.f32 v19, v17  }
0x5b0: {  	v19 =	vld.idx.msk [tilespmem:v15+s30+$0x0], $0xffff  }
0x5b1: {  	v17 =	vadd.f32 v62, v17  }
0x5b2: {  	v63 =	vld.idx.msk [tilespmem:v16+s30+$0x0], $0xffff  }
0x5b3: {  	v17 =	vadd.f32 v18, v17;
	_ =	sdelay $0x1  }
0x5b4: {  	s22 =	smul.u32 $0x150, s15;
	v17 =	vadd.f32 v19, v17;
	_ =	sdelay $0x1  }
0x5b5: {  	s14 =	sadd.s32 $0x1, s14;
	s11 =	sadd.s32 s8, s22;
	v17 =	vadd.f32 v63, v17  }
0x5b6: {  	p0 =	sne.s32 s14, $0x10;
	s11 =	sshrl.u32 s11, $0x3  }
.Ltmp4:
0x5b7: {  	s11 =	sadd.s32 s4, s11;
	[tilespmem:$0x1A240] =	vst v17;
	(pc) =	sbr.rel @p0 .LBB2_2-.Ltmp4, $4  }
0x5b8: {  	[hbm4b:s11+s2] =	stream.linear.scatter [tilespmem:s31], [sflag:$0x3], $0x150, $0x38;
	[tilespmem:$0x1A280] =	vst v63  }
0x5b9: {  	_ =	swait.ge [sflag:s10], $0x150  }
0x5ba: {  	[sflag:s10] =	ssyncset.done $0x0  }
0x5bb: {  	[sflag:s10] =	ssyncadd.s32 $0xFFFFFEB0  }
0x5bc: {  	s0 =	sadd.s32 $0x1, s0  }
0x5bd: {  	p0 =	sne.s32 s0, s9  }
.Ltmp5:
0x5be: {  	_ = 	snop;
	(pc) =	sbr.rel @p0 .LBB2_1-.Ltmp5, $1  }
0x5bf: {  	_ =	sdelay $0x3  }
0x5c0: {  	_ =	sfence.sel $0x180000  }
0x5c1: {  	[bflag:$0x0] =	sbarrier.arrive $0xFFFF  }
0x5c2: {  	_ =	strace $0x90000047  }
0x5c3: {  	s0 =	stileid.u32;
	[bflag:$0x2] =	sbarrier.arrive $0xFFFF  }
0x5c4: {  	p0 =	sne.s32 s0, $0x0;
	s0 =	rddreg [dreg:$0x3]  }
0x5c5: {  	s0 =	sadd.s32 @!p0 $0x100000, s0  }
0x5c6: {  	[sflag:s0] =	ssyncadd.tile.s32 @!p0 $0x1;
	_ =	shalt  }
.Lfunc_end2:
_tile_overlayer_lowered:
.L_overlay_start_2:
0x5c7: {  	(tag) =	ssettag $0x2  }
0x5c8: {  	s0 =	rddreg [dreg:$0x0];
	s2 =	stileid.u32  }
0x5c9: {  	s1 =	rddreg [dreg:$0x1];
	p0 =	sne.s32 s2, $0x0  }
0x5ca: {  	s3 =	rddreg [dreg:$0x2];
	[bflag:$0x3] =	sbarrier.arrive $0xFFFF;
	s2 =	simm.s32 @!p0 $0x1C03  }
0x5cb: {  	[timem:s3], [sflag:s2] =	dma.local @!p0 [hbm:s0], s1  }
0x5cc: {  	s0 =	simm.s32 @!p0 $0x3  }
0x5cd: {  	_ =	swait.ge @!p0 [sflag:s0], s1  }
0x5ce: {  	s1 =	ssub.s32 @!p0 $0x0, s1;
	[sflag:s0] =	ssyncset.done @!p0 $0x0  }
0x5cf: {  	[sflag:s0] =	ssyncadd.s32 @!p0 s1  }
0x5d0: {  	[bflag:$0x3] =	sbarrier.arrive $0xFFFF  }
0x5d1: {  	_ =	shalt  }

</sc_bundles>
